<compile_context>
chip_gen: v7x
topology: tpu7x:2x2x1
jax: 0.10.2.dev20260603
libtpu: 0.0.44.dev20260713+nightly
codegen_flags: <defaults>
</compile_context>

<pallas_src>
import functools
import jax
import jax.numpy as jnp
from jax import lax
from jax.experimental import pallas as pl
from jax.experimental.pallas import tpu as pltpu
from jax.experimental.pallas import tpu_sc as plsc

N, E, DIN, HID, HEADS, NCLS = 10000, 320000, 128, 32, 4, 40
HC = HID * HEADS
D1 = HC + 16
C2P = 48
NC, NS, L = 2, 16, 16
NW = NC * NS
EPW = E // NW
K = 100
NCHUNK = EPW // K
NP = 10240
ROWS_PT = NP // NS


def _leaky(x):
    return jnp.maximum(x, 0.2 * x)


_GDN = lax.GatherDimensionNumbers(offset_dims=(), collapsed_slice_dims=(0,),
                                  start_index_map=(0,))


def _g16(v, idx):
    return lax.gather(v, idx.reshape(16, 1), _GDN, (1,),
                      mode=lax.GatherScatterMode.PROMISE_IN_BOUNDS)


def _edge_fn1(e, xlb, xrb, att, msg, perm_idx):
    x8, x4, x2, x1, lane3, grp, wsel, spl = perm_idx
    xs = [xlb[e, pl.ds(16 * i, 16)] for i in range(9)]
    ts = [xs[i] + xrb[e, pl.ds(16 * i, 16)] for i in range(9)]
    ps = [jnp.abs(ts[i]) * att[i] for i in range(8)]
    qs = [ps[2 * h] + ps[2 * h + 1] for h in range(4)]
    qs = [q + _g16(q, x8) for q in qs]
    qs = [q + _g16(q, x4) for q in qs]
    pm = [_g16(q, lane3) for q in qs]
    m = jnp.where(grp == 1, pm[1],
                  jnp.where(grp == 2, pm[2],
                            jnp.where(grp == 3, pm[3], pm[0])))
    m = m + _g16(m, x2)
    m = m + _g16(m, x1)
    w = jnp.exp(m + _g16(ts[8], grp))
    msg[e, pl.ds(128, 16)] = _g16(w, wsel)
    for i in range(8):
        msg[e, pl.ds(16 * i, 16)] = _g16(w, spl[i // 2]) * xs[i]


def _edge_fn2(e, xlb, xrb, att, msg, perm_idx):
    x8, x4, x2, x1, lane3, grp, wsel, spl = perm_idx
    iota = lane3
    xs = [xlb[e, pl.ds(16 * i, 16)] for i in range(3)]
    ts = [xs[i] + xrb[e, pl.ds(16 * i, 16)] for i in range(3)]
    ps = [jnp.abs(ts[i]) * att[i] for i in range(3)]
    q = ps[0] + ps[1] + ps[2]
    for x in (x8, x4, x2, x1):
        q = q + _g16(q, x)
    w = jnp.exp(q + _g16(ts[2], spl[2]))
    msg[e, pl.ds(0, 16)] = w * xs[0]
    msg[e, pl.ds(16, 16)] = w * xs[1]
    msg[e, pl.ds(32, 16)] = jnp.where(x1 == 9, w, w * xs[2])
    return


def _make_sc_body(nchunks_row, edge_fn, kc, nchunk):
    npairs = nchunk // 2
    peel = nchunk % 2 == 1

    def body(ei_hbm, xl_hbm, xr_hbm, att_hbm, z_hbm, out_hbm,
             idxs, idxd, xla, xra, xlb, xrb, msga, msgb, attv, u_sh,
             gsa, gsb, ssa, ssb):
        c = lax.axis_index("c")
        s = lax.axis_index("s")
        wid = s * NC + c
        r0 = pl.multiple_of(s * ROWS_PT, 8)
        pltpu.sync_copy(z_hbm.at[pl.ds(r0, ROWS_PT)],
                        u_sh.at[pl.ds(r0, ROWS_PT)])
        pltpu.sync_copy(att_hbm, attv)
        pltpu.sync_copy(ei_hbm.at[pl.ds(pl.multiple_of(wid * EPW, 8), EPW)],
                        idxs)
        pltpu.sync_copy(ei_hbm.at[pl.ds(pl.multiple_of(E + wid * EPW, 8), EPW)],
                        idxd)
        att = [attv[pl.ds(16 * i, 16)] for i in range(nchunks_row)]
        iota = lax.broadcasted_iota(jnp.int32, (16,), 0)
        perm_idx = (iota ^ 8, iota ^ 4, iota ^ 2, iota ^ 1, iota & 3,
                    lax.shift_right_logical(iota, 2), (iota * 4) & 15,
                    [jnp.full((16,), v, jnp.int32) for v in (0, 4, 8, 12)])
        plsc.subcore_barrier()

        def issue_gather(k, xl_v, xr_v, sem):
            o = pl.multiple_of(k * kc, 8)
            pltpu.async_copy(xl_hbm.at[idxs.at[pl.ds(o, kc)]], xl_v, sem)
            pltpu.async_copy(xr_hbm.at[idxd.at[pl.ds(o, kc)]], xr_v, sem)

        def wait_gather(xl_v, xr_v, sem):
            pltpu.make_async_copy(xl_hbm.at[idxs.at[pl.ds(0, kc)]], xl_v,
                                  sem).wait()
            pltpu.make_async_copy(xr_hbm.at[idxd.at[pl.ds(0, kc)]], xr_v,
                                  sem).wait()

        def issue_scatter(k, msg, sem):
            for i in range(kc // 16):
                dv = idxd[pl.ds(pl.multiple_of(k * kc + 16 * i, 8), 16)]
                pltpu.async_copy(msg.at[pl.ds(16 * i, 16)], u_sh.at[dv],
                                 sem, add=True)

        def wait_scatter(msg, sem):
            for i in range(kc // 16):
                dv = idxd[pl.ds(16 * i, 16)]
                pltpu.make_async_copy(msg.at[pl.ds(16 * i, 16)], u_sh.at[dv],
                                      sem).wait()

        def compute(xl_v, xr_v, msg):
            def edge_body(e, _):
                edge_fn(e, xl_v, xr_v, att, msg, perm_idx)
                return 0
            lax.fori_loop(0, kc, edge_body, 0)

        issue_gather(0, xla, xra, gsa)

        def loop_body(j, _):
            k0 = 2 * j
            issue_gather(k0 + 1, xlb, xrb, gsb)
            wait_gather(xla, xra, gsa)

            @pl.when(j > 0)
            def _():
                wait_scatter(msga, ssa)
            compute(xla, xra, msga)
            issue_scatter(k0, msga, ssa)

            k1 = k0 + 1

            @pl.when(k1 + 1 < nchunk)
            def _():
                issue_gather(k1 + 1, xla, xra, gsa)
            wait_gather(xlb, xrb, gsb)

            @pl.when(j > 0)
            def _():
                wait_scatter(msgb, ssb)
            compute(xlb, xrb, msgb)
            issue_scatter(k1, msgb, ssb)
            return 0

        lax.fori_loop(0, npairs, loop_body, 0)
        if peel:
            kl = nchunk - 1
            wait_gather(xla, xra, gsa)
            wait_scatter(msga, ssa)
            compute(xla, xra, msga)
            issue_scatter(kl, msga, ssa)
        wait_scatter(msga, ssa)
        wait_scatter(msgb, ssb)
        plsc.subcore_barrier()
        pltpu.sync_copy(u_sh.at[pl.ds(r0, ROWS_PT)],
                        out_hbm.at[c, pl.ds(r0, ROWS_PT)])

    return body


K1, NCH1 = 16, EPW // 16
K2, NCH2 = 80, EPW // 80
_sc1_body = _make_sc_body(8, _edge_fn1, K1, NCH1)
_sc2_body = _make_sc_body(3, _edge_fn2, K2, NCH2)


def _sc_edge_pass(body, ei, xl, xr, attf, width, kc, nchunk):
    mesh = plsc.VectorSubcoreMesh(core_axis_name="c", subcore_axis_name="s")
    z = jnp.zeros((NP, width), jnp.float32)
    w = xl.shape[1]
    fn = pl.kernel(
        body,
        out_type=jax.ShapeDtypeStruct((NC, NP, width), jnp.float32),
        mesh=mesh,
        scratch_types=[
            pltpu.VMEM((EPW,), jnp.int32),
            pltpu.VMEM((EPW,), jnp.int32),
            pltpu.VMEM((kc, w), jnp.float32),
            pltpu.VMEM((kc, w), jnp.float32),
            pltpu.VMEM((kc, w), jnp.float32),
            pltpu.VMEM((kc, w), jnp.float32),
            pltpu.VMEM((kc, width), jnp.float32),
            pltpu.VMEM((kc, width), jnp.float32),
            pltpu.VMEM((attf.shape[0],), jnp.float32),
            pltpu.VMEM_SHARED((NP, width), jnp.float32),
            pltpu.SemaphoreType.DMA,
            pltpu.SemaphoreType.DMA,
            pltpu.SemaphoreType.DMA,
            pltpu.SemaphoreType.DMA,
        ],
        compiler_params=pltpu.CompilerParams(use_tc_tiling_on_sc=False),
    )
    return fn(ei, xl, xr, attf, z)


def _tc1_body(x_ref, wl_ref, bl_ref, wr_ref, br_ref, att_ref,
              xl_out, xr_out, loop_out):
    x = x_ref[...]
    att = att_ref[...]
    xl = jnp.dot(x, wl_ref[...], preferred_element_type=jnp.float32) + bl_ref[...]
    xr = jnp.dot(x, wr_ref[...], preferred_element_type=jnp.float32) + br_ref[...]
    p = _leaky(xl + xr) * att
    pl_ = xl * att
    pr_ = xr * att
    cols = []
    ws = []
    als = []
    ars = []
    for h in range(HEADS):
        sl = slice(32 * h, 32 * (h + 1))
        lh = jnp.sum(p[:, sl], axis=1, keepdims=True)
        wh = jnp.exp(lh)
        ws.append(wh)
        cols.append(xl[:, sl] * wh)
        als.append(0.6 * jnp.sum(pl_[:, sl], axis=1, keepdims=True))
        ars.append(0.6 * jnp.sum(pr_[:, sl], axis=1, keepdims=True))
    zpad = jnp.zeros((x.shape[0], 12), jnp.float32)
    xl_out[...] = jnp.concatenate([xl] + als + [zpad], axis=1)
    xr_out[...] = jnp.concatenate([xr] + ars + [zpad], axis=1)
    loop_out[...] = jnp.concatenate(cols + ws + [zpad], axis=1)


def _tc2_body(u0_ref, u1_ref, lp_ref, b1_ref, g_ref, b_ref, rm_ref, rv_ref,
              wl_ref, bl_ref, wr_ref, br_ref, att_ref,
              xl_out, xr_out, loop_out):
    acc = u0_ref[...] + u1_ref[...] + lp_ref[...]
    outs = []
    for h in range(HEADS):
        sh = acc[:, 128 + h:129 + h] + 1e-16
        outs.append(acc[:, 32 * h:32 * (h + 1)] / sh)
    h1 = jnp.concatenate(outs, axis=1) + b1_ref[...]
    hb = (h1 - rm_ref[...]) * jax.lax.rsqrt(rv_ref[...] + 1e-5) * g_ref[...] \
        + b_ref[...]
    he = jnp.where(hb > 0, hb, jnp.exp(jnp.minimum(hb, 0.0)) - 1.0)
    att = att_ref[...]
    xl = jnp.dot(he, wl_ref[...], preferred_element_type=jnp.float32) + bl_ref[...]
    xr = jnp.dot(he, wr_ref[...], preferred_element_type=jnp.float32) + br_ref[...]
    al2 = 0.6 * jnp.sum(xl * att, axis=1, keepdims=True)
    ar2 = 0.6 * jnp.sum(xr * att, axis=1, keepdims=True)
    col = lax.broadcasted_iota(jnp.int32, xl.shape, 1)
    xl_out[...] = jnp.where(col == NCLS, al2, xl)
    xr_out[...] = jnp.where(col == NCLS, ar2, xr)
    l2 = jnp.sum(_leaky(xl + xr) * att, axis=1, keepdims=True)
    w2 = jnp.exp(l2)
    msg = xl * w2
    loop_out[...] = jnp.where(col == NCLS, w2, msg)


def _tc3_body(u0_ref, u1_ref, lp_ref, b2_ref, out_ref):
    acc = u0_ref[...] + u1_ref[...] + lp_ref[...]
    s = acc[:, NCLS:NCLS + 1] + 1e-16
    out_ref[...] = acc[:, :NCLS] / s + b2_ref[...]


def _row_spec(b, w):
    return pl.BlockSpec((b, w), lambda i: (i, 0))


def _full_spec(shape):
    return pl.BlockSpec(shape, lambda i: tuple(0 for _ in shape))


def kernel(x, edge_index, W1l, b1l, W1r, b1r, att1, bias1,
           bn_g, bn_b, bn_rm, bn_rv, W2l, b2l, W2r, b2r, att2, bias2):
    B = 2000
    grid = (N // B,)
    ei = edge_index.reshape(2 * E)
    att1f = att1.reshape(1, HC)

    xl1, xr1, loop1 = pl.pallas_call(
        _tc1_body,
        grid=grid,
        in_specs=[
            _row_spec(B, DIN),
            _full_spec((DIN, HC)), _full_spec((1, HC)),
            _full_spec((DIN, HC)), _full_spec((1, HC)),
            _full_spec((1, HC)),
        ],
        out_specs=[_row_spec(B, D1), _row_spec(B, D1), _row_spec(B, D1)],
        out_shape=[
            jax.ShapeDtypeStruct((N, D1), jnp.float32),
            jax.ShapeDtypeStruct((N, D1), jnp.float32),
            jax.ShapeDtypeStruct((N, D1), jnp.float32),
        ],
    )(x, W1l, b1l.reshape(1, HC), W1r, b1r.reshape(1, HC), att1f)

    att1p = jnp.pad(0.4 * att1f.reshape(HC), (0, D1 - HC))
    u1 = _sc_edge_pass(_sc1_body, ei, xl1, xr1, att1p, D1, K1, NCH1)

    w2lp = jnp.pad(W2l, ((0, 0), (0, C2P - NCLS)))
    w2rp = jnp.pad(W2r, ((0, 0), (0, C2P - NCLS)))
    b2lp = jnp.pad(b2l, (0, C2P - NCLS)).reshape(1, C2P)
    b2rp = jnp.pad(b2r, (0, C2P - NCLS)).reshape(1, C2P)
    att2p = jnp.pad(att2.reshape(NCLS), (0, C2P - NCLS)).reshape(1, C2P)

    xl2, xr2, loop2 = pl.pallas_call(
        _tc2_body,
        grid=grid,
        in_specs=[
            _row_spec(B, D1), _row_spec(B, D1), _row_spec(B, D1),
            _full_spec((1, HC)), _full_spec((1, HC)), _full_spec((1, HC)),
            _full_spec((1, HC)), _full_spec((1, HC)),
            _full_spec((HC, C2P)), _full_spec((1, C2P)),
            _full_spec((HC, C2P)), _full_spec((1, C2P)),
            _full_spec((1, C2P)),
        ],
        out_specs=[_row_spec(B, C2P), _row_spec(B, C2P), _row_spec(B, C2P)],
        out_shape=[
            jax.ShapeDtypeStruct((N, C2P), jnp.float32),
            jax.ShapeDtypeStruct((N, C2P), jnp.float32),
            jax.ShapeDtypeStruct((N, C2P), jnp.float32),
        ],
    )(u1[0], u1[1], loop1, bias1.reshape(1, HC), bn_g.reshape(1, HC),
      bn_b.reshape(1, HC), bn_rm.reshape(1, HC), bn_rv.reshape(1, HC),
      w2lp, b2lp, w2rp, b2rp, att2p)

    att2s = 0.4 * att2p.reshape(C2P)
    u2 = _sc_edge_pass(_sc2_body, ei, xl2, xr2, att2s, C2P, K2, NCH2)

    out = pl.pallas_call(
        _tc3_body,
        grid=grid,
        in_specs=[
            _row_spec(B, C2P), _row_spec(B, C2P), _row_spec(B, C2P),
            _full_spec((1, NCLS)),
        ],
        out_specs=_row_spec(B, NCLS),
        out_shape=jax.ShapeDtypeStruct((N, NCLS), jnp.float32),
    )(u2[0], u2[1], loop2, bias2.reshape(1, NCLS))
    return out

# --- scband reference (transcript-rebuilt; emitter-appended) ---
"""Pipeline reference for scband-gat-78176994721828 (READ-ONLY COPY).

The authoritative reference and input builder live on the scoring server;
editing this copy changes nothing except your own understanding.
"""

import jax, jax.numpy as jnp
import numpy as np

N, E, DIN, HID, HEADS, NCLS = 10000, 320000, 128, 32, 4, 40
HC = HID * HEADS


def gatv2_layer(x, src, dst, Wl, bl, Wr, br, att, bias, H, C, concat):
    n = x.shape[0]
    xl = (x @ Wl + bl).reshape(n, H, C)
    xr = (x @ Wr + br).reshape(n, H, C)
    e = jax.nn.leaky_relu(xl[src] + xr[dst], negative_slope=0.2)
    logits = jnp.sum(e * att[None, :, :], axis=-1)
    m = jax.ops.segment_max(logits, dst, num_segments=n)
    ex = jnp.exp(logits - m[dst])
    s = jax.ops.segment_sum(ex, dst, num_segments=n)
    alpha = ex / (s[dst] + 1e-16)
    msg = xl[src] * alpha[:, :, None]
    out = jax.ops.segment_sum(msg, dst, num_segments=n)
    out = out.reshape(n, H * C) if concat else out.mean(axis=1)
    return out + bias


def setup_inputs(seed: int = 0) -> dict:
    key = jax.random.key(seed)
    ks = jax.random.split(key, 16)
    x = jax.random.normal(ks[0], (N, DIN), dtype=jnp.float32)
    edge_index = jax.random.randint(ks[1], (2, E), 0, N, dtype=jnp.int32)
    W1l = jax.random.normal(ks[2], (DIN, HC), dtype=jnp.float32) * 0.1
    b1l = jnp.zeros((HC,), dtype=jnp.float32)
    W1r = jax.random.normal(ks[3], (DIN, HC), dtype=jnp.float32) * 0.1
    b1r = jnp.zeros((HC,), dtype=jnp.float32)
    att1 = jax.random.normal(ks[4], (HEADS, HID), dtype=jnp.float32) * 0.1
    bias1 = jnp.zeros((HC,), dtype=jnp.float32)
    bn_g = jnp.ones((HC,), dtype=jnp.float32)
    bn_b = jnp.zeros((HC,), dtype=jnp.float32)
    bn_rm = jnp.zeros((HC,), dtype=jnp.float32)
    bn_rv = jnp.ones((HC,), dtype=jnp.float32)
    W2l = jax.random.normal(ks[5], (HC, NCLS), dtype=jnp.float32) * 0.1
    b2l = jnp.zeros((NCLS,), dtype=jnp.float32)
    W2r = jax.random.normal(ks[6], (HC, NCLS), dtype=jnp.float32) * 0.1
    b2r = jnp.zeros((NCLS,), dtype=jnp.float32)
    att2 = jax.random.normal(ks[7], (1, NCLS), dtype=jnp.float32) * 0.1
    bias2 = jnp.zeros((NCLS,), dtype=jnp.float32)
    return {"x": x, "edge_index": edge_index, "W1l": W1l, "b1l": b1l,
            "W1r": W1r, "b1r": b1r, "att1": att1, "bias1": bias1,
            "bn_g": bn_g, "bn_b": bn_b, "bn_rm": bn_rm, "bn_rv": bn_rv,
            "W2l": W2l, "b2l": b2l, "W2r": W2r, "b2r": b2r,
            "att2": att2, "bias2": bias2}


def reference(x, edge_index, W1l, b1l, W1r, b1r, att1, bias1,
              bn_g, bn_b, bn_rm, bn_rv, W2l, b2l, W2r, b2r, att2, bias2):
    n = x.shape[0]
    loops = jnp.arange(n, dtype=edge_index.dtype)
    src = jnp.concatenate([edge_index[0], loops])
    dst = jnp.concatenate([edge_index[1], loops])
    h = gatv2_layer(x, src, dst, W1l, b1l, W1r, b1r, att1, bias1, HEADS, HID, True)
    h = (h - bn_rm) / jnp.sqrt(bn_rv + 1e-5) * bn_g + bn_b
    h = jax.nn.elu(h)
    out = gatv2_layer(h, src, dst, W2l, b2l, W2r, b2r, att2, bias2, 1, NCLS, False)
    return out

if __name__ == "__main__":
    import jax
    _d = setup_inputs()
    print(jax.jit(kernel)(*tuple(_d.values())))

</pallas_src>

<mosaic_0001>
#map = affine_map<(d0, d1) -> (0)>
#map1 = affine_map<(d0, d1) -> (0, 0)>
#map2 = affine_map<(d0, d1) -> (0, 0, 0)>
module attributes {stable_mosaic.version = 14 : i64} {
  func.func @body(%arg0: i32, %arg1: i32, %arg2: memref<640000xi32, #tpu.memory_space<hbm>>, %arg3: memref<10000x48xf32, #tpu.memory_space<hbm>>, %arg4: memref<10000x48xf32, #tpu.memory_space<hbm>>, %arg5: memref<48xf32, #tpu.memory_space<hbm>>, %arg6: memref<10240x48xf32, #tpu.memory_space<hbm>>, %arg7: memref<2x10240x48xf32, #tpu.memory_space<hbm>>, %arg8: memref<10000xi32, #tpu.memory_space<vmem>>, %arg9: memref<10000xi32, #tpu.memory_space<vmem>>, %arg10: memref<80x48xf32, #tpu.memory_space<vmem>>, %arg11: memref<80x48xf32, #tpu.memory_space<vmem>>, %arg12: memref<80x48xf32, #tpu.memory_space<vmem>>, %arg13: memref<80x48xf32, #tpu.memory_space<vmem>>, %arg14: memref<80x48xf32, #tpu.memory_space<vmem>>, %arg15: memref<80x48xf32, #tpu.memory_space<vmem>>, %arg16: memref<48xf32, #tpu.memory_space<vmem>>, %arg17: memref<10240x48xf32, #tpu.memory_space<vmem_shared>>, %arg18: memref<!tpu.dma_semaphore, #tpu.memory_space<semaphore_mem>>, %arg19: memref<!tpu.dma_semaphore, #tpu.memory_space<semaphore_mem>>, %arg20: memref<!tpu.dma_semaphore, #tpu.memory_space<semaphore_mem>>, %arg21: memref<!tpu.dma_semaphore, #tpu.memory_space<semaphore_mem>>) attributes {dimension_semantics = [#tpu.dimension_semantics<core_parallel>, #tpu.dimension_semantics<subcore_parallel>], iteration_bounds = array<i64: 2, 16>, scalar_prefetch = 0 : i64, scratch_operands = 14 : i64, tpu.core_type = #tpu.core_type<sc_vector_subcore>, window_params = [{transform_indices = #map}, {transform_indices = #map1}, {transform_indices = #map1}, {transform_indices = #map}, {transform_indices = #map1}, {transform_indices = #map2}]} {
    %mul3A = arith.constant 2 : i32
    %mul3A_0 = arith.muli %arg1, %mul3A : i32
    %add3A = arith.addi %mul3A_0, %arg0 : i32
    %mul3A_1 = arith.constant 640 : i32
    %mul3A_2 = arith.muli %arg1, %mul3A_1 : i32
    %multiple_of3A = tpu.assume_multiple %mul3A_2, 8 : i32
    "tpu.region"() ({
      %run_scoped3A = tpu.sem_alloc : memref<!tpu.dma_semaphore, #tpu.memory_space<semaphore_mem>>
      %dma_start3A_269 = arith.constant 0 : i32
      %dma_start3A_270 = tpu.memref_slice %arg17[%multiple_of3A, %dma_start3A_269] : memref<10240x48xf32, #tpu.memory_space<vmem_shared>> -> memref<640x48xf32, #tpu.memory_space<vmem_shared>>
      %dma_start3A_271 = arith.constant 0 : i32
      %dma_start3A_272 = tpu.memref_slice %arg6[%multiple_of3A, %dma_start3A_271] : memref<10240x48xf32, #tpu.memory_space<hbm>> -> memref<640x48xf32, #tpu.memory_space<hbm>>
      tpu.enqueue_dma source(%dma_start3A_272 : memref<640x48xf32, #tpu.memory_space<hbm>>) target(%dma_start3A_270 : memref<640x48xf32, #tpu.memory_space<vmem_shared>>) target_semaphore(%run_scoped3A : memref<!tpu.dma_semaphore, #tpu.memory_space<semaphore_mem>>)
      %dma_wait3A_273 = arith.constant 0 : i32
      %dma_wait3A_274 = tpu.memref_slice %arg17[%multiple_of3A, %dma_wait3A_273] : memref<10240x48xf32, #tpu.memory_space<vmem_shared>> -> memref<640x48xf32, #tpu.memory_space<vmem_shared>>
      %dma_wait3A_275 = arith.constant 0 : i32
      %dma_wait3A_276 = tpu.memref_slice %arg6[%multiple_of3A, %dma_wait3A_275] : memref<10240x48xf32, #tpu.memory_space<hbm>> -> memref<640x48xf32, #tpu.memory_space<hbm>>
      tpu.wait_dma2 semaphore(%run_scoped3A : memref<!tpu.dma_semaphore, #tpu.memory_space<semaphore_mem>>) src(%dma_wait3A_276 : memref<640x48xf32, #tpu.memory_space<hbm>>) dst(%dma_wait3A_274 : memref<640x48xf32, #tpu.memory_space<vmem_shared>>)
      tpu.yield
    }) : () -> ()
    "tpu.region"() ({
      %run_scoped3A = tpu.sem_alloc : memref<!tpu.dma_semaphore, #tpu.memory_space<semaphore_mem>>
      tpu.enqueue_dma source(%arg5 : memref<48xf32, #tpu.memory_space<hbm>>) target(%arg16 : memref<48xf32, #tpu.memory_space<vmem>>) target_semaphore(%run_scoped3A : memref<!tpu.dma_semaphore, #tpu.memory_space<semaphore_mem>>)
      tpu.wait_dma2 semaphore(%run_scoped3A : memref<!tpu.dma_semaphore, #tpu.memory_space<semaphore_mem>>) src(%arg5 : memref<48xf32, #tpu.memory_space<hbm>>) dst(%arg16 : memref<48xf32, #tpu.memory_space<vmem>>)
      tpu.yield
    }) : () -> ()
    %mul3A_3 = arith.constant 10000 : i32
    %mul3A_4 = arith.muli %add3A, %mul3A_3 : i32
    %multiple_of3A_5 = tpu.assume_multiple %mul3A_4, 8 : i32
    "tpu.region"() ({
      %run_scoped3A = tpu.sem_alloc : memref<!tpu.dma_semaphore, #tpu.memory_space<semaphore_mem>>
      %dma_start3A_269 = tpu.memref_slice %arg2[%multiple_of3A_5] : memref<640000xi32, #tpu.memory_space<hbm>> -> memref<10000xi32, #tpu.memory_space<hbm>>
      %dma_start3A_270 = tpu.memref_slice %arg2[%multiple_of3A_5] : memref<640000xi32, #tpu.memory_space<hbm>> -> memref<10000xi32, #tpu.memory_space<hbm>>
      tpu.enqueue_dma source(%dma_start3A_270 : memref<10000xi32, #tpu.memory_space<hbm>>) target(%arg8 : memref<10000xi32, #tpu.memory_space<vmem>>) target_semaphore(%run_scoped3A : memref<!tpu.dma_semaphore, #tpu.memory_space<semaphore_mem>>)
      %dma_wait3A_271 = tpu.memref_slice %arg2[%multiple_of3A_5] : memref<640000xi32, #tpu.memory_space<hbm>> -> memref<10000xi32, #tpu.memory_space<hbm>>
      %dma_wait3A_272 = tpu.memref_slice %arg2[%multiple_of3A_5] : memref<640000xi32, #tpu.memory_space<hbm>> -> memref<10000xi32, #tpu.memory_space<hbm>>
      tpu.wait_dma2 semaphore(%run_scoped3A : memref<!tpu.dma_semaphore, #tpu.memory_space<semaphore_mem>>) src(%dma_wait3A_272 : memref<10000xi32, #tpu.memory_space<hbm>>) dst(%arg8 : memref<10000xi32, #tpu.memory_space<vmem>>)
      tpu.yield
    }) : () -> ()
    %mul3A_6 = arith.constant 10000 : i32
    %mul3A_7 = arith.muli %add3A, %mul3A_6 : i32
    %add3A_8 = arith.constant 320000 : i32
    %add3A_9 = arith.addi %add3A_8, %mul3A_7 : i32
    %multiple_of3A_10 = tpu.assume_multiple %add3A_9, 8 : i32
    "tpu.region"() ({
      %run_scoped3A = tpu.sem_alloc : memref<!tpu.dma_semaphore, #tpu.memory_space<semaphore_mem>>
      %dma_start3A_269 = tpu.memref_slice %arg2[%multiple_of3A_10] : memref<640000xi32, #tpu.memory_space<hbm>> -> memref<10000xi32, #tpu.memory_space<hbm>>
      %dma_start3A_270 = tpu.memref_slice %arg2[%multiple_of3A_10] : memref<640000xi32, #tpu.memory_space<hbm>> -> memref<10000xi32, #tpu.memory_space<hbm>>
      tpu.enqueue_dma source(%dma_start3A_270 : memref<10000xi32, #tpu.memory_space<hbm>>) target(%arg9 : memref<10000xi32, #tpu.memory_space<vmem>>) target_semaphore(%run_scoped3A : memref<!tpu.dma_semaphore, #tpu.memory_space<semaphore_mem>>)
      %dma_wait3A_271 = tpu.memref_slice %arg2[%multiple_of3A_10] : memref<640000xi32, #tpu.memory_space<hbm>> -> memref<10000xi32, #tpu.memory_space<hbm>>
      %dma_wait3A_272 = tpu.memref_slice %arg2[%multiple_of3A_10] : memref<640000xi32, #tpu.memory_space<hbm>> -> memref<10000xi32, #tpu.memory_space<hbm>>
      tpu.wait_dma2 semaphore(%run_scoped3A : memref<!tpu.dma_semaphore, #tpu.memory_space<semaphore_mem>>) src(%dma_wait3A_272 : memref<10000xi32, #tpu.memory_space<hbm>>) dst(%arg9 : memref<10000xi32, #tpu.memory_space<vmem>>)
      tpu.yield
    }) : () -> ()
    %get3A = arith.constant 0 : index
    %get3A_11 = tpu.vector_load %arg16[%get3A] {strides = array<i32>} : memref<48xf32, #tpu.memory_space<vmem>>, vector<16xf32>,
    %get3A_12 = vector.shape_cast %get3A_11 : vector<16xf32> to vector<16xf32>
    %get3A_13 = arith.constant 16 : index
    %get3A_14 = tpu.vector_load %arg16[%get3A_13] {strides = array<i32>} : memref<48xf32, #tpu.memory_space<vmem>>, vector<16xf32>,
    %get3A_15 = vector.shape_cast %get3A_14 : vector<16xf32> to vector<16xf32>
    %get3A_16 = arith.constant 32 : index
    %get3A_17 = tpu.vector_load %arg16[%get3A_16] {strides = array<i32>} : memref<48xf32, #tpu.memory_space<vmem>>, vector<16xf32>,
    %get3A_18 = vector.shape_cast %get3A_17 : vector<16xf32> to vector<16xf32>
    %iota3A = tpu.iota {dimensions = array<i32: 0>} : vector<16xi32>
    %xor3A = arith.constant 8 : i32
    %xor3A_19 = vector.broadcast %xor3A : i32 to vector<16xi32>
    %xor3A_20 = arith.xori %iota3A, %xor3A_19 : vector<16xi32>
    %xor3A_21 = arith.constant 4 : i32
    %xor3A_22 = vector.broadcast %xor3A_21 : i32 to vector<16xi32>
    %xor3A_23 = arith.xori %iota3A, %xor3A_22 : vector<16xi32>
    %xor3A_24 = arith.constant 2 : i32
    %xor3A_25 = vector.broadcast %xor3A_24 : i32 to vector<16xi32>
    %xor3A_26 = arith.xori %iota3A, %xor3A_25 : vector<16xi32>
    %xor3A_27 = arith.constant 1 : i32
    %xor3A_28 = vector.broadcast %xor3A_27 : i32 to vector<16xi32>
    %xor3A_29 = arith.xori %iota3A, %xor3A_28 : vector<16xi32>
    %and3A = arith.constant 3 : i32
    %and3A_30 = vector.broadcast %and3A : i32 to vector<16xi32>
    %and3A_31 = arith.andi %iota3A, %and3A_30 : vector<16xi32>
    %shift_right_logical3A = arith.constant 2 : i32
    %shift_right_logical3A_32 = vector.broadcast %shift_right_logical3A : i32 to vector<16xi32>
    %shift_right_logical3A_33 = arith.shrui %iota3A, %shift_right_logical3A_32 : vector<16xi32>
    %mul3A_34 = arith.constant 4 : i32
    %mul3A_35 = vector.broadcast %mul3A_34 : i32 to vector<16xi32>
    %mul3A_36 = arith.muli %iota3A, %mul3A_35 : vector<16xi32>
    %and3A_37 = arith.constant 15 : i32
    %and3A_38 = vector.broadcast %and3A_37 : i32 to vector<16xi32>
    %and3A_39 = arith.andi %mul3A_36, %and3A_38 : vector<16xi32>
    %broadcast_in_dim3A = arith.constant 0 : i32
    %broadcast_in_dim3A_40 = vector.broadcast %broadcast_in_dim3A : i32 to vector<16xi32>
    %broadcast_in_dim3A_41 = arith.constant 4 : i32
    %broadcast_in_dim3A_42 = vector.broadcast %broadcast_in_dim3A_41 : i32 to vector<16xi32>
    %broadcast_in_dim3A_43 = arith.constant 8 : i32
    %broadcast_in_dim3A_44 = vector.broadcast %broadcast_in_dim3A_43 : i32 to vector<16xi32>
    %broadcast_in_dim3A_45 = arith.constant 12 : i32
    %broadcast_in_dim3A_46 = vector.broadcast %broadcast_in_dim3A_45 : i32 to vector<16xi32>
    %barrier3A = arith.constant 0 : index
    tpu.barrier barrier_id(%barrier3A)
    %multiple_of3A_47 = arith.constant 0 : i32
    %multiple_of3A_48 = tpu.assume_multiple %multiple_of3A_47, 8 : i32
    %dma_start3A = tpu.memref_slice %arg8[%multiple_of3A_48] : memref<10000xi32, #tpu.memory_space<vmem>> -> memref<80xi32, #tpu.memory_space<vmem>>
    %dma_start3A_49 = arith.constant 0 : i32
    %dma_start3A_50 = arith.constant 0 : i32
    %dma_start3A_51 = tpu.memref_slice %arg3[%dma_start3A_49, %dma_start3A_50] : memref<10000x48xf32, #tpu.memory_space<hbm>> -> memref<10000x48xf32, #tpu.memory_space<hbm>>
    tpu.enqueue_indirect_dma source(%dma_start3A_51 : memref<10000x48xf32, #tpu.memory_space<hbm>>) target(%arg10 : memref<80x48xf32, #tpu.memory_space<vmem>>) offsets(%dma_start3A : memref<80xi32, #tpu.memory_space<vmem>>) semaphore(%arg18 : memref<!tpu.dma_semaphore, #tpu.memory_space<semaphore_mem>>)
    %dma_start3A_52 = tpu.memref_slice %arg9[%multiple_of3A_48] : memref<10000xi32, #tpu.memory_space<vmem>> -> memref<80xi32, #tpu.memory_space<vmem>>
    %dma_start3A_53 = arith.constant 0 : i32
    %dma_start3A_54 = arith.constant 0 : i32
    %dma_start3A_55 = tpu.memref_slice %arg4[%dma_start3A_53, %dma_start3A_54] : memref<10000x48xf32, #tpu.memory_space<hbm>> -> memref<10000x48xf32, #tpu.memory_space<hbm>>
    tpu.enqueue_indirect_dma source(%dma_start3A_55 : memref<10000x48xf32, #tpu.memory_space<hbm>>) target(%arg11 : memref<80x48xf32, #tpu.memory_space<vmem>>) offsets(%dma_start3A_52 : memref<80xi32, #tpu.memory_space<vmem>>) semaphore(%arg18 : memref<!tpu.dma_semaphore, #tpu.memory_space<semaphore_mem>>)
    %scan3A = arith.constant 0 : i32
    %scan3A_56 = arith.constant 0 : i32
    %scan3A_57 = arith.constant 62 : i32
    %scan3A_58 = arith.addi %scan3A_56, %scan3A_57 : i32
    %scan3A_59 = arith.constant 1 : i32
    %scan3A_60 = scf.for %scan3A_269 = %scan3A_56 to %scan3A_58 step %scan3A_59 iter_args(%scan3A_270 = %scan3A) -> (i32)  : i32 {
      %mul3A_271 = arith.constant 2 : i32
      %mul3A_272 = arith.muli %mul3A_271, %scan3A_269 : i32
      %add3A_273 = arith.constant 1 : i32
      %add3A_274 = arith.addi %mul3A_272, %add3A_273 : i32
      %mul3A_275 = arith.constant 80 : i32
      %mul3A_276 = arith.muli %add3A_274, %mul3A_275 : i32
      %multiple_of3A_277 = tpu.assume_multiple %mul3A_276, 8 : i32
      %dma_start3A_278 = tpu.memref_slice %arg8[%multiple_of3A_277] : memref<10000xi32, #tpu.memory_space<vmem>> -> memref<80xi32, #tpu.memory_space<vmem>>
      %dma_start3A_279 = arith.constant 0 : i32
      %dma_start3A_280 = arith.constant 0 : i32
      %dma_start3A_281 = tpu.memref_slice %arg3[%dma_start3A_279, %dma_start3A_280] : memref<10000x48xf32, #tpu.memory_space<hbm>> -> memref<10000x48xf32, #tpu.memory_space<hbm>>
      tpu.enqueue_indirect_dma source(%dma_start3A_281 : memref<10000x48xf32, #tpu.memory_space<hbm>>) target(%arg12 : memref<80x48xf32, #tpu.memory_space<vmem>>) offsets(%dma_start3A_278 : memref<80xi32, #tpu.memory_space<vmem>>) semaphore(%arg19 : memref<!tpu.dma_semaphore, #tpu.memory_space<semaphore_mem>>)
      %dma_start3A_282 = tpu.memref_slice %arg9[%multiple_of3A_277] : memref<10000xi32, #tpu.memory_space<vmem>> -> memref<80xi32, #tpu.memory_space<vmem>>
      %dma_start3A_283 = arith.constant 0 : i32
      %dma_start3A_284 = arith.constant 0 : i32
      %dma_start3A_285 = tpu.memref_slice %arg4[%dma_start3A_283, %dma_start3A_284] : memref<10000x48xf32, #tpu.memory_space<hbm>> -> memref<10000x48xf32, #tpu.memory_space<hbm>>
      tpu.enqueue_indirect_dma source(%dma_start3A_285 : memref<10000x48xf32, #tpu.memory_space<hbm>>) target(%arg13 : memref<80x48xf32, #tpu.memory_space<vmem>>) offsets(%dma_start3A_282 : memref<80xi32, #tpu.memory_space<vmem>>) semaphore(%arg19 : memref<!tpu.dma_semaphore, #tpu.memory_space<semaphore_mem>>)
      %dma_wait3A_286 = arith.constant 0 : i32
      %dma_wait3A_287 = tpu.memref_slice %arg8[%dma_wait3A_286] : memref<10000xi32, #tpu.memory_space<vmem>> -> memref<80xi32, #tpu.memory_space<vmem>>
      %dma_wait3A_288 = arith.constant 0 : i32
      %dma_wait3A_289 = arith.constant 0 : i32
      %dma_wait3A_290 = tpu.memref_slice %arg3[%dma_wait3A_288, %dma_wait3A_289] : memref<10000x48xf32, #tpu.memory_space<hbm>> -> memref<10000x48xf32, #tpu.memory_space<hbm>>
      tpu.wait_indirect_dma semaphore(%arg18 : memref<!tpu.dma_semaphore, #tpu.memory_space<semaphore_mem>>) src(%dma_wait3A_290 : memref<10000x48xf32, #tpu.memory_space<hbm>>) dst(%arg10 : memref<80x48xf32, #tpu.memory_space<vmem>>)
      %dma_wait3A_291 = arith.constant 0 : i32
      %dma_wait3A_292 = tpu.memref_slice %arg9[%dma_wait3A_291] : memref<10000xi32, #tpu.memory_space<vmem>> -> memref<80xi32, #tpu.memory_space<vmem>>
      %dma_wait3A_293 = arith.constant 0 : i32
      %dma_wait3A_294 = arith.constant 0 : i32
      %dma_wait3A_295 = tpu.memref_slice %arg4[%dma_wait3A_293, %dma_wait3A_294] : memref<10000x48xf32, #tpu.memory_space<hbm>> -> memref<10000x48xf32, #tpu.memory_space<hbm>>
      tpu.wait_indirect_dma semaphore(%arg18 : memref<!tpu.dma_semaphore, #tpu.memory_space<semaphore_mem>>) src(%dma_wait3A_295 : memref<10000x48xf32, #tpu.memory_space<hbm>>) dst(%arg11 : memref<80x48xf32, #tpu.memory_space<vmem>>)
      %gt3A = arith.constant 0 : i32
      %gt3A_296 = arith.cmpi sgt, %scan3A_269, %gt3A : i32
      %convert_element_type3A = arith.extui %gt3A_296 : i1 to i32
      %cond3A = arith.constant 0 : i32
      %cond3A_297 = arith.cmpi ne, %convert_element_type3A, %cond3A : i32
      scf.if %cond3A_297 {
        %get3A_476 = arith.constant 0 : index
        %get3A_477 = tpu.vector_load %arg9[%get3A_476] {strides = array<i32>} : memref<10000xi32, #tpu.memory_space<vmem>>, vector<16xi32>,
        %get3A_478 = vector.shape_cast %get3A_477 : vector<16xi32> to vector<16xi32>
        %dma_wait3A_479 = arith.constant 0 : i32
        %dma_wait3A_480 = arith.constant 0 : i32
        %dma_wait3A_481 = tpu.memref_slice %arg14[%dma_wait3A_479, %dma_wait3A_480] : memref<80x48xf32, #tpu.memory_space<vmem>> -> memref<16x48xf32, #tpu.memory_space<vmem>>
        %dma_wait3A_482 = arith.constant 0 : i32
        %dma_wait3A_483 = arith.constant 0 : i32
        %dma_wait3A_484 = tpu.memref_slice %arg17[%dma_wait3A_482, %dma_wait3A_483] : memref<10240x48xf32, #tpu.memory_space<vmem_shared>> -> memref<10240x48xf32, #tpu.memory_space<vmem_shared>>
        tpu.wait_indirect_dma semaphore(%arg20 : memref<!tpu.dma_semaphore, #tpu.memory_space<semaphore_mem>>) src(%dma_wait3A_481 : memref<16x48xf32, #tpu.memory_space<vmem>>) dst(%dma_wait3A_484 : memref<10240x48xf32, #tpu.memory_space<vmem_shared>>)
        %get3A_485 = arith.constant 16 : index
        %get3A_486 = tpu.vector_load %arg9[%get3A_485] {strides = array<i32>} : memref<10000xi32, #tpu.memory_space<vmem>>, vector<16xi32>,
        %get3A_487 = vector.shape_cast %get3A_486 : vector<16xi32> to vector<16xi32>
        %dma_wait3A_488 = arith.constant 16 : i32
        %dma_wait3A_489 = arith.constant 0 : i32
        %dma_wait3A_490 = tpu.memref_slice %arg14[%dma_wait3A_488, %dma_wait3A_489] : memref<80x48xf32, #tpu.memory_space<vmem>> -> memref<16x48xf32, #tpu.memory_space<vmem>>
        %dma_wait3A_491 = arith.constant 0 : i32
        %dma_wait3A_492 = arith.constant 0 : i32
        %dma_wait3A_493 = tpu.memref_slice %arg17[%dma_wait3A_491, %dma_wait3A_492] : memref<10240x48xf32, #tpu.memory_space<vmem_shared>> -> memref<10240x48xf32, #tpu.memory_space<vmem_shared>>
        tpu.wait_indirect_dma semaphore(%arg20 : memref<!tpu.dma_semaphore, #tpu.memory_space<semaphore_mem>>) src(%dma_wait3A_490 : memref<16x48xf32, #tpu.memory_space<vmem>>) dst(%dma_wait3A_493 : memref<10240x48xf32, #tpu.memory_space<vmem_shared>>)
        %get3A_494 = arith.constant 32 : index
        %get3A_495 = tpu.vector_load %arg9[%get3A_494] {strides = array<i32>} : memref<10000xi32, #tpu.memory_space<vmem>>, vector<16xi32>,
        %get3A_496 = vector.shape_cast %get3A_495 : vector<16xi32> to vector<16xi32>
        %dma_wait3A_497 = arith.constant 32 : i32
        %dma_wait3A_498 = arith.constant 0 : i32
        %dma_wait3A_499 = tpu.memref_slice %arg14[%dma_wait3A_497, %dma_wait3A_498] : memref<80x48xf32, #tpu.memory_space<vmem>> -> memref<16x48xf32, #tpu.memory_space<vmem>>
        %dma_wait3A_500 = arith.constant 0 : i32
        %dma_wait3A_501 = arith.constant 0 : i32
        %dma_wait3A_502 = tpu.memref_slice %arg17[%dma_wait3A_500, %dma_wait3A_501] : memref<10240x48xf32, #tpu.memory_space<vmem_shared>> -> memref<10240x48xf32, #tpu.memory_space<vmem_shared>>
        tpu.wait_indirect_dma semaphore(%arg20 : memref<!tpu.dma_semaphore, #tpu.memory_space<semaphore_mem>>) src(%dma_wait3A_499 : memref<16x48xf32, #tpu.memory_space<vmem>>) dst(%dma_wait3A_502 : memref<10240x48xf32, #tpu.memory_space<vmem_shared>>)
        %get3A_503 = arith.constant 48 : index
        %get3A_504 = tpu.vector_load %arg9[%get3A_503] {strides = array<i32>} : memref<10000xi32, #tpu.memory_space<vmem>>, vector<16xi32>,
        %get3A_505 = vector.shape_cast %get3A_504 : vector<16xi32> to vector<16xi32>
        %dma_wait3A_506 = arith.constant 48 : i32
        %dma_wait3A_507 = arith.constant 0 : i32
        %dma_wait3A_508 = tpu.memref_slice %arg14[%dma_wait3A_506, %dma_wait3A_507] : memref<80x48xf32, #tpu.memory_space<vmem>> -> memref<16x48xf32, #tpu.memory_space<vmem>>
        %dma_wait3A_509 = arith.constant 0 : i32
        %dma_wait3A_510 = arith.constant 0 : i32
        %dma_wait3A_511 = tpu.memref_slice %arg17[%dma_wait3A_509, %dma_wait3A_510] : memref<10240x48xf32, #tpu.memory_space<vmem_shared>> -> memref<10240x48xf32, #tpu.memory_space<vmem_shared>>
        tpu.wait_indirect_dma semaphore(%arg20 : memref<!tpu.dma_semaphore, #tpu.memory_space<semaphore_mem>>) src(%dma_wait3A_508 : memref<16x48xf32, #tpu.memory_space<vmem>>) dst(%dma_wait3A_511 : memref<10240x48xf32, #tpu.memory_space<vmem_shared>>)
        %get3A_512 = arith.constant 64 : index
        %get3A_513 = tpu.vector_load %arg9[%get3A_512] {strides = array<i32>} : memref<10000xi32, #tpu.memory_space<vmem>>, vector<16xi32>,
        %get3A_514 = vector.shape_cast %get3A_513 : vector<16xi32> to vector<16xi32>
        %dma_wait3A_515 = arith.constant 64 : i32
        %dma_wait3A_516 = arith.constant 0 : i32
        %dma_wait3A_517 = tpu.memref_slice %arg14[%dma_wait3A_515, %dma_wait3A_516] : memref<80x48xf32, #tpu.memory_space<vmem>> -> memref<16x48xf32, #tpu.memory_space<vmem>>
        %dma_wait3A_518 = arith.constant 0 : i32
        %dma_wait3A_519 = arith.constant 0 : i32
        %dma_wait3A_520 = tpu.memref_slice %arg17[%dma_wait3A_518, %dma_wait3A_519] : memref<10240x48xf32, #tpu.memory_space<vmem_shared>> -> memref<10240x48xf32, #tpu.memory_space<vmem_shared>>
        tpu.wait_indirect_dma semaphore(%arg20 : memref<!tpu.dma_semaphore, #tpu.memory_space<semaphore_mem>>) src(%dma_wait3A_517 : memref<16x48xf32, #tpu.memory_space<vmem>>) dst(%dma_wait3A_520 : memref<10240x48xf32, #tpu.memory_space<vmem_shared>>)
      } else {
      }
      %scan3A_298 = arith.constant 0 : i32
      %scan3A_299 = arith.constant 0 : i32
      %scan3A_300 = arith.constant 80 : i32
      %scan3A_301 = arith.addi %scan3A_299, %scan3A_300 : i32
      %scan3A_302 = arith.constant 1 : i32
      %scan3A_303 = scf.for %scan3A_476 = %scan3A_299 to %scan3A_301 step %scan3A_302 iter_args(%scan3A_477 = %scan3A_298) -> (i32)  : i32 {
        %get3A_478 = arith.index_cast %scan3A_476 : i32 to index
        %get3A_479 = arith.constant 0 : index
        %get3A_480 = tpu.vector_load %arg10[%get3A_478, %get3A_479] {strides = array<i32>} : memref<80x48xf32, #tpu.memory_space<vmem>>, vector<1x16xf32>,
        %get3A_481 = vector.shape_cast %get3A_480 : vector<1x16xf32> to vector<16xf32>
        %get3A_482 = arith.index_cast %scan3A_476 : i32 to index
        %get3A_483 = arith.constant 16 : index
        %get3A_484 = tpu.vector_load %arg10[%get3A_482, %get3A_483] {strides = array<i32>} : memref<80x48xf32, #tpu.memory_space<vmem>>, vector<1x16xf32>,
        %get3A_485 = vector.shape_cast %get3A_484 : vector<1x16xf32> to vector<16xf32>
        %get3A_486 = arith.index_cast %scan3A_476 : i32 to index
        %get3A_487 = arith.constant 32 : index
        %get3A_488 = tpu.vector_load %arg10[%get3A_486, %get3A_487] {strides = array<i32>} : memref<80x48xf32, #tpu.memory_space<vmem>>, vector<1x16xf32>,
        %get3A_489 = vector.shape_cast %get3A_488 : vector<1x16xf32> to vector<16xf32>
        %get3A_490 = arith.index_cast %scan3A_476 : i32 to index
        %get3A_491 = arith.constant 0 : index
        %get3A_492 = tpu.vector_load %arg11[%get3A_490, %get3A_491] {strides = array<i32>} : memref<80x48xf32, #tpu.memory_space<vmem>>, vector<1x16xf32>,
        %get3A_493 = vector.shape_cast %get3A_492 : vector<1x16xf32> to vector<16xf32>
        %add3A_494 = arith.addf %get3A_481, %get3A_493 : vector<16xf32>
        %get3A_495 = arith.index_cast %scan3A_476 : i32 to index
        %get3A_496 = arith.constant 16 : index
        %get3A_497 = tpu.vector_load %arg11[%get3A_495, %get3A_496] {strides = array<i32>} : memref<80x48xf32, #tpu.memory_space<vmem>>, vector<1x16xf32>,
        %get3A_498 = vector.shape_cast %get3A_497 : vector<1x16xf32> to vector<16xf32>
        %add3A_499 = arith.addf %get3A_485, %get3A_498 : vector<16xf32>
        %get3A_500 = arith.index_cast %scan3A_476 : i32 to index
        %get3A_501 = arith.constant 32 : index
        %get3A_502 = tpu.vector_load %arg11[%get3A_500, %get3A_501] {strides = array<i32>} : memref<80x48xf32, #tpu.memory_space<vmem>>, vector<1x16xf32>,
        %get3A_503 = vector.shape_cast %get3A_502 : vector<1x16xf32> to vector<16xf32>
        %add3A_504 = arith.addf %get3A_489, %get3A_503 : vector<16xf32>
        %abs3A = math.absf %add3A_494 : vector<16xf32>
        %mul3A_505 = arith.mulf %abs3A, %get3A_12 : vector<16xf32>
        %abs3A_506 = math.absf %add3A_499 : vector<16xf32>
        %mul3A_507 = arith.mulf %abs3A_506, %get3A_15 : vector<16xf32>
        %abs3A_508 = math.absf %add3A_504 : vector<16xf32>
        %mul3A_509 = arith.mulf %abs3A_508, %get3A_18 : vector<16xf32>
        %add3A_510 = arith.addf %mul3A_505, %mul3A_507 : vector<16xf32>
        %add3A_511 = arith.addf %add3A_510, %mul3A_509 : vector<16xf32>
        %reshape3A = vector.shape_cast %xor3A_20 : vector<16xi32> to vector<16x1xi32>
        %gather3A = vector.shape_cast %reshape3A : vector<16x1xi32> to vector<16xi32>
        %gather3A_512 = tpu.dynamic_gather %add3A_511[%gather3A] in [0] : vector<16xf32>, vector<16xi32> -> vector<16xf32>
        %add3A_513 = arith.addf %add3A_511, %gather3A_512 : vector<16xf32>
        %reshape3A_514 = vector.shape_cast %xor3A_23 : vector<16xi32> to vector<16x1xi32>
        %gather3A_515 = vector.shape_cast %reshape3A_514 : vector<16x1xi32> to vector<16xi32>
        %gather3A_516 = tpu.dynamic_gather %add3A_513[%gather3A_515] in [0] : vector<16xf32>, vector<16xi32> -> vector<16xf32>
        %add3A_517 = arith.addf %add3A_513, %gather3A_516 : vector<16xf32>
        %reshape3A_518 = vector.shape_cast %xor3A_26 : vector<16xi32> to vector<16x1xi32>
        %gather3A_519 = vector.shape_cast %reshape3A_518 : vector<16x1xi32> to vector<16xi32>
        %gather3A_520 = tpu.dynamic_gather %add3A_517[%gather3A_519] in [0] : vector<16xf32>, vector<16xi32> -> vector<16xf32>
        %add3A_521 = arith.addf %add3A_517, %gather3A_520 : vector<16xf32>
        %reshape3A_522 = vector.shape_cast %xor3A_29 : vector<16xi32> to vector<16x1xi32>
        %gather3A_523 = vector.shape_cast %reshape3A_522 : vector<16x1xi32> to vector<16xi32>
        %gather3A_524 = tpu.dynamic_gather %add3A_521[%gather3A_523] in [0] : vector<16xf32>, vector<16xi32> -> vector<16xf32>
        %add3A_525 = arith.addf %add3A_521, %gather3A_524 : vector<16xf32>
        %reshape3A_526 = vector.shape_cast %broadcast_in_dim3A_44 : vector<16xi32> to vector<16x1xi32>
        %gather3A_527 = vector.shape_cast %reshape3A_526 : vector<16x1xi32> to vector<16xi32>
        %gather3A_528 = tpu.dynamic_gather %add3A_504[%gather3A_527] in [0] : vector<16xf32>, vector<16xi32> -> vector<16xf32>
        %add3A_529 = arith.addf %add3A_525, %gather3A_528 : vector<16xf32>
        %exp3A = math.exp %add3A_529 : vector<16xf32>
        %mul3A_530 = arith.mulf %exp3A, %get3A_481 : vector<16xf32>
        %swap3A = arith.index_cast %scan3A_476 : i32 to index
        %swap3A_531 = arith.constant 0 : index
        %swap3A_532 = tpu.vector_load %arg14[%swap3A, %swap3A_531] {strides = array<i32>} : memref<80x48xf32, #tpu.memory_space<vmem>>, vector<1x16xf32>,
        %swap3A_533 = vector.shape_cast %swap3A_532 : vector<1x16xf32> to vector<16xf32>
        %swap3A_534 = vector.shape_cast %mul3A_530 : vector<16xf32> to vector<1x16xf32>
        tpu.vector_store %arg14[%swap3A, %swap3A_531], %swap3A_534 {strides = array<i32>} : memref<80x48xf32, #tpu.memory_space<vmem>>, vector<1x16xf32>,
        %mul3A_535 = arith.mulf %exp3A, %get3A_485 : vector<16xf32>
        %swap3A_536 = arith.index_cast %scan3A_476 : i32 to index
        %swap3A_537 = arith.constant 16 : index
        %swap3A_538 = tpu.vector_load %arg14[%swap3A_536, %swap3A_537] {strides = array<i32>} : memref<80x48xf32, #tpu.memory_space<vmem>>, vector<1x16xf32>,
        %swap3A_539 = vector.shape_cast %swap3A_538 : vector<1x16xf32> to vector<16xf32>
        %swap3A_540 = vector.shape_cast %mul3A_535 : vector<16xf32> to vector<1x16xf32>
        tpu.vector_store %arg14[%swap3A_536, %swap3A_537], %swap3A_540 {strides = array<i32>} : memref<80x48xf32, #tpu.memory_space<vmem>>, vector<1x16xf32>,
        %eq3A = arith.constant 9 : i32
        %eq3A_541 = vector.broadcast %eq3A : i32 to vector<16xi32>
        %eq3A_542 = arith.cmpi eq, %xor3A_29, %eq3A_541 : vector<16xi32>
        %mul3A_543 = arith.mulf %exp3A, %get3A_489 : vector<16xf32>
        %select_n3A = arith.select %eq3A_542, %exp3A, %mul3A_543 : vector<16xi1>, vector<16xf32>
        %swap3A_544 = arith.index_cast %scan3A_476 : i32 to index
        %swap3A_545 = arith.constant 32 : index
        %swap3A_546 = tpu.vector_load %arg14[%swap3A_544, %swap3A_545] {strides = array<i32>} : memref<80x48xf32, #tpu.memory_space<vmem>>, vector<1x16xf32>,
        %swap3A_547 = vector.shape_cast %swap3A_546 : vector<1x16xf32> to vector<16xf32>
        %swap3A_548 = vector.shape_cast %select_n3A : vector<16xf32> to vector<1x16xf32>
        tpu.vector_store %arg14[%swap3A_544, %swap3A_545], %swap3A_548 {strides = array<i32>} : memref<80x48xf32, #tpu.memory_space<vmem>>, vector<1x16xf32>,
        %scan3A_549 = arith.constant 0 : i32
        scf.yield %scan3A_549 : i32
      }
      %scan3A_304 = arith.constant 80 : i32
      %mul3A_305 = arith.constant 80 : i32
      %mul3A_306 = arith.muli %mul3A_272, %mul3A_305 : i32
      %add3A_307 = arith.constant 0 : i32
      %add3A_308 = arith.addi %mul3A_306, %add3A_307 : i32
      %multiple_of3A_309 = tpu.assume_multiple %add3A_308, 8 : i32
      %get3A_310 = arith.index_cast %multiple_of3A_309 : i32 to index
      %get3A_311 = tpu.vector_load %arg9[%get3A_310] {strides = array<i32>} : memref<10000xi32, #tpu.memory_space<vmem>>, vector<16xi32>,
      %get3A_312 = vector.shape_cast %get3A_311 : vector<16xi32> to vector<16xi32>
      %dma_start3A_313 = arith.constant 0 : i32
      %dma_start3A_314 = arith.constant 0 : i32
      %dma_start3A_315 = tpu.memref_slice %arg14[%dma_start3A_313, %dma_start3A_314] : memref<80x48xf32, #tpu.memory_space<vmem>> -> memref<16x48xf32, #tpu.memory_space<vmem>>
      %dma_start3A_316 = arith.constant 0 : i32
      %dma_start3A_317 = arith.constant 0 : i32
      %dma_start3A_318 = tpu.memref_slice %arg17[%dma_start3A_316, %dma_start3A_317] : memref<10240x48xf32, #tpu.memory_space<vmem_shared>> -> memref<10240x48xf32, #tpu.memory_space<vmem_shared>>
      tpu.enqueue_indirect_dma source(%dma_start3A_315 : memref<16x48xf32, #tpu.memory_space<vmem>>) target(%dma_start3A_318 : memref<10240x48xf32, #tpu.memory_space<vmem_shared>>) offsets(%get3A_312 : vector<16xi32>) semaphore(%arg20 : memref<!tpu.dma_semaphore, #tpu.memory_space<semaphore_mem>>) {add = true}
      %mul3A_319 = arith.constant 80 : i32
      %mul3A_320 = arith.muli %mul3A_272, %mul3A_319 : i32
      %add3A_321 = arith.constant 16 : i32
      %add3A_322 = arith.addi %mul3A_320, %add3A_321 : i32
      %multiple_of3A_323 = tpu.assume_multiple %add3A_322, 8 : i32
      %get3A_324 = arith.index_cast %multiple_of3A_323 : i32 to index
      %get3A_325 = tpu.vector_load %arg9[%get3A_324] {strides = array<i32>} : memref<10000xi32, #tpu.memory_space<vmem>>, vector<16xi32>,
      %get3A_326 = vector.shape_cast %get3A_325 : vector<16xi32> to vector<16xi32>
      %dma_start3A_327 = arith.constant 16 : i32
      %dma_start3A_328 = arith.constant 0 : i32
      %dma_start3A_329 = tpu.memref_slice %arg14[%dma_start3A_327, %dma_start3A_328] : memref<80x48xf32, #tpu.memory_space<vmem>> -> memref<16x48xf32, #tpu.memory_space<vmem>>
      %dma_start3A_330 = arith.constant 0 : i32
      %dma_start3A_331 = arith.constant 0 : i32
      %dma_start3A_332 = tpu.memref_slice %arg17[%dma_start3A_330, %dma_start3A_331] : memref<10240x48xf32, #tpu.memory_space<vmem_shared>> -> memref<10240x48xf32, #tpu.memory_space<vmem_shared>>
      tpu.enqueue_indirect_dma source(%dma_start3A_329 : memref<16x48xf32, #tpu.memory_space<vmem>>) target(%dma_start3A_332 : memref<10240x48xf32, #tpu.memory_space<vmem_shared>>) offsets(%get3A_326 : vector<16xi32>) semaphore(%arg20 : memref<!tpu.dma_semaphore, #tpu.memory_space<semaphore_mem>>) {add = true}
      %mul3A_333 = arith.constant 80 : i32
      %mul3A_334 = arith.muli %mul3A_272, %mul3A_333 : i32
      %add3A_335 = arith.constant 32 : i32
      %add3A_336 = arith.addi %mul3A_334, %add3A_335 : i32
      %multiple_of3A_337 = tpu.assume_multiple %add3A_336, 8 : i32
      %get3A_338 = arith.index_cast %multiple_of3A_337 : i32 to index
      %get3A_339 = tpu.vector_load %arg9[%get3A_338] {strides = array<i32>} : memref<10000xi32, #tpu.memory_space<vmem>>, vector<16xi32>,
      %get3A_340 = vector.shape_cast %get3A_339 : vector<16xi32> to vector<16xi32>
      %dma_start3A_341 = arith.constant 32 : i32
      %dma_start3A_342 = arith.constant 0 : i32
      %dma_start3A_343 = tpu.memref_slice %arg14[%dma_start3A_341, %dma_start3A_342] : memref<80x48xf32, #tpu.memory_space<vmem>> -> memref<16x48xf32, #tpu.memory_space<vmem>>
      %dma_start3A_344 = arith.constant 0 : i32
      %dma_start3A_345 = arith.constant 0 : i32
      %dma_start3A_346 = tpu.memref_slice %arg17[%dma_start3A_344, %dma_start3A_345] : memref<10240x48xf32, #tpu.memory_space<vmem_shared>> -> memref<10240x48xf32, #tpu.memory_space<vmem_shared>>
      tpu.enqueue_indirect_dma source(%dma_start3A_343 : memref<16x48xf32, #tpu.memory_space<vmem>>) target(%dma_start3A_346 : memref<10240x48xf32, #tpu.memory_space<vmem_shared>>) offsets(%get3A_340 : vector<16xi32>) semaphore(%arg20 : memref<!tpu.dma_semaphore, #tpu.memory_space<semaphore_mem>>) {add = true}
      %mul3A_347 = arith.constant 80 : i32
      %mul3A_348 = arith.muli %mul3A_272, %mul3A_347 : i32
      %add3A_349 = arith.constant 48 : i32
      %add3A_350 = arith.addi %mul3A_348, %add3A_349 : i32
      %multiple_of3A_351 = tpu.assume_multiple %add3A_350, 8 : i32
      %get3A_352 = arith.index_cast %multiple_of3A_351 : i32 to index
      %get3A_353 = tpu.vector_load %arg9[%get3A_352] {strides = array<i32>} : memref<10000xi32, #tpu.memory_space<vmem>>, vector<16xi32>,
      %get3A_354 = vector.shape_cast %get3A_353 : vector<16xi32> to vector<16xi32>
      %dma_start3A_355 = arith.constant 48 : i32
      %dma_start3A_356 = arith.constant 0 : i32
      %dma_start3A_357 = tpu.memref_slice %arg14[%dma_start3A_355, %dma_start3A_356] : memref<80x48xf32, #tpu.memory_space<vmem>> -> memref<16x48xf32, #tpu.memory_space<vmem>>
      %dma_start3A_358 = arith.constant 0 : i32
      %dma_start3A_359 = arith.constant 0 : i32
      %dma_start3A_360 = tpu.memref_slice %arg17[%dma_start3A_358, %dma_start3A_359] : memref<10240x48xf32, #tpu.memory_space<vmem_shared>> -> memref<10240x48xf32, #tpu.memory_space<vmem_shared>>
      tpu.enqueue_indirect_dma source(%dma_start3A_357 : memref<16x48xf32, #tpu.memory_space<vmem>>) target(%dma_start3A_360 : memref<10240x48xf32, #tpu.memory_space<vmem_shared>>) offsets(%get3A_354 : vector<16xi32>) semaphore(%arg20 : memref<!tpu.dma_semaphore, #tpu.memory_space<semaphore_mem>>) {add = true}
      %mul3A_361 = arith.constant 80 : i32
      %mul3A_362 = arith.muli %mul3A_272, %mul3A_361 : i32
      %add3A_363 = arith.constant 64 : i32
      %add3A_364 = arith.addi %mul3A_362, %add3A_363 : i32
      %multiple_of3A_365 = tpu.assume_multiple %add3A_364, 8 : i32
      %get3A_366 = arith.index_cast %multiple_of3A_365 : i32 to index
      %get3A_367 = tpu.vector_load %arg9[%get3A_366] {strides = array<i32>} : memref<10000xi32, #tpu.memory_space<vmem>>, vector<16xi32>,
      %get3A_368 = vector.shape_cast %get3A_367 : vector<16xi32> to vector<16xi32>
      %dma_start3A_369 = arith.constant 64 : i32
      %dma_start3A_370 = arith.constant 0 : i32
      %dma_start3A_371 = tpu.memref_slice %arg14[%dma_start3A_369, %dma_start3A_370] : memref<80x48xf32, #tpu.memory_space<vmem>> -> memref<16x48xf32, #tpu.memory_space<vmem>>
      %dma_start3A_372 = arith.constant 0 : i32
      %dma_start3A_373 = arith.constant 0 : i32
      %dma_start3A_374 = tpu.memref_slice %arg17[%dma_start3A_372, %dma_start3A_373] : memref<10240x48xf32, #tpu.memory_space<vmem_shared>> -> memref<10240x48xf32, #tpu.memory_space<vmem_shared>>
      tpu.enqueue_indirect_dma source(%dma_start3A_371 : memref<16x48xf32, #tpu.memory_space<vmem>>) target(%dma_start3A_374 : memref<10240x48xf32, #tpu.memory_space<vmem_shared>>) offsets(%get3A_368 : vector<16xi32>) semaphore(%arg20 : memref<!tpu.dma_semaphore, #tpu.memory_space<semaphore_mem>>) {add = true}
      %add3A_375 = arith.constant 1 : i32
      %add3A_376 = arith.addi %mul3A_272, %add3A_375 : i32
      %add3A_377 = arith.constant 1 : i32
      %add3A_378 = arith.addi %add3A_376, %add3A_377 : i32
      %lt3A = arith.constant 125 : i32
      %lt3A_379 = arith.cmpi slt, %add3A_378, %lt3A : i32
      %convert_element_type3A_380 = arith.extui %lt3A_379 : i1 to i32
      %cond3A_381 = arith.constant 0 : i32
      %cond3A_382 = arith.cmpi ne, %convert_element_type3A_380, %cond3A_381 : i32
      scf.if %cond3A_382 {
        %add3A_476 = arith.constant 1 : i32
        %add3A_477 = arith.addi %add3A_376, %add3A_476 : i32
        %mul3A_478 = arith.constant 80 : i32
        %mul3A_479 = arith.muli %add3A_477, %mul3A_478 : i32
        %multiple_of3A_480 = tpu.assume_multiple %mul3A_479, 8 : i32
        %dma_start3A_481 = tpu.memref_slice %arg8[%multiple_of3A_480] : memref<10000xi32, #tpu.memory_space<vmem>> -> memref<80xi32, #tpu.memory_space<vmem>>
        %dma_start3A_482 = arith.constant 0 : i32
        %dma_start3A_483 = arith.constant 0 : i32
        %dma_start3A_484 = tpu.memref_slice %arg3[%dma_start3A_482, %dma_start3A_483] : memref<10000x48xf32, #tpu.memory_space<hbm>> -> memref<10000x48xf32, #tpu.memory_space<hbm>>
        tpu.enqueue_indirect_dma source(%dma_start3A_484 : memref<10000x48xf32, #tpu.memory_space<hbm>>) target(%arg10 : memref<80x48xf32, #tpu.memory_space<vmem>>) offsets(%dma_start3A_481 : memref<80xi32, #tpu.memory_space<vmem>>) semaphore(%arg18 : memref<!tpu.dma_semaphore, #tpu.memory_space<semaphore_mem>>)
        %dma_start3A_485 = tpu.memref_slice %arg9[%multiple_of3A_480] : memref<10000xi32, #tpu.memory_space<vmem>> -> memref<80xi32, #tpu.memory_space<vmem>>
        %dma_start3A_486 = arith.constant 0 : i32
        %dma_start3A_487 = arith.constant 0 : i32
        %dma_start3A_488 = tpu.memref_slice %arg4[%dma_start3A_486, %dma_start3A_487] : memref<10000x48xf32, #tpu.memory_space<hbm>> -> memref<10000x48xf32, #tpu.memory_space<hbm>>
        tpu.enqueue_indirect_dma source(%dma_start3A_488 : memref<10000x48xf32, #tpu.memory_space<hbm>>) target(%arg11 : memref<80x48xf32, #tpu.memory_space<vmem>>) offsets(%dma_start3A_485 : memref<80xi32, #tpu.memory_space<vmem>>) semaphore(%arg18 : memref<!tpu.dma_semaphore, #tpu.memory_space<semaphore_mem>>)
      } else {
      }
      %dma_wait3A_383 = arith.constant 0 : i32
      %dma_wait3A_384 = tpu.memref_slice %arg8[%dma_wait3A_383] : memref<10000xi32, #tpu.memory_space<vmem>> -> memref<80xi32, #tpu.memory_space<vmem>>
      %dma_wait3A_385 = arith.constant 0 : i32
      %dma_wait3A_386 = arith.constant 0 : i32
      %dma_wait3A_387 = tpu.memref_slice %arg3[%dma_wait3A_385, %dma_wait3A_386] : memref<10000x48xf32, #tpu.memory_space<hbm>> -> memref<10000x48xf32, #tpu.memory_space<hbm>>
      tpu.wait_indirect_dma semaphore(%arg19 : memref<!tpu.dma_semaphore, #tpu.memory_space<semaphore_mem>>) src(%dma_wait3A_387 : memref<10000x48xf32, #tpu.memory_space<hbm>>) dst(%arg12 : memref<80x48xf32, #tpu.memory_space<vmem>>)
      %dma_wait3A_388 = arith.constant 0 : i32
      %dma_wait3A_389 = tpu.memref_slice %arg9[%dma_wait3A_388] : memref<10000xi32, #tpu.memory_space<vmem>> -> memref<80xi32, #tpu.memory_space<vmem>>
      %dma_wait3A_390 = arith.constant 0 : i32
      %dma_wait3A_391 = arith.constant 0 : i32
      %dma_wait3A_392 = tpu.memref_slice %arg4[%dma_wait3A_390, %dma_wait3A_391] : memref<10000x48xf32, #tpu.memory_space<hbm>> -> memref<10000x48xf32, #tpu.memory_space<hbm>>
      tpu.wait_indirect_dma semaphore(%arg19 : memref<!tpu.dma_semaphore, #tpu.memory_space<semaphore_mem>>) src(%dma_wait3A_392 : memref<10000x48xf32, #tpu.memory_space<hbm>>) dst(%arg13 : memref<80x48xf32, #tpu.memory_space<vmem>>)
      %gt3A_393 = arith.constant 0 : i32
      %gt3A_394 = arith.cmpi sgt, %scan3A_269, %gt3A_393 : i32
      %convert_element_type3A_395 = arith.extui %gt3A_394 : i1 to i32
      %cond3A_396 = arith.constant 0 : i32
      %cond3A_397 = arith.cmpi ne, %convert_element_type3A_395, %cond3A_396 : i32
      scf.if %cond3A_397 {
        %get3A_476 = arith.constant 0 : index
        %get3A_477 = tpu.vector_load %arg9[%get3A_476] {strides = array<i32>} : memref<10000xi32, #tpu.memory_space<vmem>>, vector<16xi32>,
        %get3A_478 = vector.shape_cast %get3A_477 : vector<16xi32> to vector<16xi32>
        %dma_wait3A_479 = arith.constant 0 : i32
        %dma_wait3A_480 = arith.constant 0 : i32
        %dma_wait3A_481 = tpu.memref_slice %arg15[%dma_wait3A_479, %dma_wait3A_480] : memref<80x48xf32, #tpu.memory_space<vmem>> -> memref<16x48xf32, #tpu.memory_space<vmem>>
        %dma_wait3A_482 = arith.constant 0 : i32
        %dma_wait3A_483 = arith.constant 0 : i32
        %dma_wait3A_484 = tpu.memref_slice %arg17[%dma_wait3A_482, %dma_wait3A_483] : memref<10240x48xf32, #tpu.memory_space<vmem_shared>> -> memref<10240x48xf32, #tpu.memory_space<vmem_shared>>
        tpu.wait_indirect_dma semaphore(%arg21 : memref<!tpu.dma_semaphore, #tpu.memory_space<semaphore_mem>>) src(%dma_wait3A_481 : memref<16x48xf32, #tpu.memory_space<vmem>>) dst(%dma_wait3A_484 : memref<10240x48xf32, #tpu.memory_space<vmem_shared>>)
        %get3A_485 = arith.constant 16 : index
        %get3A_486 = tpu.vector_load %arg9[%get3A_485] {strides = array<i32>} : memref<10000xi32, #tpu.memory_space<vmem>>, vector<16xi32>,
        %get3A_487 = vector.shape_cast %get3A_486 : vector<16xi32> to vector<16xi32>
        %dma_wait3A_488 = arith.constant 16 : i32
        %dma_wait3A_489 = arith.constant 0 : i32
        %dma_wait3A_490 = tpu.memref_slice %arg15[%dma_wait3A_488, %dma_wait3A_489] : memref<80x48xf32, #tpu.memory_space<vmem>> -> memref<16x48xf32, #tpu.memory_space<vmem>>
        %dma_wait3A_491 = arith.constant 0 : i32
        %dma_wait3A_492 = arith.constant 0 : i32
        %dma_wait3A_493 = tpu.memref_slice %arg17[%dma_wait3A_491, %dma_wait3A_492] : memref<10240x48xf32, #tpu.memory_space<vmem_shared>> -> memref<10240x48xf32, #tpu.memory_space<vmem_shared>>
        tpu.wait_indirect_dma semaphore(%arg21 : memref<!tpu.dma_semaphore, #tpu.memory_space<semaphore_mem>>) src(%dma_wait3A_490 : memref<16x48xf32, #tpu.memory_space<vmem>>) dst(%dma_wait3A_493 : memref<10240x48xf32, #tpu.memory_space<vmem_shared>>)
        %get3A_494 = arith.constant 32 : index
        %get3A_495 = tpu.vector_load %arg9[%get3A_494] {strides = array<i32>} : memref<10000xi32, #tpu.memory_space<vmem>>, vector<16xi32>,
        %get3A_496 = vector.shape_cast %get3A_495 : vector<16xi32> to vector<16xi32>
        %dma_wait3A_497 = arith.constant 32 : i32
        %dma_wait3A_498 = arith.constant 0 : i32
        %dma_wait3A_499 = tpu.memref_slice %arg15[%dma_wait3A_497, %dma_wait3A_498] : memref<80x48xf32, #tpu.memory_space<vmem>> -> memref<16x48xf32, #tpu.memory_space<vmem>>
        %dma_wait3A_500 = arith.constant 0 : i32
        %dma_wait3A_501 = arith.constant 0 : i32
        %dma_wait3A_502 = tpu.memref_slice %arg17[%dma_wait3A_500, %dma_wait3A_501] : memref<10240x48xf32, #tpu.memory_space<vmem_shared>> -> memref<10240x48xf32, #tpu.memory_space<vmem_shared>>
        tpu.wait_indirect_dma semaphore(%arg21 : memref<!tpu.dma_semaphore, #tpu.memory_space<semaphore_mem>>) src(%dma_wait3A_499 : memref<16x48xf32, #tpu.memory_space<vmem>>) dst(%dma_wait3A_502 : memref<10240x48xf32, #tpu.memory_space<vmem_shared>>)
        %get3A_503 = arith.constant 48 : index
        %get3A_504 = tpu.vector_load %arg9[%get3A_503] {strides = array<i32>} : memref<10000xi32, #tpu.memory_space<vmem>>, vector<16xi32>,
        %get3A_505 = vector.shape_cast %get3A_504 : vector<16xi32> to vector<16xi32>
        %dma_wait3A_506 = arith.constant 48 : i32
        %dma_wait3A_507 = arith.constant 0 : i32
        %dma_wait3A_508 = tpu.memref_slice %arg15[%dma_wait3A_506, %dma_wait3A_507] : memref<80x48xf32, #tpu.memory_space<vmem>> -> memref<16x48xf32, #tpu.memory_space<vmem>>
        %dma_wait3A_509 = arith.constant 0 : i32
        %dma_wait3A_510 = arith.constant 0 : i32
        %dma_wait3A_511 = tpu.memref_slice %arg17[%dma_wait3A_509, %dma_wait3A_510] : memref<10240x48xf32, #tpu.memory_space<vmem_shared>> -> memref<10240x48xf32, #tpu.memory_space<vmem_shared>>
        tpu.wait_indirect_dma semaphore(%arg21 : memref<!tpu.dma_semaphore, #tpu.memory_space<semaphore_mem>>) src(%dma_wait3A_508 : memref<16x48xf32, #tpu.memory_space<vmem>>) dst(%dma_wait3A_511 : memref<10240x48xf32, #tpu.memory_space<vmem_shared>>)
        %get3A_512 = arith.constant 64 : index
        %get3A_513 = tpu.vector_load %arg9[%get3A_512] {strides = array<i32>} : memref<10000xi32, #tpu.memory_space<vmem>>, vector<16xi32>,
        %get3A_514 = vector.shape_cast %get3A_513 : vector<16xi32> to vector<16xi32>
        %dma_wait3A_515 = arith.constant 64 : i32
        %dma_wait3A_516 = arith.constant 0 : i32
        %dma_wait3A_517 = tpu.memref_slice %arg15[%dma_wait3A_515, %dma_wait3A_516] : memref<80x48xf32, #tpu.memory_space<vmem>> -> memref<16x48xf32, #tpu.memory_space<vmem>>
        %dma_wait3A_518 = arith.constant 0 : i32
        %dma_wait3A_519 = arith.constant 0 : i32
        %dma_wait3A_520 = tpu.memref_slice %arg17[%dma_wait3A_518, %dma_wait3A_519] : memref<10240x48xf32, #tpu.memory_space<vmem_shared>> -> memref<10240x48xf32, #tpu.memory_space<vmem_shared>>
        tpu.wait_indirect_dma semaphore(%arg21 : memref<!tpu.dma_semaphore, #tpu.memory_space<semaphore_mem>>) src(%dma_wait3A_517 : memref<16x48xf32, #tpu.memory_space<vmem>>) dst(%dma_wait3A_520 : memref<10240x48xf32, #tpu.memory_space<vmem_shared>>)
      } else {
      }
      %scan3A_398 = arith.constant 0 : i32
      %scan3A_399 = arith.constant 0 : i32
      %scan3A_400 = arith.constant 80 : i32
      %scan3A_401 = arith.addi %scan3A_399, %scan3A_400 : i32
      %scan3A_402 = arith.constant 1 : i32
      %scan3A_403 = scf.for %scan3A_476 = %scan3A_399 to %scan3A_401 step %scan3A_402 iter_args(%scan3A_477 = %scan3A_398) -> (i32)  : i32 {
        %get3A_478 = arith.index_cast %scan3A_476 : i32 to index
        %get3A_479 = arith.constant 0 : index
        %get3A_480 = tpu.vector_load %arg12[%get3A_478, %get3A_479] {strides = array<i32>} : memref<80x48xf32, #tpu.memory_space<vmem>>, vector<1x16xf32>,
        %get3A_481 = vector.shape_cast %get3A_480 : vector<1x16xf32> to vector<16xf32>
        %get3A_482 = arith.index_cast %scan3A_476 : i32 to index
        %get3A_483 = arith.constant 16 : index
        %get3A_484 = tpu.vector_load %arg12[%get3A_482, %get3A_483] {strides = array<i32>} : memref<80x48xf32, #tpu.memory_space<vmem>>, vector<1x16xf32>,
        %get3A_485 = vector.shape_cast %get3A_484 : vector<1x16xf32> to vector<16xf32>
        %get3A_486 = arith.index_cast %scan3A_476 : i32 to index
        %get3A_487 = arith.constant 32 : index
        %get3A_488 = tpu.vector_load %arg12[%get3A_486, %get3A_487] {strides = array<i32>} : memref<80x48xf32, #tpu.memory_space<vmem>>, vector<1x16xf32>,
        %get3A_489 = vector.shape_cast %get3A_488 : vector<1x16xf32> to vector<16xf32>
        %get3A_490 = arith.index_cast %scan3A_476 : i32 to index
        %get3A_491 = arith.constant 0 : index
        %get3A_492 = tpu.vector_load %arg13[%get3A_490, %get3A_491] {strides = array<i32>} : memref<80x48xf32, #tpu.memory_space<vmem>>, vector<1x16xf32>,
        %get3A_493 = vector.shape_cast %get3A_492 : vector<1x16xf32> to vector<16xf32>
        %add3A_494 = arith.addf %get3A_481, %get3A_493 : vector<16xf32>
        %get3A_495 = arith.index_cast %scan3A_476 : i32 to index
        %get3A_496 = arith.constant 16 : index
        %get3A_497 = tpu.vector_load %arg13[%get3A_495, %get3A_496] {strides = array<i32>} : memref<80x48xf32, #tpu.memory_space<vmem>>, vector<1x16xf32>,
        %get3A_498 = vector.shape_cast %get3A_497 : vector<1x16xf32> to vector<16xf32>
        %add3A_499 = arith.addf %get3A_485, %get3A_498 : vector<16xf32>
        %get3A_500 = arith.index_cast %scan3A_476 : i32 to index
        %get3A_501 = arith.constant 32 : index
        %get3A_502 = tpu.vector_load %arg13[%get3A_500, %get3A_501] {strides = array<i32>} : memref<80x48xf32, #tpu.memory_space<vmem>>, vector<1x16xf32>,
        %get3A_503 = vector.shape_cast %get3A_502 : vector<1x16xf32> to vector<16xf32>
        %add3A_504 = arith.addf %get3A_489, %get3A_503 : vector<16xf32>
        %abs3A = math.absf %add3A_494 : vector<16xf32>
        %mul3A_505 = arith.mulf %abs3A, %get3A_12 : vector<16xf32>
        %abs3A_506 = math.absf %add3A_499 : vector<16xf32>
        %mul3A_507 = arith.mulf %abs3A_506, %get3A_15 : vector<16xf32>
        %abs3A_508 = math.absf %add3A_504 : vector<16xf32>
        %mul3A_509 = arith.mulf %abs3A_508, %get3A_18 : vector<16xf32>
        %add3A_510 = arith.addf %mul3A_505, %mul3A_507 : vector<16xf32>
        %add3A_511 = arith.addf %add3A_510, %mul3A_509 : vector<16xf32>
        %reshape3A = vector.shape_cast %xor3A_20 : vector<16xi32> to vector<16x1xi32>
        %gather3A = vector.shape_cast %reshape3A : vector<16x1xi32> to vector<16xi32>
        %gather3A_512 = tpu.dynamic_gather %add3A_511[%gather3A] in [0] : vector<16xf32>, vector<16xi32> -> vector<16xf32>
        %add3A_513 = arith.addf %add3A_511, %gather3A_512 : vector<16xf32>
        %reshape3A_514 = vector.shape_cast %xor3A_23 : vector<16xi32> to vector<16x1xi32>
        %gather3A_515 = vector.shape_cast %reshape3A_514 : vector<16x1xi32> to vector<16xi32>
        %gather3A_516 = tpu.dynamic_gather %add3A_513[%gather3A_515] in [0] : vector<16xf32>, vector<16xi32> -> vector<16xf32>
        %add3A_517 = arith.addf %add3A_513, %gather3A_516 : vector<16xf32>
        %reshape3A_518 = vector.shape_cast %xor3A_26 : vector<16xi32> to vector<16x1xi32>
        %gather3A_519 = vector.shape_cast %reshape3A_518 : vector<16x1xi32> to vector<16xi32>
        %gather3A_520 = tpu.dynamic_gather %add3A_517[%gather3A_519] in [0] : vector<16xf32>, vector<16xi32> -> vector<16xf32>
        %add3A_521 = arith.addf %add3A_517, %gather3A_520 : vector<16xf32>
        %reshape3A_522 = vector.shape_cast %xor3A_29 : vector<16xi32> to vector<16x1xi32>
        %gather3A_523 = vector.shape_cast %reshape3A_522 : vector<16x1xi32> to vector<16xi32>
        %gather3A_524 = tpu.dynamic_gather %add3A_521[%gather3A_523] in [0] : vector<16xf32>, vector<16xi32> -> vector<16xf32>
        %add3A_525 = arith.addf %add3A_521, %gather3A_524 : vector<16xf32>
        %reshape3A_526 = vector.shape_cast %broadcast_in_dim3A_44 : vector<16xi32> to vector<16x1xi32>
        %gather3A_527 = vector.shape_cast %reshape3A_526 : vector<16x1xi32> to vector<16xi32>
        %gather3A_528 = tpu.dynamic_gather %add3A_504[%gather3A_527] in [0] : vector<16xf32>, vector<16xi32> -> vector<16xf32>
        %add3A_529 = arith.addf %add3A_525, %gather3A_528 : vector<16xf32>
        %exp3A = math.exp %add3A_529 : vector<16xf32>
        %mul3A_530 = arith.mulf %exp3A, %get3A_481 : vector<16xf32>
        %swap3A = arith.index_cast %scan3A_476 : i32 to index
        %swap3A_531 = arith.constant 0 : index
        %swap3A_532 = tpu.vector_load %arg15[%swap3A, %swap3A_531] {strides = array<i32>} : memref<80x48xf32, #tpu.memory_space<vmem>>, vector<1x16xf32>,
        %swap3A_533 = vector.shape_cast %swap3A_532 : vector<1x16xf32> to vector<16xf32>
        %swap3A_534 = vector.shape_cast %mul3A_530 : vector<16xf32> to vector<1x16xf32>
        tpu.vector_store %arg15[%swap3A, %swap3A_531], %swap3A_534 {strides = array<i32>} : memref<80x48xf32, #tpu.memory_space<vmem>>, vector<1x16xf32>,
        %mul3A_535 = arith.mulf %exp3A, %get3A_485 : vector<16xf32>
        %swap3A_536 = arith.index_cast %scan3A_476 : i32 to index
        %swap3A_537 = arith.constant 16 : index
        %swap3A_538 = tpu.vector_load %arg15[%swap3A_536, %swap3A_537] {strides = array<i32>} : memref<80x48xf32, #tpu.memory_space<vmem>>, vector<1x16xf32>,
        %swap3A_539 = vector.shape_cast %swap3A_538 : vector<1x16xf32> to vector<16xf32>
        %swap3A_540 = vector.shape_cast %mul3A_535 : vector<16xf32> to vector<1x16xf32>
        tpu.vector_store %arg15[%swap3A_536, %swap3A_537], %swap3A_540 {strides = array<i32>} : memref<80x48xf32, #tpu.memory_space<vmem>>, vector<1x16xf32>,
        %eq3A = arith.constant 9 : i32
        %eq3A_541 = vector.broadcast %eq3A : i32 to vector<16xi32>
        %eq3A_542 = arith.cmpi eq, %xor3A_29, %eq3A_541 : vector<16xi32>
        %mul3A_543 = arith.mulf %exp3A, %get3A_489 : vector<16xf32>
        %select_n3A = arith.select %eq3A_542, %exp3A, %mul3A_543 : vector<16xi1>, vector<16xf32>
        %swap3A_544 = arith.index_cast %scan3A_476 : i32 to index
        %swap3A_545 = arith.constant 32 : index
        %swap3A_546 = tpu.vector_load %arg15[%swap3A_544, %swap3A_545] {strides = array<i32>} : memref<80x48xf32, #tpu.memory_space<vmem>>, vector<1x16xf32>,
        %swap3A_547 = vector.shape_cast %swap3A_546 : vector<1x16xf32> to vector<16xf32>
        %swap3A_548 = vector.shape_cast %select_n3A : vector<16xf32> to vector<1x16xf32>
        tpu.vector_store %arg15[%swap3A_544, %swap3A_545], %swap3A_548 {strides = array<i32>} : memref<80x48xf32, #tpu.memory_space<vmem>>, vector<1x16xf32>,
        %scan3A_549 = arith.constant 0 : i32
        scf.yield %scan3A_549 : i32
      }
      %scan3A_404 = arith.constant 80 : i32
      %mul3A_405 = arith.constant 80 : i32
      %mul3A_406 = arith.muli %add3A_376, %mul3A_405 : i32
      %add3A_407 = arith.constant 0 : i32
      %add3A_408 = arith.addi %mul3A_406, %add3A_407 : i32
      %multiple_of3A_409 = tpu.assume_multiple %add3A_408, 8 : i32
      %get3A_410 = arith.index_cast %multiple_of3A_409 : i32 to index
      %get3A_411 = tpu.vector_load %arg9[%get3A_410] {strides = array<i32>} : memref<10000xi32, #tpu.memory_space<vmem>>, vector<16xi32>,
      %get3A_412 = vector.shape_cast %get3A_411 : vector<16xi32> to vector<16xi32>
      %dma_start3A_413 = arith.constant 0 : i32
      %dma_start3A_414 = arith.constant 0 : i32
      %dma_start3A_415 = tpu.memref_slice %arg15[%dma_start3A_413, %dma_start3A_414] : memref<80x48xf32, #tpu.memory_space<vmem>> -> memref<16x48xf32, #tpu.memory_space<vmem>>
      %dma_start3A_416 = arith.constant 0 : i32
      %dma_start3A_417 = arith.constant 0 : i32
      %dma_start3A_418 = tpu.memref_slice %arg17[%dma_start3A_416, %dma_start3A_417] : memref<10240x48xf32, #tpu.memory_space<vmem_shared>> -> memref<10240x48xf32, #tpu.memory_space<vmem_shared>>
      tpu.enqueue_indirect_dma source(%dma_start3A_415 : memref<16x48xf32, #tpu.memory_space<vmem>>) target(%dma_start3A_418 : memref<10240x48xf32, #tpu.memory_space<vmem_shared>>) offsets(%get3A_412 : vector<16xi32>) semaphore(%arg21 : memref<!tpu.dma_semaphore, #tpu.memory_space<semaphore_mem>>) {add = true}
      %mul3A_419 = arith.constant 80 : i32
      %mul3A_420 = arith.muli %add3A_376, %mul3A_419 : i32
      %add3A_421 = arith.constant 16 : i32
      %add3A_422 = arith.addi %mul3A_420, %add3A_421 : i32
      %multiple_of3A_423 = tpu.assume_multiple %add3A_422, 8 : i32
      %get3A_424 = arith.index_cast %multiple_of3A_423 : i32 to index
      %get3A_425 = tpu.vector_load %arg9[%get3A_424] {strides = array<i32>} : memref<10000xi32, #tpu.memory_space<vmem>>, vector<16xi32>,
      %get3A_426 = vector.shape_cast %get3A_425 : vector<16xi32> to vector<16xi32>
      %dma_start3A_427 = arith.constant 16 : i32
      %dma_start3A_428 = arith.constant 0 : i32
      %dma_start3A_429 = tpu.memref_slice %arg15[%dma_start3A_427, %dma_start3A_428] : memref<80x48xf32, #tpu.memory_space<vmem>> -> memref<16x48xf32, #tpu.memory_space<vmem>>
      %dma_start3A_430 = arith.constant 0 : i32
      %dma_start3A_431 = arith.constant 0 : i32
      %dma_start3A_432 = tpu.memref_slice %arg17[%dma_start3A_430, %dma_start3A_431] : memref<10240x48xf32, #tpu.memory_space<vmem_shared>> -> memref<10240x48xf32, #tpu.memory_space<vmem_shared>>
      tpu.enqueue_indirect_dma source(%dma_start3A_429 : memref<16x48xf32, #tpu.memory_space<vmem>>) target(%dma_start3A_432 : memref<10240x48xf32, #tpu.memory_space<vmem_shared>>) offsets(%get3A_426 : vector<16xi32>) semaphore(%arg21 : memref<!tpu.dma_semaphore, #tpu.memory_space<semaphore_mem>>) {add = true}
      %mul3A_433 = arith.constant 80 : i32
      %mul3A_434 = arith.muli %add3A_376, %mul3A_433 : i32
      %add3A_435 = arith.constant 32 : i32
      %add3A_436 = arith.addi %mul3A_434, %add3A_435 : i32
      %multiple_of3A_437 = tpu.assume_multiple %add3A_436, 8 : i32
      %get3A_438 = arith.index_cast %multiple_of3A_437 : i32 to index
      %get3A_439 = tpu.vector_load %arg9[%get3A_438] {strides = array<i32>} : memref<10000xi32, #tpu.memory_space<vmem>>, vector<16xi32>,
      %get3A_440 = vector.shape_cast %get3A_439 : vector<16xi32> to vector<16xi32>
      %dma_start3A_441 = arith.constant 32 : i32
      %dma_start3A_442 = arith.constant 0 : i32
      %dma_start3A_443 = tpu.memref_slice %arg15[%dma_start3A_441, %dma_start3A_442] : memref<80x48xf32, #tpu.memory_space<vmem>> -> memref<16x48xf32, #tpu.memory_space<vmem>>
      %dma_start3A_444 = arith.constant 0 : i32
      %dma_start3A_445 = arith.constant 0 : i32
      %dma_start3A_446 = tpu.memref_slice %arg17[%dma_start3A_444, %dma_start3A_445] : memref<10240x48xf32, #tpu.memory_space<vmem_shared>> -> memref<10240x48xf32, #tpu.memory_space<vmem_shared>>
      tpu.enqueue_indirect_dma source(%dma_start3A_443 : memref<16x48xf32, #tpu.memory_space<vmem>>) target(%dma_start3A_446 : memref<10240x48xf32, #tpu.memory_space<vmem_shared>>) offsets(%get3A_440 : vector<16xi32>) semaphore(%arg21 : memref<!tpu.dma_semaphore, #tpu.memory_space<semaphore_mem>>) {add = true}
      %mul3A_447 = arith.constant 80 : i32
      %mul3A_448 = arith.muli %add3A_376, %mul3A_447 : i32
      %add3A_449 = arith.constant 48 : i32
      %add3A_450 = arith.addi %mul3A_448, %add3A_449 : i32
      %multiple_of3A_451 = tpu.assume_multiple %add3A_450, 8 : i32
      %get3A_452 = arith.index_cast %multiple_of3A_451 : i32 to index
      %get3A_453 = tpu.vector_load %arg9[%get3A_452] {strides = array<i32>} : memref<10000xi32, #tpu.memory_space<vmem>>, vector<16xi32>,
      %get3A_454 = vector.shape_cast %get3A_453 : vector<16xi32> to vector<16xi32>
      %dma_start3A_455 = arith.constant 48 : i32
      %dma_start3A_456 = arith.constant 0 : i32
      %dma_start3A_457 = tpu.memref_slice %arg15[%dma_start3A_455, %dma_start3A_456] : memref<80x48xf32, #tpu.memory_space<vmem>> -> memref<16x48xf32, #tpu.memory_space<vmem>>
      %dma_start3A_458 = arith.constant 0 : i32
      %dma_start3A_459 = arith.constant 0 : i32
      %dma_start3A_460 = tpu.memref_slice %arg17[%dma_start3A_458, %dma_start3A_459] : memref<10240x48xf32, #tpu.memory_space<vmem_shared>> -> memref<10240x48xf32, #tpu.memory_space<vmem_shared>>
      tpu.enqueue_indirect_dma source(%dma_start3A_457 : memref<16x48xf32, #tpu.memory_space<vmem>>) target(%dma_start3A_460 : memref<10240x48xf32, #tpu.memory_space<vmem_shared>>) offsets(%get3A_454 : vector<16xi32>) semaphore(%arg21 : memref<!tpu.dma_semaphore, #tpu.memory_space<semaphore_mem>>) {add = true}
      %mul3A_461 = arith.constant 80 : i32
      %mul3A_462 = arith.muli %add3A_376, %mul3A_461 : i32
      %add3A_463 = arith.constant 64 : i32
      %add3A_464 = arith.addi %mul3A_462, %add3A_463 : i32
      %multiple_of3A_465 = tpu.assume_multiple %add3A_464, 8 : i32
      %get3A_466 = arith.index_cast %multiple_of3A_465 : i32 to index
      %get3A_467 = tpu.vector_load %arg9[%get3A_466] {strides = array<i32>} : memref<10000xi32, #tpu.memory_space<vmem>>, vector<16xi32>,
      %get3A_468 = vector.shape_cast %get3A_467 : vector<16xi32> to vector<16xi32>
      %dma_start3A_469 = arith.constant 64 : i32
      %dma_start3A_470 = arith.constant 0 : i32
      %dma_start3A_471 = tpu.memref_slice %arg15[%dma_start3A_469, %dma_start3A_470] : memref<80x48xf32, #tpu.memory_space<vmem>> -> memref<16x48xf32, #tpu.memory_space<vmem>>
      %dma_start3A_472 = arith.constant 0 : i32
      %dma_start3A_473 = arith.constant 0 : i32
      %dma_start3A_474 = tpu.memref_slice %arg17[%dma_start3A_472, %dma_start3A_473] : memref<10240x48xf32, #tpu.memory_space<vmem_shared>> -> memref<10240x48xf32, #tpu.memory_space<vmem_shared>>
      tpu.enqueue_indirect_dma source(%dma_start3A_471 : memref<16x48xf32, #tpu.memory_space<vmem>>) target(%dma_start3A_474 : memref<10240x48xf32, #tpu.memory_space<vmem_shared>>) offsets(%get3A_468 : vector<16xi32>) semaphore(%arg21 : memref<!tpu.dma_semaphore, #tpu.memory_space<semaphore_mem>>) {add = true}
      %scan3A_475 = arith.constant 0 : i32
      scf.yield %scan3A_475 : i32
    }
    %scan3A_61 = arith.constant 62 : i32
    %dma_wait3A = arith.constant 0 : i32
    %dma_wait3A_62 = tpu.memref_slice %arg8[%dma_wait3A] : memref<10000xi32, #tpu.memory_space<vmem>> -> memref<80xi32, #tpu.memory_space<vmem>>
    %dma_wait3A_63 = arith.constant 0 : i32
    %dma_wait3A_64 = arith.constant 0 : i32
    %dma_wait3A_65 = tpu.memref_slice %arg3[%dma_wait3A_63, %dma_wait3A_64] : memref<10000x48xf32, #tpu.memory_space<hbm>> -> memref<10000x48xf32, #tpu.memory_space<hbm>>
    tpu.wait_indirect_dma semaphore(%arg18 : memref<!tpu.dma_semaphore, #tpu.memory_space<semaphore_mem>>) src(%dma_wait3A_65 : memref<10000x48xf32, #tpu.memory_space<hbm>>) dst(%arg10 : memref<80x48xf32, #tpu.memory_space<vmem>>)
    %dma_wait3A_66 = arith.constant 0 : i32
    %dma_wait3A_67 = tpu.memref_slice %arg9[%dma_wait3A_66] : memref<10000xi32, #tpu.memory_space<vmem>> -> memref<80xi32, #tpu.memory_space<vmem>>
    %dma_wait3A_68 = arith.constant 0 : i32
    %dma_wait3A_69 = arith.constant 0 : i32
    %dma_wait3A_70 = tpu.memref_slice %arg4[%dma_wait3A_68, %dma_wait3A_69] : memref<10000x48xf32, #tpu.memory_space<hbm>> -> memref<10000x48xf32, #tpu.memory_space<hbm>>
    tpu.wait_indirect_dma semaphore(%arg18 : memref<!tpu.dma_semaphore, #tpu.memory_space<semaphore_mem>>) src(%dma_wait3A_70 : memref<10000x48xf32, #tpu.memory_space<hbm>>) dst(%arg11 : memref<80x48xf32, #tpu.memory_space<vmem>>)
    %get3A_71 = arith.constant 0 : index
    %get3A_72 = tpu.vector_load %arg9[%get3A_71] {strides = array<i32>} : memref<10000xi32, #tpu.memory_space<vmem>>, vector<16xi32>,
    %get3A_73 = vector.shape_cast %get3A_72 : vector<16xi32> to vector<16xi32>
    %dma_wait3A_74 = arith.constant 0 : i32
    %dma_wait3A_75 = arith.constant 0 : i32
    %dma_wait3A_76 = tpu.memref_slice %arg14[%dma_wait3A_74, %dma_wait3A_75] : memref<80x48xf32, #tpu.memory_space<vmem>> -> memref<16x48xf32, #tpu.memory_space<vmem>>
    %dma_wait3A_77 = arith.constant 0 : i32
    %dma_wait3A_78 = arith.constant 0 : i32
    %dma_wait3A_79 = tpu.memref_slice %arg17[%dma_wait3A_77, %dma_wait3A_78] : memref<10240x48xf32, #tpu.memory_space<vmem_shared>> -> memref<10240x48xf32, #tpu.memory_space<vmem_shared>>
    tpu.wait_indirect_dma semaphore(%arg20 : memref<!tpu.dma_semaphore, #tpu.memory_space<semaphore_mem>>) src(%dma_wait3A_76 : memref<16x48xf32, #tpu.memory_space<vmem>>) dst(%dma_wait3A_79 : memref<10240x48xf32, #tpu.memory_space<vmem_shared>>)
    %get3A_80 = arith.constant 16 : index
    %get3A_81 = tpu.vector_load %arg9[%get3A_80] {strides = array<i32>} : memref<10000xi32, #tpu.memory_space<vmem>>, vector<16xi32>,
    %get3A_82 = vector.shape_cast %get3A_81 : vector<16xi32> to vector<16xi32>
    %dma_wait3A_83 = arith.constant 16 : i32
    %dma_wait3A_84 = arith.constant 0 : i32
    %dma_wait3A_85 = tpu.memref_slice %arg14[%dma_wait3A_83, %dma_wait3A_84] : memref<80x48xf32, #tpu.memory_space<vmem>> -> memref<16x48xf32, #tpu.memory_space<vmem>>
    %dma_wait3A_86 = arith.constant 0 : i32
    %dma_wait3A_87 = arith.constant 0 : i32
    %dma_wait3A_88 = tpu.memref_slice %arg17[%dma_wait3A_86, %dma_wait3A_87] : memref<10240x48xf32, #tpu.memory_space<vmem_shared>> -> memref<10240x48xf32, #tpu.memory_space<vmem_shared>>
    tpu.wait_indirect_dma semaphore(%arg20 : memref<!tpu.dma_semaphore, #tpu.memory_space<semaphore_mem>>) src(%dma_wait3A_85 : memref<16x48xf32, #tpu.memory_space<vmem>>) dst(%dma_wait3A_88 : memref<10240x48xf32, #tpu.memory_space<vmem_shared>>)
    %get3A_89 = arith.constant 32 : index
    %get3A_90 = tpu.vector_load %arg9[%get3A_89] {strides = array<i32>} : memref<10000xi32, #tpu.memory_space<vmem>>, vector<16xi32>,
    %get3A_91 = vector.shape_cast %get3A_90 : vector<16xi32> to vector<16xi32>
    %dma_wait3A_92 = arith.constant 32 : i32
    %dma_wait3A_93 = arith.constant 0 : i32
    %dma_wait3A_94 = tpu.memref_slice %arg14[%dma_wait3A_92, %dma_wait3A_93] : memref<80x48xf32, #tpu.memory_space<vmem>> -> memref<16x48xf32, #tpu.memory_space<vmem>>
    %dma_wait3A_95 = arith.constant 0 : i32
    %dma_wait3A_96 = arith.constant 0 : i32
    %dma_wait3A_97 = tpu.memref_slice %arg17[%dma_wait3A_95, %dma_wait3A_96] : memref<10240x48xf32, #tpu.memory_space<vmem_shared>> -> memref<10240x48xf32, #tpu.memory_space<vmem_shared>>
    tpu.wait_indirect_dma semaphore(%arg20 : memref<!tpu.dma_semaphore, #tpu.memory_space<semaphore_mem>>) src(%dma_wait3A_94 : memref<16x48xf32, #tpu.memory_space<vmem>>) dst(%dma_wait3A_97 : memref<10240x48xf32, #tpu.memory_space<vmem_shared>>)
    %get3A_98 = arith.constant 48 : index
    %get3A_99 = tpu.vector_load %arg9[%get3A_98] {strides = array<i32>} : memref<10000xi32, #tpu.memory_space<vmem>>, vector<16xi32>,
    %get3A_100 = vector.shape_cast %get3A_99 : vector<16xi32> to vector<16xi32>
    %dma_wait3A_101 = arith.constant 48 : i32
    %dma_wait3A_102 = arith.constant 0 : i32
    %dma_wait3A_103 = tpu.memref_slice %arg14[%dma_wait3A_101, %dma_wait3A_102] : memref<80x48xf32, #tpu.memory_space<vmem>> -> memref<16x48xf32, #tpu.memory_space<vmem>>
    %dma_wait3A_104 = arith.constant 0 : i32
    %dma_wait3A_105 = arith.constant 0 : i32
    %dma_wait3A_106 = tpu.memref_slice %arg17[%dma_wait3A_104, %dma_wait3A_105] : memref<10240x48xf32, #tpu.memory_space<vmem_shared>> -> memref<10240x48xf32, #tpu.memory_space<vmem_shared>>
    tpu.wait_indirect_dma semaphore(%arg20 : memref<!tpu.dma_semaphore, #tpu.memory_space<semaphore_mem>>) src(%dma_wait3A_103 : memref<16x48xf32, #tpu.memory_space<vmem>>) dst(%dma_wait3A_106 : memref<10240x48xf32, #tpu.memory_space<vmem_shared>>)
    %get3A_107 = arith.constant 64 : index
    %get3A_108 = tpu.vector_load %arg9[%get3A_107] {strides = array<i32>} : memref<10000xi32, #tpu.memory_space<vmem>>, vector<16xi32>,
    %get3A_109 = vector.shape_cast %get3A_108 : vector<16xi32> to vector<16xi32>
    %dma_wait3A_110 = arith.constant 64 : i32
    %dma_wait3A_111 = arith.constant 0 : i32
    %dma_wait3A_112 = tpu.memref_slice %arg14[%dma_wait3A_110, %dma_wait3A_111] : memref<80x48xf32, #tpu.memory_space<vmem>> -> memref<16x48xf32, #tpu.memory_space<vmem>>
    %dma_wait3A_113 = arith.constant 0 : i32
    %dma_wait3A_114 = arith.constant 0 : i32
    %dma_wait3A_115 = tpu.memref_slice %arg17[%dma_wait3A_113, %dma_wait3A_114] : memref<10240x48xf32, #tpu.memory_space<vmem_shared>> -> memref<10240x48xf32, #tpu.memory_space<vmem_shared>>
    tpu.wait_indirect_dma semaphore(%arg20 : memref<!tpu.dma_semaphore, #tpu.memory_space<semaphore_mem>>) src(%dma_wait3A_112 : memref<16x48xf32, #tpu.memory_space<vmem>>) dst(%dma_wait3A_115 : memref<10240x48xf32, #tpu.memory_space<vmem_shared>>)
    %scan3A_116 = arith.constant 0 : i32
    %scan3A_117 = arith.constant 0 : i32
    %scan3A_118 = arith.constant 80 : i32
    %scan3A_119 = arith.addi %scan3A_117, %scan3A_118 : i32
    %scan3A_120 = arith.constant 1 : i32
    %scan3A_121 = scf.for %scan3A_269 = %scan3A_117 to %scan3A_119 step %scan3A_120 iter_args(%scan3A_270 = %scan3A_116) -> (i32)  : i32 {
      %get3A_271 = arith.index_cast %scan3A_269 : i32 to index
      %get3A_272 = arith.constant 0 : index
      %get3A_273 = tpu.vector_load %arg10[%get3A_271, %get3A_272] {strides = array<i32>} : memref<80x48xf32, #tpu.memory_space<vmem>>, vector<1x16xf32>,
      %get3A_274 = vector.shape_cast %get3A_273 : vector<1x16xf32> to vector<16xf32>
      %get3A_275 = arith.index_cast %scan3A_269 : i32 to index
      %get3A_276 = arith.constant 16 : index
      %get3A_277 = tpu.vector_load %arg10[%get3A_275, %get3A_276] {strides = array<i32>} : memref<80x48xf32, #tpu.memory_space<vmem>>, vector<1x16xf32>,
      %get3A_278 = vector.shape_cast %get3A_277 : vector<1x16xf32> to vector<16xf32>
      %get3A_279 = arith.index_cast %scan3A_269 : i32 to index
      %get3A_280 = arith.constant 32 : index
      %get3A_281 = tpu.vector_load %arg10[%get3A_279, %get3A_280] {strides = array<i32>} : memref<80x48xf32, #tpu.memory_space<vmem>>, vector<1x16xf32>,
      %get3A_282 = vector.shape_cast %get3A_281 : vector<1x16xf32> to vector<16xf32>
      %get3A_283 = arith.index_cast %scan3A_269 : i32 to index
      %get3A_284 = arith.constant 0 : index
      %get3A_285 = tpu.vector_load %arg11[%get3A_283, %get3A_284] {strides = array<i32>} : memref<80x48xf32, #tpu.memory_space<vmem>>, vector<1x16xf32>,
      %get3A_286 = vector.shape_cast %get3A_285 : vector<1x16xf32> to vector<16xf32>
      %add3A_287 = arith.addf %get3A_274, %get3A_286 : vector<16xf32>
      %get3A_288 = arith.index_cast %scan3A_269 : i32 to index
      %get3A_289 = arith.constant 16 : index
      %get3A_290 = tpu.vector_load %arg11[%get3A_288, %get3A_289] {strides = array<i32>} : memref<80x48xf32, #tpu.memory_space<vmem>>, vector<1x16xf32>,
      %get3A_291 = vector.shape_cast %get3A_290 : vector<1x16xf32> to vector<16xf32>
      %add3A_292 = arith.addf %get3A_278, %get3A_291 : vector<16xf32>
      %get3A_293 = arith.index_cast %scan3A_269 : i32 to index
      %get3A_294 = arith.constant 32 : index
      %get3A_295 = tpu.vector_load %arg11[%get3A_293, %get3A_294] {strides = array<i32>} : memref<80x48xf32, #tpu.memory_space<vmem>>, vector<1x16xf32>,
      %get3A_296 = vector.shape_cast %get3A_295 : vector<1x16xf32> to vector<16xf32>
      %add3A_297 = arith.addf %get3A_282, %get3A_296 : vector<16xf32>
      %abs3A = math.absf %add3A_287 : vector<16xf32>
      %mul3A_298 = arith.mulf %abs3A, %get3A_12 : vector<16xf32>
      %abs3A_299 = math.absf %add3A_292 : vector<16xf32>
      %mul3A_300 = arith.mulf %abs3A_299, %get3A_15 : vector<16xf32>
      %abs3A_301 = math.absf %add3A_297 : vector<16xf32>
      %mul3A_302 = arith.mulf %abs3A_301, %get3A_18 : vector<16xf32>
      %add3A_303 = arith.addf %mul3A_298, %mul3A_300 : vector<16xf32>
      %add3A_304 = arith.addf %add3A_303, %mul3A_302 : vector<16xf32>
      %reshape3A = vector.shape_cast %xor3A_20 : vector<16xi32> to vector<16x1xi32>
      %gather3A = vector.shape_cast %reshape3A : vector<16x1xi32> to vector<16xi32>
      %gather3A_305 = tpu.dynamic_gather %add3A_304[%gather3A] in [0] : vector<16xf32>, vector<16xi32> -> vector<16xf32>
      %add3A_306 = arith.addf %add3A_304, %gather3A_305 : vector<16xf32>
      %reshape3A_307 = vector.shape_cast %xor3A_23 : vector<16xi32> to vector<16x1xi32>
      %gather3A_308 = vector.shape_cast %reshape3A_307 : vector<16x1xi32> to vector<16xi32>
      %gather3A_309 = tpu.dynamic_gather %add3A_306[%gather3A_308] in [0] : vector<16xf32>, vector<16xi32> -> vector<16xf32>
      %add3A_310 = arith.addf %add3A_306, %gather3A_309 : vector<16xf32>
      %reshape3A_311 = vector.shape_cast %xor3A_26 : vector<16xi32> to vector<16x1xi32>
      %gather3A_312 = vector.shape_cast %reshape3A_311 : vector<16x1xi32> to vector<16xi32>
      %gather3A_313 = tpu.dynamic_gather %add3A_310[%gather3A_312] in [0] : vector<16xf32>, vector<16xi32> -> vector<16xf32>
      %add3A_314 = arith.addf %add3A_310, %gather3A_313 : vector<16xf32>
      %reshape3A_315 = vector.shape_cast %xor3A_29 : vector<16xi32> to vector<16x1xi32>
      %gather3A_316 = vector.shape_cast %reshape3A_315 : vector<16x1xi32> to vector<16xi32>
      %gather3A_317 = tpu.dynamic_gather %add3A_314[%gather3A_316] in [0] : vector<16xf32>, vector<16xi32> -> vector<16xf32>
      %add3A_318 = arith.addf %add3A_314, %gather3A_317 : vector<16xf32>
      %reshape3A_319 = vector.shape_cast %broadcast_in_dim3A_44 : vector<16xi32> to vector<16x1xi32>
      %gather3A_320 = vector.shape_cast %reshape3A_319 : vector<16x1xi32> to vector<16xi32>
      %gather3A_321 = tpu.dynamic_gather %add3A_297[%gather3A_320] in [0] : vector<16xf32>, vector<16xi32> -> vector<16xf32>
      %add3A_322 = arith.addf %add3A_318, %gather3A_321 : vector<16xf32>
      %exp3A = math.exp %add3A_322 : vector<16xf32>
      %mul3A_323 = arith.mulf %exp3A, %get3A_274 : vector<16xf32>
      %swap3A = arith.index_cast %scan3A_269 : i32 to index
      %swap3A_324 = arith.constant 0 : index
      %swap3A_325 = tpu.vector_load %arg14[%swap3A, %swap3A_324] {strides = array<i32>} : memref<80x48xf32, #tpu.memory_space<vmem>>, vector<1x16xf32>,
      %swap3A_326 = vector.shape_cast %swap3A_325 : vector<1x16xf32> to vector<16xf32>
      %swap3A_327 = vector.shape_cast %mul3A_323 : vector<16xf32> to vector<1x16xf32>
      tpu.vector_store %arg14[%swap3A, %swap3A_324], %swap3A_327 {strides = array<i32>} : memref<80x48xf32, #tpu.memory_space<vmem>>, vector<1x16xf32>,
      %mul3A_328 = arith.mulf %exp3A, %get3A_278 : vector<16xf32>
      %swap3A_329 = arith.index_cast %scan3A_269 : i32 to index
      %swap3A_330 = arith.constant 16 : index
      %swap3A_331 = tpu.vector_load %arg14[%swap3A_329, %swap3A_330] {strides = array<i32>} : memref<80x48xf32, #tpu.memory_space<vmem>>, vector<1x16xf32>,
      %swap3A_332 = vector.shape_cast %swap3A_331 : vector<1x16xf32> to vector<16xf32>
      %swap3A_333 = vector.shape_cast %mul3A_328 : vector<16xf32> to vector<1x16xf32>
      tpu.vector_store %arg14[%swap3A_329, %swap3A_330], %swap3A_333 {strides = array<i32>} : memref<80x48xf32, #tpu.memory_space<vmem>>, vector<1x16xf32>,
      %eq3A = arith.constant 9 : i32
      %eq3A_334 = vector.broadcast %eq3A : i32 to vector<16xi32>
      %eq3A_335 = arith.cmpi eq, %xor3A_29, %eq3A_334 : vector<16xi32>
      %mul3A_336 = arith.mulf %exp3A, %get3A_282 : vector<16xf32>
      %select_n3A = arith.select %eq3A_335, %exp3A, %mul3A_336 : vector<16xi1>, vector<16xf32>
      %swap3A_337 = arith.index_cast %scan3A_269 : i32 to index
      %swap3A_338 = arith.constant 32 : index
      %swap3A_339 = tpu.vector_load %arg14[%swap3A_337, %swap3A_338] {strides = array<i32>} : memref<80x48xf32, #tpu.memory_space<vmem>>, vector<1x16xf32>,
      %swap3A_340 = vector.shape_cast %swap3A_339 : vector<1x16xf32> to vector<16xf32>
      %swap3A_341 = vector.shape_cast %select_n3A : vector<16xf32> to vector<1x16xf32>
      tpu.vector_store %arg14[%swap3A_337, %swap3A_338], %swap3A_341 {strides = array<i32>} : memref<80x48xf32, #tpu.memory_space<vmem>>, vector<1x16xf32>,
      %scan3A_342 = arith.constant 0 : i32
      scf.yield %scan3A_342 : i32
    }
    %scan3A_122 = arith.constant 80 : i32
    %multiple_of3A_123 = arith.constant 9920 : i32
    %multiple_of3A_124 = tpu.assume_multiple %multiple_of3A_123, 8 : i32
    %get3A_125 = arith.index_cast %multiple_of3A_124 : i32 to index
    %get3A_126 = tpu.vector_load %arg9[%get3A_125] {strides = array<i32>} : memref<10000xi32, #tpu.memory_space<vmem>>, vector<16xi32>,
    %get3A_127 = vector.shape_cast %get3A_126 : vector<16xi32> to vector<16xi32>
    %dma_start3A_128 = arith.constant 0 : i32
    %dma_start3A_129 = arith.constant 0 : i32
    %dma_start3A_130 = tpu.memref_slice %arg14[%dma_start3A_128, %dma_start3A_129] : memref<80x48xf32, #tpu.memory_space<vmem>> -> memref<16x48xf32, #tpu.memory_space<vmem>>
    %dma_start3A_131 = arith.constant 0 : i32
    %dma_start3A_132 = arith.constant 0 : i32
    %dma_start3A_133 = tpu.memref_slice %arg17[%dma_start3A_131, %dma_start3A_132] : memref<10240x48xf32, #tpu.memory_space<vmem_shared>> -> memref<10240x48xf32, #tpu.memory_space<vmem_shared>>
    tpu.enqueue_indirect_dma source(%dma_start3A_130 : memref<16x48xf32, #tpu.memory_space<vmem>>) target(%dma_start3A_133 : memref<10240x48xf32, #tpu.memory_space<vmem_shared>>) offsets(%get3A_127 : vector<16xi32>) semaphore(%arg20 : memref<!tpu.dma_semaphore, #tpu.memory_space<semaphore_mem>>) {add = true}
    %multiple_of3A_134 = arith.constant 9936 : i32
    %multiple_of3A_135 = tpu.assume_multiple %multiple_of3A_134, 8 : i32
    %get3A_136 = arith.index_cast %multiple_of3A_135 : i32 to index
    %get3A_137 = tpu.vector_load %arg9[%get3A_136] {strides = array<i32>} : memref<10000xi32, #tpu.memory_space<vmem>>, vector<16xi32>,
    %get3A_138 = vector.shape_cast %get3A_137 : vector<16xi32> to vector<16xi32>
    %dma_start3A_139 = arith.constant 16 : i32
    %dma_start3A_140 = arith.constant 0 : i32
    %dma_start3A_141 = tpu.memref_slice %arg14[%dma_start3A_139, %dma_start3A_140] : memref<80x48xf32, #tpu.memory_space<vmem>> -> memref<16x48xf32, #tpu.memory_space<vmem>>
    %dma_start3A_142 = arith.constant 0 : i32
    %dma_start3A_143 = arith.constant 0 : i32
    %dma_start3A_144 = tpu.memref_slice %arg17[%dma_start3A_142, %dma_start3A_143] : memref<10240x48xf32, #tpu.memory_space<vmem_shared>> -> memref<10240x48xf32, #tpu.memory_space<vmem_shared>>
    tpu.enqueue_indirect_dma source(%dma_start3A_141 : memref<16x48xf32, #tpu.memory_space<vmem>>) target(%dma_start3A_144 : memref<10240x48xf32, #tpu.memory_space<vmem_shared>>) offsets(%get3A_138 : vector<16xi32>) semaphore(%arg20 : memref<!tpu.dma_semaphore, #tpu.memory_space<semaphore_mem>>) {add = true}
    %multiple_of3A_145 = arith.constant 9952 : i32
    %multiple_of3A_146 = tpu.assume_multiple %multiple_of3A_145, 8 : i32
    %get3A_147 = arith.index_cast %multiple_of3A_146 : i32 to index
    %get3A_148 = tpu.vector_load %arg9[%get3A_147] {strides = array<i32>} : memref<10000xi32, #tpu.memory_space<vmem>>, vector<16xi32>,
    %get3A_149 = vector.shape_cast %get3A_148 : vector<16xi32> to vector<16xi32>
    %dma_start3A_150 = arith.constant 32 : i32
    %dma_start3A_151 = arith.constant 0 : i32
    %dma_start3A_152 = tpu.memref_slice %arg14[%dma_start3A_150, %dma_start3A_151] : memref<80x48xf32, #tpu.memory_space<vmem>> -> memref<16x48xf32, #tpu.memory_space<vmem>>
    %dma_start3A_153 = arith.constant 0 : i32
    %dma_start3A_154 = arith.constant 0 : i32
    %dma_start3A_155 = tpu.memref_slice %arg17[%dma_start3A_153, %dma_start3A_154] : memref<10240x48xf32, #tpu.memory_space<vmem_shared>> -> memref<10240x48xf32, #tpu.memory_space<vmem_shared>>
    tpu.enqueue_indirect_dma source(%dma_start3A_152 : memref<16x48xf32, #tpu.memory_space<vmem>>) target(%dma_start3A_155 : memref<10240x48xf32, #tpu.memory_space<vmem_shared>>) offsets(%get3A_149 : vector<16xi32>) semaphore(%arg20 : memref<!tpu.dma_semaphore, #tpu.memory_space<semaphore_mem>>) {add = true}
    %multiple_of3A_156 = arith.constant 9968 : i32
    %multiple_of3A_157 = tpu.assume_multiple %multiple_of3A_156, 8 : i32
    %get3A_158 = arith.index_cast %multiple_of3A_157 : i32 to index
    %get3A_159 = tpu.vector_load %arg9[%get3A_158] {strides = array<i32>} : memref<10000xi32, #tpu.memory_space<vmem>>, vector<16xi32>,
    %get3A_160 = vector.shape_cast %get3A_159 : vector<16xi32> to vector<16xi32>
    %dma_start3A_161 = arith.constant 48 : i32
    %dma_start3A_162 = arith.constant 0 : i32
    %dma_start3A_163 = tpu.memref_slice %arg14[%dma_start3A_161, %dma_start3A_162] : memref<80x48xf32, #tpu.memory_space<vmem>> -> memref<16x48xf32, #tpu.memory_space<vmem>>
    %dma_start3A_164 = arith.constant 0 : i32
    %dma_start3A_165 = arith.constant 0 : i32
    %dma_start3A_166 = tpu.memref_slice %arg17[%dma_start3A_164, %dma_start3A_165] : memref<10240x48xf32, #tpu.memory_space<vmem_shared>> -> memref<10240x48xf32, #tpu.memory_space<vmem_shared>>
    tpu.enqueue_indirect_dma source(%dma_start3A_163 : memref<16x48xf32, #tpu.memory_space<vmem>>) target(%dma_start3A_166 : memref<10240x48xf32, #tpu.memory_space<vmem_shared>>) offsets(%get3A_160 : vector<16xi32>) semaphore(%arg20 : memref<!tpu.dma_semaphore, #tpu.memory_space<semaphore_mem>>) {add = true}
    %multiple_of3A_167 = arith.constant 9984 : i32
    %multiple_of3A_168 = tpu.assume_multiple %multiple_of3A_167, 8 : i32
    %get3A_169 = arith.index_cast %multiple_of3A_168 : i32 to index
    %get3A_170 = tpu.vector_load %arg9[%get3A_169] {strides = array<i32>} : memref<10000xi32, #tpu.memory_space<vmem>>, vector<16xi32>,
    %get3A_171 = vector.shape_cast %get3A_170 : vector<16xi32> to vector<16xi32>
    %dma_start3A_172 = arith.constant 64 : i32
    %dma_start3A_173 = arith.constant 0 : i32
    %dma_start3A_174 = tpu.memref_slice %arg14[%dma_start3A_172, %dma_start3A_173] : memref<80x48xf32, #tpu.memory_space<vmem>> -> memref<16x48xf32, #tpu.memory_space<vmem>>
    %dma_start3A_175 = arith.constant 0 : i32
    %dma_start3A_176 = arith.constant 0 : i32
    %dma_start3A_177 = tpu.memref_slice %arg17[%dma_start3A_175, %dma_start3A_176] : memref<10240x48xf32, #tpu.memory_space<vmem_shared>> -> memref<10240x48xf32, #tpu.memory_space<vmem_shared>>
    tpu.enqueue_indirect_dma source(%dma_start3A_174 : memref<16x48xf32, #tpu.memory_space<vmem>>) target(%dma_start3A_177 : memref<10240x48xf32, #tpu.memory_space<vmem_shared>>) offsets(%get3A_171 : vector<16xi32>) semaphore(%arg20 : memref<!tpu.dma_semaphore, #tpu.memory_space<semaphore_mem>>) {add = true}
    %get3A_178 = arith.constant 0 : index
    %get3A_179 = tpu.vector_load %arg9[%get3A_178] {strides = array<i32>} : memref<10000xi32, #tpu.memory_space<vmem>>, vector<16xi32>,
    %get3A_180 = vector.shape_cast %get3A_179 : vector<16xi32> to vector<16xi32>
    %dma_wait3A_181 = arith.constant 0 : i32
    %dma_wait3A_182 = arith.constant 0 : i32
    %dma_wait3A_183 = tpu.memref_slice %arg14[%dma_wait3A_181, %dma_wait3A_182] : memref<80x48xf32, #tpu.memory_space<vmem>> -> memref<16x48xf32, #tpu.memory_space<vmem>>
    %dma_wait3A_184 = arith.constant 0 : i32
    %dma_wait3A_185 = arith.constant 0 : i32
    %dma_wait3A_186 = tpu.memref_slice %arg17[%dma_wait3A_184, %dma_wait3A_185] : memref<10240x48xf32, #tpu.memory_space<vmem_shared>> -> memref<10240x48xf32, #tpu.memory_space<vmem_shared>>
    tpu.wait_indirect_dma semaphore(%arg20 : memref<!tpu.dma_semaphore, #tpu.memory_space<semaphore_mem>>) src(%dma_wait3A_183 : memref<16x48xf32, #tpu.memory_space<vmem>>) dst(%dma_wait3A_186 : memref<10240x48xf32, #tpu.memory_space<vmem_shared>>)
    %get3A_187 = arith.constant 16 : index
    %get3A_188 = tpu.vector_load %arg9[%get3A_187] {strides = array<i32>} : memref<10000xi32, #tpu.memory_space<vmem>>, vector<16xi32>,
    %get3A_189 = vector.shape_cast %get3A_188 : vector<16xi32> to vector<16xi32>
    %dma_wait3A_190 = arith.constant 16 : i32
    %dma_wait3A_191 = arith.constant 0 : i32
    %dma_wait3A_192 = tpu.memref_slice %arg14[%dma_wait3A_190, %dma_wait3A_191] : memref<80x48xf32, #tpu.memory_space<vmem>> -> memref<16x48xf32, #tpu.memory_space<vmem>>
    %dma_wait3A_193 = arith.constant 0 : i32
    %dma_wait3A_194 = arith.constant 0 : i32
    %dma_wait3A_195 = tpu.memref_slice %arg17[%dma_wait3A_193, %dma_wait3A_194] : memref<10240x48xf32, #tpu.memory_space<vmem_shared>> -> memref<10240x48xf32, #tpu.memory_space<vmem_shared>>
    tpu.wait_indirect_dma semaphore(%arg20 : memref<!tpu.dma_semaphore, #tpu.memory_space<semaphore_mem>>) src(%dma_wait3A_192 : memref<16x48xf32, #tpu.memory_space<vmem>>) dst(%dma_wait3A_195 : memref<10240x48xf32, #tpu.memory_space<vmem_shared>>)
    %get3A_196 = arith.constant 32 : index
    %get3A_197 = tpu.vector_load %arg9[%get3A_196] {strides = array<i32>} : memref<10000xi32, #tpu.memory_space<vmem>>, vector<16xi32>,
    %get3A_198 = vector.shape_cast %get3A_197 : vector<16xi32> to vector<16xi32>
    %dma_wait3A_199 = arith.constant 32 : i32
    %dma_wait3A_200 = arith.constant 0 : i32
    %dma_wait3A_201 = tpu.memref_slice %arg14[%dma_wait3A_199, %dma_wait3A_200] : memref<80x48xf32, #tpu.memory_space<vmem>> -> memref<16x48xf32, #tpu.memory_space<vmem>>
    %dma_wait3A_202 = arith.constant 0 : i32
    %dma_wait3A_203 = arith.constant 0 : i32
    %dma_wait3A_204 = tpu.memref_slice %arg17[%dma_wait3A_202, %dma_wait3A_203] : memref<10240x48xf32, #tpu.memory_space<vmem_shared>> -> memref<10240x48xf32, #tpu.memory_space<vmem_shared>>
    tpu.wait_indirect_dma semaphore(%arg20 : memref<!tpu.dma_semaphore, #tpu.memory_space<semaphore_mem>>) src(%dma_wait3A_201 : memref<16x48xf32, #tpu.memory_space<vmem>>) dst(%dma_wait3A_204 : memref<10240x48xf32, #tpu.memory_space<vmem_shared>>)
    %get3A_205 = arith.constant 48 : index
    %get3A_206 = tpu.vector_load %arg9[%get3A_205] {strides = array<i32>} : memref<10000xi32, #tpu.memory_space<vmem>>, vector<16xi32>,
    %get3A_207 = vector.shape_cast %get3A_206 : vector<16xi32> to vector<16xi32>
    %dma_wait3A_208 = arith.constant 48 : i32
    %dma_wait3A_209 = arith.constant 0 : i32
    %dma_wait3A_210 = tpu.memref_slice %arg14[%dma_wait3A_208, %dma_wait3A_209] : memref<80x48xf32, #tpu.memory_space<vmem>> -> memref<16x48xf32, #tpu.memory_space<vmem>>
    %dma_wait3A_211 = arith.constant 0 : i32
    %dma_wait3A_212 = arith.constant 0 : i32
    %dma_wait3A_213 = tpu.memref_slice %arg17[%dma_wait3A_211, %dma_wait3A_212] : memref<10240x48xf32, #tpu.memory_space<vmem_shared>> -> memref<10240x48xf32, #tpu.memory_space<vmem_shared>>
    tpu.wait_indirect_dma semaphore(%arg20 : memref<!tpu.dma_semaphore, #tpu.memory_space<semaphore_mem>>) src(%dma_wait3A_210 : memref<16x48xf32, #tpu.memory_space<vmem>>) dst(%dma_wait3A_213 : memref<10240x48xf32, #tpu.memory_space<vmem_shared>>)
    %get3A_214 = arith.constant 64 : index
    %get3A_215 = tpu.vector_load %arg9[%get3A_214] {strides = array<i32>} : memref<10000xi32, #tpu.memory_space<vmem>>, vector<16xi32>,
    %get3A_216 = vector.shape_cast %get3A_215 : vector<16xi32> to vector<16xi32>
    %dma_wait3A_217 = arith.constant 64 : i32
    %dma_wait3A_218 = arith.constant 0 : i32
    %dma_wait3A_219 = tpu.memref_slice %arg14[%dma_wait3A_217, %dma_wait3A_218] : memref<80x48xf32, #tpu.memory_space<vmem>> -> memref<16x48xf32, #tpu.memory_space<vmem>>
    %dma_wait3A_220 = arith.constant 0 : i32
    %dma_wait3A_221 = arith.constant 0 : i32
    %dma_wait3A_222 = tpu.memref_slice %arg17[%dma_wait3A_220, %dma_wait3A_221] : memref<10240x48xf32, #tpu.memory_space<vmem_shared>> -> memref<10240x48xf32, #tpu.memory_space<vmem_shared>>
    tpu.wait_indirect_dma semaphore(%arg20 : memref<!tpu.dma_semaphore, #tpu.memory_space<semaphore_mem>>) src(%dma_wait3A_219 : memref<16x48xf32, #tpu.memory_space<vmem>>) dst(%dma_wait3A_222 : memref<10240x48xf32, #tpu.memory_space<vmem_shared>>)
    %get3A_223 = arith.constant 0 : index
    %get3A_224 = tpu.vector_load %arg9[%get3A_223] {strides = array<i32>} : memref<10000xi32, #tpu.memory_space<vmem>>, vector<16xi32>,
    %get3A_225 = vector.shape_cast %get3A_224 : vector<16xi32> to vector<16xi32>
    %dma_wait3A_226 = arith.constant 0 : i32
    %dma_wait3A_227 = arith.constant 0 : i32
    %dma_wait3A_228 = tpu.memref_slice %arg15[%dma_wait3A_226, %dma_wait3A_227] : memref<80x48xf32, #tpu.memory_space<vmem>> -> memref<16x48xf32, #tpu.memory_space<vmem>>
    %dma_wait3A_229 = arith.constant 0 : i32
    %dma_wait3A_230 = arith.constant 0 : i32
    %dma_wait3A_231 = tpu.memref_slice %arg17[%dma_wait3A_229, %dma_wait3A_230] : memref<10240x48xf32, #tpu.memory_space<vmem_shared>> -> memref<10240x48xf32, #tpu.memory_space<vmem_shared>>
    tpu.wait_indirect_dma semaphore(%arg21 : memref<!tpu.dma_semaphore, #tpu.memory_space<semaphore_mem>>) src(%dma_wait3A_228 : memref<16x48xf32, #tpu.memory_space<vmem>>) dst(%dma_wait3A_231 : memref<10240x48xf32, #tpu.memory_space<vmem_shared>>)
    %get3A_232 = arith.constant 16 : index
    %get3A_233 = tpu.vector_load %arg9[%get3A_232] {strides = array<i32>} : memref<10000xi32, #tpu.memory_space<vmem>>, vector<16xi32>,
    %get3A_234 = vector.shape_cast %get3A_233 : vector<16xi32> to vector<16xi32>
    %dma_wait3A_235 = arith.constant 16 : i32
    %dma_wait3A_236 = arith.constant 0 : i32
    %dma_wait3A_237 = tpu.memref_slice %arg15[%dma_wait3A_235, %dma_wait3A_236] : memref<80x48xf32, #tpu.memory_space<vmem>> -> memref<16x48xf32, #tpu.memory_space<vmem>>
    %dma_wait3A_238 = arith.constant 0 : i32
    %dma_wait3A_239 = arith.constant 0 : i32
    %dma_wait3A_240 = tpu.memref_slice %arg17[%dma_wait3A_238, %dma_wait3A_239] : memref<10240x48xf32, #tpu.memory_space<vmem_shared>> -> memref<10240x48xf32, #tpu.memory_space<vmem_shared>>
    tpu.wait_indirect_dma semaphore(%arg21 : memref<!tpu.dma_semaphore, #tpu.memory_space<semaphore_mem>>) src(%dma_wait3A_237 : memref<16x48xf32, #tpu.memory_space<vmem>>) dst(%dma_wait3A_240 : memref<10240x48xf32, #tpu.memory_space<vmem_shared>>)
    %get3A_241 = arith.constant 32 : index
    %get3A_242 = tpu.vector_load %arg9[%get3A_241] {strides = array<i32>} : memref<10000xi32, #tpu.memory_space<vmem>>, vector<16xi32>,
    %get3A_243 = vector.shape_cast %get3A_242 : vector<16xi32> to vector<16xi32>
    %dma_wait3A_244 = arith.constant 32 : i32
    %dma_wait3A_245 = arith.constant 0 : i32
    %dma_wait3A_246 = tpu.memref_slice %arg15[%dma_wait3A_244, %dma_wait3A_245] : memref<80x48xf32, #tpu.memory_space<vmem>> -> memref<16x48xf32, #tpu.memory_space<vmem>>
    %dma_wait3A_247 = arith.constant 0 : i32
    %dma_wait3A_248 = arith.constant 0 : i32
    %dma_wait3A_249 = tpu.memref_slice %arg17[%dma_wait3A_247, %dma_wait3A_248] : memref<10240x48xf32, #tpu.memory_space<vmem_shared>> -> memref<10240x48xf32, #tpu.memory_space<vmem_shared>>
    tpu.wait_indirect_dma semaphore(%arg21 : memref<!tpu.dma_semaphore, #tpu.memory_space<semaphore_mem>>) src(%dma_wait3A_246 : memref<16x48xf32, #tpu.memory_space<vmem>>) dst(%dma_wait3A_249 : memref<10240x48xf32, #tpu.memory_space<vmem_shared>>)
    %get3A_250 = arith.constant 48 : index
    %get3A_251 = tpu.vector_load %arg9[%get3A_250] {strides = array<i32>} : memref<10000xi32, #tpu.memory_space<vmem>>, vector<16xi32>,
    %get3A_252 = vector.shape_cast %get3A_251 : vector<16xi32> to vector<16xi32>
    %dma_wait3A_253 = arith.constant 48 : i32
    %dma_wait3A_254 = arith.constant 0 : i32
    %dma_wait3A_255 = tpu.memref_slice %arg15[%dma_wait3A_253, %dma_wait3A_254] : memref<80x48xf32, #tpu.memory_space<vmem>> -> memref<16x48xf32, #tpu.memory_space<vmem>>
    %dma_wait3A_256 = arith.constant 0 : i32
    %dma_wait3A_257 = arith.constant 0 : i32
    %dma_wait3A_258 = tpu.memref_slice %arg17[%dma_wait3A_256, %dma_wait3A_257] : memref<10240x48xf32, #tpu.memory_space<vmem_shared>> -> memref<10240x48xf32, #tpu.memory_space<vmem_shared>>
    tpu.wait_indirect_dma semaphore(%arg21 : memref<!tpu.dma_semaphore, #tpu.memory_space<semaphore_mem>>) src(%dma_wait3A_255 : memref<16x48xf32, #tpu.memory_space<vmem>>) dst(%dma_wait3A_258 : memref<10240x48xf32, #tpu.memory_space<vmem_shared>>)
    %get3A_259 = arith.constant 64 : index
    %get3A_260 = tpu.vector_load %arg9[%get3A_259] {strides = array<i32>} : memref<10000xi32, #tpu.memory_space<vmem>>, vector<16xi32>,
    %get3A_261 = vector.shape_cast %get3A_260 : vector<16xi32> to vector<16xi32>
    %dma_wait3A_262 = arith.constant 64 : i32
    %dma_wait3A_263 = arith.constant 0 : i32
    %dma_wait3A_264 = tpu.memref_slice %arg15[%dma_wait3A_262, %dma_wait3A_263] : memref<80x48xf32, #tpu.memory_space<vmem>> -> memref<16x48xf32, #tpu.memory_space<vmem>>
    %dma_wait3A_265 = arith.constant 0 : i32
    %dma_wait3A_266 = arith.constant 0 : i32
    %dma_wait3A_267 = tpu.memref_slice %arg17[%dma_wait3A_265, %dma_wait3A_266] : memref<10240x48xf32, #tpu.memory_space<vmem_shared>> -> memref<10240x48xf32, #tpu.memory_space<vmem_shared>>
    tpu.wait_indirect_dma semaphore(%arg21 : memref<!tpu.dma_semaphore, #tpu.memory_space<semaphore_mem>>) src(%dma_wait3A_264 : memref<16x48xf32, #tpu.memory_space<vmem>>) dst(%dma_wait3A_267 : memref<10240x48xf32, #tpu.memory_space<vmem_shared>>)
    %barrier3A_268 = arith.constant 0 : index
    tpu.barrier barrier_id(%barrier3A_268)
    "tpu.region"() ({
      %run_scoped3A = tpu.sem_alloc : memref<!tpu.dma_semaphore, #tpu.memory_space<semaphore_mem>>
      %dma_start3A_269 = arith.constant 0 : i32
      %dma_start3A_270 = tpu.memref_slice %arg7[%arg0, %multiple_of3A, %dma_start3A_269] : memref<2x10240x48xf32, #tpu.memory_space<hbm>> -> memref<1x640x48xf32, #tpu.memory_space<hbm>>
      %dma_start3A_271 = tpu.memref_squeeze %dma_start3A_270 : memref<1x640x48xf32, #tpu.memory_space<hbm>> -> memref<640x48xf32, #tpu.memory_space<hbm>>
      %dma_start3A_272 = arith.constant 0 : i32
      %dma_start3A_273 = tpu.memref_slice %arg17[%multiple_of3A, %dma_start3A_272] : memref<10240x48xf32, #tpu.memory_space<vmem_shared>> -> memref<640x48xf32, #tpu.memory_space<vmem_shared>>
      tpu.enqueue_dma source(%dma_start3A_273 : memref<640x48xf32, #tpu.memory_space<vmem_shared>>) target(%dma_start3A_271 : memref<640x48xf32, #tpu.memory_space<hbm>>) target_semaphore(%run_scoped3A : memref<!tpu.dma_semaphore, #tpu.memory_space<semaphore_mem>>)
      %dma_wait3A_274 = arith.constant 0 : i32
      %dma_wait3A_275 = tpu.memref_slice %arg7[%arg0, %multiple_of3A, %dma_wait3A_274] : memref<2x10240x48xf32, #tpu.memory_space<hbm>> -> memref<1x640x48xf32, #tpu.memory_space<hbm>>
      %dma_wait3A_276 = tpu.memref_squeeze %dma_wait3A_275 : memref<1x640x48xf32, #tpu.memory_space<hbm>> -> memref<640x48xf32, #tpu.memory_space<hbm>>
      %dma_wait3A_277 = arith.constant 0 : i32
      %dma_wait3A_278 = tpu.memref_slice %arg17[%multiple_of3A, %dma_wait3A_277] : memref<10240x48xf32, #tpu.memory_space<vmem_shared>> -> memref<640x48xf32, #tpu.memory_space<vmem_shared>>
      tpu.wait_dma2 semaphore(%run_scoped3A : memref<!tpu.dma_semaphore, #tpu.memory_space<semaphore_mem>>) src(%dma_wait3A_278 : memref<640x48xf32, #tpu.memory_space<vmem_shared>>) dst(%dma_wait3A_276 : memref<640x48xf32, #tpu.memory_space<hbm>>)
      tpu.yield
    }) : () -> ()
    return
  }
}

#map = affine_map<(d0, d1) -> (0)>
#map1 = affine_map<(d0, d1) -> (0, 0)>
#map2 = affine_map<(d0, d1) -> (0, 0, 0)>
module attributes {stable_mosaic.version = 14 : i64} {
  func.func @body(%arg0: i32, %arg1: i32, %arg2: memref<640000xi32, #tpu.memory_space<hbm>>, %arg3: memref<10000x144xf32, #tpu.memory_space<hbm>>, %arg4: memref<10000x144xf32, #tpu.memory_space<hbm>>, %arg5: memref<144xf32, #tpu.memory_space<hbm>>, %arg6: memref<10240x144xf32, #tpu.memory_space<hbm>>, %arg7: memref<2x10240x144xf32, #tpu.memory_space<hbm>>, %arg8: memref<10000xi32, #tpu.memory_space<vmem>>, %arg9: memref<10000xi32, #tpu.memory_space<vmem>>, %arg10: memref<16x144xf32, #tpu.memory_space<vmem>>, %arg11: memref<16x144xf32, #tpu.memory_space<vmem>>, %arg12: memref<16x144xf32, #tpu.memory_space<vmem>>, %arg13: memref<16x144xf32, #tpu.memory_space<vmem>>, %arg14: memref<16x144xf32, #tpu.memory_space<vmem>>, %arg15: memref<16x144xf32, #tpu.memory_space<vmem>>, %arg16: memref<144xf32, #tpu.memory_space<vmem>>, %arg17: memref<10240x144xf32, #tpu.memory_space<vmem_shared>>, %arg18: memref<!tpu.dma_semaphore, #tpu.memory_space<semaphore_mem>>, %arg19: memref<!tpu.dma_semaphore, #tpu.memory_space<semaphore_mem>>, %arg20: memref<!tpu.dma_semaphore, #tpu.memory_space<semaphore_mem>>, %arg21: memref<!tpu.dma_semaphore, #tpu.memory_space<semaphore_mem>>) attributes {dimension_semantics = [#tpu.dimension_semantics<core_parallel>, #tpu.dimension_semantics<subcore_parallel>], iteration_bounds = array<i64: 2, 16>, scalar_prefetch = 0 : i64, scratch_operands = 14 : i64, tpu.core_type = #tpu.core_type<sc_vector_subcore>, window_params = [{transform_indices = #map}, {transform_indices = #map1}, {transform_indices = #map1}, {transform_indices = #map}, {transform_indices = #map1}, {transform_indices = #map2}]} {
    %mul3A = arith.constant 2 : i32
    %mul3A_0 = arith.muli %arg1, %mul3A : i32
    %add3A = arith.addi %mul3A_0, %arg0 : i32
    %mul3A_1 = arith.constant 640 : i32
    %mul3A_2 = arith.muli %arg1, %mul3A_1 : i32
    %multiple_of3A = tpu.assume_multiple %mul3A_2, 8 : i32
    "tpu.region"() ({
      %run_scoped3A = tpu.sem_alloc : memref<!tpu.dma_semaphore, #tpu.memory_space<semaphore_mem>>
      %dma_start3A_132 = arith.constant 0 : i32
      %dma_start3A_133 = tpu.memref_slice %arg17[%multiple_of3A, %dma_start3A_132] : memref<10240x144xf32, #tpu.memory_space<vmem_shared>> -> memref<640x144xf32, #tpu.memory_space<vmem_shared>>
      %dma_start3A_134 = arith.constant 0 : i32
      %dma_start3A_135 = tpu.memref_slice %arg6[%multiple_of3A, %dma_start3A_134] : memref<10240x144xf32, #tpu.memory_space<hbm>> -> memref<640x144xf32, #tpu.memory_space<hbm>>
      tpu.enqueue_dma source(%dma_start3A_135 : memref<640x144xf32, #tpu.memory_space<hbm>>) target(%dma_start3A_133 : memref<640x144xf32, #tpu.memory_space<vmem_shared>>) target_semaphore(%run_scoped3A : memref<!tpu.dma_semaphore, #tpu.memory_space<semaphore_mem>>)
      %dma_wait3A_136 = arith.constant 0 : i32
      %dma_wait3A_137 = tpu.memref_slice %arg17[%multiple_of3A, %dma_wait3A_136] : memref<10240x144xf32, #tpu.memory_space<vmem_shared>> -> memref<640x144xf32, #tpu.memory_space<vmem_shared>>
      %dma_wait3A_138 = arith.constant 0 : i32
      %dma_wait3A_139 = tpu.memref_slice %arg6[%multiple_of3A, %dma_wait3A_138] : memref<10240x144xf32, #tpu.memory_space<hbm>> -> memref<640x144xf32, #tpu.memory_space<hbm>>
      tpu.wait_dma2 semaphore(%run_scoped3A : memref<!tpu.dma_semaphore, #tpu.memory_space<semaphore_mem>>) src(%dma_wait3A_139 : memref<640x144xf32, #tpu.memory_space<hbm>>) dst(%dma_wait3A_137 : memref<640x144xf32, #tpu.memory_space<vmem_shared>>)
      tpu.yield
    }) : () -> ()
    "tpu.region"() ({
      %run_scoped3A = tpu.sem_alloc : memref<!tpu.dma_semaphore, #tpu.memory_space<semaphore_mem>>
      tpu.enqueue_dma source(%arg5 : memref<144xf32, #tpu.memory_space<hbm>>) target(%arg16 : memref<144xf32, #tpu.memory_space<vmem>>) target_semaphore(%run_scoped3A : memref<!tpu.dma_semaphore, #tpu.memory_space<semaphore_mem>>)
      tpu.wait_dma2 semaphore(%run_scoped3A : memref<!tpu.dma_semaphore, #tpu.memory_space<semaphore_mem>>) src(%arg5 : memref<144xf32, #tpu.memory_space<hbm>>) dst(%arg16 : memref<144xf32, #tpu.memory_space<vmem>>)
      tpu.yield
    }) : () -> ()
    %mul3A_3 = arith.constant 10000 : i32
    %mul3A_4 = arith.muli %add3A, %mul3A_3 : i32
    %multiple_of3A_5 = tpu.assume_multiple %mul3A_4, 8 : i32
    "tpu.region"() ({
      %run_scoped3A = tpu.sem_alloc : memref<!tpu.dma_semaphore, #tpu.memory_space<semaphore_mem>>
      %dma_start3A_132 = tpu.memref_slice %arg2[%multiple_of3A_5] : memref<640000xi32, #tpu.memory_space<hbm>> -> memref<10000xi32, #tpu.memory_space<hbm>>
      %dma_start3A_133 = tpu.memref_slice %arg2[%multiple_of3A_5] : memref<640000xi32, #tpu.memory_space<hbm>> -> memref<10000xi32, #tpu.memory_space<hbm>>
      tpu.enqueue_dma source(%dma_start3A_133 : memref<10000xi32, #tpu.memory_space<hbm>>) target(%arg8 : memref<10000xi32, #tpu.memory_space<vmem>>) target_semaphore(%run_scoped3A : memref<!tpu.dma_semaphore, #tpu.memory_space<semaphore_mem>>)
      %dma_wait3A_134 = tpu.memref_slice %arg2[%multiple_of3A_5] : memref<640000xi32, #tpu.memory_space<hbm>> -> memref<10000xi32, #tpu.memory_space<hbm>>
      %dma_wait3A_135 = tpu.memref_slice %arg2[%multiple_of3A_5] : memref<640000xi32, #tpu.memory_space<hbm>> -> memref<10000xi32, #tpu.memory_space<hbm>>
      tpu.wait_dma2 semaphore(%run_scoped3A : memref<!tpu.dma_semaphore, #tpu.memory_space<semaphore_mem>>) src(%dma_wait3A_135 : memref<10000xi32, #tpu.memory_space<hbm>>) dst(%arg8 : memref<10000xi32, #tpu.memory_space<vmem>>)
      tpu.yield
    }) : () -> ()
    %mul3A_6 = arith.constant 10000 : i32
    %mul3A_7 = arith.muli %add3A, %mul3A_6 : i32
    %add3A_8 = arith.constant 320000 : i32
    %add3A_9 = arith.addi %add3A_8, %mul3A_7 : i32
    %multiple_of3A_10 = tpu.assume_multiple %add3A_9, 8 : i32
    "tpu.region"() ({
      %run_scoped3A = tpu.sem_alloc : memref<!tpu.dma_semaphore, #tpu.memory_space<semaphore_mem>>
      %dma_start3A_132 = tpu.memref_slice %arg2[%multiple_of3A_10] : memref<640000xi32, #tpu.memory_space<hbm>> -> memref<10000xi32, #tpu.memory_space<hbm>>
      %dma_start3A_133 = tpu.memref_slice %arg2[%multiple_of3A_10] : memref<640000xi32, #tpu.memory_space<hbm>> -> memref<10000xi32, #tpu.memory_space<hbm>>
      tpu.enqueue_dma source(%dma_start3A_133 : memref<10000xi32, #tpu.memory_space<hbm>>) target(%arg9 : memref<10000xi32, #tpu.memory_space<vmem>>) target_semaphore(%run_scoped3A : memref<!tpu.dma_semaphore, #tpu.memory_space<semaphore_mem>>)
      %dma_wait3A_134 = tpu.memref_slice %arg2[%multiple_of3A_10] : memref<640000xi32, #tpu.memory_space<hbm>> -> memref<10000xi32, #tpu.memory_space<hbm>>
      %dma_wait3A_135 = tpu.memref_slice %arg2[%multiple_of3A_10] : memref<640000xi32, #tpu.memory_space<hbm>> -> memref<10000xi32, #tpu.memory_space<hbm>>
      tpu.wait_dma2 semaphore(%run_scoped3A : memref<!tpu.dma_semaphore, #tpu.memory_space<semaphore_mem>>) src(%dma_wait3A_135 : memref<10000xi32, #tpu.memory_space<hbm>>) dst(%arg9 : memref<10000xi32, #tpu.memory_space<vmem>>)
      tpu.yield
    }) : () -> ()
    %get3A = arith.constant 0 : index
    %get3A_11 = tpu.vector_load %arg16[%get3A] {strides = array<i32>} : memref<144xf32, #tpu.memory_space<vmem>>, vector<16xf32>,
    %get3A_12 = vector.shape_cast %get3A_11 : vector<16xf32> to vector<16xf32>
    %get3A_13 = arith.constant 16 : index
    %get3A_14 = tpu.vector_load %arg16[%get3A_13] {strides = array<i32>} : memref<144xf32, #tpu.memory_space<vmem>>, vector<16xf32>,
    %get3A_15 = vector.shape_cast %get3A_14 : vector<16xf32> to vector<16xf32>
    %get3A_16 = arith.constant 32 : index
    %get3A_17 = tpu.vector_load %arg16[%get3A_16] {strides = array<i32>} : memref<144xf32, #tpu.memory_space<vmem>>, vector<16xf32>,
    %get3A_18 = vector.shape_cast %get3A_17 : vector<16xf32> to vector<16xf32>
    %get3A_19 = arith.constant 48 : index
    %get3A_20 = tpu.vector_load %arg16[%get3A_19] {strides = array<i32>} : memref<144xf32, #tpu.memory_space<vmem>>, vector<16xf32>,
    %get3A_21 = vector.shape_cast %get3A_20 : vector<16xf32> to vector<16xf32>
    %get3A_22 = arith.constant 64 : index
    %get3A_23 = tpu.vector_load %arg16[%get3A_22] {strides = array<i32>} : memref<144xf32, #tpu.memory_space<vmem>>, vector<16xf32>,
    %get3A_24 = vector.shape_cast %get3A_23 : vector<16xf32> to vector<16xf32>
    %get3A_25 = arith.constant 80 : index
    %get3A_26 = tpu.vector_load %arg16[%get3A_25] {strides = array<i32>} : memref<144xf32, #tpu.memory_space<vmem>>, vector<16xf32>,
    %get3A_27 = vector.shape_cast %get3A_26 : vector<16xf32> to vector<16xf32>
    %get3A_28 = arith.constant 96 : index
    %get3A_29 = tpu.vector_load %arg16[%get3A_28] {strides = array<i32>} : memref<144xf32, #tpu.memory_space<vmem>>, vector<16xf32>,
    %get3A_30 = vector.shape_cast %get3A_29 : vector<16xf32> to vector<16xf32>
    %get3A_31 = arith.constant 112 : index
    %get3A_32 = tpu.vector_load %arg16[%get3A_31] {strides = array<i32>} : memref<144xf32, #tpu.memory_space<vmem>>, vector<16xf32>,
    %get3A_33 = vector.shape_cast %get3A_32 : vector<16xf32> to vector<16xf32>
    %iota3A = tpu.iota {dimensions = array<i32: 0>} : vector<16xi32>
    %xor3A = arith.constant 8 : i32
    %xor3A_34 = vector.broadcast %xor3A : i32 to vector<16xi32>
    %xor3A_35 = arith.xori %iota3A, %xor3A_34 : vector<16xi32>
    %xor3A_36 = arith.constant 4 : i32
    %xor3A_37 = vector.broadcast %xor3A_36 : i32 to vector<16xi32>
    %xor3A_38 = arith.xori %iota3A, %xor3A_37 : vector<16xi32>
    %xor3A_39 = arith.constant 2 : i32
    %xor3A_40 = vector.broadcast %xor3A_39 : i32 to vector<16xi32>
    %xor3A_41 = arith.xori %iota3A, %xor3A_40 : vector<16xi32>
    %xor3A_42 = arith.constant 1 : i32
    %xor3A_43 = vector.broadcast %xor3A_42 : i32 to vector<16xi32>
    %xor3A_44 = arith.xori %iota3A, %xor3A_43 : vector<16xi32>
    %and3A = arith.constant 3 : i32
    %and3A_45 = vector.broadcast %and3A : i32 to vector<16xi32>
    %and3A_46 = arith.andi %iota3A, %and3A_45 : vector<16xi32>
    %shift_right_logical3A = arith.constant 2 : i32
    %shift_right_logical3A_47 = vector.broadcast %shift_right_logical3A : i32 to vector<16xi32>
    %shift_right_logical3A_48 = arith.shrui %iota3A, %shift_right_logical3A_47 : vector<16xi32>
    %mul3A_49 = arith.constant 4 : i32
    %mul3A_50 = vector.broadcast %mul3A_49 : i32 to vector<16xi32>
    %mul3A_51 = arith.muli %iota3A, %mul3A_50 : vector<16xi32>
    %and3A_52 = arith.constant 15 : i32
    %and3A_53 = vector.broadcast %and3A_52 : i32 to vector<16xi32>
    %and3A_54 = arith.andi %mul3A_51, %and3A_53 : vector<16xi32>
    %broadcast_in_dim3A = arith.constant 0 : i32
    %broadcast_in_dim3A_55 = vector.broadcast %broadcast_in_dim3A : i32 to vector<16xi32>
    %broadcast_in_dim3A_56 = arith.constant 4 : i32
    %broadcast_in_dim3A_57 = vector.broadcast %broadcast_in_dim3A_56 : i32 to vector<16xi32>
    %broadcast_in_dim3A_58 = arith.constant 8 : i32
    %broadcast_in_dim3A_59 = vector.broadcast %broadcast_in_dim3A_58 : i32 to vector<16xi32>
    %broadcast_in_dim3A_60 = arith.constant 12 : i32
    %broadcast_in_dim3A_61 = vector.broadcast %broadcast_in_dim3A_60 : i32 to vector<16xi32>
    %barrier3A = arith.constant 0 : index
    tpu.barrier barrier_id(%barrier3A)
    %multiple_of3A_62 = arith.constant 0 : i32
    %multiple_of3A_63 = tpu.assume_multiple %multiple_of3A_62, 8 : i32
    %dma_start3A = tpu.memref_slice %arg8[%multiple_of3A_63] : memref<10000xi32, #tpu.memory_space<vmem>> -> memref<16xi32, #tpu.memory_space<vmem>>
    %dma_start3A_64 = arith.constant 0 : i32
    %dma_start3A_65 = arith.constant 0 : i32
    %dma_start3A_66 = tpu.memref_slice %arg3[%dma_start3A_64, %dma_start3A_65] : memref<10000x144xf32, #tpu.memory_space<hbm>> -> memref<10000x144xf32, #tpu.memory_space<hbm>>
    tpu.enqueue_indirect_dma source(%dma_start3A_66 : memref<10000x144xf32, #tpu.memory_space<hbm>>) target(%arg10 : memref<16x144xf32, #tpu.memory_space<vmem>>) offsets(%dma_start3A : memref<16xi32, #tpu.memory_space<vmem>>) semaphore(%arg18 : memref<!tpu.dma_semaphore, #tpu.memory_space<semaphore_mem>>)
    %dma_start3A_67 = tpu.memref_slice %arg9[%multiple_of3A_63] : memref<10000xi32, #tpu.memory_space<vmem>> -> memref<16xi32, #tpu.memory_space<vmem>>
    %dma_start3A_68 = arith.constant 0 : i32
    %dma_start3A_69 = arith.constant 0 : i32
    %dma_start3A_70 = tpu.memref_slice %arg4[%dma_start3A_68, %dma_start3A_69] : memref<10000x144xf32, #tpu.memory_space<hbm>> -> memref<10000x144xf32, #tpu.memory_space<hbm>>
    tpu.enqueue_indirect_dma source(%dma_start3A_70 : memref<10000x144xf32, #tpu.memory_space<hbm>>) target(%arg11 : memref<16x144xf32, #tpu.memory_space<vmem>>) offsets(%dma_start3A_67 : memref<16xi32, #tpu.memory_space<vmem>>) semaphore(%arg18 : memref<!tpu.dma_semaphore, #tpu.memory_space<semaphore_mem>>)
    %scan3A = arith.constant 0 : i32
    %scan3A_71 = arith.constant 0 : i32
    %scan3A_72 = arith.constant 312 : i32
    %scan3A_73 = arith.addi %scan3A_71, %scan3A_72 : i32
    %scan3A_74 = arith.constant 1 : i32
    %scan3A_75 = scf.for %scan3A_132 = %scan3A_71 to %scan3A_73 step %scan3A_74 iter_args(%scan3A_133 = %scan3A) -> (i32)  : i32 {
      %mul3A_134 = arith.constant 2 : i32
      %mul3A_135 = arith.muli %mul3A_134, %scan3A_132 : i32
      %add3A_136 = arith.constant 1 : i32
      %add3A_137 = arith.addi %mul3A_135, %add3A_136 : i32
      %mul3A_138 = arith.constant 16 : i32
      %mul3A_139 = arith.muli %add3A_137, %mul3A_138 : i32
      %multiple_of3A_140 = tpu.assume_multiple %mul3A_139, 8 : i32
      %dma_start3A_141 = tpu.memref_slice %arg8[%multiple_of3A_140] : memref<10000xi32, #tpu.memory_space<vmem>> -> memref<16xi32, #tpu.memory_space<vmem>>
      %dma_start3A_142 = arith.constant 0 : i32
      %dma_start3A_143 = arith.constant 0 : i32
      %dma_start3A_144 = tpu.memref_slice %arg3[%dma_start3A_142, %dma_start3A_143] : memref<10000x144xf32, #tpu.memory_space<hbm>> -> memref<10000x144xf32, #tpu.memory_space<hbm>>
      tpu.enqueue_indirect_dma source(%dma_start3A_144 : memref<10000x144xf32, #tpu.memory_space<hbm>>) target(%arg12 : memref<16x144xf32, #tpu.memory_space<vmem>>) offsets(%dma_start3A_141 : memref<16xi32, #tpu.memory_space<vmem>>) semaphore(%arg19 : memref<!tpu.dma_semaphore, #tpu.memory_space<semaphore_mem>>)
      %dma_start3A_145 = tpu.memref_slice %arg9[%multiple_of3A_140] : memref<10000xi32, #tpu.memory_space<vmem>> -> memref<16xi32, #tpu.memory_space<vmem>>
      %dma_start3A_146 = arith.constant 0 : i32
      %dma_start3A_147 = arith.constant 0 : i32
      %dma_start3A_148 = tpu.memref_slice %arg4[%dma_start3A_146, %dma_start3A_147] : memref<10000x144xf32, #tpu.memory_space<hbm>> -> memref<10000x144xf32, #tpu.memory_space<hbm>>
      tpu.enqueue_indirect_dma source(%dma_start3A_148 : memref<10000x144xf32, #tpu.memory_space<hbm>>) target(%arg13 : memref<16x144xf32, #tpu.memory_space<vmem>>) offsets(%dma_start3A_145 : memref<16xi32, #tpu.memory_space<vmem>>) semaphore(%arg19 : memref<!tpu.dma_semaphore, #tpu.memory_space<semaphore_mem>>)
      %dma_wait3A_149 = arith.constant 0 : i32
      %dma_wait3A_150 = tpu.memref_slice %arg8[%dma_wait3A_149] : memref<10000xi32, #tpu.memory_space<vmem>> -> memref<16xi32, #tpu.memory_space<vmem>>
      %dma_wait3A_151 = arith.constant 0 : i32
      %dma_wait3A_152 = arith.constant 0 : i32
      %dma_wait3A_153 = tpu.memref_slice %arg3[%dma_wait3A_151, %dma_wait3A_152] : memref<10000x144xf32, #tpu.memory_space<hbm>> -> memref<10000x144xf32, #tpu.memory_space<hbm>>
      tpu.wait_indirect_dma semaphore(%arg18 : memref<!tpu.dma_semaphore, #tpu.memory_space<semaphore_mem>>) src(%dma_wait3A_153 : memref<10000x144xf32, #tpu.memory_space<hbm>>) dst(%arg10 : memref<16x144xf32, #tpu.memory_space<vmem>>)
      %dma_wait3A_154 = arith.constant 0 : i32
      %dma_wait3A_155 = tpu.memref_slice %arg9[%dma_wait3A_154] : memref<10000xi32, #tpu.memory_space<vmem>> -> memref<16xi32, #tpu.memory_space<vmem>>
      %dma_wait3A_156 = arith.constant 0 : i32
      %dma_wait3A_157 = arith.constant 0 : i32
      %dma_wait3A_158 = tpu.memref_slice %arg4[%dma_wait3A_156, %dma_wait3A_157] : memref<10000x144xf32, #tpu.memory_space<hbm>> -> memref<10000x144xf32, #tpu.memory_space<hbm>>
      tpu.wait_indirect_dma semaphore(%arg18 : memref<!tpu.dma_semaphore, #tpu.memory_space<semaphore_mem>>) src(%dma_wait3A_158 : memref<10000x144xf32, #tpu.memory_space<hbm>>) dst(%arg11 : memref<16x144xf32, #tpu.memory_space<vmem>>)
      %gt3A = arith.constant 0 : i32
      %gt3A_159 = arith.cmpi sgt, %scan3A_132, %gt3A : i32
      %convert_element_type3A = arith.extui %gt3A_159 : i1 to i32
      %cond3A = arith.constant 0 : i32
      %cond3A_160 = arith.cmpi ne, %convert_element_type3A, %cond3A : i32
      scf.if %cond3A_160 {
        %get3A_227 = arith.constant 0 : index
        %get3A_228 = tpu.vector_load %arg9[%get3A_227] {strides = array<i32>} : memref<10000xi32, #tpu.memory_space<vmem>>, vector<16xi32>,
        %get3A_229 = vector.shape_cast %get3A_228 : vector<16xi32> to vector<16xi32>
        %dma_wait3A_230 = arith.constant 0 : i32
        %dma_wait3A_231 = arith.constant 0 : i32
        %dma_wait3A_232 = tpu.memref_slice %arg14[%dma_wait3A_230, %dma_wait3A_231] : memref<16x144xf32, #tpu.memory_space<vmem>> -> memref<16x144xf32, #tpu.memory_space<vmem>>
        %dma_wait3A_233 = arith.constant 0 : i32
        %dma_wait3A_234 = arith.constant 0 : i32
        %dma_wait3A_235 = tpu.memref_slice %arg17[%dma_wait3A_233, %dma_wait3A_234] : memref<10240x144xf32, #tpu.memory_space<vmem_shared>> -> memref<10240x144xf32, #tpu.memory_space<vmem_shared>>
        tpu.wait_indirect_dma semaphore(%arg20 : memref<!tpu.dma_semaphore, #tpu.memory_space<semaphore_mem>>) src(%dma_wait3A_232 : memref<16x144xf32, #tpu.memory_space<vmem>>) dst(%dma_wait3A_235 : memref<10240x144xf32, #tpu.memory_space<vmem_shared>>)
      } else {
      }
      %scan3A_161 = arith.constant 0 : i32
      %scan3A_162 = arith.constant 0 : i32
      %scan3A_163 = arith.constant 16 : i32
      %scan3A_164 = arith.addi %scan3A_162, %scan3A_163 : i32
      %scan3A_165 = arith.constant 1 : i32
      %scan3A_166 = scf.for %scan3A_227 = %scan3A_162 to %scan3A_164 step %scan3A_165 iter_args(%scan3A_228 = %scan3A_161) -> (i32)  : i32 {
        %get3A_229 = arith.index_cast %scan3A_227 : i32 to index
        %get3A_230 = arith.constant 0 : index
        %get3A_231 = tpu.vector_load %arg10[%get3A_229, %get3A_230] {strides = array<i32>} : memref<16x144xf32, #tpu.memory_space<vmem>>, vector<1x16xf32>,
        %get3A_232 = vector.shape_cast %get3A_231 : vector<1x16xf32> to vector<16xf32>
        %get3A_233 = arith.index_cast %scan3A_227 : i32 to index
        %get3A_234 = arith.constant 16 : index
        %get3A_235 = tpu.vector_load %arg10[%get3A_233, %get3A_234] {strides = array<i32>} : memref<16x144xf32, #tpu.memory_space<vmem>>, vector<1x16xf32>,
        %get3A_236 = vector.shape_cast %get3A_235 : vector<1x16xf32> to vector<16xf32>
        %get3A_237 = arith.index_cast %scan3A_227 : i32 to index
        %get3A_238 = arith.constant 32 : index
        %get3A_239 = tpu.vector_load %arg10[%get3A_237, %get3A_238] {strides = array<i32>} : memref<16x144xf32, #tpu.memory_space<vmem>>, vector<1x16xf32>,
        %get3A_240 = vector.shape_cast %get3A_239 : vector<1x16xf32> to vector<16xf32>
        %get3A_241 = arith.index_cast %scan3A_227 : i32 to index
        %get3A_242 = arith.constant 48 : index
        %get3A_243 = tpu.vector_load %arg10[%get3A_241, %get3A_242] {strides = array<i32>} : memref<16x144xf32, #tpu.memory_space<vmem>>, vector<1x16xf32>,
        %get3A_244 = vector.shape_cast %get3A_243 : vector<1x16xf32> to vector<16xf32>
        %get3A_245 = arith.index_cast %scan3A_227 : i32 to index
        %get3A_246 = arith.constant 64 : index
        %get3A_247 = tpu.vector_load %arg10[%get3A_245, %get3A_246] {strides = array<i32>} : memref<16x144xf32, #tpu.memory_space<vmem>>, vector<1x16xf32>,
        %get3A_248 = vector.shape_cast %get3A_247 : vector<1x16xf32> to vector<16xf32>
        %get3A_249 = arith.index_cast %scan3A_227 : i32 to index
        %get3A_250 = arith.constant 80 : index
        %get3A_251 = tpu.vector_load %arg10[%get3A_249, %get3A_250] {strides = array<i32>} : memref<16x144xf32, #tpu.memory_space<vmem>>, vector<1x16xf32>,
        %get3A_252 = vector.shape_cast %get3A_251 : vector<1x16xf32> to vector<16xf32>
        %get3A_253 = arith.index_cast %scan3A_227 : i32 to index
        %get3A_254 = arith.constant 96 : index
        %get3A_255 = tpu.vector_load %arg10[%get3A_253, %get3A_254] {strides = array<i32>} : memref<16x144xf32, #tpu.memory_space<vmem>>, vector<1x16xf32>,
        %get3A_256 = vector.shape_cast %get3A_255 : vector<1x16xf32> to vector<16xf32>
        %get3A_257 = arith.index_cast %scan3A_227 : i32 to index
        %get3A_258 = arith.constant 112 : index
        %get3A_259 = tpu.vector_load %arg10[%get3A_257, %get3A_258] {strides = array<i32>} : memref<16x144xf32, #tpu.memory_space<vmem>>, vector<1x16xf32>,
        %get3A_260 = vector.shape_cast %get3A_259 : vector<1x16xf32> to vector<16xf32>
        %get3A_261 = arith.index_cast %scan3A_227 : i32 to index
        %get3A_262 = arith.constant 128 : index
        %get3A_263 = tpu.vector_load %arg10[%get3A_261, %get3A_262] {strides = array<i32>} : memref<16x144xf32, #tpu.memory_space<vmem>>, vector<1x16xf32>,
        %get3A_264 = vector.shape_cast %get3A_263 : vector<1x16xf32> to vector<16xf32>
        %get3A_265 = arith.index_cast %scan3A_227 : i32 to index
        %get3A_266 = arith.constant 0 : index
        %get3A_267 = tpu.vector_load %arg11[%get3A_265, %get3A_266] {strides = array<i32>} : memref<16x144xf32, #tpu.memory_space<vmem>>, vector<1x16xf32>,
        %get3A_268 = vector.shape_cast %get3A_267 : vector<1x16xf32> to vector<16xf32>
        %add3A_269 = arith.addf %get3A_232, %get3A_268 : vector<16xf32>
        %get3A_270 = arith.index_cast %scan3A_227 : i32 to index
        %get3A_271 = arith.constant 16 : index
        %get3A_272 = tpu.vector_load %arg11[%get3A_270, %get3A_271] {strides = array<i32>} : memref<16x144xf32, #tpu.memory_space<vmem>>, vector<1x16xf32>,
        %get3A_273 = vector.shape_cast %get3A_272 : vector<1x16xf32> to vector<16xf32>
        %add3A_274 = arith.addf %get3A_236, %get3A_273 : vector<16xf32>
        %get3A_275 = arith.index_cast %scan3A_227 : i32 to index
        %get3A_276 = arith.constant 32 : index
        %get3A_277 = tpu.vector_load %arg11[%get3A_275, %get3A_276] {strides = array<i32>} : memref<16x144xf32, #tpu.memory_space<vmem>>, vector<1x16xf32>,
        %get3A_278 = vector.shape_cast %get3A_277 : vector<1x16xf32> to vector<16xf32>
        %add3A_279 = arith.addf %get3A_240, %get3A_278 : vector<16xf32>
        %get3A_280 = arith.index_cast %scan3A_227 : i32 to index
        %get3A_281 = arith.constant 48 : index
        %get3A_282 = tpu.vector_load %arg11[%get3A_280, %get3A_281] {strides = array<i32>} : memref<16x144xf32, #tpu.memory_space<vmem>>, vector<1x16xf32>,
        %get3A_283 = vector.shape_cast %get3A_282 : vector<1x16xf32> to vector<16xf32>
        %add3A_284 = arith.addf %get3A_244, %get3A_283 : vector<16xf32>
        %get3A_285 = arith.index_cast %scan3A_227 : i32 to index
        %get3A_286 = arith.constant 64 : index
        %get3A_287 = tpu.vector_load %arg11[%get3A_285, %get3A_286] {strides = array<i32>} : memref<16x144xf32, #tpu.memory_space<vmem>>, vector<1x16xf32>,
        %get3A_288 = vector.shape_cast %get3A_287 : vector<1x16xf32> to vector<16xf32>
        %add3A_289 = arith.addf %get3A_248, %get3A_288 : vector<16xf32>
        %get3A_290 = arith.index_cast %scan3A_227 : i32 to index
        %get3A_291 = arith.constant 80 : index
        %get3A_292 = tpu.vector_load %arg11[%get3A_290, %get3A_291] {strides = array<i32>} : memref<16x144xf32, #tpu.memory_space<vmem>>, vector<1x16xf32>,
        %get3A_293 = vector.shape_cast %get3A_292 : vector<1x16xf32> to vector<16xf32>
        %add3A_294 = arith.addf %get3A_252, %get3A_293 : vector<16xf32>
        %get3A_295 = arith.index_cast %scan3A_227 : i32 to index
        %get3A_296 = arith.constant 96 : index
        %get3A_297 = tpu.vector_load %arg11[%get3A_295, %get3A_296] {strides = array<i32>} : memref<16x144xf32, #tpu.memory_space<vmem>>, vector<1x16xf32>,
        %get3A_298 = vector.shape_cast %get3A_297 : vector<1x16xf32> to vector<16xf32>
        %add3A_299 = arith.addf %get3A_256, %get3A_298 : vector<16xf32>
        %get3A_300 = arith.index_cast %scan3A_227 : i32 to index
        %get3A_301 = arith.constant 112 : index
        %get3A_302 = tpu.vector_load %arg11[%get3A_300, %get3A_301] {strides = array<i32>} : memref<16x144xf32, #tpu.memory_space<vmem>>, vector<1x16xf32>,
        %get3A_303 = vector.shape_cast %get3A_302 : vector<1x16xf32> to vector<16xf32>
        %add3A_304 = arith.addf %get3A_260, %get3A_303 : vector<16xf32>
        %get3A_305 = arith.index_cast %scan3A_227 : i32 to index
        %get3A_306 = arith.constant 128 : index
        %get3A_307 = tpu.vector_load %arg11[%get3A_305, %get3A_306] {strides = array<i32>} : memref<16x144xf32, #tpu.memory_space<vmem>>, vector<1x16xf32>,
        %get3A_308 = vector.shape_cast %get3A_307 : vector<1x16xf32> to vector<16xf32>
        %add3A_309 = arith.addf %get3A_264, %get3A_308 : vector<16xf32>
        %abs3A = math.absf %add3A_269 : vector<16xf32>
        %mul3A_310 = arith.mulf %abs3A, %get3A_12 : vector<16xf32>
        %abs3A_311 = math.absf %add3A_274 : vector<16xf32>
        %mul3A_312 = arith.mulf %abs3A_311, %get3A_15 : vector<16xf32>
        %abs3A_313 = math.absf %add3A_279 : vector<16xf32>
        %mul3A_314 = arith.mulf %abs3A_313, %get3A_18 : vector<16xf32>
        %abs3A_315 = math.absf %add3A_284 : vector<16xf32>
        %mul3A_316 = arith.mulf %abs3A_315, %get3A_21 : vector<16xf32>
        %abs3A_317 = math.absf %add3A_289 : vector<16xf32>
        %mul3A_318 = arith.mulf %abs3A_317, %get3A_24 : vector<16xf32>
        %abs3A_319 = math.absf %add3A_294 : vector<16xf32>
        %mul3A_320 = arith.mulf %abs3A_319, %get3A_27 : vector<16xf32>
        %abs3A_321 = math.absf %add3A_299 : vector<16xf32>
        %mul3A_322 = arith.mulf %abs3A_321, %get3A_30 : vector<16xf32>
        %abs3A_323 = math.absf %add3A_304 : vector<16xf32>
        %mul3A_324 = arith.mulf %abs3A_323, %get3A_33 : vector<16xf32>
        %add3A_325 = arith.addf %mul3A_310, %mul3A_312 : vector<16xf32>
        %add3A_326 = arith.addf %mul3A_314, %mul3A_316 : vector<16xf32>
        %add3A_327 = arith.addf %mul3A_318, %mul3A_320 : vector<16xf32>
        %add3A_328 = arith.addf %mul3A_322, %mul3A_324 : vector<16xf32>
        %reshape3A = vector.shape_cast %xor3A_35 : vector<16xi32> to vector<16x1xi32>
        %gather3A = vector.shape_cast %reshape3A : vector<16x1xi32> to vector<16xi32>
        %gather3A_329 = tpu.dynamic_gather %add3A_325[%gather3A] in [0] : vector<16xf32>, vector<16xi32> -> vector<16xf32>
        %add3A_330 = arith.addf %add3A_325, %gather3A_329 : vector<16xf32>
        %reshape3A_331 = vector.shape_cast %xor3A_35 : vector<16xi32> to vector<16x1xi32>
        %gather3A_332 = vector.shape_cast %reshape3A_331 : vector<16x1xi32> to vector<16xi32>
        %gather3A_333 = tpu.dynamic_gather %add3A_326[%gather3A_332] in [0] : vector<16xf32>, vector<16xi32> -> vector<16xf32>
        %add3A_334 = arith.addf %add3A_326, %gather3A_333 : vector<16xf32>
        %reshape3A_335 = vector.shape_cast %xor3A_35 : vector<16xi32> to vector<16x1xi32>
        %gather3A_336 = vector.shape_cast %reshape3A_335 : vector<16x1xi32> to vector<16xi32>
        %gather3A_337 = tpu.dynamic_gather %add3A_327[%gather3A_336] in [0] : vector<16xf32>, vector<16xi32> -> vector<16xf32>
        %add3A_338 = arith.addf %add3A_327, %gather3A_337 : vector<16xf32>
        %reshape3A_339 = vector.shape_cast %xor3A_35 : vector<16xi32> to vector<16x1xi32>
        %gather3A_340 = vector.shape_cast %reshape3A_339 : vector<16x1xi32> to vector<16xi32>
        %gather3A_341 = tpu.dynamic_gather %add3A_328[%gather3A_340] in [0] : vector<16xf32>, vector<16xi32> -> vector<16xf32>
        %add3A_342 = arith.addf %add3A_328, %gather3A_341 : vector<16xf32>
        %reshape3A_343 = vector.shape_cast %xor3A_38 : vector<16xi32> to vector<16x1xi32>
        %gather3A_344 = vector.shape_cast %reshape3A_343 : vector<16x1xi32> to vector<16xi32>
        %gather3A_345 = tpu.dynamic_gather %add3A_330[%gather3A_344] in [0] : vector<16xf32>, vector<16xi32> -> vector<16xf32>
        %add3A_346 = arith.addf %add3A_330, %gather3A_345 : vector<16xf32>
        %reshape3A_347 = vector.shape_cast %xor3A_38 : vector<16xi32> to vector<16x1xi32>
        %gather3A_348 = vector.shape_cast %reshape3A_347 : vector<16x1xi32> to vector<16xi32>
        %gather3A_349 = tpu.dynamic_gather %add3A_334[%gather3A_348] in [0] : vector<16xf32>, vector<16xi32> -> vector<16xf32>
        %add3A_350 = arith.addf %add3A_334, %gather3A_349 : vector<16xf32>
        %reshape3A_351 = vector.shape_cast %xor3A_38 : vector<16xi32> to vector<16x1xi32>
        %gather3A_352 = vector.shape_cast %reshape3A_351 : vector<16x1xi32> to vector<16xi32>
        %gather3A_353 = tpu.dynamic_gather %add3A_338[%gather3A_352] in [0] : vector<16xf32>, vector<16xi32> -> vector<16xf32>
        %add3A_354 = arith.addf %add3A_338, %gather3A_353 : vector<16xf32>
        %reshape3A_355 = vector.shape_cast %xor3A_38 : vector<16xi32> to vector<16x1xi32>
        %gather3A_356 = vector.shape_cast %reshape3A_355 : vector<16x1xi32> to vector<16xi32>
        %gather3A_357 = tpu.dynamic_gather %add3A_342[%gather3A_356] in [0] : vector<16xf32>, vector<16xi32> -> vector<16xf32>
        %add3A_358 = arith.addf %add3A_342, %gather3A_357 : vector<16xf32>
        %reshape3A_359 = vector.shape_cast %and3A_46 : vector<16xi32> to vector<16x1xi32>
        %gather3A_360 = vector.shape_cast %reshape3A_359 : vector<16x1xi32> to vector<16xi32>
        %gather3A_361 = tpu.dynamic_gather %add3A_346[%gather3A_360] in [0] : vector<16xf32>, vector<16xi32> -> vector<16xf32>
        %reshape3A_362 = vector.shape_cast %and3A_46 : vector<16xi32> to vector<16x1xi32>
        %gather3A_363 = vector.shape_cast %reshape3A_362 : vector<16x1xi32> to vector<16xi32>
        %gather3A_364 = tpu.dynamic_gather %add3A_350[%gather3A_363] in [0] : vector<16xf32>, vector<16xi32> -> vector<16xf32>
        %reshape3A_365 = vector.shape_cast %and3A_46 : vector<16xi32> to vector<16x1xi32>
        %gather3A_366 = vector.shape_cast %reshape3A_365 : vector<16x1xi32> to vector<16xi32>
        %gather3A_367 = tpu.dynamic_gather %add3A_354[%gather3A_366] in [0] : vector<16xf32>, vector<16xi32> -> vector<16xf32>
        %reshape3A_368 = vector.shape_cast %and3A_46 : vector<16xi32> to vector<16x1xi32>
        %gather3A_369 = vector.shape_cast %reshape3A_368 : vector<16x1xi32> to vector<16xi32>
        %gather3A_370 = tpu.dynamic_gather %add3A_358[%gather3A_369] in [0] : vector<16xf32>, vector<16xi32> -> vector<16xf32>
        %eq3A = arith.constant 1 : i32
        %eq3A_371 = vector.broadcast %eq3A : i32 to vector<16xi32>
        %eq3A_372 = arith.cmpi eq, %shift_right_logical3A_48, %eq3A_371 : vector<16xi32>
        %eq3A_373 = arith.constant 2 : i32
        %eq3A_374 = vector.broadcast %eq3A_373 : i32 to vector<16xi32>
        %eq3A_375 = arith.cmpi eq, %shift_right_logical3A_48, %eq3A_374 : vector<16xi32>
        %eq3A_376 = arith.constant 3 : i32
        %eq3A_377 = vector.broadcast %eq3A_376 : i32 to vector<16xi32>
        %eq3A_378 = arith.cmpi eq, %shift_right_logical3A_48, %eq3A_377 : vector<16xi32>
        %select_n3A = arith.select %eq3A_378, %gather3A_370, %gather3A_361 : vector<16xi1>, vector<16xf32>
        %select_n3A_379 = arith.select %eq3A_375, %gather3A_367, %select_n3A : vector<16xi1>, vector<16xf32>
        %select_n3A_380 = arith.select %eq3A_372, %gather3A_364, %select_n3A_379 : vector<16xi1>, vector<16xf32>
        %reshape3A_381 = vector.shape_cast %xor3A_41 : vector<16xi32> to vector<16x1xi32>
        %gather3A_382 = vector.shape_cast %reshape3A_381 : vector<16x1xi32> to vector<16xi32>
        %gather3A_383 = tpu.dynamic_gather %select_n3A_380[%gather3A_382] in [0] : vector<16xf32>, vector<16xi32> -> vector<16xf32>
        %add3A_384 = arith.addf %select_n3A_380, %gather3A_383 : vector<16xf32>
        %reshape3A_385 = vector.shape_cast %xor3A_44 : vector<16xi32> to vector<16x1xi32>
        %gather3A_386 = vector.shape_cast %reshape3A_385 : vector<16x1xi32> to vector<16xi32>
        %gather3A_387 = tpu.dynamic_gather %add3A_384[%gather3A_386] in [0] : vector<16xf32>, vector<16xi32> -> vector<16xf32>
        %add3A_388 = arith.addf %add3A_384, %gather3A_387 : vector<16xf32>
        %reshape3A_389 = vector.shape_cast %shift_right_logical3A_48 : vector<16xi32> to vector<16x1xi32>
        %gather3A_390 = vector.shape_cast %reshape3A_389 : vector<16x1xi32> to vector<16xi32>
        %gather3A_391 = tpu.dynamic_gather %add3A_309[%gather3A_390] in [0] : vector<16xf32>, vector<16xi32> -> vector<16xf32>
        %add3A_392 = arith.addf %add3A_388, %gather3A_391 : vector<16xf32>
        %exp3A = math.exp %add3A_392 : vector<16xf32>
        %reshape3A_393 = vector.shape_cast %and3A_54 : vector<16xi32> to vector<16x1xi32>
        %gather3A_394 = vector.shape_cast %reshape3A_393 : vector<16x1xi32> to vector<16xi32>
        %gather3A_395 = tpu.dynamic_gather %exp3A[%gather3A_394] in [0] : vector<16xf32>, vector<16xi32> -> vector<16xf32>
        %swap3A = arith.index_cast %scan3A_227 : i32 to index
        %swap3A_396 = arith.constant 128 : index
        %swap3A_397 = tpu.vector_load %arg14[%swap3A, %swap3A_396] {strides = array<i32>} : memref<16x144xf32, #tpu.memory_space<vmem>>, vector<1x16xf32>,
        %swap3A_398 = vector.shape_cast %swap3A_397 : vector<1x16xf32> to vector<16xf32>
        %swap3A_399 = vector.shape_cast %gather3A_395 : vector<16xf32> to vector<1x16xf32>
        tpu.vector_store %arg14[%swap3A, %swap3A_396], %swap3A_399 {strides = array<i32>} : memref<16x144xf32, #tpu.memory_space<vmem>>, vector<1x16xf32>,
        %reshape3A_400 = vector.shape_cast %broadcast_in_dim3A_55 : vector<16xi32> to vector<16x1xi32>
        %gather3A_401 = vector.shape_cast %reshape3A_400 : vector<16x1xi32> to vector<16xi32>
        %gather3A_402 = tpu.dynamic_gather %exp3A[%gather3A_401] in [0] : vector<16xf32>, vector<16xi32> -> vector<16xf32>
        %mul3A_403 = arith.mulf %gather3A_402, %get3A_232 : vector<16xf32>
        %swap3A_404 = arith.index_cast %scan3A_227 : i32 to index
        %swap3A_405 = arith.constant 0 : index
        %swap3A_406 = tpu.vector_load %arg14[%swap3A_404, %swap3A_405] {strides = array<i32>} : memref<16x144xf32, #tpu.memory_space<vmem>>, vector<1x16xf32>,
        %swap3A_407 = vector.shape_cast %swap3A_406 : vector<1x16xf32> to vector<16xf32>
        %swap3A_408 = vector.shape_cast %mul3A_403 : vector<16xf32> to vector<1x16xf32>
        tpu.vector_store %arg14[%swap3A_404, %swap3A_405], %swap3A_408 {strides = array<i32>} : memref<16x144xf32, #tpu.memory_space<vmem>>, vector<1x16xf32>,
        %reshape3A_409 = vector.shape_cast %broadcast_in_dim3A_55 : vector<16xi32> to vector<16x1xi32>
        %gather3A_410 = vector.shape_cast %reshape3A_409 : vector<16x1xi32> to vector<16xi32>
        %gather3A_411 = tpu.dynamic_gather %exp3A[%gather3A_410] in [0] : vector<16xf32>, vector<16xi32> -> vector<16xf32>
        %mul3A_412 = arith.mulf %gather3A_411, %get3A_236 : vector<16xf32>
        %swap3A_413 = arith.index_cast %scan3A_227 : i32 to index
        %swap3A_414 = arith.constant 16 : index
        %swap3A_415 = tpu.vector_load %arg14[%swap3A_413, %swap3A_414] {strides = array<i32>} : memref<16x144xf32, #tpu.memory_space<vmem>>, vector<1x16xf32>,
        %swap3A_416 = vector.shape_cast %swap3A_415 : vector<1x16xf32> to vector<16xf32>
        %swap3A_417 = vector.shape_cast %mul3A_412 : vector<16xf32> to vector<1x16xf32>
        tpu.vector_store %arg14[%swap3A_413, %swap3A_414], %swap3A_417 {strides = array<i32>} : memref<16x144xf32, #tpu.memory_space<vmem>>, vector<1x16xf32>,
        %reshape3A_418 = vector.shape_cast %broadcast_in_dim3A_57 : vector<16xi32> to vector<16x1xi32>
        %gather3A_419 = vector.shape_cast %reshape3A_418 : vector<16x1xi32> to vector<16xi32>
        %gather3A_420 = tpu.dynamic_gather %exp3A[%gather3A_419] in [0] : vector<16xf32>, vector<16xi32> -> vector<16xf32>
        %mul3A_421 = arith.mulf %gather3A_420, %get3A_240 : vector<16xf32>
        %swap3A_422 = arith.index_cast %scan3A_227 : i32 to index
        %swap3A_423 = arith.constant 32 : index
        %swap3A_424 = tpu.vector_load %arg14[%swap3A_422, %swap3A_423] {strides = array<i32>} : memref<16x144xf32, #tpu.memory_space<vmem>>, vector<1x16xf32>,
        %swap3A_425 = vector.shape_cast %swap3A_424 : vector<1x16xf32> to vector<16xf32>
        %swap3A_426 = vector.shape_cast %mul3A_421 : vector<16xf32> to vector<1x16xf32>
        tpu.vector_store %arg14[%swap3A_422, %swap3A_423], %swap3A_426 {strides = array<i32>} : memref<16x144xf32, #tpu.memory_space<vmem>>, vector<1x16xf32>,
        %reshape3A_427 = vector.shape_cast %broadcast_in_dim3A_57 : vector<16xi32> to vector<16x1xi32>
        %gather3A_428 = vector.shape_cast %reshape3A_427 : vector<16x1xi32> to vector<16xi32>
        %gather3A_429 = tpu.dynamic_gather %exp3A[%gather3A_428] in [0] : vector<16xf32>, vector<16xi32> -> vector<16xf32>
        %mul3A_430 = arith.mulf %gather3A_429, %get3A_244 : vector<16xf32>
        %swap3A_431 = arith.index_cast %scan3A_227 : i32 to index
        %swap3A_432 = arith.constant 48 : index
        %swap3A_433 = tpu.vector_load %arg14[%swap3A_431, %swap3A_432] {strides = array<i32>} : memref<16x144xf32, #tpu.memory_space<vmem>>, vector<1x16xf32>,
        %swap3A_434 = vector.shape_cast %swap3A_433 : vector<1x16xf32> to vector<16xf32>
        %swap3A_435 = vector.shape_cast %mul3A_430 : vector<16xf32> to vector<1x16xf32>
        tpu.vector_store %arg14[%swap3A_431, %swap3A_432], %swap3A_435 {strides = array<i32>} : memref<16x144xf32, #tpu.memory_space<vmem>>, vector<1x16xf32>,
        %reshape3A_436 = vector.shape_cast %broadcast_in_dim3A_59 : vector<16xi32> to vector<16x1xi32>
        %gather3A_437 = vector.shape_cast %reshape3A_436 : vector<16x1xi32> to vector<16xi32>
        %gather3A_438 = tpu.dynamic_gather %exp3A[%gather3A_437] in [0] : vector<16xf32>, vector<16xi32> -> vector<16xf32>
        %mul3A_439 = arith.mulf %gather3A_438, %get3A_248 : vector<16xf32>
        %swap3A_440 = arith.index_cast %scan3A_227 : i32 to index
        %swap3A_441 = arith.constant 64 : index
        %swap3A_442 = tpu.vector_load %arg14[%swap3A_440, %swap3A_441] {strides = array<i32>} : memref<16x144xf32, #tpu.memory_space<vmem>>, vector<1x16xf32>,
        %swap3A_443 = vector.shape_cast %swap3A_442 : vector<1x16xf32> to vector<16xf32>
        %swap3A_444 = vector.shape_cast %mul3A_439 : vector<16xf32> to vector<1x16xf32>
        tpu.vector_store %arg14[%swap3A_440, %swap3A_441], %swap3A_444 {strides = array<i32>} : memref<16x144xf32, #tpu.memory_space<vmem>>, vector<1x16xf32>,
        %reshape3A_445 = vector.shape_cast %broadcast_in_dim3A_59 : vector<16xi32> to vector<16x1xi32>
        %gather3A_446 = vector.shape_cast %reshape3A_445 : vector<16x1xi32> to vector<16xi32>
        %gather3A_447 = tpu.dynamic_gather %exp3A[%gather3A_446] in [0] : vector<16xf32>, vector<16xi32> -> vector<16xf32>
        %mul3A_448 = arith.mulf %gather3A_447, %get3A_252 : vector<16xf32>
        %swap3A_449 = arith.index_cast %scan3A_227 : i32 to index
        %swap3A_450 = arith.constant 80 : index
        %swap3A_451 = tpu.vector_load %arg14[%swap3A_449, %swap3A_450] {strides = array<i32>} : memref<16x144xf32, #tpu.memory_space<vmem>>, vector<1x16xf32>,
        %swap3A_452 = vector.shape_cast %swap3A_451 : vector<1x16xf32> to vector<16xf32>
        %swap3A_453 = vector.shape_cast %mul3A_448 : vector<16xf32> to vector<1x16xf32>
        tpu.vector_store %arg14[%swap3A_449, %swap3A_450], %swap3A_453 {strides = array<i32>} : memref<16x144xf32, #tpu.memory_space<vmem>>, vector<1x16xf32>,
        %reshape3A_454 = vector.shape_cast %broadcast_in_dim3A_61 : vector<16xi32> to vector<16x1xi32>
        %gather3A_455 = vector.shape_cast %reshape3A_454 : vector<16x1xi32> to vector<16xi32>
        %gather3A_456 = tpu.dynamic_gather %exp3A[%gather3A_455] in [0] : vector<16xf32>, vector<16xi32> -> vector<16xf32>
        %mul3A_457 = arith.mulf %gather3A_456, %get3A_256 : vector<16xf32>
        %swap3A_458 = arith.index_cast %scan3A_227 : i32 to index
        %swap3A_459 = arith.constant 96 : index
        %swap3A_460 = tpu.vector_load %arg14[%swap3A_458, %swap3A_459] {strides = array<i32>} : memref<16x144xf32, #tpu.memory_space<vmem>>, vector<1x16xf32>,
        %swap3A_461 = vector.shape_cast %swap3A_460 : vector<1x16xf32> to vector<16xf32>
        %swap3A_462 = vector.shape_cast %mul3A_457 : vector<16xf32> to vector<1x16xf32>
        tpu.vector_store %arg14[%swap3A_458, %swap3A_459], %swap3A_462 {strides = array<i32>} : memref<16x144xf32, #tpu.memory_space<vmem>>, vector<1x16xf32>,
        %reshape3A_463 = vector.shape_cast %broadcast_in_dim3A_61 : vector<16xi32> to vector<16x1xi32>
        %gather3A_464 = vector.shape_cast %reshape3A_463 : vector<16x1xi32> to vector<16xi32>
        %gather3A_465 = tpu.dynamic_gather %exp3A[%gather3A_464] in [0] : vector<16xf32>, vector<16xi32> -> vector<16xf32>
        %mul3A_466 = arith.mulf %gather3A_465, %get3A_260 : vector<16xf32>
        %swap3A_467 = arith.index_cast %scan3A_227 : i32 to index
        %swap3A_468 = arith.constant 112 : index
        %swap3A_469 = tpu.vector_load %arg14[%swap3A_467, %swap3A_468] {strides = array<i32>} : memref<16x144xf32, #tpu.memory_space<vmem>>, vector<1x16xf32>,
        %swap3A_470 = vector.shape_cast %swap3A_469 : vector<1x16xf32> to vector<16xf32>
        %swap3A_471 = vector.shape_cast %mul3A_466 : vector<16xf32> to vector<1x16xf32>
        tpu.vector_store %arg14[%swap3A_467, %swap3A_468], %swap3A_471 {strides = array<i32>} : memref<16x144xf32, #tpu.memory_space<vmem>>, vector<1x16xf32>,
        %scan3A_472 = arith.constant 0 : i32
        scf.yield %scan3A_472 : i32
      }
      %scan3A_167 = arith.constant 16 : i32
      %mul3A_168 = arith.constant 16 : i32
      %mul3A_169 = arith.muli %mul3A_135, %mul3A_168 : i32
      %add3A_170 = arith.constant 0 : i32
      %add3A_171 = arith.addi %mul3A_169, %add3A_170 : i32
      %multiple_of3A_172 = tpu.assume_multiple %add3A_171, 8 : i32
      %get3A_173 = arith.index_cast %multiple_of3A_172 : i32 to index
      %get3A_174 = tpu.vector_load %arg9[%get3A_173] {strides = array<i32>} : memref<10000xi32, #tpu.memory_space<vmem>>, vector<16xi32>,
      %get3A_175 = vector.shape_cast %get3A_174 : vector<16xi32> to vector<16xi32>
      %dma_start3A_176 = arith.constant 0 : i32
      %dma_start3A_177 = arith.constant 0 : i32
      %dma_start3A_178 = tpu.memref_slice %arg14[%dma_start3A_176, %dma_start3A_177] : memref<16x144xf32, #tpu.memory_space<vmem>> -> memref<16x144xf32, #tpu.memory_space<vmem>>
      %dma_start3A_179 = arith.constant 0 : i32
      %dma_start3A_180 = arith.constant 0 : i32
      %dma_start3A_181 = tpu.memref_slice %arg17[%dma_start3A_179, %dma_start3A_180] : memref<10240x144xf32, #tpu.memory_space<vmem_shared>> -> memref<10240x144xf32, #tpu.memory_space<vmem_shared>>
      tpu.enqueue_indirect_dma source(%dma_start3A_178 : memref<16x144xf32, #tpu.memory_space<vmem>>) target(%dma_start3A_181 : memref<10240x144xf32, #tpu.memory_space<vmem_shared>>) offsets(%get3A_175 : vector<16xi32>) semaphore(%arg20 : memref<!tpu.dma_semaphore, #tpu.memory_space<semaphore_mem>>) {add = true}
      %add3A_182 = arith.constant 1 : i32
      %add3A_183 = arith.addi %mul3A_135, %add3A_182 : i32
      %add3A_184 = arith.constant 1 : i32
      %add3A_185 = arith.addi %add3A_183, %add3A_184 : i32
      %lt3A = arith.constant 625 : i32
      %lt3A_186 = arith.cmpi slt, %add3A_185, %lt3A : i32
      %convert_element_type3A_187 = arith.extui %lt3A_186 : i1 to i32
      %cond3A_188 = arith.constant 0 : i32
      %cond3A_189 = arith.cmpi ne, %convert_element_type3A_187, %cond3A_188 : i32
      scf.if %cond3A_189 {
        %add3A_227 = arith.constant 1 : i32
        %add3A_228 = arith.addi %add3A_183, %add3A_227 : i32
        %mul3A_229 = arith.constant 16 : i32
        %mul3A_230 = arith.muli %add3A_228, %mul3A_229 : i32
        %multiple_of3A_231 = tpu.assume_multiple %mul3A_230, 8 : i32
        %dma_start3A_232 = tpu.memref_slice %arg8[%multiple_of3A_231] : memref<10000xi32, #tpu.memory_space<vmem>> -> memref<16xi32, #tpu.memory_space<vmem>>
        %dma_start3A_233 = arith.constant 0 : i32
        %dma_start3A_234 = arith.constant 0 : i32
        %dma_start3A_235 = tpu.memref_slice %arg3[%dma_start3A_233, %dma_start3A_234] : memref<10000x144xf32, #tpu.memory_space<hbm>> -> memref<10000x144xf32, #tpu.memory_space<hbm>>
        tpu.enqueue_indirect_dma source(%dma_start3A_235 : memref<10000x144xf32, #tpu.memory_space<hbm>>) target(%arg10 : memref<16x144xf32, #tpu.memory_space<vmem>>) offsets(%dma_start3A_232 : memref<16xi32, #tpu.memory_space<vmem>>) semaphore(%arg18 : memref<!tpu.dma_semaphore, #tpu.memory_space<semaphore_mem>>)
        %dma_start3A_236 = tpu.memref_slice %arg9[%multiple_of3A_231] : memref<10000xi32, #tpu.memory_space<vmem>> -> memref<16xi32, #tpu.memory_space<vmem>>
        %dma_start3A_237 = arith.constant 0 : i32
        %dma_start3A_238 = arith.constant 0 : i32
        %dma_start3A_239 = tpu.memref_slice %arg4[%dma_start3A_237, %dma_start3A_238] : memref<10000x144xf32, #tpu.memory_space<hbm>> -> memref<10000x144xf32, #tpu.memory_space<hbm>>
        tpu.enqueue_indirect_dma source(%dma_start3A_239 : memref<10000x144xf32, #tpu.memory_space<hbm>>) target(%arg11 : memref<16x144xf32, #tpu.memory_space<vmem>>) offsets(%dma_start3A_236 : memref<16xi32, #tpu.memory_space<vmem>>) semaphore(%arg18 : memref<!tpu.dma_semaphore, #tpu.memory_space<semaphore_mem>>)
      } else {
      }
      %dma_wait3A_190 = arith.constant 0 : i32
      %dma_wait3A_191 = tpu.memref_slice %arg8[%dma_wait3A_190] : memref<10000xi32, #tpu.memory_space<vmem>> -> memref<16xi32, #tpu.memory_space<vmem>>
      %dma_wait3A_192 = arith.constant 0 : i32
      %dma_wait3A_193 = arith.constant 0 : i32
      %dma_wait3A_194 = tpu.memref_slice %arg3[%dma_wait3A_192, %dma_wait3A_193] : memref<10000x144xf32, #tpu.memory_space<hbm>> -> memref<10000x144xf32, #tpu.memory_space<hbm>>
      tpu.wait_indirect_dma semaphore(%arg19 : memref<!tpu.dma_semaphore, #tpu.memory_space<semaphore_mem>>) src(%dma_wait3A_194 : memref<10000x144xf32, #tpu.memory_space<hbm>>) dst(%arg12 : memref<16x144xf32, #tpu.memory_space<vmem>>)
      %dma_wait3A_195 = arith.constant 0 : i32
      %dma_wait3A_196 = tpu.memref_slice %arg9[%dma_wait3A_195] : memref<10000xi32, #tpu.memory_space<vmem>> -> memref<16xi32, #tpu.memory_space<vmem>>
      %dma_wait3A_197 = arith.constant 0 : i32
      %dma_wait3A_198 = arith.constant 0 : i32
      %dma_wait3A_199 = tpu.memref_slice %arg4[%dma_wait3A_197, %dma_wait3A_198] : memref<10000x144xf32, #tpu.memory_space<hbm>> -> memref<10000x144xf32, #tpu.memory_space<hbm>>
      tpu.wait_indirect_dma semaphore(%arg19 : memref<!tpu.dma_semaphore, #tpu.memory_space<semaphore_mem>>) src(%dma_wait3A_199 : memref<10000x144xf32, #tpu.memory_space<hbm>>) dst(%arg13 : memref<16x144xf32, #tpu.memory_space<vmem>>)
      %gt3A_200 = arith.constant 0 : i32
      %gt3A_201 = arith.cmpi sgt, %scan3A_132, %gt3A_200 : i32
      %convert_element_type3A_202 = arith.extui %gt3A_201 : i1 to i32
      %cond3A_203 = arith.constant 0 : i32
      %cond3A_204 = arith.cmpi ne, %convert_element_type3A_202, %cond3A_203 : i32
      scf.if %cond3A_204 {
        %get3A_227 = arith.constant 0 : index
        %get3A_228 = tpu.vector_load %arg9[%get3A_227] {strides = array<i32>} : memref<10000xi32, #tpu.memory_space<vmem>>, vector<16xi32>,
        %get3A_229 = vector.shape_cast %get3A_228 : vector<16xi32> to vector<16xi32>
        %dma_wait3A_230 = arith.constant 0 : i32
        %dma_wait3A_231 = arith.constant 0 : i32
        %dma_wait3A_232 = tpu.memref_slice %arg15[%dma_wait3A_230, %dma_wait3A_231] : memref<16x144xf32, #tpu.memory_space<vmem>> -> memref<16x144xf32, #tpu.memory_space<vmem>>
        %dma_wait3A_233 = arith.constant 0 : i32
        %dma_wait3A_234 = arith.constant 0 : i32
        %dma_wait3A_235 = tpu.memref_slice %arg17[%dma_wait3A_233, %dma_wait3A_234] : memref<10240x144xf32, #tpu.memory_space<vmem_shared>> -> memref<10240x144xf32, #tpu.memory_space<vmem_shared>>
        tpu.wait_indirect_dma semaphore(%arg21 : memref<!tpu.dma_semaphore, #tpu.memory_space<semaphore_mem>>) src(%dma_wait3A_232 : memref<16x144xf32, #tpu.memory_space<vmem>>) dst(%dma_wait3A_235 : memref<10240x144xf32, #tpu.memory_space<vmem_shared>>)
      } else {
      }
      %scan3A_205 = arith.constant 0 : i32
      %scan3A_206 = arith.constant 0 : i32
      %scan3A_207 = arith.constant 16 : i32
      %scan3A_208 = arith.addi %scan3A_206, %scan3A_207 : i32
      %scan3A_209 = arith.constant 1 : i32
      %scan3A_210 = scf.for %scan3A_227 = %scan3A_206 to %scan3A_208 step %scan3A_209 iter_args(%scan3A_228 = %scan3A_205) -> (i32)  : i32 {
        %get3A_229 = arith.index_cast %scan3A_227 : i32 to index
        %get3A_230 = arith.constant 0 : index
        %get3A_231 = tpu.vector_load %arg12[%get3A_229, %get3A_230] {strides = array<i32>} : memref<16x144xf32, #tpu.memory_space<vmem>>, vector<1x16xf32>,
        %get3A_232 = vector.shape_cast %get3A_231 : vector<1x16xf32> to vector<16xf32>
        %get3A_233 = arith.index_cast %scan3A_227 : i32 to index
        %get3A_234 = arith.constant 16 : index
        %get3A_235 = tpu.vector_load %arg12[%get3A_233, %get3A_234] {strides = array<i32>} : memref<16x144xf32, #tpu.memory_space<vmem>>, vector<1x16xf32>,
        %get3A_236 = vector.shape_cast %get3A_235 : vector<1x16xf32> to vector<16xf32>
        %get3A_237 = arith.index_cast %scan3A_227 : i32 to index
        %get3A_238 = arith.constant 32 : index
        %get3A_239 = tpu.vector_load %arg12[%get3A_237, %get3A_238] {strides = array<i32>} : memref<16x144xf32, #tpu.memory_space<vmem>>, vector<1x16xf32>,
        %get3A_240 = vector.shape_cast %get3A_239 : vector<1x16xf32> to vector<16xf32>
        %get3A_241 = arith.index_cast %scan3A_227 : i32 to index
        %get3A_242 = arith.constant 48 : index
        %get3A_243 = tpu.vector_load %arg12[%get3A_241, %get3A_242] {strides = array<i32>} : memref<16x144xf32, #tpu.memory_space<vmem>>, vector<1x16xf32>,
        %get3A_244 = vector.shape_cast %get3A_243 : vector<1x16xf32> to vector<16xf32>
        %get3A_245 = arith.index_cast %scan3A_227 : i32 to index
        %get3A_246 = arith.constant 64 : index
        %get3A_247 = tpu.vector_load %arg12[%get3A_245, %get3A_246] {strides = array<i32>} : memref<16x144xf32, #tpu.memory_space<vmem>>, vector<1x16xf32>,
        %get3A_248 = vector.shape_cast %get3A_247 : vector<1x16xf32> to vector<16xf32>
        %get3A_249 = arith.index_cast %scan3A_227 : i32 to index
        %get3A_250 = arith.constant 80 : index
        %get3A_251 = tpu.vector_load %arg12[%get3A_249, %get3A_250] {strides = array<i32>} : memref<16x144xf32, #tpu.memory_space<vmem>>, vector<1x16xf32>,
        %get3A_252 = vector.shape_cast %get3A_251 : vector<1x16xf32> to vector<16xf32>
        %get3A_253 = arith.index_cast %scan3A_227 : i32 to index
        %get3A_254 = arith.constant 96 : index
        %get3A_255 = tpu.vector_load %arg12[%get3A_253, %get3A_254] {strides = array<i32>} : memref<16x144xf32, #tpu.memory_space<vmem>>, vector<1x16xf32>,
        %get3A_256 = vector.shape_cast %get3A_255 : vector<1x16xf32> to vector<16xf32>
        %get3A_257 = arith.index_cast %scan3A_227 : i32 to index
        %get3A_258 = arith.constant 112 : index
        %get3A_259 = tpu.vector_load %arg12[%get3A_257, %get3A_258] {strides = array<i32>} : memref<16x144xf32, #tpu.memory_space<vmem>>, vector<1x16xf32>,
        %get3A_260 = vector.shape_cast %get3A_259 : vector<1x16xf32> to vector<16xf32>
        %get3A_261 = arith.index_cast %scan3A_227 : i32 to index
        %get3A_262 = arith.constant 128 : index
        %get3A_263 = tpu.vector_load %arg12[%get3A_261, %get3A_262] {strides = array<i32>} : memref<16x144xf32, #tpu.memory_space<vmem>>, vector<1x16xf32>,
        %get3A_264 = vector.shape_cast %get3A_263 : vector<1x16xf32> to vector<16xf32>
        %get3A_265 = arith.index_cast %scan3A_227 : i32 to index
        %get3A_266 = arith.constant 0 : index
        %get3A_267 = tpu.vector_load %arg13[%get3A_265, %get3A_266] {strides = array<i32>} : memref<16x144xf32, #tpu.memory_space<vmem>>, vector<1x16xf32>,
        %get3A_268 = vector.shape_cast %get3A_267 : vector<1x16xf32> to vector<16xf32>
        %add3A_269 = arith.addf %get3A_232, %get3A_268 : vector<16xf32>
        %get3A_270 = arith.index_cast %scan3A_227 : i32 to index
        %get3A_271 = arith.constant 16 : index
        %get3A_272 = tpu.vector_load %arg13[%get3A_270, %get3A_271] {strides = array<i32>} : memref<16x144xf32, #tpu.memory_space<vmem>>, vector<1x16xf32>,
        %get3A_273 = vector.shape_cast %get3A_272 : vector<1x16xf32> to vector<16xf32>
        %add3A_274 = arith.addf %get3A_236, %get3A_273 : vector<16xf32>
        %get3A_275 = arith.index_cast %scan3A_227 : i32 to index
        %get3A_276 = arith.constant 32 : index
        %get3A_277 = tpu.vector_load %arg13[%get3A_275, %get3A_276] {strides = array<i32>} : memref<16x144xf32, #tpu.memory_space<vmem>>, vector<1x16xf32>,
        %get3A_278 = vector.shape_cast %get3A_277 : vector<1x16xf32> to vector<16xf32>
        %add3A_279 = arith.addf %get3A_240, %get3A_278 : vector<16xf32>
        %get3A_280 = arith.index_cast %scan3A_227 : i32 to index
        %get3A_281 = arith.constant 48 : index
        %get3A_282 = tpu.vector_load %arg13[%get3A_280, %get3A_281] {strides = array<i32>} : memref<16x144xf32, #tpu.memory_space<vmem>>, vector<1x16xf32>,
        %get3A_283 = vector.shape_cast %get3A_282 : vector<1x16xf32> to vector<16xf32>
        %add3A_284 = arith.addf %get3A_244, %get3A_283 : vector<16xf32>
        %get3A_285 = arith.index_cast %scan3A_227 : i32 to index
        %get3A_286 = arith.constant 64 : index
        %get3A_287 = tpu.vector_load %arg13[%get3A_285, %get3A_286] {strides = array<i32>} : memref<16x144xf32, #tpu.memory_space<vmem>>, vector<1x16xf32>,
        %get3A_288 = vector.shape_cast %get3A_287 : vector<1x16xf32> to vector<16xf32>
        %add3A_289 = arith.addf %get3A_248, %get3A_288 : vector<16xf32>
        %get3A_290 = arith.index_cast %scan3A_227 : i32 to index
        %get3A_291 = arith.constant 80 : index
        %get3A_292 = tpu.vector_load %arg13[%get3A_290, %get3A_291] {strides = array<i32>} : memref<16x144xf32, #tpu.memory_space<vmem>>, vector<1x16xf32>,
        %get3A_293 = vector.shape_cast %get3A_292 : vector<1x16xf32> to vector<16xf32>
        %add3A_294 = arith.addf %get3A_252, %get3A_293 : vector<16xf32>
        %get3A_295 = arith.index_cast %scan3A_227 : i32 to index
        %get3A_296 = arith.constant 96 : index
        %get3A_297 = tpu.vector_load %arg13[%get3A_295, %get3A_296] {strides = array<i32>} : memref<16x144xf32, #tpu.memory_space<vmem>>, vector<1x16xf32>,
        %get3A_298 = vector.shape_cast %get3A_297 : vector<1x16xf32> to vector<16xf32>
        %add3A_299 = arith.addf %get3A_256, %get3A_298 : vector<16xf32>
        %get3A_300 = arith.index_cast %scan3A_227 : i32 to index
        %get3A_301 = arith.constant 112 : index
        %get3A_302 = tpu.vector_load %arg13[%get3A_300, %get3A_301] {strides = array<i32>} : memref<16x144xf32, #tpu.memory_space<vmem>>, vector<1x16xf32>,
        %get3A_303 = vector.shape_cast %get3A_302 : vector<1x16xf32> to vector<16xf32>
        %add3A_304 = arith.addf %get3A_260, %get3A_303 : vector<16xf32>
        %get3A_305 = arith.index_cast %scan3A_227 : i32 to index
        %get3A_306 = arith.constant 128 : index
        %get3A_307 = tpu.vector_load %arg13[%get3A_305, %get3A_306] {strides = array<i32>} : memref<16x144xf32, #tpu.memory_space<vmem>>, vector<1x16xf32>,
        %get3A_308 = vector.shape_cast %get3A_307 : vector<1x16xf32> to vector<16xf32>
        %add3A_309 = arith.addf %get3A_264, %get3A_308 : vector<16xf32>
        %abs3A = math.absf %add3A_269 : vector<16xf32>
        %mul3A_310 = arith.mulf %abs3A, %get3A_12 : vector<16xf32>
        %abs3A_311 = math.absf %add3A_274 : vector<16xf32>
        %mul3A_312 = arith.mulf %abs3A_311, %get3A_15 : vector<16xf32>
        %abs3A_313 = math.absf %add3A_279 : vector<16xf32>
        %mul3A_314 = arith.mulf %abs3A_313, %get3A_18 : vector<16xf32>
        %abs3A_315 = math.absf %add3A_284 : vector<16xf32>
        %mul3A_316 = arith.mulf %abs3A_315, %get3A_21 : vector<16xf32>
        %abs3A_317 = math.absf %add3A_289 : vector<16xf32>
        %mul3A_318 = arith.mulf %abs3A_317, %get3A_24 : vector<16xf32>
        %abs3A_319 = math.absf %add3A_294 : vector<16xf32>
        %mul3A_320 = arith.mulf %abs3A_319, %get3A_27 : vector<16xf32>
        %abs3A_321 = math.absf %add3A_299 : vector<16xf32>
        %mul3A_322 = arith.mulf %abs3A_321, %get3A_30 : vector<16xf32>
        %abs3A_323 = math.absf %add3A_304 : vector<16xf32>
        %mul3A_324 = arith.mulf %abs3A_323, %get3A_33 : vector<16xf32>
        %add3A_325 = arith.addf %mul3A_310, %mul3A_312 : vector<16xf32>
        %add3A_326 = arith.addf %mul3A_314, %mul3A_316 : vector<16xf32>
        %add3A_327 = arith.addf %mul3A_318, %mul3A_320 : vector<16xf32>
        %add3A_328 = arith.addf %mul3A_322, %mul3A_324 : vector<16xf32>
        %reshape3A = vector.shape_cast %xor3A_35 : vector<16xi32> to vector<16x1xi32>
        %gather3A = vector.shape_cast %reshape3A : vector<16x1xi32> to vector<16xi32>
        %gather3A_329 = tpu.dynamic_gather %add3A_325[%gather3A] in [0] : vector<16xf32>, vector<16xi32> -> vector<16xf32>
        %add3A_330 = arith.addf %add3A_325, %gather3A_329 : vector<16xf32>
        %reshape3A_331 = vector.shape_cast %xor3A_35 : vector<16xi32> to vector<16x1xi32>
        %gather3A_332 = vector.shape_cast %reshape3A_331 : vector<16x1xi32> to vector<16xi32>
        %gather3A_333 = tpu.dynamic_gather %add3A_326[%gather3A_332] in [0] : vector<16xf32>, vector<16xi32> -> vector<16xf32>
        %add3A_334 = arith.addf %add3A_326, %gather3A_333 : vector<16xf32>
        %reshape3A_335 = vector.shape_cast %xor3A_35 : vector<16xi32> to vector<16x1xi32>
        %gather3A_336 = vector.shape_cast %reshape3A_335 : vector<16x1xi32> to vector<16xi32>
        %gather3A_337 = tpu.dynamic_gather %add3A_327[%gather3A_336] in [0] : vector<16xf32>, vector<16xi32> -> vector<16xf32>
        %add3A_338 = arith.addf %add3A_327, %gather3A_337 : vector<16xf32>
        %reshape3A_339 = vector.shape_cast %xor3A_35 : vector<16xi32> to vector<16x1xi32>
        %gather3A_340 = vector.shape_cast %reshape3A_339 : vector<16x1xi32> to vector<16xi32>
        %gather3A_341 = tpu.dynamic_gather %add3A_328[%gather3A_340] in [0] : vector<16xf32>, vector<16xi32> -> vector<16xf32>
        %add3A_342 = arith.addf %add3A_328, %gather3A_341 : vector<16xf32>
        %reshape3A_343 = vector.shape_cast %xor3A_38 : vector<16xi32> to vector<16x1xi32>
        %gather3A_344 = vector.shape_cast %reshape3A_343 : vector<16x1xi32> to vector<16xi32>
        %gather3A_345 = tpu.dynamic_gather %add3A_330[%gather3A_344] in [0] : vector<16xf32>, vector<16xi32> -> vector<16xf32>
        %add3A_346 = arith.addf %add3A_330, %gather3A_345 : vector<16xf32>
        %reshape3A_347 = vector.shape_cast %xor3A_38 : vector<16xi32> to vector<16x1xi32>
        %gather3A_348 = vector.shape_cast %reshape3A_347 : vector<16x1xi32> to vector<16xi32>
        %gather3A_349 = tpu.dynamic_gather %add3A_334[%gather3A_348] in [0] : vector<16xf32>, vector<16xi32> -> vector<16xf32>
        %add3A_350 = arith.addf %add3A_334, %gather3A_349 : vector<16xf32>
        %reshape3A_351 = vector.shape_cast %xor3A_38 : vector<16xi32> to vector<16x1xi32>
        %gather3A_352 = vector.shape_cast %reshape3A_351 : vector<16x1xi32> to vector<16xi32>
        %gather3A_353 = tpu.dynamic_gather %add3A_338[%gather3A_352] in [0] : vector<16xf32>, vector<16xi32> -> vector<16xf32>
        %add3A_354 = arith.addf %add3A_338, %gather3A_353 : vector<16xf32>
        %reshape3A_355 = vector.shape_cast %xor3A_38 : vector<16xi32> to vector<16x1xi32>
        %gather3A_356 = vector.shape_cast %reshape3A_355 : vector<16x1xi32> to vector<16xi32>
        %gather3A_357 = tpu.dynamic_gather %add3A_342[%gather3A_356] in [0] : vector<16xf32>, vector<16xi32> -> vector<16xf32>
        %add3A_358 = arith.addf %add3A_342, %gather3A_357 : vector<16xf32>
        %reshape3A_359 = vector.shape_cast %and3A_46 : vector<16xi32> to vector<16x1xi32>
        %gather3A_360 = vector.shape_cast %reshape3A_359 : vector<16x1xi32> to vector<16xi32>
        %gather3A_361 = tpu.dynamic_gather %add3A_346[%gather3A_360] in [0] : vector<16xf32>, vector<16xi32> -> vector<16xf32>
        %reshape3A_362 = vector.shape_cast %and3A_46 : vector<16xi32> to vector<16x1xi32>
        %gather3A_363 = vector.shape_cast %reshape3A_362 : vector<16x1xi32> to vector<16xi32>
        %gather3A_364 = tpu.dynamic_gather %add3A_350[%gather3A_363] in [0] : vector<16xf32>, vector<16xi32> -> vector<16xf32>
        %reshape3A_365 = vector.shape_cast %and3A_46 : vector<16xi32> to vector<16x1xi32>
        %gather3A_366 = vector.shape_cast %reshape3A_365 : vector<16x1xi32> to vector<16xi32>
        %gather3A_367 = tpu.dynamic_gather %add3A_354[%gather3A_366] in [0] : vector<16xf32>, vector<16xi32> -> vector<16xf32>
        %reshape3A_368 = vector.shape_cast %and3A_46 : vector<16xi32> to vector<16x1xi32>
        %gather3A_369 = vector.shape_cast %reshape3A_368 : vector<16x1xi32> to vector<16xi32>
        %gather3A_370 = tpu.dynamic_gather %add3A_358[%gather3A_369] in [0] : vector<16xf32>, vector<16xi32> -> vector<16xf32>
        %eq3A = arith.constant 1 : i32
        %eq3A_371 = vector.broadcast %eq3A : i32 to vector<16xi32>
        %eq3A_372 = arith.cmpi eq, %shift_right_logical3A_48, %eq3A_371 : vector<16xi32>
        %eq3A_373 = arith.constant 2 : i32
        %eq3A_374 = vector.broadcast %eq3A_373 : i32 to vector<16xi32>
        %eq3A_375 = arith.cmpi eq, %shift_right_logical3A_48, %eq3A_374 : vector<16xi32>
        %eq3A_376 = arith.constant 3 : i32
        %eq3A_377 = vector.broadcast %eq3A_376 : i32 to vector<16xi32>
        %eq3A_378 = arith.cmpi eq, %shift_right_logical3A_48, %eq3A_377 : vector<16xi32>
        %select_n3A = arith.select %eq3A_378, %gather3A_370, %gather3A_361 : vector<16xi1>, vector<16xf32>
        %select_n3A_379 = arith.select %eq3A_375, %gather3A_367, %select_n3A : vector<16xi1>, vector<16xf32>
        %select_n3A_380 = arith.select %eq3A_372, %gather3A_364, %select_n3A_379 : vector<16xi1>, vector<16xf32>
        %reshape3A_381 = vector.shape_cast %xor3A_41 : vector<16xi32> to vector<16x1xi32>
        %gather3A_382 = vector.shape_cast %reshape3A_381 : vector<16x1xi32> to vector<16xi32>
        %gather3A_383 = tpu.dynamic_gather %select_n3A_380[%gather3A_382] in [0] : vector<16xf32>, vector<16xi32> -> vector<16xf32>
        %add3A_384 = arith.addf %select_n3A_380, %gather3A_383 : vector<16xf32>
        %reshape3A_385 = vector.shape_cast %xor3A_44 : vector<16xi32> to vector<16x1xi32>
        %gather3A_386 = vector.shape_cast %reshape3A_385 : vector<16x1xi32> to vector<16xi32>
        %gather3A_387 = tpu.dynamic_gather %add3A_384[%gather3A_386] in [0] : vector<16xf32>, vector<16xi32> -> vector<16xf32>
        %add3A_388 = arith.addf %add3A_384, %gather3A_387 : vector<16xf32>
        %reshape3A_389 = vector.shape_cast %shift_right_logical3A_48 : vector<16xi32> to vector<16x1xi32>
        %gather3A_390 = vector.shape_cast %reshape3A_389 : vector<16x1xi32> to vector<16xi32>
        %gather3A_391 = tpu.dynamic_gather %add3A_309[%gather3A_390] in [0] : vector<16xf32>, vector<16xi32> -> vector<16xf32>
        %add3A_392 = arith.addf %add3A_388, %gather3A_391 : vector<16xf32>
        %exp3A = math.exp %add3A_392 : vector<16xf32>
        %reshape3A_393 = vector.shape_cast %and3A_54 : vector<16xi32> to vector<16x1xi32>
        %gather3A_394 = vector.shape_cast %reshape3A_393 : vector<16x1xi32> to vector<16xi32>
        %gather3A_395 = tpu.dynamic_gather %exp3A[%gather3A_394] in [0] : vector<16xf32>, vector<16xi32> -> vector<16xf32>
        %swap3A = arith.index_cast %scan3A_227 : i32 to index
        %swap3A_396 = arith.constant 128 : index
        %swap3A_397 = tpu.vector_load %arg15[%swap3A, %swap3A_396] {strides = array<i32>} : memref<16x144xf32, #tpu.memory_space<vmem>>, vector<1x16xf32>,
        %swap3A_398 = vector.shape_cast %swap3A_397 : vector<1x16xf32> to vector<16xf32>
        %swap3A_399 = vector.shape_cast %gather3A_395 : vector<16xf32> to vector<1x16xf32>
        tpu.vector_store %arg15[%swap3A, %swap3A_396], %swap3A_399 {strides = array<i32>} : memref<16x144xf32, #tpu.memory_space<vmem>>, vector<1x16xf32>,
        %reshape3A_400 = vector.shape_cast %broadcast_in_dim3A_55 : vector<16xi32> to vector<16x1xi32>
        %gather3A_401 = vector.shape_cast %reshape3A_400 : vector<16x1xi32> to vector<16xi32>
        %gather3A_402 = tpu.dynamic_gather %exp3A[%gather3A_401] in [0] : vector<16xf32>, vector<16xi32> -> vector<16xf32>
        %mul3A_403 = arith.mulf %gather3A_402, %get3A_232 : vector<16xf32>
        %swap3A_404 = arith.index_cast %scan3A_227 : i32 to index
        %swap3A_405 = arith.constant 0 : index
        %swap3A_406 = tpu.vector_load %arg15[%swap3A_404, %swap3A_405] {strides = array<i32>} : memref<16x144xf32, #tpu.memory_space<vmem>>, vector<1x16xf32>,
        %swap3A_407 = vector.shape_cast %swap3A_406 : vector<1x16xf32> to vector<16xf32>
        %swap3A_408 = vector.shape_cast %mul3A_403 : vector<16xf32> to vector<1x16xf32>
        tpu.vector_store %arg15[%swap3A_404, %swap3A_405], %swap3A_408 {strides = array<i32>} : memref<16x144xf32, #tpu.memory_space<vmem>>, vector<1x16xf32>,
        %reshape3A_409 = vector.shape_cast %broadcast_in_dim3A_55 : vector<16xi32> to vector<16x1xi32>
        %gather3A_410 = vector.shape_cast %reshape3A_409 : vector<16x1xi32> to vector<16xi32>
        %gather3A_411 = tpu.dynamic_gather %exp3A[%gather3A_410] in [0] : vector<16xf32>, vector<16xi32> -> vector<16xf32>
        %mul3A_412 = arith.mulf %gather3A_411, %get3A_236 : vector<16xf32>
        %swap3A_413 = arith.index_cast %scan3A_227 : i32 to index
        %swap3A_414 = arith.constant 16 : index
        %swap3A_415 = tpu.vector_load %arg15[%swap3A_413, %swap3A_414] {strides = array<i32>} : memref<16x144xf32, #tpu.memory_space<vmem>>, vector<1x16xf32>,
        %swap3A_416 = vector.shape_cast %swap3A_415 : vector<1x16xf32> to vector<16xf32>
        %swap3A_417 = vector.shape_cast %mul3A_412 : vector<16xf32> to vector<1x16xf32>
        tpu.vector_store %arg15[%swap3A_413, %swap3A_414], %swap3A_417 {strides = array<i32>} : memref<16x144xf32, #tpu.memory_space<vmem>>, vector<1x16xf32>,
        %reshape3A_418 = vector.shape_cast %broadcast_in_dim3A_57 : vector<16xi32> to vector<16x1xi32>
        %gather3A_419 = vector.shape_cast %reshape3A_418 : vector<16x1xi32> to vector<16xi32>
        %gather3A_420 = tpu.dynamic_gather %exp3A[%gather3A_419] in [0] : vector<16xf32>, vector<16xi32> -> vector<16xf32>
        %mul3A_421 = arith.mulf %gather3A_420, %get3A_240 : vector<16xf32>
        %swap3A_422 = arith.index_cast %scan3A_227 : i32 to index
        %swap3A_423 = arith.constant 32 : index
        %swap3A_424 = tpu.vector_load %arg15[%swap3A_422, %swap3A_423] {strides = array<i32>} : memref<16x144xf32, #tpu.memory_space<vmem>>, vector<1x16xf32>,
        %swap3A_425 = vector.shape_cast %swap3A_424 : vector<1x16xf32> to vector<16xf32>
        %swap3A_426 = vector.shape_cast %mul3A_421 : vector<16xf32> to vector<1x16xf32>
        tpu.vector_store %arg15[%swap3A_422, %swap3A_423], %swap3A_426 {strides = array<i32>} : memref<16x144xf32, #tpu.memory_space<vmem>>, vector<1x16xf32>,
        %reshape3A_427 = vector.shape_cast %broadcast_in_dim3A_57 : vector<16xi32> to vector<16x1xi32>
        %gather3A_428 = vector.shape_cast %reshape3A_427 : vector<16x1xi32> to vector<16xi32>
        %gather3A_429 = tpu.dynamic_gather %exp3A[%gather3A_428] in [0] : vector<16xf32>, vector<16xi32> -> vector<16xf32>
        %mul3A_430 = arith.mulf %gather3A_429, %get3A_244 : vector<16xf32>
        %swap3A_431 = arith.index_cast %scan3A_227 : i32 to index
        %swap3A_432 = arith.constant 48 : index
        %swap3A_433 = tpu.vector_load %arg15[%swap3A_431, %swap3A_432] {strides = array<i32>} : memref<16x144xf32, #tpu.memory_space<vmem>>, vector<1x16xf32>,
        %swap3A_434 = vector.shape_cast %swap3A_433 : vector<1x16xf32> to vector<16xf32>
        %swap3A_435 = vector.shape_cast %mul3A_430 : vector<16xf32> to vector<1x16xf32>
        tpu.vector_store %arg15[%swap3A_431, %swap3A_432], %swap3A_435 {strides = array<i32>} : memref<16x144xf32, #tpu.memory_space<vmem>>, vector<1x16xf32>,
        %reshape3A_436 = vector.shape_cast %broadcast_in_dim3A_59 : vector<16xi32> to vector<16x1xi32>
        %gather3A_437 = vector.shape_cast %reshape3A_436 : vector<16x1xi32> to vector<16xi32>
        %gather3A_438 = tpu.dynamic_gather %exp3A[%gather3A_437] in [0] : vector<16xf32>, vector<16xi32> -> vector<16xf32>
        %mul3A_439 = arith.mulf %gather3A_438, %get3A_248 : vector<16xf32>
        %swap3A_440 = arith.index_cast %scan3A_227 : i32 to index
        %swap3A_441 = arith.constant 64 : index
        %swap3A_442 = tpu.vector_load %arg15[%swap3A_440, %swap3A_441] {strides = array<i32>} : memref<16x144xf32, #tpu.memory_space<vmem>>, vector<1x16xf32>,
        %swap3A_443 = vector.shape_cast %swap3A_442 : vector<1x16xf32> to vector<16xf32>
        %swap3A_444 = vector.shape_cast %mul3A_439 : vector<16xf32> to vector<1x16xf32>
        tpu.vector_store %arg15[%swap3A_440, %swap3A_441], %swap3A_444 {strides = array<i32>} : memref<16x144xf32, #tpu.memory_space<vmem>>, vector<1x16xf32>,
        %reshape3A_445 = vector.shape_cast %broadcast_in_dim3A_59 : vector<16xi32> to vector<16x1xi32>
        %gather3A_446 = vector.shape_cast %reshape3A_445 : vector<16x1xi32> to vector<16xi32>
        %gather3A_447 = tpu.dynamic_gather %exp3A[%gather3A_446] in [0] : vector<16xf32>, vector<16xi32> -> vector<16xf32>
        %mul3A_448 = arith.mulf %gather3A_447, %get3A_252 : vector<16xf32>
        %swap3A_449 = arith.index_cast %scan3A_227 : i32 to index
        %swap3A_450 = arith.constant 80 : index
        %swap3A_451 = tpu.vector_load %arg15[%swap3A_449, %swap3A_450] {strides = array<i32>} : memref<16x144xf32, #tpu.memory_space<vmem>>, vector<1x16xf32>,
        %swap3A_452 = vector.shape_cast %swap3A_451 : vector<1x16xf32> to vector<16xf32>
        %swap3A_453 = vector.shape_cast %mul3A_448 : vector<16xf32> to vector<1x16xf32>
        tpu.vector_store %arg15[%swap3A_449, %swap3A_450], %swap3A_453 {strides = array<i32>} : memref<16x144xf32, #tpu.memory_space<vmem>>, vector<1x16xf32>,
        %reshape3A_454 = vector.shape_cast %broadcast_in_dim3A_61 : vector<16xi32> to vector<16x1xi32>
        %gather3A_455 = vector.shape_cast %reshape3A_454 : vector<16x1xi32> to vector<16xi32>
        %gather3A_456 = tpu.dynamic_gather %exp3A[%gather3A_455] in [0] : vector<16xf32>, vector<16xi32> -> vector<16xf32>
        %mul3A_457 = arith.mulf %gather3A_456, %get3A_256 : vector<16xf32>
        %swap3A_458 = arith.index_cast %scan3A_227 : i32 to index
        %swap3A_459 = arith.constant 96 : index
        %swap3A_460 = tpu.vector_load %arg15[%swap3A_458, %swap3A_459] {strides = array<i32>} : memref<16x144xf32, #tpu.memory_space<vmem>>, vector<1x16xf32>,
        %swap3A_461 = vector.shape_cast %swap3A_460 : vector<1x16xf32> to vector<16xf32>
        %swap3A_462 = vector.shape_cast %mul3A_457 : vector<16xf32> to vector<1x16xf32>
        tpu.vector_store %arg15[%swap3A_458, %swap3A_459], %swap3A_462 {strides = array<i32>} : memref<16x144xf32, #tpu.memory_space<vmem>>, vector<1x16xf32>,
        %reshape3A_463 = vector.shape_cast %broadcast_in_dim3A_61 : vector<16xi32> to vector<16x1xi32>
        %gather3A_464 = vector.shape_cast %reshape3A_463 : vector<16x1xi32> to vector<16xi32>
        %gather3A_465 = tpu.dynamic_gather %exp3A[%gather3A_464] in [0] : vector<16xf32>, vector<16xi32> -> vector<16xf32>
        %mul3A_466 = arith.mulf %gather3A_465, %get3A_260 : vector<16xf32>
        %swap3A_467 = arith.index_cast %scan3A_227 : i32 to index
        %swap3A_468 = arith.constant 112 : index
        %swap3A_469 = tpu.vector_load %arg15[%swap3A_467, %swap3A_468] {strides = array<i32>} : memref<16x144xf32, #tpu.memory_space<vmem>>, vector<1x16xf32>,
        %swap3A_470 = vector.shape_cast %swap3A_469 : vector<1x16xf32> to vector<16xf32>
        %swap3A_471 = vector.shape_cast %mul3A_466 : vector<16xf32> to vector<1x16xf32>
        tpu.vector_store %arg15[%swap3A_467, %swap3A_468], %swap3A_471 {strides = array<i32>} : memref<16x144xf32, #tpu.memory_space<vmem>>, vector<1x16xf32>,
        %scan3A_472 = arith.constant 0 : i32
        scf.yield %scan3A_472 : i32
      }
      %scan3A_211 = arith.constant 16 : i32
      %mul3A_212 = arith.constant 16 : i32
      %mul3A_213 = arith.muli %add3A_183, %mul3A_212 : i32
      %add3A_214 = arith.constant 0 : i32
      %add3A_215 = arith.addi %mul3A_213, %add3A_214 : i32
      %multiple_of3A_216 = tpu.assume_multiple %add3A_215, 8 : i32
      %get3A_217 = arith.index_cast %multiple_of3A_216 : i32 to index
      %get3A_218 = tpu.vector_load %arg9[%get3A_217] {strides = array<i32>} : memref<10000xi32, #tpu.memory_space<vmem>>, vector<16xi32>,
      %get3A_219 = vector.shape_cast %get3A_218 : vector<16xi32> to vector<16xi32>
      %dma_start3A_220 = arith.constant 0 : i32
      %dma_start3A_221 = arith.constant 0 : i32
      %dma_start3A_222 = tpu.memref_slice %arg15[%dma_start3A_220, %dma_start3A_221] : memref<16x144xf32, #tpu.memory_space<vmem>> -> memref<16x144xf32, #tpu.memory_space<vmem>>
      %dma_start3A_223 = arith.constant 0 : i32
      %dma_start3A_224 = arith.constant 0 : i32
      %dma_start3A_225 = tpu.memref_slice %arg17[%dma_start3A_223, %dma_start3A_224] : memref<10240x144xf32, #tpu.memory_space<vmem_shared>> -> memref<10240x144xf32, #tpu.memory_space<vmem_shared>>
      tpu.enqueue_indirect_dma source(%dma_start3A_222 : memref<16x144xf32, #tpu.memory_space<vmem>>) target(%dma_start3A_225 : memref<10240x144xf32, #tpu.memory_space<vmem_shared>>) offsets(%get3A_219 : vector<16xi32>) semaphore(%arg21 : memref<!tpu.dma_semaphore, #tpu.memory_space<semaphore_mem>>) {add = true}
      %scan3A_226 = arith.constant 0 : i32
      scf.yield %scan3A_226 : i32
    }
    %scan3A_76 = arith.constant 312 : i32
    %dma_wait3A = arith.constant 0 : i32
    %dma_wait3A_77 = tpu.memref_slice %arg8[%dma_wait3A] : memref<10000xi32, #tpu.memory_space<vmem>> -> memref<16xi32, #tpu.memory_space<vmem>>
    %dma_wait3A_78 = arith.constant 0 : i32
    %dma_wait3A_79 = arith.constant 0 : i32
    %dma_wait3A_80 = tpu.memref_slice %arg3[%dma_wait3A_78, %dma_wait3A_79] : memref<10000x144xf32, #tpu.memory_space<hbm>> -> memref<10000x144xf32, #tpu.memory_space<hbm>>
    tpu.wait_indirect_dma semaphore(%arg18 : memref<!tpu.dma_semaphore, #tpu.memory_space<semaphore_mem>>) src(%dma_wait3A_80 : memref<10000x144xf32, #tpu.memory_space<hbm>>) dst(%arg10 : memref<16x144xf32, #tpu.memory_space<vmem>>)
    %dma_wait3A_81 = arith.constant 0 : i32
    %dma_wait3A_82 = tpu.memref_slice %arg9[%dma_wait3A_81] : memref<10000xi32, #tpu.memory_space<vmem>> -> memref<16xi32, #tpu.memory_space<vmem>>
    %dma_wait3A_83 = arith.constant 0 : i32
    %dma_wait3A_84 = arith.constant 0 : i32
    %dma_wait3A_85 = tpu.memref_slice %arg4[%dma_wait3A_83, %dma_wait3A_84] : memref<10000x144xf32, #tpu.memory_space<hbm>> -> memref<10000x144xf32, #tpu.memory_space<hbm>>
    tpu.wait_indirect_dma semaphore(%arg18 : memref<!tpu.dma_semaphore, #tpu.memory_space<semaphore_mem>>) src(%dma_wait3A_85 : memref<10000x144xf32, #tpu.memory_space<hbm>>) dst(%arg11 : memref<16x144xf32, #tpu.memory_space<vmem>>)
    %get3A_86 = arith.constant 0 : index
    %get3A_87 = tpu.vector_load %arg9[%get3A_86] {strides = array<i32>} : memref<10000xi32, #tpu.memory_space<vmem>>, vector<16xi32>,
    %get3A_88 = vector.shape_cast %get3A_87 : vector<16xi32> to vector<16xi32>
    %dma_wait3A_89 = arith.constant 0 : i32
    %dma_wait3A_90 = arith.constant 0 : i32
    %dma_wait3A_91 = tpu.memref_slice %arg14[%dma_wait3A_89, %dma_wait3A_90] : memref<16x144xf32, #tpu.memory_space<vmem>> -> memref<16x144xf32, #tpu.memory_space<vmem>>
    %dma_wait3A_92 = arith.constant 0 : i32
    %dma_wait3A_93 = arith.constant 0 : i32
    %dma_wait3A_94 = tpu.memref_slice %arg17[%dma_wait3A_92, %dma_wait3A_93] : memref<10240x144xf32, #tpu.memory_space<vmem_shared>> -> memref<10240x144xf32, #tpu.memory_space<vmem_shared>>
    tpu.wait_indirect_dma semaphore(%arg20 : memref<!tpu.dma_semaphore, #tpu.memory_space<semaphore_mem>>) src(%dma_wait3A_91 : memref<16x144xf32, #tpu.memory_space<vmem>>) dst(%dma_wait3A_94 : memref<10240x144xf32, #tpu.memory_space<vmem_shared>>)
    %scan3A_95 = arith.constant 0 : i32
    %scan3A_96 = arith.constant 0 : i32
    %scan3A_97 = arith.constant 16 : i32
    %scan3A_98 = arith.addi %scan3A_96, %scan3A_97 : i32
    %scan3A_99 = arith.constant 1 : i32
    %scan3A_100 = scf.for %scan3A_132 = %scan3A_96 to %scan3A_98 step %scan3A_99 iter_args(%scan3A_133 = %scan3A_95) -> (i32)  : i32 {
      %get3A_134 = arith.index_cast %scan3A_132 : i32 to index
      %get3A_135 = arith.constant 0 : index
      %get3A_136 = tpu.vector_load %arg10[%get3A_134, %get3A_135] {strides = array<i32>} : memref<16x144xf32, #tpu.memory_space<vmem>>, vector<1x16xf32>,
      %get3A_137 = vector.shape_cast %get3A_136 : vector<1x16xf32> to vector<16xf32>
      %get3A_138 = arith.index_cast %scan3A_132 : i32 to index
      %get3A_139 = arith.constant 16 : index
      %get3A_140 = tpu.vector_load %arg10[%get3A_138, %get3A_139] {strides = array<i32>} : memref<16x144xf32, #tpu.memory_space<vmem>>, vector<1x16xf32>,
      %get3A_141 = vector.shape_cast %get3A_140 : vector<1x16xf32> to vector<16xf32>
      %get3A_142 = arith.index_cast %scan3A_132 : i32 to index
      %get3A_143 = arith.constant 32 : index
      %get3A_144 = tpu.vector_load %arg10[%get3A_142, %get3A_143] {strides = array<i32>} : memref<16x144xf32, #tpu.memory_space<vmem>>, vector<1x16xf32>,
      %get3A_145 = vector.shape_cast %get3A_144 : vector<1x16xf32> to vector<16xf32>
      %get3A_146 = arith.index_cast %scan3A_132 : i32 to index
      %get3A_147 = arith.constant 48 : index
      %get3A_148 = tpu.vector_load %arg10[%get3A_146, %get3A_147] {strides = array<i32>} : memref<16x144xf32, #tpu.memory_space<vmem>>, vector<1x16xf32>,
      %get3A_149 = vector.shape_cast %get3A_148 : vector<1x16xf32> to vector<16xf32>
      %get3A_150 = arith.index_cast %scan3A_132 : i32 to index
      %get3A_151 = arith.constant 64 : index
      %get3A_152 = tpu.vector_load %arg10[%get3A_150, %get3A_151] {strides = array<i32>} : memref<16x144xf32, #tpu.memory_space<vmem>>, vector<1x16xf32>,
      %get3A_153 = vector.shape_cast %get3A_152 : vector<1x16xf32> to vector<16xf32>
      %get3A_154 = arith.index_cast %scan3A_132 : i32 to index
      %get3A_155 = arith.constant 80 : index
      %get3A_156 = tpu.vector_load %arg10[%get3A_154, %get3A_155] {strides = array<i32>} : memref<16x144xf32, #tpu.memory_space<vmem>>, vector<1x16xf32>,
      %get3A_157 = vector.shape_cast %get3A_156 : vector<1x16xf32> to vector<16xf32>
      %get3A_158 = arith.index_cast %scan3A_132 : i32 to index
      %get3A_159 = arith.constant 96 : index
      %get3A_160 = tpu.vector_load %arg10[%get3A_158, %get3A_159] {strides = array<i32>} : memref<16x144xf32, #tpu.memory_space<vmem>>, vector<1x16xf32>,
      %get3A_161 = vector.shape_cast %get3A_160 : vector<1x16xf32> to vector<16xf32>
      %get3A_162 = arith.index_cast %scan3A_132 : i32 to index
      %get3A_163 = arith.constant 112 : index
      %get3A_164 = tpu.vector_load %arg10[%get3A_162, %get3A_163] {strides = array<i32>} : memref<16x144xf32, #tpu.memory_space<vmem>>, vector<1x16xf32>,
      %get3A_165 = vector.shape_cast %get3A_164 : vector<1x16xf32> to vector<16xf32>
      %get3A_166 = arith.index_cast %scan3A_132 : i32 to index
      %get3A_167 = arith.constant 128 : index
      %get3A_168 = tpu.vector_load %arg10[%get3A_166, %get3A_167] {strides = array<i32>} : memref<16x144xf32, #tpu.memory_space<vmem>>, vector<1x16xf32>,
      %get3A_169 = vector.shape_cast %get3A_168 : vector<1x16xf32> to vector<16xf32>
      %get3A_170 = arith.index_cast %scan3A_132 : i32 to index
      %get3A_171 = arith.constant 0 : index
      %get3A_172 = tpu.vector_load %arg11[%get3A_170, %get3A_171] {strides = array<i32>} : memref<16x144xf32, #tpu.memory_space<vmem>>, vector<1x16xf32>,
      %get3A_173 = vector.shape_cast %get3A_172 : vector<1x16xf32> to vector<16xf32>
      %add3A_174 = arith.addf %get3A_137, %get3A_173 : vector<16xf32>
      %get3A_175 = arith.index_cast %scan3A_132 : i32 to index
      %get3A_176 = arith.constant 16 : index
      %get3A_177 = tpu.vector_load %arg11[%get3A_175, %get3A_176] {strides = array<i32>} : memref<16x144xf32, #tpu.memory_space<vmem>>, vector<1x16xf32>,
      %get3A_178 = vector.shape_cast %get3A_177 : vector<1x16xf32> to vector<16xf32>
      %add3A_179 = arith.addf %get3A_141, %get3A_178 : vector<16xf32>
      %get3A_180 = arith.index_cast %scan3A_132 : i32 to index
      %get3A_181 = arith.constant 32 : index
      %get3A_182 = tpu.vector_load %arg11[%get3A_180, %get3A_181] {strides = array<i32>} : memref<16x144xf32, #tpu.memory_space<vmem>>, vector<1x16xf32>,
      %get3A_183 = vector.shape_cast %get3A_182 : vector<1x16xf32> to vector<16xf32>
      %add3A_184 = arith.addf %get3A_145, %get3A_183 : vector<16xf32>
      %get3A_185 = arith.index_cast %scan3A_132 : i32 to index
      %get3A_186 = arith.constant 48 : index
      %get3A_187 = tpu.vector_load %arg11[%get3A_185, %get3A_186] {strides = array<i32>} : memref<16x144xf32, #tpu.memory_space<vmem>>, vector<1x16xf32>,
      %get3A_188 = vector.shape_cast %get3A_187 : vector<1x16xf32> to vector<16xf32>
      %add3A_189 = arith.addf %get3A_149, %get3A_188 : vector<16xf32>
      %get3A_190 = arith.index_cast %scan3A_132 : i32 to index
      %get3A_191 = arith.constant 64 : index
      %get3A_192 = tpu.vector_load %arg11[%get3A_190, %get3A_191] {strides = array<i32>} : memref<16x144xf32, #tpu.memory_space<vmem>>, vector<1x16xf32>,
      %get3A_193 = vector.shape_cast %get3A_192 : vector<1x16xf32> to vector<16xf32>
      %add3A_194 = arith.addf %get3A_153, %get3A_193 : vector<16xf32>
      %get3A_195 = arith.index_cast %scan3A_132 : i32 to index
      %get3A_196 = arith.constant 80 : index
      %get3A_197 = tpu.vector_load %arg11[%get3A_195, %get3A_196] {strides = array<i32>} : memref<16x144xf32, #tpu.memory_space<vmem>>, vector<1x16xf32>,
      %get3A_198 = vector.shape_cast %get3A_197 : vector<1x16xf32> to vector<16xf32>
      %add3A_199 = arith.addf %get3A_157, %get3A_198 : vector<16xf32>
      %get3A_200 = arith.index_cast %scan3A_132 : i32 to index
      %get3A_201 = arith.constant 96 : index
      %get3A_202 = tpu.vector_load %arg11[%get3A_200, %get3A_201] {strides = array<i32>} : memref<16x144xf32, #tpu.memory_space<vmem>>, vector<1x16xf32>,
      %get3A_203 = vector.shape_cast %get3A_202 : vector<1x16xf32> to vector<16xf32>
      %add3A_204 = arith.addf %get3A_161, %get3A_203 : vector<16xf32>
      %get3A_205 = arith.index_cast %scan3A_132 : i32 to index
      %get3A_206 = arith.constant 112 : index
      %get3A_207 = tpu.vector_load %arg11[%get3A_205, %get3A_206] {strides = array<i32>} : memref<16x144xf32, #tpu.memory_space<vmem>>, vector<1x16xf32>,
      %get3A_208 = vector.shape_cast %get3A_207 : vector<1x16xf32> to vector<16xf32>
      %add3A_209 = arith.addf %get3A_165, %get3A_208 : vector<16xf32>
      %get3A_210 = arith.index_cast %scan3A_132 : i32 to index
      %get3A_211 = arith.constant 128 : index
      %get3A_212 = tpu.vector_load %arg11[%get3A_210, %get3A_211] {strides = array<i32>} : memref<16x144xf32, #tpu.memory_space<vmem>>, vector<1x16xf32>,
      %get3A_213 = vector.shape_cast %get3A_212 : vector<1x16xf32> to vector<16xf32>
      %add3A_214 = arith.addf %get3A_169, %get3A_213 : vector<16xf32>
      %abs3A = math.absf %add3A_174 : vector<16xf32>
      %mul3A_215 = arith.mulf %abs3A, %get3A_12 : vector<16xf32>
      %abs3A_216 = math.absf %add3A_179 : vector<16xf32>
      %mul3A_217 = arith.mulf %abs3A_216, %get3A_15 : vector<16xf32>
      %abs3A_218 = math.absf %add3A_184 : vector<16xf32>
      %mul3A_219 = arith.mulf %abs3A_218, %get3A_18 : vector<16xf32>
      %abs3A_220 = math.absf %add3A_189 : vector<16xf32>
      %mul3A_221 = arith.mulf %abs3A_220, %get3A_21 : vector<16xf32>
      %abs3A_222 = math.absf %add3A_194 : vector<16xf32>
      %mul3A_223 = arith.mulf %abs3A_222, %get3A_24 : vector<16xf32>
      %abs3A_224 = math.absf %add3A_199 : vector<16xf32>
      %mul3A_225 = arith.mulf %abs3A_224, %get3A_27 : vector<16xf32>
      %abs3A_226 = math.absf %add3A_204 : vector<16xf32>
      %mul3A_227 = arith.mulf %abs3A_226, %get3A_30 : vector<16xf32>
      %abs3A_228 = math.absf %add3A_209 : vector<16xf32>
      %mul3A_229 = arith.mulf %abs3A_228, %get3A_33 : vector<16xf32>
      %add3A_230 = arith.addf %mul3A_215, %mul3A_217 : vector<16xf32>
      %add3A_231 = arith.addf %mul3A_219, %mul3A_221 : vector<16xf32>
      %add3A_232 = arith.addf %mul3A_223, %mul3A_225 : vector<16xf32>
      %add3A_233 = arith.addf %mul3A_227, %mul3A_229 : vector<16xf32>
      %reshape3A = vector.shape_cast %xor3A_35 : vector<16xi32> to vector<16x1xi32>
      %gather3A = vector.shape_cast %reshape3A : vector<16x1xi32> to vector<16xi32>
      %gather3A_234 = tpu.dynamic_gather %add3A_230[%gather3A] in [0] : vector<16xf32>, vector<16xi32> -> vector<16xf32>
      %add3A_235 = arith.addf %add3A_230, %gather3A_234 : vector<16xf32>
      %reshape3A_236 = vector.shape_cast %xor3A_35 : vector<16xi32> to vector<16x1xi32>
      %gather3A_237 = vector.shape_cast %reshape3A_236 : vector<16x1xi32> to vector<16xi32>
      %gather3A_238 = tpu.dynamic_gather %add3A_231[%gather3A_237] in [0] : vector<16xf32>, vector<16xi32> -> vector<16xf32>
      %add3A_239 = arith.addf %add3A_231, %gather3A_238 : vector<16xf32>
      %reshape3A_240 = vector.shape_cast %xor3A_35 : vector<16xi32> to vector<16x1xi32>
      %gather3A_241 = vector.shape_cast %reshape3A_240 : vector<16x1xi32> to vector<16xi32>
      %gather3A_242 = tpu.dynamic_gather %add3A_232[%gather3A_241] in [0] : vector<16xf32>, vector<16xi32> -> vector<16xf32>
      %add3A_243 = arith.addf %add3A_232, %gather3A_242 : vector<16xf32>
      %reshape3A_244 = vector.shape_cast %xor3A_35 : vector<16xi32> to vector<16x1xi32>
      %gather3A_245 = vector.shape_cast %reshape3A_244 : vector<16x1xi32> to vector<16xi32>
      %gather3A_246 = tpu.dynamic_gather %add3A_233[%gather3A_245] in [0] : vector<16xf32>, vector<16xi32> -> vector<16xf32>
      %add3A_247 = arith.addf %add3A_233, %gather3A_246 : vector<16xf32>
      %reshape3A_248 = vector.shape_cast %xor3A_38 : vector<16xi32> to vector<16x1xi32>
      %gather3A_249 = vector.shape_cast %reshape3A_248 : vector<16x1xi32> to vector<16xi32>
      %gather3A_250 = tpu.dynamic_gather %add3A_235[%gather3A_249] in [0] : vector<16xf32>, vector<16xi32> -> vector<16xf32>
      %add3A_251 = arith.addf %add3A_235, %gather3A_250 : vector<16xf32>
      %reshape3A_252 = vector.shape_cast %xor3A_38 : vector<16xi32> to vector<16x1xi32>
      %gather3A_253 = vector.shape_cast %reshape3A_252 : vector<16x1xi32> to vector<16xi32>
      %gather3A_254 = tpu.dynamic_gather %add3A_239[%gather3A_253] in [0] : vector<16xf32>, vector<16xi32> -> vector<16xf32>
      %add3A_255 = arith.addf %add3A_239, %gather3A_254 : vector<16xf32>
      %reshape3A_256 = vector.shape_cast %xor3A_38 : vector<16xi32> to vector<16x1xi32>
      %gather3A_257 = vector.shape_cast %reshape3A_256 : vector<16x1xi32> to vector<16xi32>
      %gather3A_258 = tpu.dynamic_gather %add3A_243[%gather3A_257] in [0] : vector<16xf32>, vector<16xi32> -> vector<16xf32>
      %add3A_259 = arith.addf %add3A_243, %gather3A_258 : vector<16xf32>
      %reshape3A_260 = vector.shape_cast %xor3A_38 : vector<16xi32> to vector<16x1xi32>
      %gather3A_261 = vector.shape_cast %reshape3A_260 : vector<16x1xi32> to vector<16xi32>
      %gather3A_262 = tpu.dynamic_gather %add3A_247[%gather3A_261] in [0] : vector<16xf32>, vector<16xi32> -> vector<16xf32>
      %add3A_263 = arith.addf %add3A_247, %gather3A_262 : vector<16xf32>
      %reshape3A_264 = vector.shape_cast %and3A_46 : vector<16xi32> to vector<16x1xi32>
      %gather3A_265 = vector.shape_cast %reshape3A_264 : vector<16x1xi32> to vector<16xi32>
      %gather3A_266 = tpu.dynamic_gather %add3A_251[%gather3A_265] in [0] : vector<16xf32>, vector<16xi32> -> vector<16xf32>
      %reshape3A_267 = vector.shape_cast %and3A_46 : vector<16xi32> to vector<16x1xi32>
      %gather3A_268 = vector.shape_cast %reshape3A_267 : vector<16x1xi32> to vector<16xi32>
      %gather3A_269 = tpu.dynamic_gather %add3A_255[%gather3A_268] in [0] : vector<16xf32>, vector<16xi32> -> vector<16xf32>
      %reshape3A_270 = vector.shape_cast %and3A_46 : vector<16xi32> to vector<16x1xi32>
      %gather3A_271 = vector.shape_cast %reshape3A_270 : vector<16x1xi32> to vector<16xi32>
      %gather3A_272 = tpu.dynamic_gather %add3A_259[%gather3A_271] in [0] : vector<16xf32>, vector<16xi32> -> vector<16xf32>
      %reshape3A_273 = vector.shape_cast %and3A_46 : vector<16xi32> to vector<16x1xi32>
      %gather3A_274 = vector.shape_cast %reshape3A_273 : vector<16x1xi32> to vector<16xi32>
      %gather3A_275 = tpu.dynamic_gather %add3A_263[%gather3A_274] in [0] : vector<16xf32>, vector<16xi32> -> vector<16xf32>
      %eq3A = arith.constant 1 : i32
      %eq3A_276 = vector.broadcast %eq3A : i32 to vector<16xi32>
      %eq3A_277 = arith.cmpi eq, %shift_right_logical3A_48, %eq3A_276 : vector<16xi32>
      %eq3A_278 = arith.constant 2 : i32
      %eq3A_279 = vector.broadcast %eq3A_278 : i32 to vector<16xi32>
      %eq3A_280 = arith.cmpi eq, %shift_right_logical3A_48, %eq3A_279 : vector<16xi32>
      %eq3A_281 = arith.constant 3 : i32
      %eq3A_282 = vector.broadcast %eq3A_281 : i32 to vector<16xi32>
      %eq3A_283 = arith.cmpi eq, %shift_right_logical3A_48, %eq3A_282 : vector<16xi32>
      %select_n3A = arith.select %eq3A_283, %gather3A_275, %gather3A_266 : vector<16xi1>, vector<16xf32>
      %select_n3A_284 = arith.select %eq3A_280, %gather3A_272, %select_n3A : vector<16xi1>, vector<16xf32>
      %select_n3A_285 = arith.select %eq3A_277, %gather3A_269, %select_n3A_284 : vector<16xi1>, vector<16xf32>
      %reshape3A_286 = vector.shape_cast %xor3A_41 : vector<16xi32> to vector<16x1xi32>
      %gather3A_287 = vector.shape_cast %reshape3A_286 : vector<16x1xi32> to vector<16xi32>
      %gather3A_288 = tpu.dynamic_gather %select_n3A_285[%gather3A_287] in [0] : vector<16xf32>, vector<16xi32> -> vector<16xf32>
      %add3A_289 = arith.addf %select_n3A_285, %gather3A_288 : vector<16xf32>
      %reshape3A_290 = vector.shape_cast %xor3A_44 : vector<16xi32> to vector<16x1xi32>
      %gather3A_291 = vector.shape_cast %reshape3A_290 : vector<16x1xi32> to vector<16xi32>
      %gather3A_292 = tpu.dynamic_gather %add3A_289[%gather3A_291] in [0] : vector<16xf32>, vector<16xi32> -> vector<16xf32>
      %add3A_293 = arith.addf %add3A_289, %gather3A_292 : vector<16xf32>
      %reshape3A_294 = vector.shape_cast %shift_right_logical3A_48 : vector<16xi32> to vector<16x1xi32>
      %gather3A_295 = vector.shape_cast %reshape3A_294 : vector<16x1xi32> to vector<16xi32>
      %gather3A_296 = tpu.dynamic_gather %add3A_214[%gather3A_295] in [0] : vector<16xf32>, vector<16xi32> -> vector<16xf32>
      %add3A_297 = arith.addf %add3A_293, %gather3A_296 : vector<16xf32>
      %exp3A = math.exp %add3A_297 : vector<16xf32>
      %reshape3A_298 = vector.shape_cast %and3A_54 : vector<16xi32> to vector<16x1xi32>
      %gather3A_299 = vector.shape_cast %reshape3A_298 : vector<16x1xi32> to vector<16xi32>
      %gather3A_300 = tpu.dynamic_gather %exp3A[%gather3A_299] in [0] : vector<16xf32>, vector<16xi32> -> vector<16xf32>
      %swap3A = arith.index_cast %scan3A_132 : i32 to index
      %swap3A_301 = arith.constant 128 : index
      %swap3A_302 = tpu.vector_load %arg14[%swap3A, %swap3A_301] {strides = array<i32>} : memref<16x144xf32, #tpu.memory_space<vmem>>, vector<1x16xf32>,
      %swap3A_303 = vector.shape_cast %swap3A_302 : vector<1x16xf32> to vector<16xf32>
      %swap3A_304 = vector.shape_cast %gather3A_300 : vector<16xf32> to vector<1x16xf32>
      tpu.vector_store %arg14[%swap3A, %swap3A_301], %swap3A_304 {strides = array<i32>} : memref<16x144xf32, #tpu.memory_space<vmem>>, vector<1x16xf32>,
      %reshape3A_305 = vector.shape_cast %broadcast_in_dim3A_55 : vector<16xi32> to vector<16x1xi32>
      %gather3A_306 = vector.shape_cast %reshape3A_305 : vector<16x1xi32> to vector<16xi32>
      %gather3A_307 = tpu.dynamic_gather %exp3A[%gather3A_306] in [0] : vector<16xf32>, vector<16xi32> -> vector<16xf32>
      %mul3A_308 = arith.mulf %gather3A_307, %get3A_137 : vector<16xf32>
      %swap3A_309 = arith.index_cast %scan3A_132 : i32 to index
      %swap3A_310 = arith.constant 0 : index
      %swap3A_311 = tpu.vector_load %arg14[%swap3A_309, %swap3A_310] {strides = array<i32>} : memref<16x144xf32, #tpu.memory_space<vmem>>, vector<1x16xf32>,
      %swap3A_312 = vector.shape_cast %swap3A_311 : vector<1x16xf32> to vector<16xf32>
      %swap3A_313 = vector.shape_cast %mul3A_308 : vector<16xf32> to vector<1x16xf32>
      tpu.vector_store %arg14[%swap3A_309, %swap3A_310], %swap3A_313 {strides = array<i32>} : memref<16x144xf32, #tpu.memory_space<vmem>>, vector<1x16xf32>,
      %reshape3A_314 = vector.shape_cast %broadcast_in_dim3A_55 : vector<16xi32> to vector<16x1xi32>
      %gather3A_315 = vector.shape_cast %reshape3A_314 : vector<16x1xi32> to vector<16xi32>
      %gather3A_316 = tpu.dynamic_gather %exp3A[%gather3A_315] in [0] : vector<16xf32>, vector<16xi32> -> vector<16xf32>
      %mul3A_317 = arith.mulf %gather3A_316, %get3A_141 : vector<16xf32>
      %swap3A_318 = arith.index_cast %scan3A_132 : i32 to index
      %swap3A_319 = arith.constant 16 : index
      %swap3A_320 = tpu.vector_load %arg14[%swap3A_318, %swap3A_319] {strides = array<i32>} : memref<16x144xf32, #tpu.memory_space<vmem>>, vector<1x16xf32>,
      %swap3A_321 = vector.shape_cast %swap3A_320 : vector<1x16xf32> to vector<16xf32>
      %swap3A_322 = vector.shape_cast %mul3A_317 : vector<16xf32> to vector<1x16xf32>
      tpu.vector_store %arg14[%swap3A_318, %swap3A_319], %swap3A_322 {strides = array<i32>} : memref<16x144xf32, #tpu.memory_space<vmem>>, vector<1x16xf32>,
      %reshape3A_323 = vector.shape_cast %broadcast_in_dim3A_57 : vector<16xi32> to vector<16x1xi32>
      %gather3A_324 = vector.shape_cast %reshape3A_323 : vector<16x1xi32> to vector<16xi32>
      %gather3A_325 = tpu.dynamic_gather %exp3A[%gather3A_324] in [0] : vector<16xf32>, vector<16xi32> -> vector<16xf32>
      %mul3A_326 = arith.mulf %gather3A_325, %get3A_145 : vector<16xf32>
      %swap3A_327 = arith.index_cast %scan3A_132 : i32 to index
      %swap3A_328 = arith.constant 32 : index
      %swap3A_329 = tpu.vector_load %arg14[%swap3A_327, %swap3A_328] {strides = array<i32>} : memref<16x144xf32, #tpu.memory_space<vmem>>, vector<1x16xf32>,
      %swap3A_330 = vector.shape_cast %swap3A_329 : vector<1x16xf32> to vector<16xf32>
      %swap3A_331 = vector.shape_cast %mul3A_326 : vector<16xf32> to vector<1x16xf32>
      tpu.vector_store %arg14[%swap3A_327, %swap3A_328], %swap3A_331 {strides = array<i32>} : memref<16x144xf32, #tpu.memory_space<vmem>>, vector<1x16xf32>,
      %reshape3A_332 = vector.shape_cast %broadcast_in_dim3A_57 : vector<16xi32> to vector<16x1xi32>
      %gather3A_333 = vector.shape_cast %reshape3A_332 : vector<16x1xi32> to vector<16xi32>
      %gather3A_334 = tpu.dynamic_gather %exp3A[%gather3A_333] in [0] : vector<16xf32>, vector<16xi32> -> vector<16xf32>
      %mul3A_335 = arith.mulf %gather3A_334, %get3A_149 : vector<16xf32>
      %swap3A_336 = arith.index_cast %scan3A_132 : i32 to index
      %swap3A_337 = arith.constant 48 : index
      %swap3A_338 = tpu.vector_load %arg14[%swap3A_336, %swap3A_337] {strides = array<i32>} : memref<16x144xf32, #tpu.memory_space<vmem>>, vector<1x16xf32>,
      %swap3A_339 = vector.shape_cast %swap3A_338 : vector<1x16xf32> to vector<16xf32>
      %swap3A_340 = vector.shape_cast %mul3A_335 : vector<16xf32> to vector<1x16xf32>
      tpu.vector_store %arg14[%swap3A_336, %swap3A_337], %swap3A_340 {strides = array<i32>} : memref<16x144xf32, #tpu.memory_space<vmem>>, vector<1x16xf32>,
      %reshape3A_341 = vector.shape_cast %broadcast_in_dim3A_59 : vector<16xi32> to vector<16x1xi32>
      %gather3A_342 = vector.shape_cast %reshape3A_341 : vector<16x1xi32> to vector<16xi32>
      %gather3A_343 = tpu.dynamic_gather %exp3A[%gather3A_342] in [0] : vector<16xf32>, vector<16xi32> -> vector<16xf32>
      %mul3A_344 = arith.mulf %gather3A_343, %get3A_153 : vector<16xf32>
      %swap3A_345 = arith.index_cast %scan3A_132 : i32 to index
      %swap3A_346 = arith.constant 64 : index
      %swap3A_347 = tpu.vector_load %arg14[%swap3A_345, %swap3A_346] {strides = array<i32>} : memref<16x144xf32, #tpu.memory_space<vmem>>, vector<1x16xf32>,
      %swap3A_348 = vector.shape_cast %swap3A_347 : vector<1x16xf32> to vector<16xf32>
      %swap3A_349 = vector.shape_cast %mul3A_344 : vector<16xf32> to vector<1x16xf32>
      tpu.vector_store %arg14[%swap3A_345, %swap3A_346], %swap3A_349 {strides = array<i32>} : memref<16x144xf32, #tpu.memory_space<vmem>>, vector<1x16xf32>,
      %reshape3A_350 = vector.shape_cast %broadcast_in_dim3A_59 : vector<16xi32> to vector<16x1xi32>
      %gather3A_351 = vector.shape_cast %reshape3A_350 : vector<16x1xi32> to vector<16xi32>
      %gather3A_352 = tpu.dynamic_gather %exp3A[%gather3A_351] in [0] : vector<16xf32>, vector<16xi32> -> vector<16xf32>
      %mul3A_353 = arith.mulf %gather3A_352, %get3A_157 : vector<16xf32>
      %swap3A_354 = arith.index_cast %scan3A_132 : i32 to index
      %swap3A_355 = arith.constant 80 : index
      %swap3A_356 = tpu.vector_load %arg14[%swap3A_354, %swap3A_355] {strides = array<i32>} : memref<16x144xf32, #tpu.memory_space<vmem>>, vector<1x16xf32>,
      %swap3A_357 = vector.shape_cast %swap3A_356 : vector<1x16xf32> to vector<16xf32>
      %swap3A_358 = vector.shape_cast %mul3A_353 : vector<16xf32> to vector<1x16xf32>
      tpu.vector_store %arg14[%swap3A_354, %swap3A_355], %swap3A_358 {strides = array<i32>} : memref<16x144xf32, #tpu.memory_space<vmem>>, vector<1x16xf32>,
      %reshape3A_359 = vector.shape_cast %broadcast_in_dim3A_61 : vector<16xi32> to vector<16x1xi32>
      %gather3A_360 = vector.shape_cast %reshape3A_359 : vector<16x1xi32> to vector<16xi32>
      %gather3A_361 = tpu.dynamic_gather %exp3A[%gather3A_360] in [0] : vector<16xf32>, vector<16xi32> -> vector<16xf32>
      %mul3A_362 = arith.mulf %gather3A_361, %get3A_161 : vector<16xf32>
      %swap3A_363 = arith.index_cast %scan3A_132 : i32 to index
      %swap3A_364 = arith.constant 96 : index
      %swap3A_365 = tpu.vector_load %arg14[%swap3A_363, %swap3A_364] {strides = array<i32>} : memref<16x144xf32, #tpu.memory_space<vmem>>, vector<1x16xf32>,
      %swap3A_366 = vector.shape_cast %swap3A_365 : vector<1x16xf32> to vector<16xf32>
      %swap3A_367 = vector.shape_cast %mul3A_362 : vector<16xf32> to vector<1x16xf32>
      tpu.vector_store %arg14[%swap3A_363, %swap3A_364], %swap3A_367 {strides = array<i32>} : memref<16x144xf32, #tpu.memory_space<vmem>>, vector<1x16xf32>,
      %reshape3A_368 = vector.shape_cast %broadcast_in_dim3A_61 : vector<16xi32> to vector<16x1xi32>
      %gather3A_369 = vector.shape_cast %reshape3A_368 : vector<16x1xi32> to vector<16xi32>
      %gather3A_370 = tpu.dynamic_gather %exp3A[%gather3A_369] in [0] : vector<16xf32>, vector<16xi32> -> vector<16xf32>
      %mul3A_371 = arith.mulf %gather3A_370, %get3A_165 : vector<16xf32>
      %swap3A_372 = arith.index_cast %scan3A_132 : i32 to index
      %swap3A_373 = arith.constant 112 : index
      %swap3A_374 = tpu.vector_load %arg14[%swap3A_372, %swap3A_373] {strides = array<i32>} : memref<16x144xf32, #tpu.memory_space<vmem>>, vector<1x16xf32>,
      %swap3A_375 = vector.shape_cast %swap3A_374 : vector<1x16xf32> to vector<16xf32>
      %swap3A_376 = vector.shape_cast %mul3A_371 : vector<16xf32> to vector<1x16xf32>
      tpu.vector_store %arg14[%swap3A_372, %swap3A_373], %swap3A_376 {strides = array<i32>} : memref<16x144xf32, #tpu.memory_space<vmem>>, vector<1x16xf32>,
      %scan3A_377 = arith.constant 0 : i32
      scf.yield %scan3A_377 : i32
    }
    %scan3A_101 = arith.constant 16 : i32
    %multiple_of3A_102 = arith.constant 9984 : i32
    %multiple_of3A_103 = tpu.assume_multiple %multiple_of3A_102, 8 : i32
    %get3A_104 = arith.index_cast %multiple_of3A_103 : i32 to index
    %get3A_105 = tpu.vector_load %arg9[%get3A_104] {strides = array<i32>} : memref<10000xi32, #tpu.memory_space<vmem>>, vector<16xi32>,
    %get3A_106 = vector.shape_cast %get3A_105 : vector<16xi32> to vector<16xi32>
    %dma_start3A_107 = arith.constant 0 : i32
    %dma_start3A_108 = arith.constant 0 : i32
    %dma_start3A_109 = tpu.memref_slice %arg14[%dma_start3A_107, %dma_start3A_108] : memref<16x144xf32, #tpu.memory_space<vmem>> -> memref<16x144xf32, #tpu.memory_space<vmem>>
    %dma_start3A_110 = arith.constant 0 : i32
    %dma_start3A_111 = arith.constant 0 : i32
    %dma_start3A_112 = tpu.memref_slice %arg17[%dma_start3A_110, %dma_start3A_111] : memref<10240x144xf32, #tpu.memory_space<vmem_shared>> -> memref<10240x144xf32, #tpu.memory_space<vmem_shared>>
    tpu.enqueue_indirect_dma source(%dma_start3A_109 : memref<16x144xf32, #tpu.memory_space<vmem>>) target(%dma_start3A_112 : memref<10240x144xf32, #tpu.memory_space<vmem_shared>>) offsets(%get3A_106 : vector<16xi32>) semaphore(%arg20 : memref<!tpu.dma_semaphore, #tpu.memory_space<semaphore_mem>>) {add = true}
    %get3A_113 = arith.constant 0 : index
    %get3A_114 = tpu.vector_load %arg9[%get3A_113] {strides = array<i32>} : memref<10000xi32, #tpu.memory_space<vmem>>, vector<16xi32>,
    %get3A_115 = vector.shape_cast %get3A_114 : vector<16xi32> to vector<16xi32>
    %dma_wait3A_116 = arith.constant 0 : i32
    %dma_wait3A_117 = arith.constant 0 : i32
    %dma_wait3A_118 = tpu.memref_slice %arg14[%dma_wait3A_116, %dma_wait3A_117] : memref<16x144xf32, #tpu.memory_space<vmem>> -> memref<16x144xf32, #tpu.memory_space<vmem>>
    %dma_wait3A_119 = arith.constant 0 : i32
    %dma_wait3A_120 = arith.constant 0 : i32
    %dma_wait3A_121 = tpu.memref_slice %arg17[%dma_wait3A_119, %dma_wait3A_120] : memref<10240x144xf32, #tpu.memory_space<vmem_shared>> -> memref<10240x144xf32, #tpu.memory_space<vmem_shared>>
    tpu.wait_indirect_dma semaphore(%arg20 : memref<!tpu.dma_semaphore, #tpu.memory_space<semaphore_mem>>) src(%dma_wait3A_118 : memref<16x144xf32, #tpu.memory_space<vmem>>) dst(%dma_wait3A_121 : memref<10240x144xf32, #tpu.memory_space<vmem_shared>>)
    %get3A_122 = arith.constant 0 : index
    %get3A_123 = tpu.vector_load %arg9[%get3A_122] {strides = array<i32>} : memref<10000xi32, #tpu.memory_space<vmem>>, vector<16xi32>,
    %get3A_124 = vector.shape_cast %get3A_123 : vector<16xi32> to vector<16xi32>
    %dma_wait3A_125 = arith.constant 0 : i32
    %dma_wait3A_126 = arith.constant 0 : i32
    %dma_wait3A_127 = tpu.memref_slice %arg15[%dma_wait3A_125, %dma_wait3A_126] : memref<16x144xf32, #tpu.memory_space<vmem>> -> memref<16x144xf32, #tpu.memory_space<vmem>>
    %dma_wait3A_128 = arith.constant 0 : i32
    %dma_wait3A_129 = arith.constant 0 : i32
    %dma_wait3A_130 = tpu.memref_slice %arg17[%dma_wait3A_128, %dma_wait3A_129] : memref<10240x144xf32, #tpu.memory_space<vmem_shared>> -> memref<10240x144xf32, #tpu.memory_space<vmem_shared>>
    tpu.wait_indirect_dma semaphore(%arg21 : memref<!tpu.dma_semaphore, #tpu.memory_space<semaphore_mem>>) src(%dma_wait3A_127 : memref<16x144xf32, #tpu.memory_space<vmem>>) dst(%dma_wait3A_130 : memref<10240x144xf32, #tpu.memory_space<vmem_shared>>)
    %barrier3A_131 = arith.constant 0 : index
    tpu.barrier barrier_id(%barrier3A_131)
    "tpu.region"() ({
      %run_scoped3A = tpu.sem_alloc : memref<!tpu.dma_semaphore, #tpu.memory_space<semaphore_mem>>
      %dma_start3A_132 = arith.constant 0 : i32
      %dma_start3A_133 = tpu.memref_slice %arg7[%arg0, %multiple_of3A, %dma_start3A_132] : memref<2x10240x144xf32, #tpu.memory_space<hbm>> -> memref<1x640x144xf32, #tpu.memory_space<hbm>>
      %dma_start3A_134 = tpu.memref_squeeze %dma_start3A_133 : memref<1x640x144xf32, #tpu.memory_space<hbm>> -> memref<640x144xf32, #tpu.memory_space<hbm>>
      %dma_start3A_135 = arith.constant 0 : i32
      %dma_start3A_136 = tpu.memref_slice %arg17[%multiple_of3A, %dma_start3A_135] : memref<10240x144xf32, #tpu.memory_space<vmem_shared>> -> memref<640x144xf32, #tpu.memory_space<vmem_shared>>
      tpu.enqueue_dma source(%dma_start3A_136 : memref<640x144xf32, #tpu.memory_space<vmem_shared>>) target(%dma_start3A_134 : memref<640x144xf32, #tpu.memory_space<hbm>>) target_semaphore(%run_scoped3A : memref<!tpu.dma_semaphore, #tpu.memory_space<semaphore_mem>>)
      %dma_wait3A_137 = arith.constant 0 : i32
      %dma_wait3A_138 = tpu.memref_slice %arg7[%arg0, %multiple_of3A, %dma_wait3A_137] : memref<2x10240x144xf32, #tpu.memory_space<hbm>> -> memref<1x640x144xf32, #tpu.memory_space<hbm>>
      %dma_wait3A_139 = tpu.memref_squeeze %dma_wait3A_138 : memref<1x640x144xf32, #tpu.memory_space<hbm>> -> memref<640x144xf32, #tpu.memory_space<hbm>>
      %dma_wait3A_140 = arith.constant 0 : i32
      %dma_wait3A_141 = tpu.memref_slice %arg17[%multiple_of3A, %dma_wait3A_140] : memref<10240x144xf32, #tpu.memory_space<vmem_shared>> -> memref<640x144xf32, #tpu.memory_space<vmem_shared>>
      tpu.wait_dma2 semaphore(%run_scoped3A : memref<!tpu.dma_semaphore, #tpu.memory_space<semaphore_mem>>) src(%dma_wait3A_141 : memref<640x144xf32, #tpu.memory_space<vmem_shared>>) dst(%dma_wait3A_139 : memref<640x144xf32, #tpu.memory_space<hbm>>)
      tpu.yield
    }) : () -> ()
    return
  }
}

module attributes {stable_mosaic.version = 14 : i64} {
  func.func @_tc1_body(%arg0: i32, %arg1: memref<2000x128xf32, #tpu.memory_space<vmem>>, %arg2: memref<128x128xf32, #tpu.memory_space<vmem>>, %arg3: memref<1x128xf32, #tpu.memory_space<vmem>>, %arg4: memref<128x128xf32, #tpu.memory_space<vmem>>, %arg5: memref<1x128xf32, #tpu.memory_space<vmem>>, %arg6: memref<1x128xf32, #tpu.memory_space<vmem>>, %arg7: memref<2000x144xf32, #tpu.memory_space<vmem>>, %arg8: memref<2000x144xf32, #tpu.memory_space<vmem>>, %arg9: memref<2000x144xf32, #tpu.memory_space<vmem>>) attributes {dimension_semantics = [#tpu.dimension_semantics<arbitrary>], iteration_bounds = array<i64: 5>, scalar_prefetch = 0 : i64, scratch_operands = 0 : i64, tpu.core_type = #tpu.core_type<tc>, window_params = [{transform_indices = @transform_0, window_bounds = array<i64: 2000, 128>}, {pipeline_mode = #tpu.pipeline_mode<synchronous>, transform_indices = @transform_1, window_bounds = array<i64: 128, 128>}, {pipeline_mode = #tpu.pipeline_mode<synchronous>, transform_indices = @transform_2, window_bounds = array<i64: 1, 128>}, {pipeline_mode = #tpu.pipeline_mode<synchronous>, transform_indices = @transform_3, window_bounds = array<i64: 128, 128>}, {pipeline_mode = #tpu.pipeline_mode<synchronous>, transform_indices = @transform_4, window_bounds = array<i64: 1, 128>}, {pipeline_mode = #tpu.pipeline_mode<synchronous>, transform_indices = @transform_5, window_bounds = array<i64: 1, 128>}, {transform_indices = @transform_6, window_bounds = array<i64: 2000, 144>}, {transform_indices = @transform_7, window_bounds = array<i64: 2000, 144>}, {transform_indices = @transform_8, window_bounds = array<i64: 2000, 144>}]} {
    %get3A = arith.constant 0 : index
    %get3A_0 = arith.constant 0 : index
    %get3A_1 = vector.load %arg1[%get3A, %get3A_0] : memref<2000x128xf32, #tpu.memory_space<vmem>>, vector<2000x128xf32>
    %get3A_2 = arith.constant 0 : index
    %get3A_3 = arith.constant 0 : index
    %get3A_4 = vector.load %arg6[%get3A_2, %get3A_3] : memref<1x128xf32, #tpu.memory_space<vmem>>, vector<1x128xf32>
    %get3A_5 = arith.constant 0 : index
    %get3A_6 = arith.constant 0 : index
    %get3A_7 = vector.load %arg2[%get3A_5, %get3A_6] : memref<128x128xf32, #tpu.memory_space<vmem>>, vector<128x128xf32>
    %dot_general3A = arith.constant dense<0.000000e+00> : vector<2000x128xf32>
    %dot_general3A_8 = tpu.matmul %get3A_1, %get3A_7, %dot_general3A {dimension_numbers = #tpu.dot_dimension_numbers<[1], [0], [0], [1], [0, 0, 1, 1], [], []>, transpose_lhs_hint = false} : vector<2000x128xf32>, vector<128x128xf32>, vector<2000x128xf32> -> vector<2000x128xf32>
    %get3A_9 = arith.constant 0 : index
    %get3A_10 = arith.constant 0 : index
    %get3A_11 = vector.load %arg3[%get3A_9, %get3A_10] : memref<1x128xf32, #tpu.memory_space<vmem>>, vector<1x128xf32>
    %add3A = vector.broadcast %get3A_11 : vector<1x128xf32> to vector<2000x128xf32>
    %add3A_12 = arith.addf %dot_general3A_8, %add3A : vector<2000x128xf32>
    %get3A_13 = arith.constant 0 : index
    %get3A_14 = arith.constant 0 : index
    %get3A_15 = vector.load %arg4[%get3A_13, %get3A_14] : memref<128x128xf32, #tpu.memory_space<vmem>>, vector<128x128xf32>
    %dot_general3A_16 = arith.constant dense<0.000000e+00> : vector<2000x128xf32>
    %dot_general3A_17 = tpu.matmul %get3A_1, %get3A_15, %dot_general3A_16 {dimension_numbers = #tpu.dot_dimension_numbers<[1], [0], [0], [1], [0, 0, 1, 1], [], []>, transpose_lhs_hint = false} : vector<2000x128xf32>, vector<128x128xf32>, vector<2000x128xf32> -> vector<2000x128xf32>
    %get3A_18 = arith.constant 0 : index
    %get3A_19 = arith.constant 0 : index
    %get3A_20 = vector.load %arg5[%get3A_18, %get3A_19] : memref<1x128xf32, #tpu.memory_space<vmem>>, vector<1x128xf32>
    %add3A_21 = vector.broadcast %get3A_20 : vector<1x128xf32> to vector<2000x128xf32>
    %add3A_22 = arith.addf %dot_general3A_17, %add3A_21 : vector<2000x128xf32>
    %add3A_23 = arith.addf %add3A_12, %add3A_22 : vector<2000x128xf32>
    %mul3A = arith.constant 2.000000e-01 : f32
    %mul3A_24 = vector.broadcast %mul3A : f32 to vector<2000x128xf32>
    %mul3A_25 = arith.mulf %mul3A_24, %add3A_23 : vector<2000x128xf32>
    %max3A = arith.maximumf %add3A_23, %mul3A_25 : vector<2000x128xf32>
    %mul3A_26 = vector.broadcast %get3A_4 : vector<1x128xf32> to vector<2000x128xf32>
    %mul3A_27 = arith.mulf %max3A, %mul3A_26 : vector<2000x128xf32>
    %mul3A_28 = vector.broadcast %get3A_4 : vector<1x128xf32> to vector<2000x128xf32>
    %mul3A_29 = arith.mulf %add3A_12, %mul3A_28 : vector<2000x128xf32>
    %mul3A_30 = vector.broadcast %get3A_4 : vector<1x128xf32> to vector<2000x128xf32>
    %mul3A_31 = arith.mulf %add3A_22, %mul3A_30 : vector<2000x128xf32>
    %slice3A = vector.extract_strided_slice %mul3A_27 {offsets = [0, 0], sizes = [2000, 32], strides = [1, 1]} : vector<2000x128xf32> to vector<2000x32xf32>
    %reduce_sum3A = arith.constant dense<0.000000e+00> : vector<2000xf32>
    %reduce_sum3A_32 = vector.multi_reduction <add>, %slice3A, %reduce_sum3A [1] : vector<2000x32xf32> to vector<2000xf32>
    %broadcast_in_dim3A = vector.shape_cast %reduce_sum3A_32 : vector<2000xf32> to vector<2000x1xf32>
    %exp3A = math.exp %broadcast_in_dim3A : vector<2000x1xf32>
    %slice3A_33 = vector.extract_strided_slice %add3A_12 {offsets = [0, 0], sizes = [2000, 32], strides = [1, 1]} : vector<2000x128xf32> to vector<2000x32xf32>
    %mul3A_34 = vector.broadcast %exp3A : vector<2000x1xf32> to vector<2000x32xf32>
    %mul3A_35 = arith.mulf %slice3A_33, %mul3A_34 : vector<2000x32xf32>
    %slice3A_36 = vector.extract_strided_slice %mul3A_29 {offsets = [0, 0], sizes = [2000, 32], strides = [1, 1]} : vector<2000x128xf32> to vector<2000x32xf32>
    %reduce_sum3A_37 = arith.constant dense<0.000000e+00> : vector<2000xf32>
    %reduce_sum3A_38 = vector.multi_reduction <add>, %slice3A_36, %reduce_sum3A_37 [1] : vector<2000x32xf32> to vector<2000xf32>
    %broadcast_in_dim3A_39 = vector.shape_cast %reduce_sum3A_38 : vector<2000xf32> to vector<2000x1xf32>
    %mul3A_40 = arith.constant 6.000000e-01 : f32
    %mul3A_41 = vector.broadcast %mul3A_40 : f32 to vector<2000x1xf32>
    %mul3A_42 = arith.mulf %mul3A_41, %broadcast_in_dim3A_39 : vector<2000x1xf32>
    %slice3A_43 = vector.extract_strided_slice %mul3A_31 {offsets = [0, 0], sizes = [2000, 32], strides = [1, 1]} : vector<2000x128xf32> to vector<2000x32xf32>
    %reduce_sum3A_44 = arith.constant dense<0.000000e+00> : vector<2000xf32>
    %reduce_sum3A_45 = vector.multi_reduction <add>, %slice3A_43, %reduce_sum3A_44 [1] : vector<2000x32xf32> to vector<2000xf32>
    %broadcast_in_dim3A_46 = vector.shape_cast %reduce_sum3A_45 : vector<2000xf32> to vector<2000x1xf32>
    %mul3A_47 = arith.constant 6.000000e-01 : f32
    %mul3A_48 = vector.broadcast %mul3A_47 : f32 to vector<2000x1xf32>
    %mul3A_49 = arith.mulf %mul3A_48, %broadcast_in_dim3A_46 : vector<2000x1xf32>
    %slice3A_50 = vector.extract_strided_slice %mul3A_27 {offsets = [0, 32], sizes = [2000, 32], strides = [1, 1]} : vector<2000x128xf32> to vector<2000x32xf32>
    %reduce_sum3A_51 = arith.constant dense<0.000000e+00> : vector<2000xf32>
    %reduce_sum3A_52 = vector.multi_reduction <add>, %slice3A_50, %reduce_sum3A_51 [1] : vector<2000x32xf32> to vector<2000xf32>
    %broadcast_in_dim3A_53 = vector.shape_cast %reduce_sum3A_52 : vector<2000xf32> to vector<2000x1xf32>
    %exp3A_54 = math.exp %broadcast_in_dim3A_53 : vector<2000x1xf32>
    %slice3A_55 = vector.extract_strided_slice %add3A_12 {offsets = [0, 32], sizes = [2000, 32], strides = [1, 1]} : vector<2000x128xf32> to vector<2000x32xf32>
    %mul3A_56 = vector.broadcast %exp3A_54 : vector<2000x1xf32> to vector<2000x32xf32>
    %mul3A_57 = arith.mulf %slice3A_55, %mul3A_56 : vector<2000x32xf32>
    %slice3A_58 = vector.extract_strided_slice %mul3A_29 {offsets = [0, 32], sizes = [2000, 32], strides = [1, 1]} : vector<2000x128xf32> to vector<2000x32xf32>
    %reduce_sum3A_59 = arith.constant dense<0.000000e+00> : vector<2000xf32>
    %reduce_sum3A_60 = vector.multi_reduction <add>, %slice3A_58, %reduce_sum3A_59 [1] : vector<2000x32xf32> to vector<2000xf32>
    %broadcast_in_dim3A_61 = vector.shape_cast %reduce_sum3A_60 : vector<2000xf32> to vector<2000x1xf32>
    %mul3A_62 = arith.constant 6.000000e-01 : f32
    %mul3A_63 = vector.broadcast %mul3A_62 : f32 to vector<2000x1xf32>
    %mul3A_64 = arith.mulf %mul3A_63, %broadcast_in_dim3A_61 : vector<2000x1xf32>
    %slice3A_65 = vector.extract_strided_slice %mul3A_31 {offsets = [0, 32], sizes = [2000, 32], strides = [1, 1]} : vector<2000x128xf32> to vector<2000x32xf32>
    %reduce_sum3A_66 = arith.constant dense<0.000000e+00> : vector<2000xf32>
    %reduce_sum3A_67 = vector.multi_reduction <add>, %slice3A_65, %reduce_sum3A_66 [1] : vector<2000x32xf32> to vector<2000xf32>
    %broadcast_in_dim3A_68 = vector.shape_cast %reduce_sum3A_67 : vector<2000xf32> to vector<2000x1xf32>
    %mul3A_69 = arith.constant 6.000000e-01 : f32
    %mul3A_70 = vector.broadcast %mul3A_69 : f32 to vector<2000x1xf32>
    %mul3A_71 = arith.mulf %mul3A_70, %broadcast_in_dim3A_68 : vector<2000x1xf32>
    %slice3A_72 = vector.extract_strided_slice %mul3A_27 {offsets = [0, 64], sizes = [2000, 32], strides = [1, 1]} : vector<2000x128xf32> to vector<2000x32xf32>
    %reduce_sum3A_73 = arith.constant dense<0.000000e+00> : vector<2000xf32>
    %reduce_sum3A_74 = vector.multi_reduction <add>, %slice3A_72, %reduce_sum3A_73 [1] : vector<2000x32xf32> to vector<2000xf32>
    %broadcast_in_dim3A_75 = vector.shape_cast %reduce_sum3A_74 : vector<2000xf32> to vector<2000x1xf32>
    %exp3A_76 = math.exp %broadcast_in_dim3A_75 : vector<2000x1xf32>
    %slice3A_77 = vector.extract_strided_slice %add3A_12 {offsets = [0, 64], sizes = [2000, 32], strides = [1, 1]} : vector<2000x128xf32> to vector<2000x32xf32>
    %mul3A_78 = vector.broadcast %exp3A_76 : vector<2000x1xf32> to vector<2000x32xf32>
    %mul3A_79 = arith.mulf %slice3A_77, %mul3A_78 : vector<2000x32xf32>
    %slice3A_80 = vector.extract_strided_slice %mul3A_29 {offsets = [0, 64], sizes = [2000, 32], strides = [1, 1]} : vector<2000x128xf32> to vector<2000x32xf32>
    %reduce_sum3A_81 = arith.constant dense<0.000000e+00> : vector<2000xf32>
    %reduce_sum3A_82 = vector.multi_reduction <add>, %slice3A_80, %reduce_sum3A_81 [1] : vector<2000x32xf32> to vector<2000xf32>
    %broadcast_in_dim3A_83 = vector.shape_cast %reduce_sum3A_82 : vector<2000xf32> to vector<2000x1xf32>
    %mul3A_84 = arith.constant 6.000000e-01 : f32
    %mul3A_85 = vector.broadcast %mul3A_84 : f32 to vector<2000x1xf32>
    %mul3A_86 = arith.mulf %mul3A_85, %broadcast_in_dim3A_83 : vector<2000x1xf32>
    %slice3A_87 = vector.extract_strided_slice %mul3A_31 {offsets = [0, 64], sizes = [2000, 32], strides = [1, 1]} : vector<2000x128xf32> to vector<2000x32xf32>
    %reduce_sum3A_88 = arith.constant dense<0.000000e+00> : vector<2000xf32>
    %reduce_sum3A_89 = vector.multi_reduction <add>, %slice3A_87, %reduce_sum3A_88 [1] : vector<2000x32xf32> to vector<2000xf32>
    %broadcast_in_dim3A_90 = vector.shape_cast %reduce_sum3A_89 : vector<2000xf32> to vector<2000x1xf32>
    %mul3A_91 = arith.constant 6.000000e-01 : f32
    %mul3A_92 = vector.broadcast %mul3A_91 : f32 to vector<2000x1xf32>
    %mul3A_93 = arith.mulf %mul3A_92, %broadcast_in_dim3A_90 : vector<2000x1xf32>
    %slice3A_94 = vector.extract_strided_slice %mul3A_27 {offsets = [0, 96], sizes = [2000, 32], strides = [1, 1]} : vector<2000x128xf32> to vector<2000x32xf32>
    %reduce_sum3A_95 = arith.constant dense<0.000000e+00> : vector<2000xf32>
    %reduce_sum3A_96 = vector.multi_reduction <add>, %slice3A_94, %reduce_sum3A_95 [1] : vector<2000x32xf32> to vector<2000xf32>
    %broadcast_in_dim3A_97 = vector.shape_cast %reduce_sum3A_96 : vector<2000xf32> to vector<2000x1xf32>
    %exp3A_98 = math.exp %broadcast_in_dim3A_97 : vector<2000x1xf32>
    %slice3A_99 = vector.extract_strided_slice %add3A_12 {offsets = [0, 96], sizes = [2000, 32], strides = [1, 1]} : vector<2000x128xf32> to vector<2000x32xf32>
    %mul3A_100 = vector.broadcast %exp3A_98 : vector<2000x1xf32> to vector<2000x32xf32>
    %mul3A_101 = arith.mulf %slice3A_99, %mul3A_100 : vector<2000x32xf32>
    %slice3A_102 = vector.extract_strided_slice %mul3A_29 {offsets = [0, 96], sizes = [2000, 32], strides = [1, 1]} : vector<2000x128xf32> to vector<2000x32xf32>
    %reduce_sum3A_103 = arith.constant dense<0.000000e+00> : vector<2000xf32>
    %reduce_sum3A_104 = vector.multi_reduction <add>, %slice3A_102, %reduce_sum3A_103 [1] : vector<2000x32xf32> to vector<2000xf32>
    %broadcast_in_dim3A_105 = vector.shape_cast %reduce_sum3A_104 : vector<2000xf32> to vector<2000x1xf32>
    %mul3A_106 = arith.constant 6.000000e-01 : f32
    %mul3A_107 = vector.broadcast %mul3A_106 : f32 to vector<2000x1xf32>
    %mul3A_108 = arith.mulf %mul3A_107, %broadcast_in_dim3A_105 : vector<2000x1xf32>
    %slice3A_109 = vector.extract_strided_slice %mul3A_31 {offsets = [0, 96], sizes = [2000, 32], strides = [1, 1]} : vector<2000x128xf32> to vector<2000x32xf32>
    %reduce_sum3A_110 = arith.constant dense<0.000000e+00> : vector<2000xf32>
    %reduce_sum3A_111 = vector.multi_reduction <add>, %slice3A_109, %reduce_sum3A_110 [1] : vector<2000x32xf32> to vector<2000xf32>
    %broadcast_in_dim3A_112 = vector.shape_cast %reduce_sum3A_111 : vector<2000xf32> to vector<2000x1xf32>
    %mul3A_113 = arith.constant 6.000000e-01 : f32
    %mul3A_114 = vector.broadcast %mul3A_113 : f32 to vector<2000x1xf32>
    %mul3A_115 = arith.mulf %mul3A_114, %broadcast_in_dim3A_112 : vector<2000x1xf32>
    %broadcast_in_dim3A_116 = arith.constant 0.000000e+00 : f32
    %broadcast_in_dim3A_117 = vector.broadcast %broadcast_in_dim3A_116 : f32 to vector<2000x12xf32>
    %concatenate3A = tpu.concatenate %add3A_12, %mul3A_42, %mul3A_64, %mul3A_86, %mul3A_108, %broadcast_in_dim3A_117 in 1 : vector<2000x128xf32>, vector<2000x1xf32>, vector<2000x1xf32>, vector<2000x1xf32>, vector<2000x1xf32>, vector<2000x12xf32> -> vector<2000x144xf32>
    %swap3A = arith.constant 0 : index
    %swap3A_118 = arith.constant 0 : index
    %swap3A_119 = vector.load %arg7[%swap3A, %swap3A_118] : memref<2000x144xf32, #tpu.memory_space<vmem>>, vector<2000x144xf32>
    tpu.vector_store %arg7[%swap3A, %swap3A_118], %concatenate3A {strides = array<i32>} : memref<2000x144xf32, #tpu.memory_space<vmem>>, vector<2000x144xf32>,
    %concatenate3A_120 = tpu.concatenate %add3A_22, %mul3A_49, %mul3A_71, %mul3A_93, %mul3A_115, %broadcast_in_dim3A_117 in 1 : vector<2000x128xf32>, vector<2000x1xf32>, vector<2000x1xf32>, vector<2000x1xf32>, vector<2000x1xf32>, vector<2000x12xf32> -> vector<2000x144xf32>
    %swap3A_121 = arith.constant 0 : index
    %swap3A_122 = arith.constant 0 : index
    %swap3A_123 = vector.load %arg8[%swap3A_121, %swap3A_122] : memref<2000x144xf32, #tpu.memory_space<vmem>>, vector<2000x144xf32>
    tpu.vector_store %arg8[%swap3A_121, %swap3A_122], %concatenate3A_120 {strides = array<i32>} : memref<2000x144xf32, #tpu.memory_space<vmem>>, vector<2000x144xf32>,
    %concatenate3A_124 = tpu.concatenate %mul3A_35, %mul3A_57, %mul3A_79, %mul3A_101, %exp3A, %exp3A_54, %exp3A_76, %exp3A_98, %broadcast_in_dim3A_117 in 1 : vector<2000x32xf32>, vector<2000x32xf32>, vector<2000x32xf32>, vector<2000x32xf32>, vector<2000x1xf32>, vector<2000x1xf32>, vector<2000x1xf32>, vector<2000x1xf32>, vector<2000x12xf32> -> vector<2000x144xf32>
    %swap3A_125 = arith.constant 0 : index
    %swap3A_126 = arith.constant 0 : index
    %swap3A_127 = vector.load %arg9[%swap3A_125, %swap3A_126] : memref<2000x144xf32, #tpu.memory_space<vmem>>, vector<2000x144xf32>
    tpu.vector_store %arg9[%swap3A_125, %swap3A_126], %concatenate3A_124 {strides = array<i32>} : memref<2000x144xf32, #tpu.memory_space<vmem>>, vector<2000x144xf32>,
    return
  }
  func.func @transform_0(%arg0: i32) -> (i32, i32) {
    %c0_i32 = arith.constant 0 : i32
    %c0_i32_0 = arith.constant 0 : i32
    return %arg0, %c0_i32 : i32, i32
  }
  func.func @transform_1(%arg0: i32) -> (i32, i32) {
    %c0_i32 = arith.constant 0 : i32
    %c0_i32_0 = arith.constant 0 : i32
    %c0_i32_1 = arith.constant 0 : i32
    return %c0_i32, %c0_i32_0 : i32, i32
  }
  func.func @transform_2(%arg0: i32) -> (i32, i32) {
    %c0_i32 = arith.constant 0 : i32
    %c0_i32_0 = arith.constant 0 : i32
    %c0_i32_1 = arith.constant 0 : i32
    return %c0_i32, %c0_i32_0 : i32, i32
  }
  func.func @transform_3(%arg0: i32) -> (i32, i32) {
    %c0_i32 = arith.constant 0 : i32
    %c0_i32_0 = arith.constant 0 : i32
    %c0_i32_1 = arith.constant 0 : i32
    return %c0_i32, %c0_i32_0 : i32, i32
  }
  func.func @transform_4(%arg0: i32) -> (i32, i32) {
    %c0_i32 = arith.constant 0 : i32
    %c0_i32_0 = arith.constant 0 : i32
    %c0_i32_1 = arith.constant 0 : i32
    return %c0_i32, %c0_i32_0 : i32, i32
  }
  func.func @transform_5(%arg0: i32) -> (i32, i32) {
    %c0_i32 = arith.constant 0 : i32
    %c0_i32_0 = arith.constant 0 : i32
    %c0_i32_1 = arith.constant 0 : i32
    return %c0_i32, %c0_i32_0 : i32, i32
  }
  func.func @transform_6(%arg0: i32) -> (i32, i32) {
    %c0_i32 = arith.constant 0 : i32
    %c0_i32_0 = arith.constant 0 : i32
    return %arg0, %c0_i32 : i32, i32
  }
  func.func @transform_7(%arg0: i32) -> (i32, i32) {
    %c0_i32 = arith.constant 0 : i32
    %c0_i32_0 = arith.constant 0 : i32
    return %arg0, %c0_i32 : i32, i32
  }
  func.func @transform_8(%arg0: i32) -> (i32, i32) {
    %c0_i32 = arith.constant 0 : i32
    %c0_i32_0 = arith.constant 0 : i32
    return %arg0, %c0_i32 : i32, i32
  }
}

module attributes {stable_mosaic.version = 14 : i64} {
  func.func @_tc2_body(%arg0: i32, %arg1: memref<2000x144xf32, #tpu.memory_space<vmem>>, %arg2: memref<2000x144xf32, #tpu.memory_space<vmem>>, %arg3: memref<2000x144xf32, #tpu.memory_space<vmem>>, %arg4: memref<1x128xf32, #tpu.memory_space<vmem>>, %arg5: memref<1x128xf32, #tpu.memory_space<vmem>>, %arg6: memref<1x128xf32, #tpu.memory_space<vmem>>, %arg7: memref<1x128xf32, #tpu.memory_space<vmem>>, %arg8: memref<1x128xf32, #tpu.memory_space<vmem>>, %arg9: memref<128x48xf32, #tpu.memory_space<vmem>>, %arg10: memref<1x48xf32, #tpu.memory_space<vmem>>, %arg11: memref<128x48xf32, #tpu.memory_space<vmem>>, %arg12: memref<1x48xf32, #tpu.memory_space<vmem>>, %arg13: memref<1x48xf32, #tpu.memory_space<vmem>>, %arg14: memref<2000x48xf32, #tpu.memory_space<vmem>>, %arg15: memref<2000x48xf32, #tpu.memory_space<vmem>>, %arg16: memref<2000x48xf32, #tpu.memory_space<vmem>>) attributes {dimension_semantics = [#tpu.dimension_semantics<arbitrary>], iteration_bounds = array<i64: 5>, scalar_prefetch = 0 : i64, scratch_operands = 0 : i64, tpu.core_type = #tpu.core_type<tc>, window_params = [{transform_indices = @transform_0, window_bounds = array<i64: 2000, 144>}, {transform_indices = @transform_1, window_bounds = array<i64: 2000, 144>}, {transform_indices = @transform_2, window_bounds = array<i64: 2000, 144>}, {pipeline_mode = #tpu.pipeline_mode<synchronous>, transform_indices = @transform_3, window_bounds = array<i64: 1, 128>}, {pipeline_mode = #tpu.pipeline_mode<synchronous>, transform_indices = @transform_4, window_bounds = array<i64: 1, 128>}, {pipeline_mode = #tpu.pipeline_mode<synchronous>, transform_indices = @transform_5, window_bounds = array<i64: 1, 128>}, {pipeline_mode = #tpu.pipeline_mode<synchronous>, transform_indices = @transform_6, window_bounds = array<i64: 1, 128>}, {pipeline_mode = #tpu.pipeline_mode<synchronous>, transform_indices = @transform_7, window_bounds = array<i64: 1, 128>}, {pipeline_mode = #tpu.pipeline_mode<synchronous>, transform_indices = @transform_8, window_bounds = array<i64: 128, 48>}, {pipeline_mode = #tpu.pipeline_mode<synchronous>, transform_indices = @transform_9, window_bounds = array<i64: 1, 48>}, {pipeline_mode = #tpu.pipeline_mode<synchronous>, transform_indices = @transform_10, window_bounds = array<i64: 128, 48>}, {pipeline_mode = #tpu.pipeline_mode<synchronous>, transform_indices = @transform_11, window_bounds = array<i64: 1, 48>}, {pipeline_mode = #tpu.pipeline_mode<synchronous>, transform_indices = @transform_12, window_bounds = array<i64: 1, 48>}, {transform_indices = @transform_13, window_bounds = array<i64: 2000, 48>}, {transform_indices = @transform_14, window_bounds = array<i64: 2000, 48>}, {transform_indices = @transform_15, window_bounds = array<i64: 2000, 48>}]} {
    %get3A = arith.constant 0 : index
    %get3A_0 = arith.constant 0 : index
    %get3A_1 = vector.load %arg1[%get3A, %get3A_0] : memref<2000x144xf32, #tpu.memory_space<vmem>>, vector<2000x144xf32>
    %get3A_2 = arith.constant 0 : index
    %get3A_3 = arith.constant 0 : index
    %get3A_4 = vector.load %arg2[%get3A_2, %get3A_3] : memref<2000x144xf32, #tpu.memory_space<vmem>>, vector<2000x144xf32>
    %add3A = arith.addf %get3A_1, %get3A_4 : vector<2000x144xf32>
    %get3A_5 = arith.constant 0 : index
    %get3A_6 = arith.constant 0 : index
    %get3A_7 = vector.load %arg3[%get3A_5, %get3A_6] : memref<2000x144xf32, #tpu.memory_space<vmem>>, vector<2000x144xf32>
    %add3A_8 = arith.addf %add3A, %get3A_7 : vector<2000x144xf32>
    %slice3A = vector.extract_strided_slice %add3A_8 {offsets = [0, 128], sizes = [2000, 1], strides = [1, 1]} : vector<2000x144xf32> to vector<2000x1xf32>
    %add3A_9 = arith.constant 1.000000e-16 : f32
    %add3A_10 = vector.broadcast %add3A_9 : f32 to vector<2000x1xf32>
    %add3A_11 = arith.addf %slice3A, %add3A_10 : vector<2000x1xf32>
    %slice3A_12 = vector.extract_strided_slice %add3A_8 {offsets = [0, 0], sizes = [2000, 32], strides = [1, 1]} : vector<2000x144xf32> to vector<2000x32xf32>
    %div3A = vector.broadcast %add3A_11 : vector<2000x1xf32> to vector<2000x32xf32>
    %div3A_13 = arith.divf %slice3A_12, %div3A : vector<2000x32xf32>
    %slice3A_14 = vector.extract_strided_slice %add3A_8 {offsets = [0, 129], sizes = [2000, 1], strides = [1, 1]} : vector<2000x144xf32> to vector<2000x1xf32>
    %add3A_15 = arith.constant 1.000000e-16 : f32
    %add3A_16 = vector.broadcast %add3A_15 : f32 to vector<2000x1xf32>
    %add3A_17 = arith.addf %slice3A_14, %add3A_16 : vector<2000x1xf32>
    %slice3A_18 = vector.extract_strided_slice %add3A_8 {offsets = [0, 32], sizes = [2000, 32], strides = [1, 1]} : vector<2000x144xf32> to vector<2000x32xf32>
    %div3A_19 = vector.broadcast %add3A_17 : vector<2000x1xf32> to vector<2000x32xf32>
    %div3A_20 = arith.divf %slice3A_18, %div3A_19 : vector<2000x32xf32>
    %slice3A_21 = vector.extract_strided_slice %add3A_8 {offsets = [0, 130], sizes = [2000, 1], strides = [1, 1]} : vector<2000x144xf32> to vector<2000x1xf32>
    %add3A_22 = arith.constant 1.000000e-16 : f32
    %add3A_23 = vector.broadcast %add3A_22 : f32 to vector<2000x1xf32>
    %add3A_24 = arith.addf %slice3A_21, %add3A_23 : vector<2000x1xf32>
    %slice3A_25 = vector.extract_strided_slice %add3A_8 {offsets = [0, 64], sizes = [2000, 32], strides = [1, 1]} : vector<2000x144xf32> to vector<2000x32xf32>
    %div3A_26 = vector.broadcast %add3A_24 : vector<2000x1xf32> to vector<2000x32xf32>
    %div3A_27 = arith.divf %slice3A_25, %div3A_26 : vector<2000x32xf32>
    %slice3A_28 = vector.extract_strided_slice %add3A_8 {offsets = [0, 131], sizes = [2000, 1], strides = [1, 1]} : vector<2000x144xf32> to vector<2000x1xf32>
    %add3A_29 = arith.constant 1.000000e-16 : f32
    %add3A_30 = vector.broadcast %add3A_29 : f32 to vector<2000x1xf32>
    %add3A_31 = arith.addf %slice3A_28, %add3A_30 : vector<2000x1xf32>
    %slice3A_32 = vector.extract_strided_slice %add3A_8 {offsets = [0, 96], sizes = [2000, 32], strides = [1, 1]} : vector<2000x144xf32> to vector<2000x32xf32>
    %div3A_33 = vector.broadcast %add3A_31 : vector<2000x1xf32> to vector<2000x32xf32>
    %div3A_34 = arith.divf %slice3A_32, %div3A_33 : vector<2000x32xf32>
    %concatenate3A = tpu.concatenate %div3A_13, %div3A_20, %div3A_27, %div3A_34 in 1 : vector<2000x32xf32>, vector<2000x32xf32>, vector<2000x32xf32>, vector<2000x32xf32> -> vector<2000x128xf32>
    %get3A_35 = arith.constant 0 : index
    %get3A_36 = arith.constant 0 : index
    %get3A_37 = vector.load %arg4[%get3A_35, %get3A_36] : memref<1x128xf32, #tpu.memory_space<vmem>>, vector<1x128xf32>
    %add3A_38 = vector.broadcast %get3A_37 : vector<1x128xf32> to vector<2000x128xf32>
    %add3A_39 = arith.addf %concatenate3A, %add3A_38 : vector<2000x128xf32>
    %get3A_40 = arith.constant 0 : index
    %get3A_41 = arith.constant 0 : index
    %get3A_42 = vector.load %arg7[%get3A_40, %get3A_41] : memref<1x128xf32, #tpu.memory_space<vmem>>, vector<1x128xf32>
    %sub3A = vector.broadcast %get3A_42 : vector<1x128xf32> to vector<2000x128xf32>
    %sub3A_43 = arith.subf %add3A_39, %sub3A : vector<2000x128xf32>
    %get3A_44 = arith.constant 0 : index
    %get3A_45 = arith.constant 0 : index
    %get3A_46 = vector.load %arg8[%get3A_44, %get3A_45] : memref<1x128xf32, #tpu.memory_space<vmem>>, vector<1x128xf32>
    %add3A_47 = arith.constant 9.99999974E-6 : f32
    %add3A_48 = vector.broadcast %add3A_47 : f32 to vector<1x128xf32>
    %add3A_49 = arith.addf %get3A_46, %add3A_48 : vector<1x128xf32>
    %rsqrt3A = math.rsqrt %add3A_49 : vector<1x128xf32>
    %mul3A = vector.broadcast %rsqrt3A : vector<1x128xf32> to vector<2000x128xf32>
    %mul3A_50 = arith.mulf %sub3A_43, %mul3A : vector<2000x128xf32>
    %get3A_51 = arith.constant 0 : index
    %get3A_52 = arith.constant 0 : index
    %get3A_53 = vector.load %arg5[%get3A_51, %get3A_52] : memref<1x128xf32, #tpu.memory_space<vmem>>, vector<1x128xf32>
    %mul3A_54 = vector.broadcast %get3A_53 : vector<1x128xf32> to vector<2000x128xf32>
    %mul3A_55 = arith.mulf %mul3A_50, %mul3A_54 : vector<2000x128xf32>
    %get3A_56 = arith.constant 0 : index
    %get3A_57 = arith.constant 0 : index
    %get3A_58 = vector.load %arg6[%get3A_56, %get3A_57] : memref<1x128xf32, #tpu.memory_space<vmem>>, vector<1x128xf32>
    %add3A_59 = vector.broadcast %get3A_58 : vector<1x128xf32> to vector<2000x128xf32>
    %add3A_60 = arith.addf %mul3A_55, %add3A_59 : vector<2000x128xf32>
    %gt3A = arith.constant 0.000000e+00 : f32
    %gt3A_61 = vector.broadcast %gt3A : f32 to vector<2000x128xf32>
    %gt3A_62 = arith.cmpf ogt, %add3A_60, %gt3A_61 : vector<2000x128xf32>
    %min3A = arith.constant 0.000000e+00 : f32
    %min3A_63 = vector.broadcast %min3A : f32 to vector<2000x128xf32>
    %min3A_64 = arith.minimumf %add3A_60, %min3A_63 : vector<2000x128xf32>
    %exp3A = math.exp %min3A_64 : vector<2000x128xf32>
    %sub3A_65 = arith.constant 1.000000e+00 : f32
    %sub3A_66 = vector.broadcast %sub3A_65 : f32 to vector<2000x128xf32>
    %sub3A_67 = arith.subf %exp3A, %sub3A_66 : vector<2000x128xf32>
    %select_n3A = arith.select %gt3A_62, %add3A_60, %sub3A_67 : vector<2000x128xi1>, vector<2000x128xf32>
    %get3A_68 = arith.constant 0 : index
    %get3A_69 = arith.constant 0 : index
    %get3A_70 = vector.load %arg13[%get3A_68, %get3A_69] : memref<1x48xf32, #tpu.memory_space<vmem>>, vector<1x48xf32>
    %get3A_71 = arith.constant 0 : index
    %get3A_72 = arith.constant 0 : index
    %get3A_73 = vector.load %arg9[%get3A_71, %get3A_72] : memref<128x48xf32, #tpu.memory_space<vmem>>, vector<128x48xf32>
    %dot_general3A = arith.constant dense<0.000000e+00> : vector<2000x48xf32>
    %dot_general3A_74 = tpu.matmul %select_n3A, %get3A_73, %dot_general3A {dimension_numbers = #tpu.dot_dimension_numbers<[1], [0], [0], [1], [0, 0, 1, 1], [], []>, transpose_lhs_hint = false} : vector<2000x128xf32>, vector<128x48xf32>, vector<2000x48xf32> -> vector<2000x48xf32>
    %get3A_75 = arith.constant 0 : index
    %get3A_76 = arith.constant 0 : index
    %get3A_77 = vector.load %arg10[%get3A_75, %get3A_76] : memref<1x48xf32, #tpu.memory_space<vmem>>, vector<1x48xf32>
    %add3A_78 = vector.broadcast %get3A_77 : vector<1x48xf32> to vector<2000x48xf32>
    %add3A_79 = arith.addf %dot_general3A_74, %add3A_78 : vector<2000x48xf32>
    %get3A_80 = arith.constant 0 : index
    %get3A_81 = arith.constant 0 : index
    %get3A_82 = vector.load %arg11[%get3A_80, %get3A_81] : memref<128x48xf32, #tpu.memory_space<vmem>>, vector<128x48xf32>
    %dot_general3A_83 = arith.constant dense<0.000000e+00> : vector<2000x48xf32>
    %dot_general3A_84 = tpu.matmul %select_n3A, %get3A_82, %dot_general3A_83 {dimension_numbers = #tpu.dot_dimension_numbers<[1], [0], [0], [1], [0, 0, 1, 1], [], []>, transpose_lhs_hint = false} : vector<2000x128xf32>, vector<128x48xf32>, vector<2000x48xf32> -> vector<2000x48xf32>
    %get3A_85 = arith.constant 0 : index
    %get3A_86 = arith.constant 0 : index
    %get3A_87 = vector.load %arg12[%get3A_85, %get3A_86] : memref<1x48xf32, #tpu.memory_space<vmem>>, vector<1x48xf32>
    %add3A_88 = vector.broadcast %get3A_87 : vector<1x48xf32> to vector<2000x48xf32>
    %add3A_89 = arith.addf %dot_general3A_84, %add3A_88 : vector<2000x48xf32>
    %mul3A_90 = vector.broadcast %get3A_70 : vector<1x48xf32> to vector<2000x48xf32>
    %mul3A_91 = arith.mulf %add3A_79, %mul3A_90 : vector<2000x48xf32>
    %reduce_sum3A = arith.constant dense<0.000000e+00> : vector<2000xf32>
    %reduce_sum3A_92 = vector.multi_reduction <add>, %mul3A_91, %reduce_sum3A [1] : vector<2000x48xf32> to vector<2000xf32>
    %broadcast_in_dim3A = vector.shape_cast %reduce_sum3A_92 : vector<2000xf32> to vector<2000x1xf32>
    %mul3A_93 = arith.constant 6.000000e-01 : f32
    %mul3A_94 = vector.broadcast %mul3A_93 : f32 to vector<2000x1xf32>
    %mul3A_95 = arith.mulf %mul3A_94, %broadcast_in_dim3A : vector<2000x1xf32>
    %mul3A_96 = vector.broadcast %get3A_70 : vector<1x48xf32> to vector<2000x48xf32>
    %mul3A_97 = arith.mulf %add3A_89, %mul3A_96 : vector<2000x48xf32>
    %reduce_sum3A_98 = arith.constant dense<0.000000e+00> : vector<2000xf32>
    %reduce_sum3A_99 = vector.multi_reduction <add>, %mul3A_97, %reduce_sum3A_98 [1] : vector<2000x48xf32> to vector<2000xf32>
    %broadcast_in_dim3A_100 = vector.shape_cast %reduce_sum3A_99 : vector<2000xf32> to vector<2000x1xf32>
    %mul3A_101 = arith.constant 6.000000e-01 : f32
    %mul3A_102 = vector.broadcast %mul3A_101 : f32 to vector<2000x1xf32>
    %mul3A_103 = arith.mulf %mul3A_102, %broadcast_in_dim3A_100 : vector<2000x1xf32>
    %iota3A = tpu.iota {dimensions = array<i32: 1>} : vector<2000x48xi32>
    %eq3A = arith.constant 40 : i32
    %eq3A_104 = vector.broadcast %eq3A : i32 to vector<2000x48xi32>
    %eq3A_105 = arith.cmpi eq, %iota3A, %eq3A_104 : vector<2000x48xi32>
    %broadcast_in_dim3A_106 = vector.shape_cast %mul3A_95 : vector<2000x1xf32> to vector<2000x1xf32>
    %broadcast_in_dim3A_107 = vector.broadcast %broadcast_in_dim3A_106 : vector<2000x1xf32> to vector<2000x48xf32>
    %select_n3A_108 = arith.select %eq3A_105, %broadcast_in_dim3A_107, %add3A_79 : vector<2000x48xi1>, vector<2000x48xf32>
    %swap3A = arith.constant 0 : index
    %swap3A_109 = arith.constant 0 : index
    %swap3A_110 = vector.load %arg14[%swap3A, %swap3A_109] : memref<2000x48xf32, #tpu.memory_space<vmem>>, vector<2000x48xf32>
    tpu.vector_store %arg14[%swap3A, %swap3A_109], %select_n3A_108 {strides = array<i32>} : memref<2000x48xf32, #tpu.memory_space<vmem>>, vector<2000x48xf32>,
    %eq3A_111 = arith.constant 40 : i32
    %eq3A_112 = vector.broadcast %eq3A_111 : i32 to vector<2000x48xi32>
    %eq3A_113 = arith.cmpi eq, %iota3A, %eq3A_112 : vector<2000x48xi32>
    %broadcast_in_dim3A_114 = vector.shape_cast %mul3A_103 : vector<2000x1xf32> to vector<2000x1xf32>
    %broadcast_in_dim3A_115 = vector.broadcast %broadcast_in_dim3A_114 : vector<2000x1xf32> to vector<2000x48xf32>
    %select_n3A_116 = arith.select %eq3A_113, %broadcast_in_dim3A_115, %add3A_89 : vector<2000x48xi1>, vector<2000x48xf32>
    %swap3A_117 = arith.constant 0 : index
    %swap3A_118 = arith.constant 0 : index
    %swap3A_119 = vector.load %arg15[%swap3A_117, %swap3A_118] : memref<2000x48xf32, #tpu.memory_space<vmem>>, vector<2000x48xf32>
    tpu.vector_store %arg15[%swap3A_117, %swap3A_118], %select_n3A_116 {strides = array<i32>} : memref<2000x48xf32, #tpu.memory_space<vmem>>, vector<2000x48xf32>,
    %add3A_120 = arith.addf %add3A_79, %add3A_89 : vector<2000x48xf32>
    %mul3A_121 = arith.constant 2.000000e-01 : f32
    %mul3A_122 = vector.broadcast %mul3A_121 : f32 to vector<2000x48xf32>
    %mul3A_123 = arith.mulf %mul3A_122, %add3A_120 : vector<2000x48xf32>
    %max3A = arith.maximumf %add3A_120, %mul3A_123 : vector<2000x48xf32>
    %mul3A_124 = vector.broadcast %get3A_70 : vector<1x48xf32> to vector<2000x48xf32>
    %mul3A_125 = arith.mulf %max3A, %mul3A_124 : vector<2000x48xf32>
    %reduce_sum3A_126 = arith.constant dense<0.000000e+00> : vector<2000xf32>
    %reduce_sum3A_127 = vector.multi_reduction <add>, %mul3A_125, %reduce_sum3A_126 [1] : vector<2000x48xf32> to vector<2000xf32>
    %broadcast_in_dim3A_128 = vector.shape_cast %reduce_sum3A_127 : vector<2000xf32> to vector<2000x1xf32>
    %exp3A_129 = math.exp %broadcast_in_dim3A_128 : vector<2000x1xf32>
    %mul3A_130 = vector.broadcast %exp3A_129 : vector<2000x1xf32> to vector<2000x48xf32>
    %mul3A_131 = arith.mulf %add3A_79, %mul3A_130 : vector<2000x48xf32>
    %eq3A_132 = arith.constant 40 : i32
    %eq3A_133 = vector.broadcast %eq3A_132 : i32 to vector<2000x48xi32>
    %eq3A_134 = arith.cmpi eq, %iota3A, %eq3A_133 : vector<2000x48xi32>
    %broadcast_in_dim3A_135 = vector.shape_cast %exp3A_129 : vector<2000x1xf32> to vector<2000x1xf32>
    %broadcast_in_dim3A_136 = vector.broadcast %broadcast_in_dim3A_135 : vector<2000x1xf32> to vector<2000x48xf32>
    %select_n3A_137 = arith.select %eq3A_134, %broadcast_in_dim3A_136, %mul3A_131 : vector<2000x48xi1>, vector<2000x48xf32>
    %swap3A_138 = arith.constant 0 : index
    %swap3A_139 = arith.constant 0 : index
    %swap3A_140 = vector.load %arg16[%swap3A_138, %swap3A_139] : memref<2000x48xf32, #tpu.memory_space<vmem>>, vector<2000x48xf32>
    tpu.vector_store %arg16[%swap3A_138, %swap3A_139], %select_n3A_137 {strides = array<i32>} : memref<2000x48xf32, #tpu.memory_space<vmem>>, vector<2000x48xf32>,
    return
  }
  func.func @transform_0(%arg0: i32) -> (i32, i32) {
    %c0_i32 = arith.constant 0 : i32
    %c0_i32_0 = arith.constant 0 : i32
    return %arg0, %c0_i32 : i32, i32
  }
  func.func @transform_1(%arg0: i32) -> (i32, i32) {
    %c0_i32 = arith.constant 0 : i32
    %c0_i32_0 = arith.constant 0 : i32
    return %arg0, %c0_i32 : i32, i32
  }
  func.func @transform_2(%arg0: i32) -> (i32, i32) {
    %c0_i32 = arith.constant 0 : i32
    %c0_i32_0 = arith.constant 0 : i32
    return %arg0, %c0_i32 : i32, i32
  }
  func.func @transform_3(%arg0: i32) -> (i32, i32) {
    %c0_i32 = arith.constant 0 : i32
    %c0_i32_0 = arith.constant 0 : i32
    %c0_i32_1 = arith.constant 0 : i32
    return %c0_i32, %c0_i32_0 : i32, i32
  }
  func.func @transform_4(%arg0: i32) -> (i32, i32) {
    %c0_i32 = arith.constant 0 : i32
    %c0_i32_0 = arith.constant 0 : i32
    %c0_i32_1 = arith.constant 0 : i32
    return %c0_i32, %c0_i32_0 : i32, i32
  }
  func.func @transform_5(%arg0: i32) -> (i32, i32) {
    %c0_i32 = arith.constant 0 : i32
    %c0_i32_0 = arith.constant 0 : i32
    %c0_i32_1 = arith.constant 0 : i32
    return %c0_i32, %c0_i32_0 : i32, i32
  }
  func.func @transform_6(%arg0: i32) -> (i32, i32) {
    %c0_i32 = arith.constant 0 : i32
    %c0_i32_0 = arith.constant 0 : i32
    %c0_i32_1 = arith.constant 0 : i32
    return %c0_i32, %c0_i32_0 : i32, i32
  }
  func.func @transform_7(%arg0: i32) -> (i32, i32) {
    %c0_i32 = arith.constant 0 : i32
    %c0_i32_0 = arith.constant 0 : i32
    %c0_i32_1 = arith.constant 0 : i32
    return %c0_i32, %c0_i32_0 : i32, i32
  }
  func.func @transform_8(%arg0: i32) -> (i32, i32) {
    %c0_i32 = arith.constant 0 : i32
    %c0_i32_0 = arith.constant 0 : i32
    %c0_i32_1 = arith.constant 0 : i32
    return %c0_i32, %c0_i32_0 : i32, i32
  }
  func.func @transform_9(%arg0: i32) -> (i32, i32) {
    %c0_i32 = arith.constant 0 : i32
    %c0_i32_0 = arith.constant 0 : i32
    %c0_i32_1 = arith.constant 0 : i32
    return %c0_i32, %c0_i32_0 : i32, i32
  }
  func.func @transform_10(%arg0: i32) -> (i32, i32) {
    %c0_i32 = arith.constant 0 : i32
    %c0_i32_0 = arith.constant 0 : i32
    %c0_i32_1 = arith.constant 0 : i32
    return %c0_i32, %c0_i32_0 : i32, i32
  }
  func.func @transform_11(%arg0: i32) -> (i32, i32) {
    %c0_i32 = arith.constant 0 : i32
    %c0_i32_0 = arith.constant 0 : i32
    %c0_i32_1 = arith.constant 0 : i32
    return %c0_i32, %c0_i32_0 : i32, i32
  }
  func.func @transform_12(%arg0: i32) -> (i32, i32) {
    %c0_i32 = arith.constant 0 : i32
    %c0_i32_0 = arith.constant 0 : i32
    %c0_i32_1 = arith.constant 0 : i32
    return %c0_i32, %c0_i32_0 : i32, i32
  }
  func.func @transform_13(%arg0: i32) -> (i32, i32) {
    %c0_i32 = arith.constant 0 : i32
    %c0_i32_0 = arith.constant 0 : i32
    return %arg0, %c0_i32 : i32, i32
  }
  func.func @transform_14(%arg0: i32) -> (i32, i32) {
    %c0_i32 = arith.constant 0 : i32
    %c0_i32_0 = arith.constant 0 : i32
    return %arg0, %c0_i32 : i32, i32
  }
  func.func @transform_15(%arg0: i32) -> (i32, i32) {
    %c0_i32 = arith.constant 0 : i32
    %c0_i32_0 = arith.constant 0 : i32
    return %arg0, %c0_i32 : i32, i32
  }
}

module attributes {stable_mosaic.version = 14 : i64} {
  func.func @_tc3_body(%arg0: i32, %arg1: memref<2000x48xf32, #tpu.memory_space<vmem>>, %arg2: memref<2000x48xf32, #tpu.memory_space<vmem>>, %arg3: memref<2000x48xf32, #tpu.memory_space<vmem>>, %arg4: memref<1x40xf32, #tpu.memory_space<vmem>>, %arg5: memref<2000x40xf32, #tpu.memory_space<vmem>>) attributes {dimension_semantics = [#tpu.dimension_semantics<arbitrary>], iteration_bounds = array<i64: 5>, scalar_prefetch = 0 : i64, scratch_operands = 0 : i64, tpu.core_type = #tpu.core_type<tc>, window_params = [{transform_indices = @transform_0, window_bounds = array<i64: 2000, 48>}, {transform_indices = @transform_1, window_bounds = array<i64: 2000, 48>}, {transform_indices = @transform_2, window_bounds = array<i64: 2000, 48>}, {pipeline_mode = #tpu.pipeline_mode<synchronous>, transform_indices = @transform_3, window_bounds = array<i64: 1, 40>}, {transform_indices = @transform_4, window_bounds = array<i64: 2000, 40>}]} {
    %get3A = arith.constant 0 : index
    %get3A_0 = arith.constant 0 : index
    %get3A_1 = vector.load %arg1[%get3A, %get3A_0] : memref<2000x48xf32, #tpu.memory_space<vmem>>, vector<2000x48xf32>
    %get3A_2 = arith.constant 0 : index
    %get3A_3 = arith.constant 0 : index
    %get3A_4 = vector.load %arg2[%get3A_2, %get3A_3] : memref<2000x48xf32, #tpu.memory_space<vmem>>, vector<2000x48xf32>
    %add3A = arith.addf %get3A_1, %get3A_4 : vector<2000x48xf32>
    %get3A_5 = arith.constant 0 : index
    %get3A_6 = arith.constant 0 : index
    %get3A_7 = vector.load %arg3[%get3A_5, %get3A_6] : memref<2000x48xf32, #tpu.memory_space<vmem>>, vector<2000x48xf32>
    %add3A_8 = arith.addf %add3A, %get3A_7 : vector<2000x48xf32>
    %slice3A = vector.extract_strided_slice %add3A_8 {offsets = [0, 40], sizes = [2000, 1], strides = [1, 1]} : vector<2000x48xf32> to vector<2000x1xf32>
    %add3A_9 = arith.constant 1.000000e-16 : f32
    %add3A_10 = vector.broadcast %add3A_9 : f32 to vector<2000x1xf32>
    %add3A_11 = arith.addf %slice3A, %add3A_10 : vector<2000x1xf32>
    %slice3A_12 = vector.extract_strided_slice %add3A_8 {offsets = [0, 0], sizes = [2000, 40], strides = [1, 1]} : vector<2000x48xf32> to vector<2000x40xf32>
    %div3A = vector.broadcast %add3A_11 : vector<2000x1xf32> to vector<2000x40xf32>
    %div3A_13 = arith.divf %slice3A_12, %div3A : vector<2000x40xf32>
    %get3A_14 = arith.constant 0 : index
    %get3A_15 = arith.constant 0 : index
    %get3A_16 = vector.load %arg4[%get3A_14, %get3A_15] : memref<1x40xf32, #tpu.memory_space<vmem>>, vector<1x40xf32>
    %add3A_17 = vector.broadcast %get3A_16 : vector<1x40xf32> to vector<2000x40xf32>
    %add3A_18 = arith.addf %div3A_13, %add3A_17 : vector<2000x40xf32>
    %swap3A = arith.constant 0 : index
    %swap3A_19 = arith.constant 0 : index
    %swap3A_20 = vector.load %arg5[%swap3A, %swap3A_19] : memref<2000x40xf32, #tpu.memory_space<vmem>>, vector<2000x40xf32>
    tpu.vector_store %arg5[%swap3A, %swap3A_19], %add3A_18 {strides = array<i32>} : memref<2000x40xf32, #tpu.memory_space<vmem>>, vector<2000x40xf32>,
    return
  }
  func.func @transform_0(%arg0: i32) -> (i32, i32) {
    %c0_i32 = arith.constant 0 : i32
    %c0_i32_0 = arith.constant 0 : i32
    return %arg0, %c0_i32 : i32, i32
  }
  func.func @transform_1(%arg0: i32) -> (i32, i32) {
    %c0_i32 = arith.constant 0 : i32
    %c0_i32_0 = arith.constant 0 : i32
    return %arg0, %c0_i32 : i32, i32
  }
  func.func @transform_2(%arg0: i32) -> (i32, i32) {
    %c0_i32 = arith.constant 0 : i32
    %c0_i32_0 = arith.constant 0 : i32
    return %arg0, %c0_i32 : i32, i32
  }
  func.func @transform_3(%arg0: i32) -> (i32, i32) {
    %c0_i32 = arith.constant 0 : i32
    %c0_i32_0 = arith.constant 0 : i32
    %c0_i32_1 = arith.constant 0 : i32
    return %c0_i32, %c0_i32_0 : i32, i32
  }
  func.func @transform_4(%arg0: i32) -> (i32, i32) {
    %c0_i32 = arith.constant 0 : i32
    %c0_i32_0 = arith.constant 0 : i32
    return %arg0, %c0_i32 : i32, i32
  }
}

</mosaic_0001>

<sc_bundles>
// kernel: kernel.10.cloned.1.call-start
scs
__scs_entry_jumppad:
0x0: {  	(pc) =	sbr.rel $0x88, $3  }
0x1: {  	(tag) =	ssettag $0x0;
	lr =	simm.s32 $0x1  }
0x2: {  	[smem:$0x3F8F] =	sst lr;
	_ =	strace $0xD0000000  }
0x3: {  	_ = 	snop  }
0x4: {  	_ = 	snop  }
0x5: {  	_ = 	snop  }
0x6: {  	_ = 	snop  }
0x7: {  	_ = 	snop  }
__scs_overlays_trampoline_lowered:
0x8: {  	[smem:$0x3F9E] =	sst s0  }
0x9: {  	[smem:$0x3F9F] =	sst s1  }
0xa: {  	[smem:$0x3FA0] =	sst s2  }
0xb: {  	[smem:$0x3FA1] =	sst s3  }
0xc: {  	[smem:$0x3FA2] =	sst s4  }
0xd: {  	[smem:$0x3FA3] =	sst s5  }
0xe: {  	[smem:$0x3FA4] =	sst s6  }
0xf: {  	[smem:$0x3FA5] =	sst s7  }
0x10: {  	[smem:$0x3FA6] =	sst s8  }
0x11: {  	[smem:$0x3FA7] =	sst s9;
	s0 =	simm.s32 @!p0 $0x0  }
0x12: {  	s1 =	sld [smem:$0x3F8D];
	s0 =	simm.s32 @p0 $0x1  }
0x13: {  	[smem:$0x3FA8] =	sst s0;
	s0 =	simm.s32 @!p1 $0x0  }
0x14: {  	s2 =	sld [smem:$0x3F8C];
	s0 =	simm.s32 @p1 $0x1  }
0x15: {  	[smem:$0x3FA9] =	sst s0;
	s0 =	simm.s32 @!p2 $0x0  }
0x16: {  	s3 =	sld [smem:$0x3FDB];
	s0 =	simm.s32 @p2 $0x1  }
0x17: {  	s4 =	simm.s32 $0x1BF5;
	[smem:$0x3FAB] =	sst s0  }
0x18: {  	s0 =	sld [smem:$0x3F8E];
	_ =	swait.ge [sflag:s4], $0x0  }
0x19: {  	s7 =	sld [smem:$0x3F8F]  }
0x1a: {  	s8 =	sadd.s32 $0xFFFFE003, lr  }
0x1b: {  	s9 =	sadd.s32 $0xFFFFFEF7, lr;
	s5 =	simm.s32 $0xFFFFFFFF;
	p2 =	slt.u32 s8, $0xFFFFF086  }
0x1c: {  	p1 =	slt.u32 s9, $0xF7A;
	s5 =	simm.s32 @!p2 $0x0  }
0x1d: {  	s5 =	simm.s32 @p1 $0x1;
	p0 =	seq.s32 s7, s2  }
0x1e: {  	s7 =	smul.u32 @!p0 $0xF7A, s2;
	p2 =	seq.s32 @!p0 s5, $0x0  }
0x1f: {  	s9 =	smul.u32 $0xF7A, s1;
	s8 =	simm.s32 @!p0 $0x1BF5;
	p2 =	por !p2, p0  }
0x20: {  	[sflag:s8] =	ssyncset.s32 @!p0 $0xFFFFF086;
	s6 =	sadd.s32 @!p0 s3, s7;
	s7 =	simm.s32 @!p0 $0x108  }
0x21: {  	s3 =	sadd.s32 s3, s9;
	s6 =	sadd.s32 @!p0 $0x88, s6;
	s7 =	simm.s32 @p2 $0x1082  }
0x22: {  	[simem:s7], [sflag:s8] =	dma.local @!p0 [hbm:s6], $0xF7A  }
0x23: {  	s9 =	sor.u32 $0xD0000000, s2;
	s6 =	simm.s32 $0x108;
	_ =	swait.ge @!p0 [sflag:s8], $0x0  }
0x24: {  	s3 =	sadd.s32 $0x88, s3;
	s6 =	simm.s32 @!p1 $0x1082;
	[sflag:s4] =	ssyncset.s32 $0xFFFFF086  }
0x25: {  	[simem:s6], [sflag:s4] =	dma.local [hbm:s3], $0xF7A  }
0x26: {  	[smem:$0x3F8F] =	sst s1;
	(tag) =	ssettag s2;
	_ =	strace s9  }
0x27: {  	s1 =	sld [smem:$0x3F9F]  }
0x28: {  	s2 =	sld [smem:$0x3FA0]  }
0x29: {  	s4 =	sld [smem:$0x3FA2]  }
0x2a: {  	p0 =	seq.s32 s5, $0x0;
	s5 =	sld [smem:$0x3FA3]  }
0x2b: {  	s6 =	sld [smem:$0x3FA4]  }
0x2c: {  	s7 =	sld [smem:$0x3FA5]  }
0x2d: {  	s3 =	simm.s32 $0x108;
	s8 =	sld [smem:$0x3FA6]  }
0x2e: {  	s3 =	simm.s32 @!p0 $0x1082;
	s9 =	sld [smem:$0x3FA7]  }
0x2f: {  	lr =	sadd.s32 s0, s3;
	s0 =	sld [smem:$0x3F9E]  }
0x30: {  	s3 =	sld [smem:$0x3FA1]  }
0x31: {  	[smem:$0x3FAA] =	sst s10  }
0x32: {  	s10 =	sld [smem:$0x3FA8];
	_ =	sdelay $0x3  }
0x33: {  	p0 =	seq.s32 s10, $0x1;
	s10 =	sld [smem:$0x3FAA];
	_ =	sdelay $0x3  }
0x34: {  	[smem:$0x3FAA] =	sst s10  }
0x35: {  	s10 =	sld [smem:$0x3FA9];
	_ =	sdelay $0x3  }
0x36: {  	p1 =	seq.s32 s10, $0x1;
	s10 =	sld [smem:$0x3FAA];
	_ =	sdelay $0x3  }
0x37: {  	[smem:$0x3FAA] =	sst s10  }
0x38: {  	s10 =	sld [smem:$0x3FAB]  }
0x39: {  	_ = 	snop;
	(pc) =	sbr.ind lr, $3  }
0x3a: {  	_ = 	snop  }
0x3b: {  	_ = 	snop  }
0x3c: {  	p2 =	seq.s32 s10, $0x1;
	s10 =	sld [smem:$0x3FAA]  }
0x3d: {  	_ =	shalt  }
0x3e: {  	_ =	shalt  }
0x3f: {  	_ =	shalt  }
0x40: {  	_ =	shalt  }
0x41: {  	_ =	shalt  }
0x42: {  	_ =	shalt  }
0x43: {  	_ =	shalt  }
0x44: {  	_ =	shalt  }
0x45: {  	_ =	shalt  }
0x46: {  	_ =	shalt  }
0x47: {  	_ =	shalt  }
0x48: {  	_ =	shalt  }
0x49: {  	_ =	shalt  }
0x4a: {  	_ =	shalt  }
0x4b: {  	_ =	shalt  }
0x4c: {  	_ =	shalt  }
0x4d: {  	_ =	shalt  }
0x4e: {  	_ =	shalt  }
0x4f: {  	_ =	shalt  }
0x50: {  	_ =	shalt  }
0x51: {  	_ =	shalt  }
0x52: {  	_ =	shalt  }
0x53: {  	_ =	shalt  }
0x54: {  	_ =	shalt  }
0x55: {  	_ =	shalt  }
0x56: {  	_ =	shalt  }
0x57: {  	_ =	shalt  }
0x58: {  	_ =	shalt  }
0x59: {  	_ =	shalt  }
0x5a: {  	_ =	shalt  }
0x5b: {  	_ =	shalt  }
0x5c: {  	_ =	shalt  }
0x5d: {  	_ =	shalt  }
0x5e: {  	_ =	shalt  }
0x5f: {  	_ =	shalt  }
0x60: {  	_ =	shalt  }
0x61: {  	_ =	shalt  }
0x62: {  	_ =	shalt  }
0x63: {  	_ =	shalt  }
0x64: {  	_ =	shalt  }
0x65: {  	_ =	shalt  }
0x66: {  	_ =	shalt  }
0x67: {  	_ =	shalt  }
0x68: {  	_ =	shalt  }
0x69: {  	_ =	shalt  }
0x6a: {  	_ =	shalt  }
0x6b: {  	_ =	shalt  }
0x6c: {  	_ =	shalt  }
0x6d: {  	_ =	shalt  }
0x6e: {  	_ =	shalt  }
0x6f: {  	_ =	shalt  }
0x70: {  	_ =	shalt  }
0x71: {  	_ =	shalt  }
0x72: {  	_ =	shalt  }
0x73: {  	_ =	shalt  }
0x74: {  	_ =	shalt  }
0x75: {  	_ =	shalt  }
0x76: {  	_ =	shalt  }
0x77: {  	_ =	shalt  }
0x78: {  	_ =	shalt  }
0x79: {  	_ =	shalt  }
0x7a: {  	_ =	shalt  }
0x7b: {  	_ =	shalt  }
0x7c: {  	_ =	shalt  }
0x7d: {  	_ =	shalt  }
0x7e: {  	_ =	shalt  }
0x7f: {  	_ =	shalt  }
0x80: {  	_ =	shalt  }
0x81: {  	_ =	shalt  }
0x82: {  	_ =	shalt  }
0x83: {  	_ =	shalt  }
0x84: {  	_ =	shalt  }
0x85: {  	_ =	shalt  }
0x86: {  	_ =	shalt  }
0x87: {  	_ =	shalt  }
.Lfunc_end0:
.L_simem_size_0:
called_computation.1_lowered:
.L_overlay_start_0:
0x88: {  	s2 =	sld [smem:$0x3FD9]  }
0x89: {  	s3 =	sld [smem:$0x3FFE];
	_ =	sdelay $0x1  }
0x8a: {  	s1 =	srdreg.scid  }
0x8b: {  	s0 =	sand.u32 $0x1, s1  }
0x8c: {  	s16 =	sshll.u32 s0, $0xA;
	s2 =	sadd.s32 s3, s2  }
0x8d: {  	s2 =	sadd.s32 s2, s16  }
0x8e: {  	[smem:$0x3FB6] =	sst s2  }
0x8f: {  	_ = 	snop  }
0x90: {  	(tm) =	ssettm $0x1  }
0x91: {  	s17 =	sld [smem:$0x3FFB];
	_ =	sdelay $0x3  }
0x92: {  	_ =	strace s17  }
0x93: {  	s2 =	sld [smem:$0x3FFC];
	_ =	sdelay $0x3  }
0x94: {  	_ =	strace s2  }
0x95: {  	s2 =	sld [smem:$0x3FFD];
	_ =	sdelay $0x3  }
0x96: {  	_ =	strace s2  }
0x97: {  	_ =	strace $0x8FFFFFFF  }
0x98: {  	s18 =	sld [smem:$0x3FDB];
	_ =	sdelay $0x1  }
0x99: {  	s19 =	simm.s32 $_scs_section_size  }
0x9a: {  	s4 =	simm.s32 $_size__tile_overlayer_lowered;
	s5 =	simm.s32 $_tile_overlayer_lowered  }
0x9b: {  	s22 =	simm.s32 $0x1BFF;
	s21 =	sshll.u32 s5, $0x1;
	s2 =	sadd.s32 s19, s18  }
0x9c: {  	s6 =	simm.s32 $0x0;
	s20 =	sshll.u32 s4, $0x1;
	s4 =	sadd.s32 s21, s2  }
0x9d: {  	[timem:s6], [sflag:s22] =	dma.local [hbm:s4], s20  }
0x9e: {  	_ =	swait.ge [sflag:s22], s20  }
0x9f: {  	s3 =	ssub.s32 $0x0, s20;
	[sflag:s22] =	ssyncset.done $0x0  }
0xa0: {  	[sflag:s22] =	ssyncadd.s32 s3;
	_ =	sdelay $0x1  }
0xa1: {  	s23 =	simm.s32 $0x1B8B  }
0xa2: {  	_ =	swait.ge [sflag:s23], $0x1  }
0xa3: {  	[sflag:s23] =	ssyncset.done $0x0  }
0xa4: {  	s25 =	simm.s32 $0x1B8E;
	s24 =	sld [smem:$0x3FFE];
	[sflag:s23] =	ssyncadd.s32 $0xFFFFFFFF  }
0xa5: {  	s26 =	simm.s32 $execute0_lowered;
	[smem:$0x3FD2] =	sst s25  }
0xa6: {  	s4 =	sshll.u32 s26, $0x1;
	_ =	strace $0x80000049;
	[dreg:$0x1] =	wrdreg $0xFFFFFFFF  }
0xa7: {  	s28 =	simm.s32 $_size_execute0_lowered;
	s2 =	sadd.s32 s2, s4;
	[dreg:$0x0] =	wrdreg $0x0  }
0xa8: {  	s4 =	sshll.u32 s28, $0x1;
	[dreg:$0x2] =	wrdreg s2  }
0xa9: {  	[dreg:$0x3] =	wrdreg s4  }
0xaa: {  	[dreg:$0x4] =	wrdreg $0xC0  }
0xab: {  	_ =	task [dreg:s6], $0x5FFFF  }
0xac: {  	[dreg:$0x1] =	wrdreg $0xFFFFFFFF  }
0xad: {  	[dreg:$0x0] =	wrdreg $0x60  }
0xae: {  	[dreg:$0x2] =	wrdreg s24  }
0xaf: {  	[dreg:$0x3] =	wrdreg $0xA8500  }
0xb0: {  	[dreg:$0x4] =	wrdreg $0x9  }
0xb1: {  	_ =	task.clear_ibuf [dreg:s6], $0x5FFFF;
	_ =	strace $0x90000049  }
0xb2: {  	s29 =	simm.s32 $0x9;
	_ =	strace $0x8000004B  }
0xb3: {  	_ =	swait.ge [sflag:s29], $0x1  }
0xb4: {  	[sflag:s29] =	ssyncadd.s32 $0xFFFFFFFF  }
0xb5: {  	_ =	strace $0x9000004B  }
0xb6: {  	_ =	sfence  }
0xb7: {  	s30 =	sld [smem:$0x0];
	_ =	sdelay $0x2  }
0xb8: {  	s31 =	sshll.u32 s1, $0xD;
	s1 =	sshrl.u32 s1, $0x2  }
0xb9: {  	s3 =	sand.u32 $0x4000, s31;
	s1 =	sadd.s32 s1, s30  }
0xba: {  	s0 =	sor.u32 s3, s0;
	s1 =	sshll.u32 s1, $0x11  }
0xbb: {  	s0 =	sor.u32 s1, s0  }
0xbc: {  	s0 =	sadd.s32 $0x8F2B, s0  }
0xbd: {  	[sflag:s0] =	ssyncadd.remote.s32 $0x1  }
0xbe: {  	_ =	sfence.sel $0xFFFF  }
0xbf: {  	[dreg:$0x0] =	wrdreg $0xFFFFFFFF;
	(pc) =	sbr.abs _section_cstart, $3  }
0xc0: {  	[dreg:$0x1] =	wrdreg $0xFFFFFFFF  }
0xc1: {  	_ =	task.clear_ibuf [dreg:s6], $0x2FFFF;
	_ =	strace $0x9FFFFFFF  }
0xc2: {  	(tm) =	ssettm $0x7FFFFFFF  }
0xc3: {  	_ =	shalt  }
tec
execute0_lowered:
.L_overlay_start_1:
0x0: {  	(tag) =	ssettag $0x1  }
0x1: {  	s0 =	srdreg.scid;
	s1 =	rddreg [dreg:$0x0]  }
0x2: {  	s9 =	stileid.u32;
	s2 =	rddreg [dreg:$0x1];
	s4 =	simm.s32 $0x0  }
0x3: {  	s14 =	simm.s32 $0x50;
	s15 =	simm.s32 $0x4E20;
	s19 =	simm.s32 $0x5D20  }
0x4: {  	s20 =	simm.s32 $0x6C20;
	s21 =	simm.s32 $0x7B20;
	s22 =	simm.s32 $0x1  }
0x5: {  	s28 =	simm.s32 $0x9620;
	s29 =	simm.s32 $0x2;
	s30 =	simm.s32 $0x9920  }
0x6: {  	s31 =	simm.s32 $0x9C20;
	s12 =	simm.s32 $0xA520;
	s0 =	sand.u32 $0x1, s0  }
0x7: {  	s3 =	sshll.u32 s9, $0x1;
	[smem:$0x7FF] =	sst s4;
	s6 =	smul.u32 $0x7800, s9  }
0x8: {  	s4 =	sadd.s32 $0x12200, s1;
	s5 =	sadd.s32 $0x3600, s1;
	s8 =	sadd.s32 $0x43000, s1  }
0x9: {  	s9 =	sshll.u32 s9, $0x6;
	s3 =	sor.u32 s0, s3;
	_ =	strace $0x8000004A  }
0xa: {  	v0 =	vimm.s32 $0xFEDCBA98;
	s7 =	smul.u32 $0x78000, s0;
	[dreg:$0x3] =	wrdreg s8;
	s0 =	ssub.s32 $0x2, s0  }
0xb: {  	v1 =	vimm.s32 $0x76543210;
	v2 =	vimm.s32 $0xBA98FEDC;
	s3 =	smul.u32 $0x2710, s3;
	s23 =	sshrl.u32 s6, $0x3;
	s24 =	sshrl.u32 s0, $0x1  }
0xc: {  	v3 =	vimm.s32 $0x32107654;
	v4 =	vimm.s32 $0xDCFE98BA;
	v5 =	vimm.s32 $0x54761032;
	s26 =	sadd.s32 s6, s2;
	s7 =	sadd.s32 s6, s7;
	s8 =	sadd.s32 s23, s1  }
0xd: {  	v6 =	vimm.s32 $0xEFCDAB89;
	v7 =	vimm.s32 $0x67452301;
	s0 =	ssub.s32 s0, s24;
	s6 =	sshrl.u32 s26, $0x3;
	s23 =	simm.s32 $0x8A20  }
0xe: {  	vm0 =	vcmask $0x1F24;
	v0 =	vunpack.c.l.s4.s8 v0;
	v1 =	vunpack.c.l.s4.s8 v1;
	s24 =	simm.s32 $0x8D20;
	s26 =	simm.s32 $0x9320;
	s3 =	sshrl.u32 s3, $0x3  }
0xf: {  	v2 =	vunpack.c.l.s4.s8 v2;
	v3 =	vunpack.c.l.s4.s8 v3;
	v4 =	vunpack.c.l.s4.s8 v4;
	s7 =	sshrl.u32 s7, $0x3;
	s8 =	sadd.s32 $0x43200, s8;
	[dreg:$0xa] =	wrdreg s6  }
0x10: {  	v5 =	vunpack.c.l.s4.s8 v5;
	v6 =	vunpack.c.l.s4.s8 v6;
	v7 =	vunpack.c.l.s4.s8 v7;
	s0 =	smax.u32 s0, $0x1;
	s3 =	sadd.s32 s3, s1;
	[dreg:$0x4] =	wrdreg s8  }
0x11: {  	v0 =	vunpack.c.0.s8.s32 v0;
	v1 =	vunpack.c.0.s8.s32 v1;
	v2 =	vunpack.c.0.s8.s32 v2;
	s1 =	sadd.s32 s7, s1;
	s8 =	sor.u32 $0x1C05, s9;
	[dreg:$0x9] =	wrdreg s0  }
0x12: {  	v3 =	vunpack.c.0.s8.s32 v3;
	v4 =	vunpack.c.0.s8.s32 v4;
	v5 =	vunpack.c.0.s8.s32 v5;
	s9 =	simm.s32 $0x5;
	s25 =	sadd.s32 $0x2F600, s3;
	[dreg:$0x5] =	wrdreg s8  }
0x13: {  	v6 =	vunpack.c.0.s8.s32 v6;
	v7 =	vunpack.c.0.s8.s32 v7;
	v0 =	vand.u32 $0xF, v0;
	s0 =	simm.s32 $0xA220;
	s3 =	sadd.s32 $0x39240, s3;
	[dreg:$0x6] =	wrdreg s25  }
0x14: {  	vm1 =	vmmov $0xffff;
	v0 =	vcombine.low v0, v1;
	v1 =	vcombine.low v3, v2;
	s7 =	simm.s32 $0x0;
	s1 =	sadd.s32 $0x52200, s1;
	[dreg:$0x7] =	wrdreg s3  }
0x15: {  	v2 =	vcombine.low v5, v4;
	v3 =	vcombine.low v7, v6;
	v4 =	vimm.s32 $0x8;
	[dreg:$0x8] =	wrdreg s1;
	s25 =	simm.s32 $0x9020;
	s1 =	simm.s32 $0x9F20  }
.LBB2_1:
0x16: {  	[dreg:$0xb] =	wrdreg s7  }
0x17: {  	s3 =	rddreg [dreg:$0x4]  }
0x18: {  	[spmem:s6], [sflag:s8] =	dma.local [hbm:s3], $0xF00  }
0x19: {  	_ =	swait.ge [sflag:s9], $0xF00  }
0x1a: {  	s10 =	simm.s32 $0x0;
	[sflag:s9] =	ssyncset.done $0x0  }
0x1b: {  	s13 =	simm.s32 $0xA820;
	s11 =	rddreg [dreg:$0x3];
	[sflag:s9] =	ssyncadd.s32 $0xFFFFF100  }
0x1c: {  	[tilespmem:s13], [sflag:$0x5] =	stream.linear.gather [hbm4b:s11+s10], $0x30, $0x38;
	[tilespmem:$0x12050] =	vst v63  }
0x1d: {  	_ =	swait.ge [sflag:s9], $0x30  }
0x1e: {  	[sflag:s9] =	ssyncset.done $0x0  }
0x1f: {  	s16 =	rddreg [dreg:$0x6];
	[sflag:s9] =	ssyncadd.s32 $0xFFFFFFD0  }
0x20: {  	[tilespmem:s10], [sflag:$0x5] =	stream.linear.gather [hbm4b:s16+s10], $0x2710, $0x38;
	[tilespmem:$0x12050] =	vst v63  }
0x21: {  	_ =	swait.ge [sflag:s9], $0x2710  }
0x22: {  	[sflag:s9] =	ssyncset.done $0x0  }
0x23: {  	s18 =	simm.s32 $0x2710;
	s17 =	rddreg [dreg:$0x7];
	[sflag:s9] =	ssyncadd.s32 $0xFFFFD8F0  }
0x24: {  	[tilespmem:s18], [sflag:$0x5] =	stream.linear.gather [hbm4b:s17+s10], $0x2710, $0x38;
	[tilespmem:$0x12050] =	vst v63  }
0x25: {  	_ =	swait.ge [sflag:s9], $0x2710  }
0x26: {  	[sflag:s9] =	ssyncset.done $0x0  }
0x27: {  	[sflag:s9] =	ssyncadd.s32 $0xFFFFD8F0  }
0x28: {  	v6 =	vld [tilespmem:$0xA820]  }
0x29: {  	v7 =	vld [tilespmem:$0xA830]  }
0x2a: {  	v5 =	vld [tilespmem:$0xA840];
	[bflag:$0x0] =	sbarrier.arrive $0xFFFF  }
0x2b: {  	[tilespmem:s15], [sflag:$0x1] =	stream.indirect.gather [hbm4b:s4+s14], $0x30, s10, s14, $0xb8;
	[tilespmem:$0x12050] =	vst v63  }
0x2c: {  	s9 =	simm.s32 $0x0  }
0x2d: {  	[tilespmem:s19], [sflag:$0x1] =	stream.indirect.gather [hbm4b:s5+s14], $0x30, s18, s14, $0xb8;
	[tilespmem:$0x12050] =	vst v63  }
.LBB2_2:
0x2e: {  	s10 =	smul.u32 $0xA0, s9;
	_ =	sdelay $0x1  }
0x2f: {  	s11 =	sadd.s32 $0x50, s10  }
0x30: {  	[tilespmem:s20], [sflag:$0x2] =	stream.indirect.gather [hbm4b:s4+s14], $0x30, s11, s14, $0xb8;
	[tilespmem:$0x12050] =	vst v63  }
0x31: {  	s3 =	sadd.s32 $0x2760, s10  }
0x32: {  	[tilespmem:s21], [sflag:$0x2] =	stream.indirect.gather [hbm4b:s5+s14], $0x30, s3, s14, $0xb8;
	[tilespmem:$0x12050] =	vst v63  }
0x33: {  	_ =	swait.ge [sflag:s22], $0xF00  }
0x34: {  	[sflag:s22] =	ssyncset.done $0x0  }
0x35: {  	[sflag:s22] =	ssyncadd.s32 $0xFFFFF100  }
0x36: {  	_ =	swait.ge [sflag:s22], $0xF00  }
0x37: {  	p0 =	seq.s32 s9, $0x0;
	[sflag:s22] =	ssyncset.done $0x0  }
0x38: {  	s3 =	simm.s32 @!p0 $0x3;
	[sflag:s22] =	ssyncadd.s32 $0xFFFFF100  }
0x39: {  	_ =	swait.ge @!p0 [sflag:s3], $0x300  }
0x3a: {  	[sflag:s3] =	ssyncset.done @!p0 $0x0  }
0x3b: {  	[sflag:s3] =	ssyncadd.s32 @!p0 $0xFFFFFD00  }
0x3c: {  	_ =	swait.ge @!p0 [sflag:s3], $0x300  }
0x3d: {  	[sflag:s3] =	ssyncset.done @!p0 $0x0  }
0x3e: {  	[sflag:s3] =	ssyncadd.s32 @!p0 $0xFFFFFD00  }
0x3f: {  	_ =	swait.ge @!p0 [sflag:s3], $0x300  }
0x40: {  	[sflag:s3] =	ssyncset.done @!p0 $0x0  }
0x41: {  	[sflag:s3] =	ssyncadd.s32 @!p0 $0xFFFFFD00  }
0x42: {  	_ =	swait.ge @!p0 [sflag:s3], $0x300  }
0x43: {  	[sflag:s3] =	ssyncset.done @!p0 $0x0  }
0x44: {  	[sflag:s3] =	ssyncadd.s32 @!p0 $0xFFFFFD00  }
0x45: {  	_ =	swait.ge @!p0 [sflag:s3], $0x300  }
0x46: {  	[sflag:s3] =	ssyncset.done @!p0 $0x0  }
0x47: {  	[sflag:s3] =	ssyncadd.s32 @!p0 $0xFFFFFD00;
	s3 =	simm.s32 $0x20  }
0x48: {  	v26 =	vld [tilespmem:s3+$0x4E00]  }
0x49: {  	v11 =	vld [tilespmem:s3+$0x4E10]  }
0x4a: {  	v8 =	vld [tilespmem:s3+$0x5D00]  }
0x4b: {  	v9 =	vld [tilespmem:s3+$0x5D10]  }
0x4c: {  	v23 =	vld [tilespmem:s3+$0x4E20]  }
0x4d: {  	v12 =	vld [tilespmem:s3+$0x5D20];
	_ =	sdelay $0x2  }
0x4e: {  	s16 =	simm.s32 $0x50;
	v8 =	vadd.f32 v8, v26;
	v13 =	vadd.f32 v9, v11  }
0x4f: {  	v10 =	vld [tilespmem:s16+$0x4E20]  }
0x50: {  	v14 =	vld [tilespmem:s16+$0x5D00];
	v18 =	vadd.f32 v12, v23;
	v12 =	vand.u32 $0x7FFFFFFF, v8;
	v13 =	vand.u32 $0x7FFFFFFF, v13  }
0x51: {  	v15 =	vld [tilespmem:s16+$0x5D10];
	v12 =	vmul.f32 v12, v6;
	v13 =	vmul.f32 v13, v7  }
0x52: {  	v9 =	vld [tilespmem:s16+$0x4E00];
	v16 =	vand.u32 $0x7FFFFFFF, v18  }
0x53: {  	v8 =	vld [tilespmem:s16+$0x4E10];
	v16 =	vmul.f32 v16, v5;
	v12 =	vadd.f32 v13, v12  }
0x54: {  	v17 =	vld [tilespmem:s16+$0x5D20]  }
0x55: {  	v16 =	vadd.f32 v16, v12;
	_ =	sdelay $0x1  }
0x56: {  	s8 =	simm.s32 $0x80;
	v14 =	vadd.f32 v14, v9;
	v19 =	vperm.xlane v16, v0  }
0x57: {  	v24 =	vld [tilespmem:s8+$0x5D10];
	v15 =	vadd.f32 v15, v8  }
0x58: {  	v25 =	vld [tilespmem:s8+$0x5D20];
	v21 =	vadd.f32 v17, v10;
	v17 =	vand.u32 $0x7FFFFFFF, v14;
	v16 =	vadd.f32 v16, v19  }
0x59: {  	v12 =	vld [tilespmem:s8+$0x4E00];
	v17 =	vmul.f32 v17, v6;
	v15 =	vand.u32 $0x7FFFFFFF, v15  }
0x5a: {  	v15 =	vmul.f32 v15, v7;
	v19 =	vld [tilespmem:s8+$0x5D00];
	v22 =	vperm.xlane v16, v1  }
0x5b: {  	v20 =	vand.u32 $0x7FFFFFFF, v21;
	v14 =	vld [tilespmem:s8+$0x4E10]  }
0x5c: {  	v20 =	vmul.f32 v20, v5;
	v13 =	vld [tilespmem:s8+$0x4E20];
	v15 =	vadd.f32 v15, v17;
	v16 =	vadd.f32 v16, v22;
	_ =	sdelay $0x1  }
0x5d: {  	v20 =	vadd.f32 v20, v15;
	v15 =	vperm.xlane v16, v2  }
0x5e: {  	v19 =	vadd.f32 v19, v12  }
0x5f: {  	s17 =	simm.s32 $0xB0;
	v24 =	vadd.f32 v24, v14;
	v22 =	vperm.xlane v20, v0;
	v27 =	vadd.f32 v16, v15  }
0x60: {  	v28 =	vld [tilespmem:s17+$0x5D10];
	v18 =	vperm.xlane v18, v4;
	v29 =	vadd.f32 v25, v13;
	v19 =	vand.u32 $0x7FFFFFFF, v19  }
0x61: {  	v25 =	vld [tilespmem:s17+$0x5D00];
	v20 =	vadd.f32 v20, v22;
	v22 =	vand.u32 $0x7FFFFFFF, v24;
	v24 =	vperm.xlane v27, v3  }
0x62: {  	v15 =	vld [tilespmem:s17+$0x4E00];
	v19 =	vmul.f32 v19, v6;
	v22 =	vmul.f32 v22, v7  }
0x63: {  	v32 =	vand.u32 $0x7FFFFFFF, v29;
	v16 =	vld [tilespmem:s17+$0x4E10];
	v30 =	vperm.xlane v20, v1;
	v24 =	vadd.f32 v27, v24  }
0x64: {  	v31 =	vld [tilespmem:s17+$0x5D20];
	v19 =	vadd.f32 v22, v19;
	v27 =	vmul.f32 v32, v5  }
0x65: {  	v17 =	vld [tilespmem:s17+$0x4E20];
	v30 =	vadd.f32 v20, v30;
	v18 =	vadd.f32 v24, v18  }
0x66: {  	v24 =	vadd.f32 v27, v19  }
0x67: {  	s7 =	simm.s32 $0xE0;
	v19 =	vperm.xlane v30, v2;
	v18 =	vmul.f32 $1.442695020e+00, v18  }
0x68: {  	v59 =	vld [tilespmem:s7+$0x5D00];
	v25 =	vadd.f32 v25, v15;
	v27 =	vadd.f32 v28, v16;
	v28 =	vperm.xlane v24, v0  }
0x69: {  	v33 =	vld [tilespmem:s7+$0x5D10];
	v30 =	vadd.f32 v30, v19;
	(erf) = vpow2.f32 v18  }
0x6a: {  	v22 =	vadd.f32 v31, v17;
	v31 =	vld [tilespmem:s7+$0x5D20];
	v25 =	vand.u32 $0x7FFFFFFF, v25;
	v24 =	vadd.f32 v24, v28  }
0x6b: {  	v20 =	vld [tilespmem:s7+$0x4E20];
	v27 =	vand.u32 $0x7FFFFFFF, v27;
	v25 =	vmul.f32 v25, v6;
	v28 =	vperm.xlane v30, v3  }
0x6c: {  	v19 =	vld [tilespmem:s7+$0x4E10];
	v27 =	vmul.f32 v27, v7;
	v35 =	vperm.xlane v24, v1  }
0x6d: {  	v21 =	vperm.xlane v21, v4;
	v34 =	vand.u32 $0x7FFFFFFF, v22;
	v18 =	vld [tilespmem:s7+$0x4E00];
	v28 =	vadd.f32 v30, v28  }
0x6e: {  	v25 =	vadd.f32 v27, v25;
	v30 =	vmul.f32 v34, v5;
	v24 =	vadd.f32 v24, v35  }
0x6f: {  	v21 =	vadd.f32 v28, v21  }
0x70: {  	v30 =	vadd.f32 v30, v25;
	v25 =	vadd.f32 v31, v20;
	v31 =	vperm.xlane v24, v2  }
0x71: {  	s18 =	simm.s32 $0x110;
	v29 =	vperm.xlane v29, v4;
	v33 =	vadd.f32 v33, v19;
	v60 =	vmul.f32 $1.442695020e+00, v21  }
0x72: {  	v28 =	vld [tilespmem:s18+$0x5D20];
	v32 =	vadd.f32 v59, v18;
	v61 =	vperm.xlane v30, v0;
	v36 =	vadd.f32 v24, v31;
	v27 =	vpop (erf)  }
0x73: {  	v33 =	vand.u32 $0x7FFFFFFF, v33;
	v21 =	vld [tilespmem:s18+$0x4E20];
	(erf) = vpow2.f32 v60;
	v62 =	vmul.f32 v27, v23  }
0x74: {  	v32 =	vand.u32 $0x7FFFFFFF, v32;
	v31 =	vadd.f32 v30, v61;
	v23 =	vld [tilespmem:s18+$0x4E00];
	v63 =	vperm.xlane v36, v3  }
0x75: {  	v38 =	vmul.f32 v33, v7;
	v24 =	vld [tilespmem:s18+$0x4E10];
	v37 =	vmul.f32 v32, v6;
	v34 =	vsel vm0, v62, v27  }
0x76: {  	v39 =	vand.u32 $0x7FFFFFFF, v25;
	v30 =	vld [tilespmem:s18+$0x5D00];
	v33 =	vadd.f32 v36, v63;
	[tilespmem:s3+$0x8A20] =	vst v34;
	v34 =	vperm.xlane v31, v1  }
0x77: {  	s13 =	simm.s32 $0x500;
	v35 =	vmul.f32 v39, v5;
	v26 =	vmul.f32 v27, v26;
	v36 =	vadd.f32 v38, v37;
	v32 =	vld [tilespmem:s18+$0x5D10]  }
.LBB2_3:
0x78: {  	v31 =	vadd.f32 v31, v34;
	v29 =	vadd.f32 v33, v29;
	v34 =	vmul.f32 v27, v11;
	v37 =	vmovc v12  }
0x79: {  	p1 =	sne.s32 s13, $0x3BC0;
	v12 =	vmovc v15;
	v15 =	vmovc v18;
	v18 =	vmov v23;
	v11 =	vmov v8;
	v8 =	vmov v14  }
0x7a: {  	v14 =	vmovc v16;
	v16 =	vmov v19;
	v33 =	vadd.f32 v35, v36;
	[tilespmem:s3+$0x8A00] =	vst v26;
	v19 =	vmov v24  }
0x7b: {  	s6 =	sshra.s32 s13, $0x2;
	v24 =	vadd.f32 v28, v21;
	v23 =	vperm.xlane v31, v2;
	v26 =	vmul.f32 $1.442695020e+00, v29;
	[tilespmem:s3+$0x8A10] =	vst v34;
	s3 =	smov.u32 s16;
	s16 =	smov.u32 s8  }
0x7c: {  	v29 =	vadd.f32 v30, v18;
	s8 =	smov.u32 s17;
	s17 =	smov.u32 s7;
	s7 =	smov.u32 s18;
	v35 =	vld [tilespmem:s6+$0x4E20];
	v30 =	vadd.f32 v32, v19;
	v32 =	vperm.xlane v33, v0;
	v27 =	vpop (erf)  }
0x7d: {  	s18 =	smov.u32 s6;
	v28 =	vld [tilespmem:s6+$0x5D20];
	v36 =	vadd.f32 v31, v23;
	(erf) = vpow2.f32 v26;
	v26 =	vmul.f32 v27, v10;
	v10 =	vmovc v13;
	v13 =	vmovc v17  }
.Ltmp0:
0x7e: {  	v34 =	vand.u32 $0x7FFFFFFF, v29;
	v29 =	vperm.xlane v22, v4;
	v22 =	vmovc v25;
	v25 =	vmovc v24;
	v23 =	vld [tilespmem:s18+$0x4E00];
	v38 =	vand.u32 $0x7FFFFFFF, v30;
	(pc) =	sbr.rel @p1 .LBB2_3-.Ltmp0, $4  }
0x7f: {  	v17 =	vmovc v20;
	v31 =	vadd.f32 v33, v32;
	v24 =	vld [tilespmem:s18+$0x4E10];
	v33 =	vperm.xlane v36, v3;
	v26 =	vsel vm0, v26, v27  }
0x80: {  	v20 =	vmov v21;
	v39 =	vmul.f32 v34, v6;
	v38 =	vmul.f32 v38, v7;
	v30 =	vld [tilespmem:s18+$0x5D00];
	[tilespmem:s3+$0x8A20] =	vst v26  }
0x81: {  	v26 =	vand.u32 $0x7FFFFFFF, v25;
	v34 =	vperm.xlane v31, v1;
	v32 =	vld [tilespmem:s18+$0x5D10];
	v33 =	vadd.f32 v36, v33;
	v21 =	vmovc v35  }
0x82: {  	s13 =	sadd.s32 $0xC0, s13;
	v35 =	vmul.f32 v26, v5;
	v36 =	vadd.f32 v38, v39;
	v26 =	vmul.f32 v27, v9;
	v9 =	vmovc v37  }
0x83: {  	_ =	sdelay $0x2  }
0x84: {  	v30 =	vadd.f32 v30, v23;
	v32 =	vadd.f32 v32, v24;
	_ =	sdelay $0x1  }
0x85: {  	v28 =	vadd.f32 v28, v21;
	v30 =	vand.u32 $0x7FFFFFFF, v30;
	v32 =	vand.u32 $0x7FFFFFFF, v32  }
0x86: {  	v30 =	vmul.f32 v30, v6;
	v32 =	vmul.f32 v32, v7  }
0x87: {  	v35 =	vadd.f32 v35, v36;
	v48 =	vand.u32 $0x7FFFFFFF, v28  }
0x88: {  	v36 =	vmul.f32 v48, v5;
	v30 =	vadd.f32 v32, v30  }
0x89: {  	v49 =	vperm.xlane v35, v0  }
0x8a: {  	v30 =	vadd.f32 v36, v30  }
0x8b: {  	v31 =	vadd.f32 v31, v34;
	v32 =	vadd.f32 v35, v49  }
0x8c: {  	v50 =	vperm.xlane v30, v0  }
0x8d: {  	v51 =	vperm.xlane v31, v2;
	v35 =	vperm.xlane v32, v1  }
0x8e: {  	v30 =	vadd.f32 v30, v50  }
0x8f: {  	v31 =	vadd.f32 v31, v51;
	v32 =	vadd.f32 v32, v35  }
0x90: {  	v34 =	vperm.xlane v30, v1  }
0x91: {  	v36 =	vperm.xlane v31, v3;
	v35 =	vperm.xlane v32, v2  }
0x92: {  	v29 =	vadd.f32 v33, v29;
	v30 =	vadd.f32 v30, v34  }
0x93: {  	v22 =	vperm.xlane v22, v4;
	v31 =	vadd.f32 v31, v36;
	v32 =	vadd.f32 v32, v35  }
0x94: {  	v29 =	vmul.f32 $1.442695020e+00, v29;
	v52 =	vperm.xlane v30, v2  }
0x95: {  	v22 =	vadd.f32 v31, v22;
	v53 =	vperm.xlane v32, v3  }
0x96: {  	(erf) = vpow2.f32 v29;
	v30 =	vadd.f32 v30, v52  }
0x97: {  	v25 =	vperm.xlane v25, v4;
	v22 =	vmul.f32 $1.442695020e+00, v22;
	v29 =	vadd.f32 v32, v53  }
0x98: {  	v31 =	vperm.xlane v30, v3  }
0x99: {  	(erf) = vpow2.f32 v22;
	v25 =	vadd.f32 v29, v25  }
0x9a: {  	v22 =	vperm.xlane v28, v4;
	v28 =	vadd.f32 v30, v31  }
0x9b: {  	v11 =	vmul.f32 v27, v11;
	v25 =	vmul.f32 $1.442695020e+00, v25  }
0x9c: {  	v27 =	vpop (erf);
	v22 =	vadd.f32 v28, v22  }
0x9d: {  	v10 =	vmul.f32 v27, v10;
	(erf) = vpow2.f32 v25  }
0x9e: {  	[tilespmem:s3+$0x8A00] =	vst v26;
	v9 =	vmul.f32 v27, v9;
	v22 =	vmul.f32 $1.442695020e+00, v22  }
0x9f: {  	[tilespmem:s3+$0x8A10] =	vst v11;
	v8 =	vmul.f32 v27, v8;
	v10 =	vsel vm0, v10, v27;
	v11 =	vpop (erf)  }
0xa0: {  	[tilespmem:s16+$0x8A20] =	vst v10;
	v10 =	vmul.f32 v11, v13;
	(erf) = vpow2.f32 v22  }
0xa1: {  	[tilespmem:s16+$0x8A00] =	vst v9  }
0xa2: {  	[tilespmem:s16+$0x8A10] =	vst v8;
	v8 =	vsel vm0, v10, v11;
	v10 =	vmul.f32 v11, v12;
	v9 =	vpop (erf)  }
0xa3: {  	[tilespmem:s8+$0x8A20] =	vst v8;
	v8 =	vmul.f32 v11, v14;
	v11 =	vmul.f32 v9, v17;
	_ =	sdelay $0x1  }
0xa4: {  	[tilespmem:s8+$0x8A10] =	vst v8;
	v8 =	vsel vm0, v11, v9;
	v11 =	vmul.f32 v9, v15  }
0xa5: {  	[tilespmem:s8+$0x8A00] =	vst v10;
	v10 =	vpop (erf)  }
0xa6: {  	[tilespmem:s17+$0x8A20] =	vst v8;
	v8 =	vmul.f32 v9, v16;
	v9 =	vmul.f32 v10, v20  }
0xa7: {  	[tilespmem:s17+$0x8A00] =	vst v11  }
0xa8: {  	[tilespmem:s17+$0x8A10] =	vst v8;
	v8 =	vsel vm0, v9, v10;
	v9 =	vmul.f32 v10, v18;
	v11 =	vpop (erf)  }
0xa9: {  	[tilespmem:s7+$0x8A20] =	vst v8;
	v8 =	vmul.f32 v10, v19;
	v10 =	vmul.f32 v11, v21  }
0xaa: {  	[tilespmem:s7+$0x8A00] =	vst v9  }
0xab: {  	[tilespmem:s7+$0x8A10] =	vst v8;
	v9 =	vmul.f32 v11, v23;
	v8 =	vsel vm0, v10, v11  }
0xac: {  	[tilespmem:s18+$0x8A20] =	vst v8;
	v8 =	vmul.f32 v11, v24  }
0xad: {  	[tilespmem:s18+$0x8A00] =	vst v9  }
0xae: {  	[tilespmem:s18+$0x8A10] =	vst v8  }
0xaf: {  	v8 =	vld [tilespmem:s10+$0x2710];
	_ =	sdelay $0x7  }
0xb0: {  	[spmem:s2] =	stream.indirect_vreg.scatter.add.f32 [tilespmem:s23], [sflag:$0x3], $0x30, v8, vm1, $0xb8;
	[tilespmem:$0x12050] =	vst v63  }
0xb1: {  	v8 =	vld [tilespmem:s10+$0x2720];
	_ =	sdelay $0x7  }
0xb2: {  	[spmem:s2] =	stream.indirect_vreg.scatter.add.f32 [tilespmem:s24], [sflag:$0x3], $0x30, v8, vm1, $0xb8;
	[tilespmem:$0x12050] =	vst v63  }
0xb3: {  	v8 =	vld [tilespmem:s10+$0x2730];
	_ =	sdelay $0x7  }
0xb4: {  	[spmem:s2] =	stream.indirect_vreg.scatter.add.f32 [tilespmem:s25], [sflag:$0x3], $0x30, v8, vm1, $0xb8;
	[tilespmem:$0x12050] =	vst v63  }
0xb5: {  	v8 =	vld [tilespmem:s10+$0x2740];
	_ =	sdelay $0x7  }
0xb6: {  	[spmem:s2] =	stream.indirect_vreg.scatter.add.f32 [tilespmem:s26], [sflag:$0x3], $0x30, v8, vm1, $0xb8;
	[tilespmem:$0x12050] =	vst v63  }
0xb7: {  	v8 =	vld [tilespmem:s10+$0x2750];
	_ =	sdelay $0x7  }
0xb8: {  	[spmem:s2] =	stream.indirect_vreg.scatter.add.f32 [tilespmem:s28], [sflag:$0x3], $0x30, v8, vm1, $0xb8;
	[tilespmem:$0x12050] =	vst v63  }
0xb9: {  	s17 =	sadd.s32 $0xA0, s10  }
0xba: {  	[tilespmem:s15], [sflag:$0x1] =	stream.indirect.gather [hbm4b:s4+s14], $0x30, s17, s14, $0xb8;
	[tilespmem:$0x12050] =	vst v63  }
0xbb: {  	s18 =	sadd.s32 $0x27B0, s10  }
0xbc: {  	[tilespmem:s19], [sflag:$0x1] =	stream.indirect.gather [hbm4b:s5+s14], $0x30, s18, s14, $0xb8;
	[tilespmem:$0x12050] =	vst v63  }
0xbd: {  	_ =	swait.ge [sflag:s29], $0xF00  }
0xbe: {  	[sflag:s29] =	ssyncset.done $0x0  }
0xbf: {  	[sflag:s29] =	ssyncadd.s32 $0xFFFFF100  }
0xc0: {  	_ =	swait.ge [sflag:s29], $0xF00  }
0xc1: {  	[sflag:s29] =	ssyncset.done $0x0  }
0xc2: {  	s3 =	simm.s32 @!p0 $0x4;
	[sflag:s29] =	ssyncadd.s32 $0xFFFFF100  }
0xc3: {  	_ =	swait.ge @!p0 [sflag:s3], $0x300  }
0xc4: {  	[sflag:s3] =	ssyncset.done @!p0 $0x0  }
0xc5: {  	[sflag:s3] =	ssyncadd.s32 @!p0 $0xFFFFFD00  }
0xc6: {  	_ =	swait.ge @!p0 [sflag:s3], $0x300  }
0xc7: {  	[sflag:s3] =	ssyncset.done @!p0 $0x0  }
0xc8: {  	[sflag:s3] =	ssyncadd.s32 @!p0 $0xFFFFFD00  }
0xc9: {  	_ =	swait.ge @!p0 [sflag:s3], $0x300  }
0xca: {  	[sflag:s3] =	ssyncset.done @!p0 $0x0  }
0xcb: {  	[sflag:s3] =	ssyncadd.s32 @!p0 $0xFFFFFD00  }
0xcc: {  	_ =	swait.ge @!p0 [sflag:s3], $0x300  }
0xcd: {  	[sflag:s3] =	ssyncset.done @!p0 $0x0  }
0xce: {  	[sflag:s3] =	ssyncadd.s32 @!p0 $0xFFFFFD00  }
0xcf: {  	_ =	swait.ge @!p0 [sflag:s3], $0x300  }
0xd0: {  	[sflag:s3] =	ssyncset.done @!p0 $0x0  }
0xd1: {  	[sflag:s3] =	ssyncadd.s32 @!p0 $0xFFFFFD00;
	s3 =	simm.s32 $0x20  }
0xd2: {  	v26 =	vld [tilespmem:s3+$0x6C00]  }
0xd3: {  	v11 =	vld [tilespmem:s3+$0x6C10]  }
0xd4: {  	v8 =	vld [tilespmem:s3+$0x7B00]  }
0xd5: {  	v9 =	vld [tilespmem:s3+$0x7B10]  }
0xd6: {  	v23 =	vld [tilespmem:s3+$0x6C20]  }
0xd7: {  	v12 =	vld [tilespmem:s3+$0x7B20];
	_ =	sdelay $0x2  }
0xd8: {  	s16 =	simm.s32 $0x50;
	v8 =	vadd.f32 v8, v26;
	v13 =	vadd.f32 v9, v11  }
0xd9: {  	v10 =	vld [tilespmem:s16+$0x6C20]  }
0xda: {  	v14 =	vld [tilespmem:s16+$0x7B00];
	v18 =	vadd.f32 v12, v23;
	v12 =	vand.u32 $0x7FFFFFFF, v8;
	v13 =	vand.u32 $0x7FFFFFFF, v13  }
0xdb: {  	v15 =	vld [tilespmem:s16+$0x7B10];
	v12 =	vmul.f32 v12, v6;
	v13 =	vmul.f32 v13, v7  }
0xdc: {  	v9 =	vld [tilespmem:s16+$0x6C00];
	v16 =	vand.u32 $0x7FFFFFFF, v18  }
0xdd: {  	v8 =	vld [tilespmem:s16+$0x6C10];
	v16 =	vmul.f32 v16, v5;
	v12 =	vadd.f32 v13, v12  }
0xde: {  	v17 =	vld [tilespmem:s16+$0x7B20]  }
0xdf: {  	v16 =	vadd.f32 v16, v12;
	_ =	sdelay $0x1  }
0xe0: {  	s8 =	simm.s32 $0x80;
	v14 =	vadd.f32 v14, v9;
	v19 =	vperm.xlane v16, v0  }
0xe1: {  	v24 =	vld [tilespmem:s8+$0x7B10];
	v15 =	vadd.f32 v15, v8  }
0xe2: {  	v25 =	vld [tilespmem:s8+$0x7B20];
	v21 =	vadd.f32 v17, v10;
	v17 =	vand.u32 $0x7FFFFFFF, v14;
	v16 =	vadd.f32 v16, v19  }
0xe3: {  	v12 =	vld [tilespmem:s8+$0x6C00];
	v17 =	vmul.f32 v17, v6;
	v15 =	vand.u32 $0x7FFFFFFF, v15  }
0xe4: {  	v15 =	vmul.f32 v15, v7;
	v19 =	vld [tilespmem:s8+$0x7B00];
	v22 =	vperm.xlane v16, v1  }
0xe5: {  	v20 =	vand.u32 $0x7FFFFFFF, v21;
	v14 =	vld [tilespmem:s8+$0x6C10]  }
0xe6: {  	v20 =	vmul.f32 v20, v5;
	v13 =	vld [tilespmem:s8+$0x6C20];
	v15 =	vadd.f32 v15, v17;
	v16 =	vadd.f32 v16, v22;
	_ =	sdelay $0x1  }
0xe7: {  	v20 =	vadd.f32 v20, v15;
	v15 =	vperm.xlane v16, v2  }
0xe8: {  	v19 =	vadd.f32 v19, v12  }
0xe9: {  	s17 =	simm.s32 $0xB0;
	v24 =	vadd.f32 v24, v14;
	v22 =	vperm.xlane v20, v0;
	v27 =	vadd.f32 v16, v15  }
0xea: {  	v28 =	vld [tilespmem:s17+$0x7B10];
	v18 =	vperm.xlane v18, v4;
	v29 =	vadd.f32 v25, v13;
	v19 =	vand.u32 $0x7FFFFFFF, v19  }
0xeb: {  	v25 =	vld [tilespmem:s17+$0x7B00];
	v20 =	vadd.f32 v20, v22;
	v22 =	vand.u32 $0x7FFFFFFF, v24;
	v24 =	vperm.xlane v27, v3  }
0xec: {  	v15 =	vld [tilespmem:s17+$0x6C00];
	v19 =	vmul.f32 v19, v6;
	v22 =	vmul.f32 v22, v7  }
0xed: {  	v54 =	vand.u32 $0x7FFFFFFF, v29;
	v16 =	vld [tilespmem:s17+$0x6C10];
	v30 =	vperm.xlane v20, v1;
	v24 =	vadd.f32 v27, v24  }
0xee: {  	v31 =	vld [tilespmem:s17+$0x7B20];
	v19 =	vadd.f32 v22, v19;
	v27 =	vmul.f32 v54, v5  }
0xef: {  	v17 =	vld [tilespmem:s17+$0x6C20];
	v30 =	vadd.f32 v20, v30;
	v18 =	vadd.f32 v24, v18  }
0xf0: {  	v24 =	vadd.f32 v27, v19  }
0xf1: {  	s7 =	simm.s32 $0xE0;
	v19 =	vperm.xlane v30, v2;
	v18 =	vmul.f32 $1.442695020e+00, v18  }
0xf2: {  	v55 =	vld [tilespmem:s7+$0x7B00];
	v25 =	vadd.f32 v25, v15;
	v27 =	vadd.f32 v28, v16;
	v28 =	vperm.xlane v24, v0  }
0xf3: {  	v56 =	vld [tilespmem:s7+$0x7B10];
	v30 =	vadd.f32 v30, v19;
	(erf) = vpow2.f32 v18  }
0xf4: {  	v22 =	vadd.f32 v31, v17;
	v31 =	vld [tilespmem:s7+$0x7B20];
	v25 =	vand.u32 $0x7FFFFFFF, v25;
	v24 =	vadd.f32 v24, v28  }
0xf5: {  	v20 =	vld [tilespmem:s7+$0x6C20];
	v27 =	vand.u32 $0x7FFFFFFF, v27;
	v25 =	vmul.f32 v25, v6;
	v28 =	vperm.xlane v30, v3  }
0xf6: {  	v19 =	vld [tilespmem:s7+$0x6C10];
	v27 =	vmul.f32 v27, v7;
	v58 =	vperm.xlane v24, v1  }
0xf7: {  	v21 =	vperm.xlane v21, v4;
	v57 =	vand.u32 $0x7FFFFFFF, v22;
	v18 =	vld [tilespmem:s7+$0x6C00];
	v28 =	vadd.f32 v30, v28  }
0xf8: {  	v25 =	vadd.f32 v27, v25;
	v30 =	vmul.f32 v57, v5;
	v24 =	vadd.f32 v24, v58  }
0xf9: {  	v21 =	vadd.f32 v28, v21  }
0xfa: {  	v30 =	vadd.f32 v30, v25;
	v25 =	vadd.f32 v31, v20;
	v31 =	vperm.xlane v24, v2  }
0xfb: {  	s18 =	simm.s32 $0x110;
	v29 =	vperm.xlane v29, v4;
	v33 =	vadd.f32 v56, v19;
	v59 =	vmul.f32 $1.442695020e+00, v21  }
0xfc: {  	v28 =	vld [tilespmem:s18+$0x7B20];
	v32 =	vadd.f32 v55, v18;
	v60 =	vperm.xlane v30, v0;
	v61 =	vadd.f32 v24, v31;
	v27 =	vpop (erf)  }
0xfd: {  	v33 =	vand.u32 $0x7FFFFFFF, v33;
	v21 =	vld [tilespmem:s18+$0x6C20];
	(erf) = vpow2.f32 v59;
	v62 =	vmul.f32 v27, v23  }
0xfe: {  	v32 =	vand.u32 $0x7FFFFFFF, v32;
	v31 =	vadd.f32 v30, v60;
	v23 =	vld [tilespmem:s18+$0x6C00];
	v63 =	vperm.xlane v61, v3  }
0xff: {  	v38 =	vmul.f32 v33, v7;
	v24 =	vld [tilespmem:s18+$0x6C10];
	v37 =	vmul.f32 v32, v6;
	v34 =	vsel vm0, v62, v27  }
0x100: {  	v39 =	vand.u32 $0x7FFFFFFF, v25;
	v30 =	vld [tilespmem:s18+$0x7B00];
	v33 =	vadd.f32 v61, v63;
	[tilespmem:s3+$0x9920] =	vst v34;
	v34 =	vperm.xlane v31, v1  }
0x101: {  	s13 =	simm.s32 $0x500;
	v35 =	vmul.f32 v39, v5;
	v36 =	vadd.f32 v38, v37;
	v26 =	vmul.f32 v27, v26;
	v32 =	vld [tilespmem:s18+$0x7B10]  }
.LBB2_5:
0x102: {  	v31 =	vadd.f32 v31, v34;
	v29 =	vadd.f32 v33, v29;
	v34 =	vmul.f32 v27, v11;
	v37 =	vmovc v12  }
0x103: {  	p0 =	sne.s32 s13, $0x3BC0;
	v12 =	vmovc v15;
	v15 =	vmovc v18;
	v18 =	vmov v23;
	v11 =	vmov v8;
	v8 =	vmov v14  }
0x104: {  	v14 =	vmovc v16;
	v16 =	vmov v19;
	v33 =	vadd.f32 v35, v36;
	[tilespmem:s3+$0x9900] =	vst v26;
	v19 =	vmov v24  }
0x105: {  	s6 =	sshra.s32 s13, $0x2;
	v24 =	vadd.f32 v28, v21;
	v23 =	vperm.xlane v31, v2;
	v26 =	vmul.f32 $1.442695020e+00, v29;
	[tilespmem:s3+$0x9910] =	vst v34;
	s3 =	smov.u32 s16;
	s16 =	smov.u32 s8  }
0x106: {  	v29 =	vadd.f32 v30, v18;
	s8 =	smov.u32 s17;
	s17 =	smov.u32 s7;
	s7 =	smov.u32 s18;
	v35 =	vld [tilespmem:s6+$0x6C20];
	v30 =	vadd.f32 v32, v19;
	v32 =	vperm.xlane v33, v0;
	v27 =	vpop (erf)  }
0x107: {  	s18 =	smov.u32 s6;
	v28 =	vld [tilespmem:s6+$0x7B20];
	v36 =	vadd.f32 v31, v23;
	(erf) = vpow2.f32 v26;
	v26 =	vmul.f32 v27, v10;
	v10 =	vmovc v13;
	v13 =	vmovc v17  }
.Ltmp1:
0x108: {  	v34 =	vand.u32 $0x7FFFFFFF, v29;
	v29 =	vperm.xlane v22, v4;
	v22 =	vmovc v25;
	v25 =	vmovc v24;
	v23 =	vld [tilespmem:s18+$0x6C00];
	v38 =	vand.u32 $0x7FFFFFFF, v30;
	(pc) =	sbr.rel @p0 .LBB2_5-.Ltmp1, $4  }
0x109: {  	v17 =	vmovc v20;
	v31 =	vadd.f32 v33, v32;
	v24 =	vld [tilespmem:s18+$0x6C10];
	v33 =	vperm.xlane v36, v3;
	v26 =	vsel vm0, v26, v27  }
0x10a: {  	v20 =	vmov v21;
	v39 =	vmul.f32 v34, v6;
	v38 =	vmul.f32 v38, v7;
	v30 =	vld [tilespmem:s18+$0x7B00];
	[tilespmem:s3+$0x9920] =	vst v26  }
0x10b: {  	v26 =	vand.u32 $0x7FFFFFFF, v25;
	v34 =	vperm.xlane v31, v1;
	v32 =	vld [tilespmem:s18+$0x7B10];
	v33 =	vadd.f32 v36, v33;
	v21 =	vmovc v35  }
0x10c: {  	s13 =	sadd.s32 $0xC0, s13;
	v35 =	vmul.f32 v26, v5;
	v36 =	vadd.f32 v38, v39;
	v26 =	vmul.f32 v27, v9;
	v9 =	vmovc v37  }
0x10d: {  	_ =	sdelay $0x2  }
0x10e: {  	v30 =	vadd.f32 v30, v23;
	v32 =	vadd.f32 v32, v24;
	_ =	sdelay $0x1  }
0x10f: {  	v28 =	vadd.f32 v28, v21;
	v30 =	vand.u32 $0x7FFFFFFF, v30;
	v32 =	vand.u32 $0x7FFFFFFF, v32  }
0x110: {  	v30 =	vmul.f32 v30, v6;
	v32 =	vmul.f32 v32, v7  }
0x111: {  	v35 =	vadd.f32 v35, v36;
	v41 =	vand.u32 $0x7FFFFFFF, v28  }
0x112: {  	v36 =	vmul.f32 v41, v5;
	v30 =	vadd.f32 v32, v30  }
0x113: {  	v42 =	vperm.xlane v35, v0  }
0x114: {  	v30 =	vadd.f32 v36, v30  }
0x115: {  	v32 =	vadd.f32 v35, v42  }
0x116: {  	v31 =	vadd.f32 v31, v34;
	v43 =	vperm.xlane v30, v0  }
0x117: {  	v35 =	vperm.xlane v32, v1  }
0x118: {  	v44 =	vperm.xlane v31, v2;
	v30 =	vadd.f32 v30, v43  }
0x119: {  	v32 =	vadd.f32 v32, v35  }
0x11a: {  	v31 =	vadd.f32 v31, v44;
	v34 =	vperm.xlane v30, v1  }
0x11b: {  	v35 =	vperm.xlane v32, v2  }
0x11c: {  	v36 =	vperm.xlane v31, v3;
	v30 =	vadd.f32 v30, v34  }
0x11d: {  	v29 =	vadd.f32 v33, v29;
	v32 =	vadd.f32 v32, v35  }
0x11e: {  	v22 =	vperm.xlane v22, v4;
	v31 =	vadd.f32 v31, v36;
	v45 =	vperm.xlane v30, v2  }
0x11f: {  	v29 =	vmul.f32 $1.442695020e+00, v29;
	v46 =	vperm.xlane v32, v3  }
0x120: {  	v22 =	vadd.f32 v31, v22;
	v30 =	vadd.f32 v30, v45  }
0x121: {  	v25 =	vperm.xlane v25, v4;
	(erf) = vpow2.f32 v29;
	v47 =	vadd.f32 v32, v46  }
0x122: {  	v22 =	vmul.f32 $1.442695020e+00, v22;
	v48 =	vperm.xlane v30, v3  }
0x123: {  	v25 =	vadd.f32 v47, v25  }
0x124: {  	v49 =	vperm.xlane v28, v4;
	(erf) = vpow2.f32 v22;
	v50 =	vadd.f32 v30, v48  }
0x125: {  	v25 =	vmul.f32 $1.442695020e+00, v25  }
0x126: {  	v22 =	vadd.f32 v50, v49  }
0x127: {  	v51 =	vpop (erf);
	(erf) = vpow2.f32 v25  }
0x128: {  	v11 =	vmul.f32 v27, v11;
	v22 =	vmul.f32 $1.442695020e+00, v22  }
0x129: {  	[tilespmem:s3+$0x9900] =	vst v26;
	v10 =	vmul.f32 v51, v10;
	v9 =	vmul.f32 v51, v9  }
0x12a: {  	[tilespmem:s3+$0x9910] =	vst v11;
	v8 =	vmul.f32 v51, v8;
	v52 =	vpop (erf);
	(erf) = vpow2.f32 v22  }
0x12b: {  	[tilespmem:s16+$0x9900] =	vst v9;
	v53 =	vmul.f32 v52, v13  }
0x12c: {  	v10 =	vsel vm0, v10, v51;
	[tilespmem:s16+$0x9910] =	vst v8  }
0x12d: {  	[tilespmem:s16+$0x9920] =	vst v10;
	v55 =	vmul.f32 v52, v12;
	v8 =	vsel vm0, v53, v52;
	v54 =	vpop (erf)  }
0x12e: {  	[tilespmem:s8+$0x9920] =	vst v8;
	v8 =	vmul.f32 v52, v14;
	v56 =	vmul.f32 v54, v17  }
0x12f: {  	[tilespmem:s8+$0x9900] =	vst v55  }
0x130: {  	[tilespmem:s8+$0x9910] =	vst v8;
	v58 =	vmul.f32 v54, v15;
	v8 =	vsel vm0, v56, v54;
	v57 =	vpop (erf)  }
0x131: {  	[tilespmem:s17+$0x9920] =	vst v8;
	v8 =	vmul.f32 v54, v16;
	v59 =	vmul.f32 v57, v20  }
0x132: {  	[tilespmem:s17+$0x9900] =	vst v58  }
0x133: {  	[tilespmem:s17+$0x9910] =	vst v8;
	v60 =	vmul.f32 v57, v18;
	v8 =	vsel vm0, v59, v57;
	v61 =	vpop (erf)  }
0x134: {  	[tilespmem:s7+$0x9920] =	vst v8;
	v8 =	vmul.f32 v57, v19;
	v62 =	vmul.f32 v61, v21  }
0x135: {  	[tilespmem:s7+$0x9900] =	vst v60  }
0x136: {  	[tilespmem:s7+$0x9910] =	vst v8;
	v63 =	vmul.f32 v61, v23;
	v8 =	vsel vm0, v62, v61  }
0x137: {  	[tilespmem:s18+$0x9920] =	vst v8;
	v8 =	vmul.f32 v61, v24  }
0x138: {  	[tilespmem:s18+$0x9900] =	vst v63  }
0x139: {  	[tilespmem:s18+$0x9910] =	vst v8  }
0x13a: {  	v8 =	vld [tilespmem:s11+$0x2710];
	_ =	sdelay $0x7  }
0x13b: {  	[spmem:s2] =	stream.indirect_vreg.scatter.add.f32 [tilespmem:s30], [sflag:$0x4], $0x30, v8, vm1, $0xb8;
	[tilespmem:$0x12050] =	vst v63  }
0x13c: {  	v8 =	vld [tilespmem:s10+$0x2770];
	_ =	sdelay $0x7  }
0x13d: {  	[spmem:s2] =	stream.indirect_vreg.scatter.add.f32 [tilespmem:s31], [sflag:$0x4], $0x30, v8, vm1, $0xb8;
	[tilespmem:$0x12050] =	vst v63  }
0x13e: {  	v8 =	vld [tilespmem:s10+$0x2780];
	_ =	sdelay $0x7  }
0x13f: {  	[spmem:s2] =	stream.indirect_vreg.scatter.add.f32 [tilespmem:s1], [sflag:$0x4], $0x30, v8, vm1, $0xb8;
	[tilespmem:$0x12050] =	vst v63  }
0x140: {  	v8 =	vld [tilespmem:s10+$0x2790];
	_ =	sdelay $0x7  }
0x141: {  	[spmem:s2] =	stream.indirect_vreg.scatter.add.f32 [tilespmem:s0], [sflag:$0x4], $0x30, v8, vm1, $0xb8;
	[tilespmem:$0x12050] =	vst v63  }
0x142: {  	v8 =	vld [tilespmem:s10+$0x27A0];
	_ =	sdelay $0x1  }
0x143: {  	s9 =	sadd.s32 $0x1, s9  }
0x144: {  	p0 =	sne.s32 s9, $0x3E  }
.Ltmp2:
0x145: {  	_ = 	snop;
	(pc) =	sbr.rel @p0 .LBB2_2-.Ltmp2, $2  }
0x146: {  	_ =	sdelay $0x2  }
0x147: {  	[spmem:s2] =	stream.indirect_vreg.scatter.add.f32 [tilespmem:s12], [sflag:$0x4], $0x30, v8, vm1, $0xb8;
	[tilespmem:$0x12050] =	vst v63  }
0x148: {  	_ =	swait.ge [sflag:s22], $0xF00  }
0x149: {  	[sflag:s22] =	ssyncset.done $0x0  }
0x14a: {  	[sflag:s22] =	ssyncadd.s32 $0xFFFFF100  }
0x14b: {  	_ =	swait.ge [sflag:s22], $0xF00  }
0x14c: {  	[sflag:s22] =	ssyncset.done $0x0  }
0x14d: {  	s16 =	simm.s32 $0x3;
	[sflag:s22] =	ssyncadd.s32 $0xFFFFF100  }
0x14e: {  	_ =	swait.ge [sflag:s16], $0x300  }
0x14f: {  	[sflag:s16] =	ssyncset.done $0x0  }
0x150: {  	[sflag:s16] =	ssyncadd.s32 $0xFFFFFD00  }
0x151: {  	_ =	swait.ge [sflag:s16], $0x300  }
0x152: {  	[sflag:s16] =	ssyncset.done $0x0  }
0x153: {  	[sflag:s16] =	ssyncadd.s32 $0xFFFFFD00  }
0x154: {  	_ =	swait.ge [sflag:s16], $0x300  }
0x155: {  	[sflag:s16] =	ssyncset.done $0x0  }
0x156: {  	[sflag:s16] =	ssyncadd.s32 $0xFFFFFD00  }
0x157: {  	_ =	swait.ge [sflag:s16], $0x300  }
0x158: {  	[sflag:s16] =	ssyncset.done $0x0  }
0x159: {  	[sflag:s16] =	ssyncadd.s32 $0xFFFFFD00  }
0x15a: {  	_ =	swait.ge [sflag:s16], $0x300  }
0x15b: {  	[sflag:s16] =	ssyncset.done $0x0  }
0x15c: {  	s3 =	simm.s32 $0x20;
	[sflag:s16] =	ssyncadd.s32 $0xFFFFFD00  }
0x15d: {  	v26 =	vld [tilespmem:s3+$0x4E00]  }
0x15e: {  	v11 =	vld [tilespmem:s3+$0x4E10]  }
0x15f: {  	v8 =	vld [tilespmem:s3+$0x5D00]  }
0x160: {  	v9 =	vld [tilespmem:s3+$0x5D10]  }
0x161: {  	v23 =	vld [tilespmem:s3+$0x4E20]  }
0x162: {  	v12 =	vld [tilespmem:s3+$0x5D20];
	_ =	sdelay $0x2  }
0x163: {  	s9 =	simm.s32 $0x50;
	v8 =	vadd.f32 v8, v26;
	v13 =	vadd.f32 v9, v11  }
0x164: {  	v10 =	vld [tilespmem:s9+$0x4E20]  }
0x165: {  	v14 =	vld [tilespmem:s9+$0x5D00];
	v18 =	vadd.f32 v12, v23;
	v12 =	vand.u32 $0x7FFFFFFF, v8;
	v13 =	vand.u32 $0x7FFFFFFF, v13  }
0x166: {  	v15 =	vld [tilespmem:s9+$0x5D10];
	v12 =	vmul.f32 v12, v6;
	v13 =	vmul.f32 v13, v7  }
0x167: {  	v9 =	vld [tilespmem:s9+$0x4E00];
	v16 =	vand.u32 $0x7FFFFFFF, v18  }
0x168: {  	v8 =	vld [tilespmem:s9+$0x4E10];
	v16 =	vmul.f32 v16, v5;
	v12 =	vadd.f32 v13, v12  }
0x169: {  	v17 =	vld [tilespmem:s9+$0x5D20]  }
0x16a: {  	v16 =	vadd.f32 v16, v12;
	_ =	sdelay $0x1  }
0x16b: {  	s8 =	simm.s32 $0x80;
	v14 =	vadd.f32 v14, v9;
	v19 =	vperm.xlane v16, v0  }
0x16c: {  	v24 =	vld [tilespmem:s8+$0x5D10];
	v15 =	vadd.f32 v15, v8  }
0x16d: {  	v25 =	vld [tilespmem:s8+$0x5D20];
	v21 =	vadd.f32 v17, v10;
	v17 =	vand.u32 $0x7FFFFFFF, v14;
	v16 =	vadd.f32 v16, v19  }
0x16e: {  	v12 =	vld [tilespmem:s8+$0x4E00];
	v17 =	vmul.f32 v17, v6;
	v15 =	vand.u32 $0x7FFFFFFF, v15  }
0x16f: {  	v15 =	vmul.f32 v15, v7;
	v19 =	vld [tilespmem:s8+$0x5D00];
	v22 =	vperm.xlane v16, v1  }
0x170: {  	v20 =	vand.u32 $0x7FFFFFFF, v21;
	v14 =	vld [tilespmem:s8+$0x4E10]  }
0x171: {  	v20 =	vmul.f32 v20, v5;
	v13 =	vld [tilespmem:s8+$0x4E20];
	v15 =	vadd.f32 v15, v17;
	v16 =	vadd.f32 v16, v22;
	_ =	sdelay $0x1  }
0x172: {  	v20 =	vadd.f32 v20, v15;
	v15 =	vperm.xlane v16, v2  }
0x173: {  	v19 =	vadd.f32 v19, v12  }
0x174: {  	s10 =	simm.s32 $0xB0;
	v24 =	vadd.f32 v24, v14;
	v22 =	vperm.xlane v20, v0;
	v27 =	vadd.f32 v16, v15  }
0x175: {  	v28 =	vld [tilespmem:s10+$0x5D10];
	v18 =	vperm.xlane v18, v4;
	v29 =	vadd.f32 v25, v13;
	v19 =	vand.u32 $0x7FFFFFFF, v19  }
0x176: {  	v25 =	vld [tilespmem:s10+$0x5D00];
	v20 =	vadd.f32 v20, v22;
	v22 =	vand.u32 $0x7FFFFFFF, v24;
	v24 =	vperm.xlane v27, v3  }
0x177: {  	v15 =	vld [tilespmem:s10+$0x4E00];
	v19 =	vmul.f32 v19, v6;
	v22 =	vmul.f32 v22, v7  }
0x178: {  	v32 =	vand.u32 $0x7FFFFFFF, v29;
	v16 =	vld [tilespmem:s10+$0x4E10];
	v30 =	vperm.xlane v20, v1;
	v24 =	vadd.f32 v27, v24  }
0x179: {  	v31 =	vld [tilespmem:s10+$0x5D20];
	v19 =	vadd.f32 v22, v19;
	v27 =	vmul.f32 v32, v5  }
0x17a: {  	v17 =	vld [tilespmem:s10+$0x4E20];
	v30 =	vadd.f32 v20, v30;
	v18 =	vadd.f32 v24, v18  }
0x17b: {  	v24 =	vadd.f32 v27, v19  }
0x17c: {  	s7 =	simm.s32 $0xE0;
	v19 =	vperm.xlane v30, v2;
	v18 =	vmul.f32 $1.442695020e+00, v18  }
0x17d: {  	v59 =	vld [tilespmem:s7+$0x5D00];
	v25 =	vadd.f32 v25, v15;
	v27 =	vadd.f32 v28, v16;
	v28 =	vperm.xlane v24, v0  }
0x17e: {  	v33 =	vld [tilespmem:s7+$0x5D10];
	v30 =	vadd.f32 v30, v19;
	(erf) = vpow2.f32 v18  }
0x17f: {  	v22 =	vadd.f32 v31, v17;
	v31 =	vld [tilespmem:s7+$0x5D20];
	v25 =	vand.u32 $0x7FFFFFFF, v25;
	v24 =	vadd.f32 v24, v28  }
0x180: {  	v20 =	vld [tilespmem:s7+$0x4E20];
	v27 =	vand.u32 $0x7FFFFFFF, v27;
	v25 =	vmul.f32 v25, v6;
	v28 =	vperm.xlane v30, v3  }
0x181: {  	v19 =	vld [tilespmem:s7+$0x4E10];
	v27 =	vmul.f32 v27, v7;
	v35 =	vperm.xlane v24, v1  }
0x182: {  	v21 =	vperm.xlane v21, v4;
	v34 =	vand.u32 $0x7FFFFFFF, v22;
	v18 =	vld [tilespmem:s7+$0x4E00];
	v28 =	vadd.f32 v30, v28  }
0x183: {  	v25 =	vadd.f32 v27, v25;
	v30 =	vmul.f32 v34, v5;
	v24 =	vadd.f32 v24, v35  }
0x184: {  	v21 =	vadd.f32 v28, v21  }
0x185: {  	v30 =	vadd.f32 v30, v25;
	v25 =	vadd.f32 v31, v20;
	v31 =	vperm.xlane v24, v2  }
0x186: {  	s11 =	simm.s32 $0x110;
	v29 =	vperm.xlane v29, v4;
	v33 =	vadd.f32 v33, v19;
	v60 =	vmul.f32 $1.442695020e+00, v21  }
0x187: {  	v28 =	vld [tilespmem:s11+$0x5D20];
	v32 =	vadd.f32 v59, v18;
	v61 =	vperm.xlane v30, v0;
	v36 =	vadd.f32 v24, v31;
	v27 =	vpop (erf)  }
0x188: {  	v33 =	vand.u32 $0x7FFFFFFF, v33;
	v21 =	vld [tilespmem:s11+$0x4E20];
	(erf) = vpow2.f32 v60;
	v62 =	vmul.f32 v27, v23  }
0x189: {  	v32 =	vand.u32 $0x7FFFFFFF, v32;
	v31 =	vadd.f32 v30, v61;
	v23 =	vld [tilespmem:s11+$0x4E00];
	v63 =	vperm.xlane v36, v3  }
0x18a: {  	v38 =	vmul.f32 v33, v7;
	v24 =	vld [tilespmem:s11+$0x4E10];
	v37 =	vmul.f32 v32, v6;
	v34 =	vsel vm0, v62, v27  }
0x18b: {  	v39 =	vand.u32 $0x7FFFFFFF, v25;
	v30 =	vld [tilespmem:s11+$0x5D00];
	v33 =	vadd.f32 v36, v63;
	[tilespmem:s3+$0x8A20] =	vst v34;
	v34 =	vperm.xlane v31, v1  }
0x18c: {  	s13 =	simm.s32 $0x500;
	v35 =	vmul.f32 v39, v5;
	v26 =	vmul.f32 v27, v26;
	v36 =	vadd.f32 v38, v37;
	v32 =	vld [tilespmem:s11+$0x5D10]  }
.LBB2_8:
0x18d: {  	v31 =	vadd.f32 v31, v34;
	v29 =	vadd.f32 v33, v29;
	v34 =	vmul.f32 v27, v11;
	v37 =	vmovc v12  }
0x18e: {  	p0 =	sne.s32 s13, $0x3BC0;
	v12 =	vmovc v15;
	v15 =	vmovc v18;
	v18 =	vmov v23;
	v11 =	vmov v8;
	v8 =	vmov v14  }
0x18f: {  	v14 =	vmovc v16;
	v16 =	vmov v19;
	v33 =	vadd.f32 v35, v36;
	[tilespmem:s3+$0x8A00] =	vst v26;
	v19 =	vmov v24  }
0x190: {  	s6 =	sshra.s32 s13, $0x2;
	v24 =	vadd.f32 v28, v21;
	v23 =	vperm.xlane v31, v2;
	v26 =	vmul.f32 $1.442695020e+00, v29;
	[tilespmem:s3+$0x8A10] =	vst v34;
	s3 =	smov.u32 s9;
	s9 =	smov.u32 s8  }
0x191: {  	v29 =	vadd.f32 v30, v18;
	s8 =	smov.u32 s10;
	s10 =	smov.u32 s7;
	s7 =	smov.u32 s11;
	v35 =	vld [tilespmem:s6+$0x4E20];
	v30 =	vadd.f32 v32, v19;
	v32 =	vperm.xlane v33, v0;
	v27 =	vpop (erf)  }
0x192: {  	s11 =	smov.u32 s6;
	v28 =	vld [tilespmem:s6+$0x5D20];
	v36 =	vadd.f32 v31, v23;
	(erf) = vpow2.f32 v26;
	v26 =	vmul.f32 v27, v10;
	v10 =	vmovc v13;
	v13 =	vmovc v17  }
.Ltmp3:
0x193: {  	v34 =	vand.u32 $0x7FFFFFFF, v29;
	v29 =	vperm.xlane v22, v4;
	v22 =	vmovc v25;
	v25 =	vmovc v24;
	v23 =	vld [tilespmem:s11+$0x4E00];
	v38 =	vand.u32 $0x7FFFFFFF, v30;
	(pc) =	sbr.rel @p0 .LBB2_8-.Ltmp3, $4  }
0x194: {  	v17 =	vmovc v20;
	v31 =	vadd.f32 v33, v32;
	v24 =	vld [tilespmem:s11+$0x4E10];
	v33 =	vperm.xlane v36, v3;
	v26 =	vsel vm0, v26, v27  }
0x195: {  	v20 =	vmov v21;
	v39 =	vmul.f32 v34, v6;
	v38 =	vmul.f32 v38, v7;
	v30 =	vld [tilespmem:s11+$0x5D00];
	[tilespmem:s3+$0x8A20] =	vst v26  }
0x196: {  	v26 =	vand.u32 $0x7FFFFFFF, v25;
	v34 =	vperm.xlane v31, v1;
	v32 =	vld [tilespmem:s11+$0x5D10];
	v33 =	vadd.f32 v36, v33;
	v21 =	vmovc v35  }
0x197: {  	s13 =	sadd.s32 $0xC0, s13;
	v35 =	vmul.f32 v26, v5;
	v36 =	vadd.f32 v38, v39;
	v26 =	vmul.f32 v27, v9;
	v9 =	vmovc v37  }
0x198: {  	_ =	sdelay $0x2  }
0x199: {  	v30 =	vadd.f32 v30, v23;
	v32 =	vadd.f32 v32, v24;
	_ =	sdelay $0x1  }
0x19a: {  	v28 =	vadd.f32 v28, v21;
	v30 =	vand.u32 $0x7FFFFFFF, v30;
	v32 =	vand.u32 $0x7FFFFFFF, v32  }
0x19b: {  	v6 =	vmul.f32 v30, v6;
	v7 =	vmul.f32 v32, v7  }
0x19c: {  	v52 =	vadd.f32 v35, v36;
	v53 =	vand.u32 $0x7FFFFFFF, v28  }
0x19d: {  	v5 =	vmul.f32 v53, v5;
	v6 =	vadd.f32 v7, v6  }
0x19e: {  	v7 =	vperm.xlane v52, v0  }
0x19f: {  	v5 =	vadd.f32 v5, v6  }
0x1a0: {  	v6 =	vadd.f32 v52, v7  }
0x1a1: {  	v7 =	vadd.f32 v31, v34;
	v54 =	vperm.xlane v5, v0  }
0x1a2: {  	v55 =	vperm.xlane v6, v1  }
0x1a3: {  	v56 =	vperm.xlane v7, v2;
	v5 =	vadd.f32 v5, v54  }
0x1a4: {  	v6 =	vadd.f32 v6, v55  }
0x1a5: {  	v7 =	vadd.f32 v7, v56;
	v30 =	vperm.xlane v5, v1  }
0x1a6: {  	v31 =	vperm.xlane v6, v2  }
0x1a7: {  	v29 =	vadd.f32 v33, v29;
	v32 =	vperm.xlane v7, v3;
	v5 =	vadd.f32 v5, v30  }
0x1a8: {  	v22 =	vperm.xlane v22, v4;
	v6 =	vadd.f32 v6, v31  }
0x1a9: {  	v29 =	vmul.f32 $1.442695020e+00, v29;
	v7 =	vadd.f32 v7, v32;
	v30 =	vperm.xlane v5, v2  }
0x1aa: {  	v31 =	vperm.xlane v6, v3  }
0x1ab: {  	(erf) = vpow2.f32 v29;
	v7 =	vadd.f32 v7, v22;
	v5 =	vadd.f32 v5, v30  }
0x1ac: {  	v57 =	vperm.xlane v25, v4;
	v6 =	vadd.f32 v6, v31  }
0x1ad: {  	v7 =	vmul.f32 $1.442695020e+00, v7;
	v58 =	vperm.xlane v5, v3  }
0x1ae: {  	v6 =	vadd.f32 v6, v57  }
0x1af: {  	(erf) = vpow2.f32 v7;
	v7 =	vperm.xlane v28, v4;
	v5 =	vadd.f32 v5, v58  }
0x1b0: {  	v6 =	vmul.f32 $1.442695020e+00, v6  }
0x1b1: {  	v59 =	vpop (erf);
	v5 =	vadd.f32 v5, v7;
	v7 =	vmul.f32 v27, v11  }
0x1b2: {  	(erf) = vpow2.f32 v6;
	v6 =	vmul.f32 v59, v10  }
0x1b3: {  	[tilespmem:s3+$0x8A00] =	vst v26  }
0x1b4: {  	v60 =	vpop (erf);
	v5 =	vmul.f32 $1.442695020e+00, v5;
	[tilespmem:s3+$0x8A10] =	vst v7;
	v6 =	vsel vm0, v6, v59  }
0x1b5: {  	v7 =	vmul.f32 v59, v9;
	[tilespmem:s9+$0x8A20] =	vst v6;
	v6 =	vmul.f32 v60, v13  }
0x1b6: {  	(erf) = vpow2.f32 v5;
	v5 =	vmul.f32 v59, v8;
	_ =	sdelay $0x1  }
0x1b7: {  	[tilespmem:s9+$0x8A10] =	vst v5;
	v5 =	vsel vm0, v6, v60;
	v6 =	vmul.f32 v60, v12  }
0x1b8: {  	[tilespmem:s9+$0x8A00] =	vst v7;
	v7 =	vpop (erf)  }
0x1b9: {  	[tilespmem:s8+$0x8A20] =	vst v5;
	v5 =	vmul.f32 v60, v14;
	v61 =	vmul.f32 v7, v17  }
0x1ba: {  	[tilespmem:s8+$0x8A00] =	vst v6  }
0x1bb: {  	v62 =	vmul.f32 v7, v15;
	[tilespmem:s8+$0x8A10] =	vst v5;
	v5 =	vsel vm0, v61, v7;
	v6 =	vpop (erf)  }
0x1bc: {  	[tilespmem:s10+$0x8A20] =	vst v5;
	v5 =	vmul.f32 v7, v16;
	v7 =	vmul.f32 v6, v20  }
0x1bd: {  	[tilespmem:s10+$0x8A00] =	vst v62  }
0x1be: {  	[tilespmem:s10+$0x8A10] =	vst v5;
	v5 =	vsel vm0, v7, v6;
	v7 =	vmul.f32 v6, v18;
	v63 =	vpop (erf)  }
0x1bf: {  	[tilespmem:s7+$0x8A20] =	vst v5;
	v5 =	vmul.f32 v6, v19;
	v6 =	vmul.f32 v63, v21  }
0x1c0: {  	[tilespmem:s7+$0x8A00] =	vst v7  }
0x1c1: {  	[tilespmem:s7+$0x8A10] =	vst v5;
	v5 =	vsel vm0, v6, v63;
	v6 =	vmul.f32 v63, v23  }
0x1c2: {  	[tilespmem:s11+$0x8A20] =	vst v5;
	v5 =	vmul.f32 v63, v24  }
0x1c3: {  	[tilespmem:s11+$0x8A00] =	vst v6  }
0x1c4: {  	[tilespmem:s11+$0x8A10] =	vst v5  }
0x1c5: {  	v5 =	vld [tilespmem:$0x4DD0];
	_ =	sdelay $0x7  }
0x1c6: {  	[spmem:s2] =	stream.indirect_vreg.scatter.add.f32 [tilespmem:s23], [sflag:$0x3], $0x30, v5, vm1, $0xb8;
	[tilespmem:$0x12050] =	vst v63  }
0x1c7: {  	v5 =	vld [tilespmem:$0x4DE0];
	_ =	sdelay $0x7  }
0x1c8: {  	[spmem:s2] =	stream.indirect_vreg.scatter.add.f32 [tilespmem:s24], [sflag:$0x3], $0x30, v5, vm1, $0xb8;
	[tilespmem:$0x12050] =	vst v63  }
0x1c9: {  	v5 =	vld [tilespmem:$0x4DF0];
	_ =	sdelay $0x7  }
0x1ca: {  	[spmem:s2] =	stream.indirect_vreg.scatter.add.f32 [tilespmem:s25], [sflag:$0x3], $0x30, v5, vm1, $0xb8;
	[tilespmem:$0x12050] =	vst v63  }
0x1cb: {  	v5 =	vld [tilespmem:$0x4E00];
	_ =	sdelay $0x7  }
0x1cc: {  	[spmem:s2] =	stream.indirect_vreg.scatter.add.f32 [tilespmem:s26], [sflag:$0x3], $0x30, v5, vm1, $0xb8;
	[tilespmem:$0x12050] =	vst v63  }
0x1cd: {  	v5 =	vld [tilespmem:$0x4E10];
	_ =	sdelay $0x7  }
0x1ce: {  	[spmem:s2] =	stream.indirect_vreg.scatter.add.f32 [tilespmem:s28], [sflag:$0x3], $0x30, v5, vm1, $0xb8;
	[tilespmem:$0x12050] =	vst v63  }
0x1cf: {  	_ =	swait.ge [sflag:s16], $0x300  }
0x1d0: {  	[sflag:s16] =	ssyncset.done $0x0  }
0x1d1: {  	[sflag:s16] =	ssyncadd.s32 $0xFFFFFD00  }
0x1d2: {  	_ =	swait.ge [sflag:s16], $0x300  }
0x1d3: {  	[sflag:s16] =	ssyncset.done $0x0  }
0x1d4: {  	[sflag:s16] =	ssyncadd.s32 $0xFFFFFD00  }
0x1d5: {  	_ =	swait.ge [sflag:s16], $0x300  }
0x1d6: {  	[sflag:s16] =	ssyncset.done $0x0  }
0x1d7: {  	[sflag:s16] =	ssyncadd.s32 $0xFFFFFD00  }
0x1d8: {  	_ =	swait.ge [sflag:s16], $0x300  }
0x1d9: {  	[sflag:s16] =	ssyncset.done $0x0  }
0x1da: {  	[sflag:s16] =	ssyncadd.s32 $0xFFFFFD00  }
0x1db: {  	_ =	swait.ge [sflag:s16], $0x300  }
0x1dc: {  	[sflag:s16] =	ssyncset.done $0x0  }
0x1dd: {  	s13 =	simm.s32 $0x4;
	[sflag:s16] =	ssyncadd.s32 $0xFFFFFD00  }
0x1de: {  	_ =	swait.ge [sflag:s13], $0x300  }
0x1df: {  	[sflag:s13] =	ssyncset.done $0x0  }
0x1e0: {  	[sflag:s13] =	ssyncadd.s32 $0xFFFFFD00  }
0x1e1: {  	_ =	swait.ge [sflag:s13], $0x300  }
0x1e2: {  	[sflag:s13] =	ssyncset.done $0x0  }
0x1e3: {  	[sflag:s13] =	ssyncadd.s32 $0xFFFFFD00  }
0x1e4: {  	_ =	swait.ge [sflag:s13], $0x300  }
0x1e5: {  	[sflag:s13] =	ssyncset.done $0x0  }
0x1e6: {  	[sflag:s13] =	ssyncadd.s32 $0xFFFFFD00  }
0x1e7: {  	_ =	swait.ge [sflag:s13], $0x300  }
0x1e8: {  	[sflag:s13] =	ssyncset.done $0x0  }
0x1e9: {  	[sflag:s13] =	ssyncadd.s32 $0xFFFFFD00  }
0x1ea: {  	_ =	swait.ge [sflag:s13], $0x300  }
0x1eb: {  	[sflag:s13] =	ssyncset.done $0x0  }
0x1ec: {  	[sflag:s13] =	ssyncadd.s32 $0xFFFFFD00  }
0x1ed: {  	[bflag:$0x0] =	sbarrier.arrive $0xFFFF  }
0x1ee: {  	s8 =	rddreg [dreg:$0x5]  }
0x1ef: {  	s16 =	rddreg [dreg:$0x8]  }
0x1f0: {  	s9 =	simm.s32 $0x5;
	s6 =	rddreg [dreg:$0xa]  }
0x1f1: {  	[hbm:s16], [sflag:s8] =	dma.local [spmem:s6], $0xF00  }
0x1f2: {  	_ =	swait.ge [sflag:s9], $0xF00  }
0x1f3: {  	s17 =	rddreg [dreg:$0xb]  }
0x1f4: {  	s18 =	rddreg [dreg:$0x9];
	s7 =	sadd.s32 $0x1, s17  }
0x1f5: {  	p0 =	sne.s32 s7, s18  }
.Ltmp4:
0x1f6: {  	_ = 	snop;
	(pc) =	sbr.rel @p0 .LBB2_1-.Ltmp4, $3  }
0x1f7: {  	_ =	sdelay $0x1  }
0x1f8: {  	[sflag:s9] =	ssyncset.done $0x0  }
0x1f9: {  	[sflag:s9] =	ssyncadd.s32 $0xFFFFF100  }
0x1fa: {  	_ =	sfence.sel $0x180000  }
0x1fb: {  	[bflag:$0x0] =	sbarrier.arrive $0xFFFF  }
0x1fc: {  	_ =	strace $0x9000004A  }
0x1fd: {  	s0 =	stileid.u32;
	[bflag:$0x2] =	sbarrier.arrive $0xFFFF  }
0x1fe: {  	p0 =	sne.s32 s0, $0x0;
	s0 =	rddreg [dreg:$0x2]  }
0x1ff: {  	s0 =	sadd.s32 @!p0 $0x100000, s0  }
0x200: {  	[sflag:s0] =	ssyncadd.tile.s32 @!p0 $0x1;
	_ =	shalt  }
.Lfunc_end2:
_tile_overlayer_lowered:
.L_overlay_start_2:
0x201: {  	(tag) =	ssettag $0x2  }
0x202: {  	s0 =	rddreg [dreg:$0x0];
	s2 =	stileid.u32  }
0x203: {  	s1 =	rddreg [dreg:$0x1];
	p0 =	sne.s32 s2, $0x0  }
0x204: {  	s3 =	rddreg [dreg:$0x2];
	[bflag:$0x3] =	sbarrier.arrive $0xFFFF;
	s2 =	simm.s32 @!p0 $0x1C05  }
0x205: {  	[timem:s3], [sflag:s2] =	dma.local @!p0 [hbm:s0], s1  }
0x206: {  	s0 =	simm.s32 @!p0 $0x5  }
0x207: {  	_ =	swait.ge @!p0 [sflag:s0], s1  }
0x208: {  	s1 =	ssub.s32 @!p0 $0x0, s1;
	[sflag:s0] =	ssyncset.done @!p0 $0x0  }
0x209: {  	[sflag:s0] =	ssyncadd.s32 @!p0 s1  }
0x20a: {  	[bflag:$0x3] =	sbarrier.arrive $0xFFFF  }
0x20b: {  	_ =	shalt  }

// kernel: kernel.7.cloned.1.call-start
scs
__scs_entry_jumppad:
0x0: {  	(pc) =	sbr.rel $0x88, $3  }
0x1: {  	(tag) =	ssettag $0x0;
	lr =	simm.s32 $0x1  }
0x2: {  	[smem:$0x3F8F] =	sst lr;
	_ =	strace $0xD0000000  }
0x3: {  	_ = 	snop  }
0x4: {  	_ = 	snop  }
0x5: {  	_ = 	snop  }
0x6: {  	_ = 	snop  }
0x7: {  	_ = 	snop  }
__scs_overlays_trampoline_lowered:
0x8: {  	[smem:$0x3F9E] =	sst s0  }
0x9: {  	[smem:$0x3F9F] =	sst s1  }
0xa: {  	[smem:$0x3FA0] =	sst s2  }
0xb: {  	[smem:$0x3FA1] =	sst s3  }
0xc: {  	[smem:$0x3FA2] =	sst s4  }
0xd: {  	[smem:$0x3FA3] =	sst s5  }
0xe: {  	[smem:$0x3FA4] =	sst s6  }
0xf: {  	[smem:$0x3FA5] =	sst s7  }
0x10: {  	[smem:$0x3FA6] =	sst s8  }
0x11: {  	[smem:$0x3FA7] =	sst s9;
	s0 =	simm.s32 @!p0 $0x0  }
0x12: {  	s1 =	sld [smem:$0x3F8D];
	s0 =	simm.s32 @p0 $0x1  }
0x13: {  	[smem:$0x3FA8] =	sst s0;
	s0 =	simm.s32 @!p1 $0x0  }
0x14: {  	s2 =	sld [smem:$0x3F8C];
	s0 =	simm.s32 @p1 $0x1  }
0x15: {  	[smem:$0x3FA9] =	sst s0;
	s0 =	simm.s32 @!p2 $0x0  }
0x16: {  	s3 =	sld [smem:$0x3FDB];
	s0 =	simm.s32 @p2 $0x1  }
0x17: {  	s4 =	simm.s32 $0x1BF5;
	[smem:$0x3FAB] =	sst s0  }
0x18: {  	s0 =	sld [smem:$0x3F8E];
	_ =	swait.ge [sflag:s4], $0x0  }
0x19: {  	s7 =	sld [smem:$0x3F8F]  }
0x1a: {  	s8 =	sadd.s32 $0xFFFFE003, lr  }
0x1b: {  	s9 =	sadd.s32 $0xFFFFFEF7, lr;
	s5 =	simm.s32 $0xFFFFFFFF;
	p2 =	slt.u32 s8, $0xFFFFF086  }
0x1c: {  	p1 =	slt.u32 s9, $0xF7A;
	s5 =	simm.s32 @!p2 $0x0  }
0x1d: {  	s5 =	simm.s32 @p1 $0x1;
	p0 =	seq.s32 s7, s2  }
0x1e: {  	s7 =	smul.u32 @!p0 $0xF7A, s2;
	p2 =	seq.s32 @!p0 s5, $0x0  }
0x1f: {  	s9 =	smul.u32 $0xF7A, s1;
	s8 =	simm.s32 @!p0 $0x1BF5;
	p2 =	por !p2, p0  }
0x20: {  	[sflag:s8] =	ssyncset.s32 @!p0 $0xFFFFF086;
	s6 =	sadd.s32 @!p0 s3, s7;
	s7 =	simm.s32 @!p0 $0x108  }
0x21: {  	s3 =	sadd.s32 s3, s9;
	s6 =	sadd.s32 @!p0 $0x88, s6;
	s7 =	simm.s32 @p2 $0x1082  }
0x22: {  	[simem:s7], [sflag:s8] =	dma.local @!p0 [hbm:s6], $0xF7A  }
0x23: {  	s9 =	sor.u32 $0xD0000000, s2;
	s6 =	simm.s32 $0x108;
	_ =	swait.ge @!p0 [sflag:s8], $0x0  }
0x24: {  	s3 =	sadd.s32 $0x88, s3;
	s6 =	simm.s32 @!p1 $0x1082;
	[sflag:s4] =	ssyncset.s32 $0xFFFFF086  }
0x25: {  	[simem:s6], [sflag:s4] =	dma.local [hbm:s3], $0xF7A  }
0x26: {  	[smem:$0x3F8F] =	sst s1;
	(tag) =	ssettag s2;
	_ =	strace s9  }
0x27: {  	s1 =	sld [smem:$0x3F9F]  }
0x28: {  	s2 =	sld [smem:$0x3FA0]  }
0x29: {  	s4 =	sld [smem:$0x3FA2]  }
0x2a: {  	p0 =	seq.s32 s5, $0x0;
	s5 =	sld [smem:$0x3FA3]  }
0x2b: {  	s6 =	sld [smem:$0x3FA4]  }
0x2c: {  	s7 =	sld [smem:$0x3FA5]  }
0x2d: {  	s3 =	simm.s32 $0x108;
	s8 =	sld [smem:$0x3FA6]  }
0x2e: {  	s3 =	simm.s32 @!p0 $0x1082;
	s9 =	sld [smem:$0x3FA7]  }
0x2f: {  	lr =	sadd.s32 s0, s3;
	s0 =	sld [smem:$0x3F9E]  }
0x30: {  	s3 =	sld [smem:$0x3FA1]  }
0x31: {  	[smem:$0x3FAA] =	sst s10  }
0x32: {  	s10 =	sld [smem:$0x3FA8];
	_ =	sdelay $0x3  }
0x33: {  	p0 =	seq.s32 s10, $0x1;
	s10 =	sld [smem:$0x3FAA];
	_ =	sdelay $0x3  }
0x34: {  	[smem:$0x3FAA] =	sst s10  }
0x35: {  	s10 =	sld [smem:$0x3FA9];
	_ =	sdelay $0x3  }
0x36: {  	p1 =	seq.s32 s10, $0x1;
	s10 =	sld [smem:$0x3FAA];
	_ =	sdelay $0x3  }
0x37: {  	[smem:$0x3FAA] =	sst s10  }
0x38: {  	s10 =	sld [smem:$0x3FAB]  }
0x39: {  	_ = 	snop;
	(pc) =	sbr.ind lr, $3  }
0x3a: {  	_ = 	snop  }
0x3b: {  	_ = 	snop  }
0x3c: {  	p2 =	seq.s32 s10, $0x1;
	s10 =	sld [smem:$0x3FAA]  }
0x3d: {  	_ =	shalt  }
0x3e: {  	_ =	shalt  }
0x3f: {  	_ =	shalt  }
0x40: {  	_ =	shalt  }
0x41: {  	_ =	shalt  }
0x42: {  	_ =	shalt  }
0x43: {  	_ =	shalt  }
0x44: {  	_ =	shalt  }
0x45: {  	_ =	shalt  }
0x46: {  	_ =	shalt  }
0x47: {  	_ =	shalt  }
0x48: {  	_ =	shalt  }
0x49: {  	_ =	shalt  }
0x4a: {  	_ =	shalt  }
0x4b: {  	_ =	shalt  }
0x4c: {  	_ =	shalt  }
0x4d: {  	_ =	shalt  }
0x4e: {  	_ =	shalt  }
0x4f: {  	_ =	shalt  }
0x50: {  	_ =	shalt  }
0x51: {  	_ =	shalt  }
0x52: {  	_ =	shalt  }
0x53: {  	_ =	shalt  }
0x54: {  	_ =	shalt  }
0x55: {  	_ =	shalt  }
0x56: {  	_ =	shalt  }
0x57: {  	_ =	shalt  }
0x58: {  	_ =	shalt  }
0x59: {  	_ =	shalt  }
0x5a: {  	_ =	shalt  }
0x5b: {  	_ =	shalt  }
0x5c: {  	_ =	shalt  }
0x5d: {  	_ =	shalt  }
0x5e: {  	_ =	shalt  }
0x5f: {  	_ =	shalt  }
0x60: {  	_ =	shalt  }
0x61: {  	_ =	shalt  }
0x62: {  	_ =	shalt  }
0x63: {  	_ =	shalt  }
0x64: {  	_ =	shalt  }
0x65: {  	_ =	shalt  }
0x66: {  	_ =	shalt  }
0x67: {  	_ =	shalt  }
0x68: {  	_ =	shalt  }
0x69: {  	_ =	shalt  }
0x6a: {  	_ =	shalt  }
0x6b: {  	_ =	shalt  }
0x6c: {  	_ =	shalt  }
0x6d: {  	_ =	shalt  }
0x6e: {  	_ =	shalt  }
0x6f: {  	_ =	shalt  }
0x70: {  	_ =	shalt  }
0x71: {  	_ =	shalt  }
0x72: {  	_ =	shalt  }
0x73: {  	_ =	shalt  }
0x74: {  	_ =	shalt  }
0x75: {  	_ =	shalt  }
0x76: {  	_ =	shalt  }
0x77: {  	_ =	shalt  }
0x78: {  	_ =	shalt  }
0x79: {  	_ =	shalt  }
0x7a: {  	_ =	shalt  }
0x7b: {  	_ =	shalt  }
0x7c: {  	_ =	shalt  }
0x7d: {  	_ =	shalt  }
0x7e: {  	_ =	shalt  }
0x7f: {  	_ =	shalt  }
0x80: {  	_ =	shalt  }
0x81: {  	_ =	shalt  }
0x82: {  	_ =	shalt  }
0x83: {  	_ =	shalt  }
0x84: {  	_ =	shalt  }
0x85: {  	_ =	shalt  }
0x86: {  	_ =	shalt  }
0x87: {  	_ =	shalt  }
.Lfunc_end0:
.L_simem_size_0:
called_computation_lowered:
.L_overlay_start_0:
0x88: {  	s2 =	sld [smem:$0x3FD9]  }
0x89: {  	s3 =	sld [smem:$0x3FFE];
	_ =	sdelay $0x1  }
0x8a: {  	s1 =	srdreg.scid  }
0x8b: {  	s0 =	sand.u32 $0x1, s1  }
0x8c: {  	s17 =	sshll.u32 s0, $0xA;
	s2 =	sadd.s32 s3, s2  }
0x8d: {  	s2 =	sadd.s32 s2, s17  }
0x8e: {  	[smem:$0x3FB6] =	sst s2  }
0x8f: {  	_ = 	snop  }
0x90: {  	s2 =	sld [smem:$0x3FD0];
	(tm) =	ssettm $0x1  }
0x91: {  	s18 =	sld [smem:$0x3FFB];
	_ =	sdelay $0x3  }
0x92: {  	_ =	strace s18  }
0x93: {  	s3 =	sld [smem:$0x3FFC];
	_ =	sdelay $0x3  }
0x94: {  	_ =	strace s3  }
0x95: {  	s3 =	sld [smem:$0x3FFD];
	_ =	sdelay $0x3  }
0x96: {  	_ =	strace s3  }
0x97: {  	_ =	strace $0x8FFFFFFF  }
0x98: {  	s19 =	sld [smem:$0x3FDB];
	_ =	sdelay $0x1  }
0x99: {  	s4 =	simm.s32 $_scs_section_size  }
0x9a: {  	s5 =	simm.s32 $_size__tile_overlayer_lowered;
	s6 =	simm.s32 $_tile_overlayer_lowered  }
0x9b: {  	s22 =	simm.s32 $0x1BFF;
	s21 =	sshll.u32 s6, $0x1;
	s3 =	sadd.s32 s4, s19  }
0x9c: {  	s7 =	simm.s32 $0x0;
	s20 =	sshll.u32 s5, $0x1;
	s5 =	sadd.s32 s21, s3  }
0x9d: {  	[timem:s7], [sflag:s22] =	dma.local [hbm:s5], s20  }
0x9e: {  	_ =	swait.ge [sflag:s22], s20  }
0x9f: {  	s4 =	ssub.s32 $0x0, s20;
	[sflag:s22] =	ssyncset.done $0x0  }
0xa0: {  	[sflag:s22] =	ssyncadd.s32 s4;
	_ =	sdelay $0x1  }
0xa1: {  	s23 =	simm.s32 $0x1B8B  }
0xa2: {  	_ =	swait.ge [sflag:s23], $0x1  }
0xa3: {  	[sflag:s23] =	ssyncset.done $0x0  }
0xa4: {  	s25 =	simm.s32 $0x1B8E;
	s24 =	sld [smem:$0x3FFE];
	[sflag:s23] =	ssyncadd.s32 $0xFFFFFFFF  }
0xa5: {  	s26 =	simm.s32 $execute0_lowered;
	[smem:$0x3FD2] =	sst s25  }
0xa6: {  	s5 =	sshll.u32 s26, $0x1;
	_ =	strace $0x80000046;
	[dreg:$0x1] =	wrdreg $0xFFFFFFFF  }
0xa7: {  	s28 =	simm.s32 $_size_execute0_lowered;
	s3 =	sadd.s32 s3, s5;
	[dreg:$0x0] =	wrdreg $0x0  }
0xa8: {  	s5 =	sshll.u32 s28, $0x1;
	[dreg:$0x2] =	wrdreg s3  }
0xa9: {  	[dreg:$0x3] =	wrdreg s5  }
0xaa: {  	[dreg:$0x4] =	wrdreg $0xC0  }
0xab: {  	_ =	task [dreg:s7], $0x5FFFF  }
0xac: {  	[dreg:$0x1] =	wrdreg $0xFFFFFFFF  }
0xad: {  	[dreg:$0x0] =	wrdreg $0x60  }
0xae: {  	[dreg:$0x2] =	wrdreg s24  }
0xaf: {  	[dreg:$0x3] =	wrdreg s2  }
0xb0: {  	[dreg:$0x4] =	wrdreg $0x84B00  }
0xb1: {  	[dreg:$0x5] =	wrdreg $0x9  }
0xb2: {  	_ =	task.clear_ibuf [dreg:s7], $0x6FFFF;
	_ =	strace $0x90000046  }
0xb3: {  	s29 =	simm.s32 $0x9;
	_ =	strace $0x80000048  }
0xb4: {  	_ =	swait.ge [sflag:s29], $0x1  }
0xb5: {  	[sflag:s29] =	ssyncadd.s32 $0xFFFFFFFF  }
0xb6: {  	_ =	strace $0x90000048  }
0xb7: {  	_ =	sfence  }
0xb8: {  	s30 =	sld [smem:$0x0];
	_ =	sdelay $0x2  }
0xb9: {  	s31 =	sshll.u32 s1, $0xD;
	s1 =	sshrl.u32 s1, $0x2  }
0xba: {  	s3 =	sand.u32 $0x4000, s31;
	s1 =	sadd.s32 s1, s30  }
0xbb: {  	s0 =	sor.u32 s3, s0;
	s1 =	sshll.u32 s1, $0x11  }
0xbc: {  	s0 =	sor.u32 s1, s0  }
0xbd: {  	s0 =	sadd.s32 $0x8F2B, s0  }
0xbe: {  	[sflag:s0] =	ssyncadd.remote.s32 $0x1  }
0xbf: {  	_ =	sfence.sel $0xFFFF  }
0xc0: {  	[dreg:$0x0] =	wrdreg $0xFFFFFFFF;
	(pc) =	sbr.abs _section_cstart, $3  }
0xc1: {  	[dreg:$0x1] =	wrdreg $0xFFFFFFFF  }
0xc2: {  	_ =	task.clear_ibuf [dreg:s7], $0x2FFFF;
	_ =	strace $0x9FFFFFFF  }
0xc3: {  	(tm) =	ssettm $0x7FFFFFFF  }
tec
execute0_lowered:
.L_overlay_start_1:
0x0: {  	(tag) =	ssettag $0x1  }
0x1: {  	s0 =	srdreg.scid  }
0x2: {  	s10 =	stileid.u32;
	s1 =	rddreg [dreg:$0x0]  }
0x3: {  	v0 =	vimm.s32 $0xFEDCBA98;
	s3 =	rddreg [dreg:$0x2];
	s4 =	simm.s32 $0x0;
	s14 =	simm.s32 $0x5  }
0x4: {  	v1 =	vimm.s32 $0x76543210;
	v2 =	vimm.s32 $0xBA98FEDC;
	s17 =	simm.s32 $0x10;
	s18 =	simm.s32 $0x4E20;
	s19 =	simm.s32 $0x5720  }
0x5: {  	v3 =	vimm.s32 $0x32107654;
	v5 =	vlaneseq.u32;
	v4 =	vimm.s32 $0xEFCDAB89;
	s20 =	simm.s32 $0x6020;
	s21 =	simm.s32 $0x6920;
	s22 =	simm.s32 $0x1  }
0x6: {  	v6 =	vimm.s32 $0x67452301;
	vm0 =	vmmov $0xf;
	s23 =	simm.s32 $0x7220;
	s24 =	simm.s32 $0x2;
	s25 =	simm.s32 $0x7B20;
	v0 =	vunpack.c.l.s4.s8 v0  }
0x7: {  	vm1 =	vcmask $0xF30;
	vm2 =	vcmask $0xF20;
	s26 =	simm.s32 $0x3;
	s28 =	simm.s32 $0x4;
	s29 =	simm.s32 $0x0;
	v1 =	vunpack.c.l.s4.s8 v1  }
0x8: {  	s0 =	sand.u32 $0x1, s0;
	s2 =	sshll.u32 s10, $0x1;
	s7 =	smul.u32 $0x16800, s10;
	v2 =	vunpack.c.l.s4.s8 v2;
	v3 =	vunpack.c.l.s4.s8 v3;
	v0 =	vunpack.c.0.s8.s32 v0  }
0x9: {  	v8 =	vimm.s32 $0x4;
	[smem:$0x7FF] =	sst s4;
	s5 =	sadd.s32 $0x3600, s1;
	s6 =	sadd.s32 $0x9FA00, s1;
	v4 =	vunpack.c.l.s4.s8 v4;
	v1 =	vunpack.c.0.s8.s32 v1  }
0xa: {  	s31 =	sshll.u32 s10, $0x6;
	s2 =	sor.u32 s0, s2;
	s8 =	smul.u32 $0x168000, s0;
	v2 =	vunpack.c.0.s8.s32 v2;
	v3 =	vunpack.c.0.s8.s32 v3;
	v0 =	vand.u32 $0xF, v0  }
0xb: {  	v6 =	vunpack.c.l.s4.s8 v6;
	_ =	strace $0x80000047;
	s0 =	ssub.s32 $0x2, s0;
	s2 =	smul.u32 $0x2710, s2;
	v0 =	vcombine.low v0, v1;
	v1 =	vimm.s32 $0xDCFE98BA  }
0xc: {  	s9 =	sshrl.u32 s7, $0x3;
	s30 =	sshrl.u32 s0, $0x1;
	s8 =	sadd.s32 s7, s8;
	v2 =	vcombine.low v3, v2;
	v3 =	vunpack.c.l.s4.s8 v1;
	v1 =	vimm.s32 $0x54761032  }
0xd: {  	v4 =	vunpack.c.0.s8.s32 v4;
	v6 =	vunpack.c.0.s8.s32 v6;
	s9 =	sadd.s32 s9, s1;
	s0 =	ssub.s32 s0, s30;
	s7 =	sadd.s32 s7, s3;
	v7 =	vunpack.c.l.s4.s8 v1  }
0xe: {  	v9 =	vimm.s32 $0x8;
	v10 =	vimm.s32 $0xC;
	vm3 =	vmmov $0xffff;
	s2 =	sshrl.u32 s2, $0x3;
	s8 =	sshrl.u32 s8, $0x3;
	s9 =	sadd.s32 $0xCBA00, s9  }
0xf: {  	s12 =	smax.u32 s0, $0x1;
	s13 =	sshrl.u32 s7, $0x3;
	v4 =	vcombine.low v6, v4;
	s2 =	sadd.s32 s2, s1;
	v3 =	vunpack.c.0.s8.s32 v3;
	v7 =	vunpack.c.0.s8.s32 v7  }
0x10: {  	s1 =	sadd.s32 s8, s1;
	[dreg:$0x4] =	wrdreg s9;
	s8 =	sor.u32 $0x1C05, s31;
	v1 =	vand.u32 $0xF, v2;
	v2 =	vand.u32 $0x3, v5;
	v5 =	vshrl.u32 v5, $0x2  }
0x11: {  	s9 =	sadd.s32 $0x2F600, s2;
	s10 =	sadd.s32 $0x39240, s2;
	s11 =	sadd.s32 $0xF8A00, s1;
	v6 =	vmul.u32 $0x4, v2;
	v3 =	vcombine.low v7, v3;
	v7 =	vimm.s32 $0x0  }
.LBB2_1:
0x12: {  	s0 =	rddreg [dreg:$0x4]  }
0x13: {  	[spmem:s13], [sflag:s8] =	dma.local [hbm:s0], $0x2D00  }
0x14: {  	_ =	swait.ge [sflag:s14], $0x2D00  }
0x15: {  	[sflag:s14] =	ssyncset.done $0x0  }
0x16: {  	[sflag:s14] =	ssyncadd.s32 $0xFFFFD300  }
0x17: {  	s1 =	simm.s32 $0x8420;
	s16 =	rddreg [dreg:$0x1]  }
0x18: {  	[tilespmem:s1], [sflag:$0x5] =	stream.linear.gather [hbm4b:s16+s4], $0x90, $0x38;
	[tilespmem:$0x1ECB0] =	vst v63  }
0x19: {  	_ =	swait.ge [sflag:s14], $0x90  }
0x1a: {  	[sflag:s14] =	ssyncset.done $0x0  }
0x1b: {  	[sflag:s14] =	ssyncadd.s32 $0xFFFFFF70  }
0x1c: {  	[tilespmem:s4], [sflag:$0x5] =	stream.linear.gather [hbm4b:s9+s4], $0x2710, $0x38;
	[tilespmem:$0x1ECB0] =	vst v63  }
0x1d: {  	_ =	swait.ge [sflag:s14], $0x2710  }
0x1e: {  	[sflag:s14] =	ssyncset.done $0x0  }
0x1f: {  	s31 =	simm.s32 $0x2710;
	[sflag:s14] =	ssyncadd.s32 $0xFFFFD8F0  }
0x20: {  	[tilespmem:s31], [sflag:$0x5] =	stream.linear.gather [hbm4b:s10+s4], $0x2710, $0x38;
	[tilespmem:$0x1ECB0] =	vst v63  }
0x21: {  	_ =	swait.ge [sflag:s14], $0x2710  }
0x22: {  	[sflag:s14] =	ssyncset.done $0x0  }
0x23: {  	[sflag:s14] =	ssyncadd.s32 $0xFFFFD8F0  }
0x24: {  	v14 =	vld [tilespmem:$0x8420]  }
0x25: {  	v15 =	vld [tilespmem:$0x8430]  }
0x26: {  	v18 =	vld [tilespmem:$0x8440]  }
0x27: {  	v11 =	vld [tilespmem:$0x8450]  }
0x28: {  	v13 =	vld [tilespmem:$0x8460]  }
0x29: {  	v12 =	vld [tilespmem:$0x8470]  }
0x2a: {  	v16 =	vld [tilespmem:$0x8480]  }
0x2b: {  	v17 =	vld [tilespmem:$0x8490];
	[bflag:$0x0] =	sbarrier.arrive $0xFFFF  }
0x2c: {  	[tilespmem:s18], [sflag:$0x1] =	stream.indirect.gather [hbm4b:s5+s17], $0x90, s4, s17, $0xb8;
	[tilespmem:$0x1ECB0] =	vst v63  }
0x2d: {  	s30 =	simm.s32 $0x0  }
0x2e: {  	[tilespmem:s19], [sflag:$0x1] =	stream.indirect.gather [hbm4b:s6+s17], $0x90, s31, s17, $0xb8;
	[tilespmem:$0x1ECB0] =	vst v63  }
.LBB2_2:
0x2f: {  	s2 =	sshll.u32 s30, $0x5  }
0x30: {  	s31 =	sor.u32 $0x10, s2  }
0x31: {  	[tilespmem:s20], [sflag:$0x2] =	stream.indirect.gather [hbm4b:s5+s17], $0x90, s31, s17, $0xb8;
	[tilespmem:$0x1ECB0] =	vst v63  }
0x32: {  	s0 =	sadd.s32 $0x2720, s2  }
0x33: {  	[tilespmem:s21], [sflag:$0x2] =	stream.indirect.gather [hbm4b:s6+s17], $0x90, s0, s17, $0xb8;
	[tilespmem:$0x1ECB0] =	vst v63  }
0x34: {  	_ =	swait.ge [sflag:s22], $0x900  }
0x35: {  	[sflag:s22] =	ssyncset.done $0x0  }
0x36: {  	[sflag:s22] =	ssyncadd.s32 $0xFFFFF700  }
0x37: {  	_ =	swait.ge [sflag:s22], $0x900  }
0x38: {  	p0 =	seq.s32 s30, $0x0;
	[sflag:s22] =	ssyncset.done $0x0  }
0x39: {  	s0 =	simm.s32 @!p0 $0x3;
	[sflag:s22] =	ssyncadd.s32 $0xFFFFF700  }
0x3a: {  	_ =	swait.ge @!p0 [sflag:s0], $0x900  }
0x3b: {  	[sflag:s0] =	ssyncset.done @!p0 $0x0  }
0x3c: {  	[sflag:s0] =	ssyncadd.s32 @!p0 $0xFFFFF700;
	s0 =	simm.s32 $0x80  }
0x3d: {  	v27 =	vld [tilespmem:s0+$0x4DC0]  }
0x3e: {  	v19 =	vld [tilespmem:s0+$0x4DD0]  }
0x3f: {  	v22 =	vld [tilespmem:s0+$0x56C0]  }
0x40: {  	v23 =	vld [tilespmem:s0+$0x56D0]  }
0x41: {  	v20 =	vld [tilespmem:s0+$0x4DE0]  }
0x42: {  	v21 =	vld [tilespmem:s0+$0x4DF0]  }
0x43: {  	v25 =	vld [tilespmem:s0+$0x56E0]  }
0x44: {  	v26 =	vld [tilespmem:s0+$0x56F0]  }
0x45: {  	v29 =	vld [tilespmem:s0+$0x4DA0]  }
0x46: {  	v33 =	vld [tilespmem:s0+$0x4DB0]  }
0x47: {  	v24 =	vld [tilespmem:s0+$0x4E00]  }
0x48: {  	v44 =	vld [tilespmem:s0+$0x4E10]  }
0x49: {  	v28 =	vld [tilespmem:s0+$0x56A0]  }
0x4a: {  	v30 =	vld [tilespmem:s0+$0x56B0]  }
0x4b: {  	v31 =	vld [tilespmem:s0+$0x5700]  }
0x4c: {  	v32 =	vld [tilespmem:s0+$0x5710];
	_ =	sdelay $0x1  }
0x4d: {  	v22 =	vadd.f32 v22, v27;
	v23 =	vadd.f32 v23, v19  }
0x4e: {  	v25 =	vadd.f32 v25, v20;
	v26 =	vadd.f32 v26, v21  }
0x4f: {  	v28 =	vadd.f32 v28, v29;
	v30 =	vadd.f32 v30, v33  }
0x50: {  	v31 =	vadd.f32 v31, v24;
	v32 =	vadd.f32 v32, v44  }
0x51: {  	v28 =	vand.u32 $0x7FFFFFFF, v28;
	v22 =	vand.u32 $0x7FFFFFFF, v22;
	v25 =	vand.u32 $0x7FFFFFFF, v25  }
0x52: {  	v30 =	vand.u32 $0x7FFFFFFF, v30;
	v31 =	vand.u32 $0x7FFFFFFF, v31;
	v34 =	vmul.f32 v22, v18  }
0x53: {  	v22 =	vand.u32 $0x7FFFFFFF, v32;
	v28 =	vmul.f32 v28, v14;
	v30 =	vmul.f32 v30, v15  }
0x54: {  	v26 =	vand.u32 $0x7FFFFFFF, v26;
	v31 =	vmul.f32 v31, v16;
	v32 =	vmul.f32 v22, v17  }
0x55: {  	v35 =	vld [tilespmem:s0+$0x4E20];
	v37 =	vand.u32 $0x7FFFFFFF, v23;
	v25 =	vmul.f32 v25, v13;
	v26 =	vmul.f32 v26, v12  }
0x56: {  	s1 =	simm.s32 $0x110;
	v36 =	vld [tilespmem:s0+$0x5720];
	v37 =	vmul.f32 v37, v11;
	v28 =	vadd.f32 v30, v28;
	v30 =	vadd.f32 v32, v31  }
0x57: {  	v38 =	vld [tilespmem:s1+$0x56C0];
	v31 =	vadd.f32 v26, v25  }
0x58: {  	v39 =	vld [tilespmem:s1+$0x56D0];
	v57 =	vadd.f32 v37, v34;
	v58 =	vperm.xlane v28, v0;
	v59 =	vperm.xlane v30, v0  }
0x59: {  	v41 =	vld [tilespmem:s1+$0x56E0];
	v40 =	vperm.xlane v31, v0  }
0x5a: {  	v42 =	vld [tilespmem:s1+$0x56F0];
	v60 =	vperm.xlane v57, v0;
	v28 =	vadd.f32 v58, v28;
	v37 =	vadd.f32 v59, v30  }
0x5b: {  	v63 =	vld [tilespmem:s1+$0x56A0];
	v40 =	vadd.f32 v40, v31  }
0x5c: {  	v48 =	vld [tilespmem:s1+$0x56B0];
	v34 =	vadd.f32 v60, v57;
	v61 =	vperm.xlane v28, v1;
	v43 =	vperm.xlane v37, v1  }
0x5d: {  	v49 =	vld [tilespmem:s1+$0x5700];
	v45 =	vperm.xlane v40, v1  }
0x5e: {  	v50 =	vld [tilespmem:s1+$0x5710];
	v47 =	vperm.xlane v34, v1;
	v46 =	vadd.f32 v61, v28;
	v37 =	vadd.f32 v43, v37  }
0x5f: {  	v23 =	vld [tilespmem:s1+$0x4DD0];
	v40 =	vadd.f32 v45, v40  }
0x60: {  	v22 =	vld [tilespmem:s1+$0x4DC0];
	v34 =	vadd.f32 v47, v34;
	v62 =	vperm.xlane v46, v2;
	v37 =	vperm.xlane v37, v2  }
0x61: {  	v25 =	vld [tilespmem:s1+$0x4DE0];
	v40 =	vperm.xlane v40, v2  }
0x62: {  	v26 =	vld [tilespmem:s1+$0x4DF0];
	v34 =	vperm.xlane v34, v2;
	v37 =	vsel vm0, v62, v37  }
0x63: {  	v31 =	vld [tilespmem:s1+$0x4DA0];
	v37 =	vsel vm1, v37, v40  }
0x64: {  	v30 =	vld [tilespmem:s1+$0x4DB0];
	v34 =	vsel vm2, v37, v34  }
0x65: {  	v35 =	vadd.f32 v36, v35;
	v52 =	vadd.f32 v39, v23;
	v28 =	vld [tilespmem:s1+$0x4E00];
	v57 =	vperm.xlane v34, v3  }
0x66: {  	v32 =	vld [tilespmem:s1+$0x4E10];
	v51 =	vadd.f32 v38, v22;
	v58 =	vadd.f32 v41, v25  }
0x67: {  	v35 =	vperm.xlane v35, v5;
	v59 =	vadd.f32 v42, v26;
	v34 =	vadd.f32 v34, v57  }
0x68: {  	v36 =	vand.u32 $0x7FFFFFFF, v51;
	v39 =	vand.u32 $0x7FFFFFFF, v58;
	v60 =	vadd.f32 v63, v31  }
0x69: {  	v39 =	vmul.f32 v39, v13;
	v61 =	vadd.f32 v48, v30;
	v62 =	vperm.xlane v34, v4  }
0x6a: {  	v63 =	vmul.f32 v36, v18;
	v42 =	vand.u32 $0x7FFFFFFF, v60;
	v43 =	vadd.f32 v49, v28  }
0x6b: {  	v38 =	vand.u32 $0x7FFFFFFF, v61;
	v40 =	vadd.f32 v50, v32;
	v34 =	vadd.f32 v34, v62  }
0x6c: {  	s15 =	simm.s32 $0x1A0;
	v54 =	vmul.f32 v42, v14;
	v55 =	vmul.f32 v38, v15  }
0x6d: {  	v47 =	vld [tilespmem:s15+$0x56F0];
	v43 =	vand.u32 $0x7FFFFFFF, v43;
	v53 =	vand.u32 $0x7FFFFFFF, v40;
	v34 =	vadd.f32 v34, v35  }
0x6e: {  	v56 =	vand.u32 $0x7FFFFFFF, v59;
	v48 =	vld [tilespmem:s1+$0x4E20];
	v58 =	vmul.f32 v53, v17;
	v57 =	vmul.f32 v43, v16  }
0x6f: {  	v36 =	vld [tilespmem:s15+$0x4DC0];
	v37 =	vand.u32 $0x7FFFFFFF, v52;
	v35 =	vmul.f32 v56, v12;
	v34 =	vmul.f32 $1.442695020e+00, v34  }
0x70: {  	v46 =	vld [tilespmem:s15+$0x56E0];
	v37 =	vmul.f32 v37, v11;
	v40 =	vadd.f32 v55, v54;
	v41 =	vadd.f32 v58, v57  }
0x71: {  	v38 =	vld [tilespmem:s15+$0x4DD0];
	v39 =	vadd.f32 v35, v39;
	(erf) = vpow2.f32 v34  }
0x72: {  	v50 =	vld [tilespmem:s1+$0x5720];
	v37 =	vadd.f32 v37, v63;
	v42 =	vperm.xlane v40, v0;
	v43 =	vperm.xlane v41, v0  }
0x73: {  	v54 =	vld [tilespmem:s15+$0x56C0];
	v59 =	vperm.xlane v39, v0  }
0x74: {  	v53 =	vld [tilespmem:s15+$0x56B0];
	v49 =	vadd.f32 v42, v40;
	v60 =	vperm.xlane v37, v0;
	v41 =	vadd.f32 v43, v41  }
0x75: {  	v58 =	vld [tilespmem:s15+$0x56D0];
	v39 =	vadd.f32 v59, v39  }
0x76: {  	v42 =	vld [tilespmem:s15+$0x4DA0];
	v61 =	vadd.f32 v60, v37;
	v62 =	vperm.xlane v49, v1;
	v43 =	vperm.xlane v41, v1  }
0x77: {  	v40 =	vld [tilespmem:s15+$0x4DB0];
	v51 =	vperm.xlane v39, v1  }
0x78: {  	v37 =	vld [tilespmem:s15+$0x4E00];
	v49 =	vadd.f32 v62, v49;
	v52 =	vperm.xlane v61, v1;
	v41 =	vadd.f32 v43, v41  }
0x79: {  	v56 =	vld [tilespmem:s15+$0x5710];
	v51 =	vadd.f32 v51, v39  }
0x7a: {  	v35 =	vld [tilespmem:s15+$0x4DF0];
	v45 =	vadd.f32 v52, v61;
	v49 =	vperm.xlane v49, v2;
	v55 =	vperm.xlane v41, v2;
	v39 =	vpop (erf)  }
0x7b: {  	v34 =	vld [tilespmem:s15+$0x4DE0];
	v51 =	vperm.xlane v51, v2;
	v41 =	vperm.xlane v39, v10  }
0x7c: {  	v48 =	vadd.f32 v50, v48;
	v52 =	vld [tilespmem:s15+$0x56A0];
	v57 =	vperm.xlane v45, v2;
	v63 =	vsel vm0, v49, v55  }
0x7d: {  	v50 =	vadd.f32 v58, v38;
	v55 =	vld [tilespmem:s15+$0x5700];
	v51 =	vsel vm1, v63, v51;
	v59 =	vmul.f32 v41, v44  }
0x7e: {  	v43 =	vld [tilespmem:s15+$0x4E10];
	v49 =	vperm.xlane v39, v7;
	v45 =	vperm.xlane v39, v8;
	v51 =	vsel vm2, v51, v57  }
0x7f: {  	s7 =	simm.s32 $0x8C0;
	v57 =	vadd.f32 v54, v36;
	v44 =	vperm.xlane v39, v9;
	v54 =	vperm.xlane v51, v3;
	[tilespmem:s0+$0x7210] =	vst v59  }
.LBB2_3:
0x80: {  	p1 =	sne.s32 s7, $0x23C0;
	v46 =	vadd.f32 v46, v34;
	v47 =	vadd.f32 v47, v35;
	v58 =	vmul.f32 v49, v29;
	v29 =	vmovc v31  }
0x81: {  	v52 =	vadd.f32 v52, v42;
	v33 =	vmul.f32 v49, v33;
	v31 =	vmovc v42;
	v51 =	vadd.f32 v51, v54  }
0x82: {  	v42 =	vadd.f32 v53, v40;
	v49 =	vadd.f32 v55, v37;
	[tilespmem:s0+$0x71A0] =	vst v58;
	v58 =	vmul.f32 v45, v27  }
0x83: {  	v48 =	vperm.xlane v48, v5;
	v53 =	vadd.f32 v56, v43;
	v56 =	vperm.xlane v51, v4;
	[tilespmem:s0+$0x71B0] =	vst v33  }
0x84: {  	v52 =	vand.u32 $0x7FFFFFFF, v52;
	v55 =	vand.u32 $0x7FFFFFFF, v57;
	v46 =	vand.u32 $0x7FFFFFFF, v46;
	v27 =	vmovc v22;
	v22 =	vmovc v36;
	[tilespmem:s0+$0x71C0] =	vst v58  }
0x85: {  	v36 =	vand.u32 $0x7FFFFFFF, v42;
	v42 =	vand.u32 $0x7FFFFFFF, v49;
	v33 =	vmovc v30;
	v30 =	vmovc v40;
	v49 =	vadd.f32 v51, v56  }
0x86: {  	v54 =	vmovc v43;
	v46 =	vmul.f32 v46, v13;
	v40 =	vmul.f32 v55, v18;
	v51 =	vand.u32 $0x7FFFFFFF, v53  }
0x87: {  	v43 =	vmul.f32 v52, v14;
	v52 =	vmul.f32 v36, v15;
	v57 =	vld [tilespmem:s15+$0x4E20];
	v48 =	vadd.f32 v49, v48  }
0x88: {  	s16 =	sshra.s32 s7, $0x2;
	v47 =	vand.u32 $0x7FFFFFFF, v47;
	v42 =	vmul.f32 v42, v16;
	v49 =	vmul.f32 v51, v17;
	v58 =	vld [tilespmem:s15+$0x5720]  }
0x89: {  	v50 =	vand.u32 $0x7FFFFFFF, v50;
	v47 =	vmul.f32 v47, v12;
	v36 =	vld [tilespmem:s16+$0x4DC0];
	v48 =	vmul.f32 $1.442695020e+00, v48  }
0x8a: {  	v50 =	vmul.f32 v50, v11;
	v43 =	vadd.f32 v52, v43;
	v42 =	vadd.f32 v49, v42;
	v51 =	vld [tilespmem:s16+$0x4DD0]  }
0x8b: {  	v45 =	vmul.f32 v45, v19;
	v19 =	vmovc v23;
	v23 =	vmovc v38;
	v47 =	vadd.f32 v47, v46;
	v59 =	vld [tilespmem:s16+$0x56C0];
	(erf) = vpow2.f32 v48  }
0x8c: {  	v38 =	vadd.f32 v50, v40;
	v40 =	vperm.xlane v43, v0;
	v46 =	vperm.xlane v42, v0;
	v60 =	vld [tilespmem:s16+$0x56D0]  }
0x8d: {  	v48 =	vperm.xlane v47, v0;
	[tilespmem:s0+$0x71D0] =	vst v45;
	v45 =	vmul.f32 v44, v20;
	v20 =	vmovc v25;
	v25 =	vmov v34;
	v34 =	vld [tilespmem:s16+$0x4DE0]  }
0x8e: {  	v43 =	vadd.f32 v40, v43;
	v40 =	vperm.xlane v38, v0;
	v50 =	vadd.f32 v46, v42;
	v49 =	vld [tilespmem:s16+$0x4DF0]  }
0x8f: {  	v24 =	vmul.f32 v41, v24;
	v52 =	vmul.f32 v44, v21;
	v48 =	vadd.f32 v48, v47;
	v46 =	vld [tilespmem:s16+$0x56E0];
	[tilespmem:s0+$0x71E0] =	vst v45  }
0x90: {  	v41 =	vadd.f32 v40, v38;
	v44 =	vperm.xlane v43, v1;
	v45 =	vperm.xlane v50, v1;
	v38 =	vmovc v51;
	v47 =	vld [tilespmem:s16+$0x56F0]  }
0x91: {  	v53 =	vperm.xlane v39, v6;
	v21 =	vmovc v26;
	v26 =	vmov v35;
	v51 =	vperm.xlane v48, v1;
	v42 =	vld [tilespmem:s16+$0x4DA0];
	[tilespmem:s0+$0x71F0] =	vst v52  }
0x92: {  	v44 =	vadd.f32 v44, v43;
	v52 =	vperm.xlane v41, v1;
	v45 =	vadd.f32 v45, v50;
	v40 =	vld [tilespmem:s16+$0x4DB0];
	[tilespmem:s0+$0x7200] =	vst v24  }
0x93: {  	v48 =	vadd.f32 v51, v48;
	v24 =	vmovc v28;
	v28 =	vmov v37;
	[tilespmem:s0+$0x7220] =	vst v53;
	v35 =	vmov v49;
	v37 =	vld [tilespmem:s16+$0x4E00];
	s0 =	smov.u32 s1;
	s1 =	smov.u32 s15;
	s15 =	smov.u32 s16  }
0x94: {  	v44 =	vperm.xlane v44, v2;
	v49 =	vadd.f32 v52, v41;
	v45 =	vperm.xlane v45, v2;
	v43 =	vld [tilespmem:s15+$0x4E10];
	v39 =	vpop (erf)  }
.Ltmp0:
0x95: {  	v48 =	vperm.xlane v48, v2;
	v52 =	vld [tilespmem:s15+$0x56A0];
	v41 =	vperm.xlane v39, v10;
	(pc) =	sbr.rel @p1 .LBB2_3-.Ltmp0, $4  }
0x96: {  	v50 =	vperm.xlane v49, v2;
	v44 =	vsel vm0, v44, v45;
	v49 =	vperm.xlane v39, v7;
	v53 =	vld [tilespmem:s15+$0x56B0]  }
0x97: {  	v45 =	vperm.xlane v39, v8;
	v44 =	vsel vm1, v44, v48;
	v55 =	vld [tilespmem:s15+$0x5700];
	v61 =	vmul.f32 v41, v32;
	v32 =	vmovc v54  }
0x98: {  	v48 =	vadd.f32 v58, v57;
	v51 =	vsel vm2, v44, v50;
	v44 =	vperm.xlane v39, v9;
	v56 =	vld [tilespmem:s15+$0x5710]  }
0x99: {  	s7 =	sadd.s32 $0x240, s7;
	v57 =	vadd.f32 v59, v36;
	v50 =	vadd.f32 v60, v38;
	v54 =	vperm.xlane v51, v3;
	[tilespmem:s0+$0x7210] =	vst v61  }
0x9a: {  	v46 =	vadd.f32 v46, v34  }
0x9b: {  	v47 =	vadd.f32 v47, v35;
	v52 =	vadd.f32 v52, v42  }
0x9c: {  	v53 =	vadd.f32 v53, v40;
	v57 =	vand.u32 $0x7FFFFFFF, v57;
	v55 =	vadd.f32 v55, v37  }
0x9d: {  	v52 =	vand.u32 $0x7FFFFFFF, v52;
	v46 =	vand.u32 $0x7FFFFFFF, v46;
	v56 =	vadd.f32 v56, v43  }
0x9e: {  	v57 =	vmul.f32 v57, v18;
	v53 =	vand.u32 $0x7FFFFFFF, v53;
	v52 =	vmul.f32 v52, v14  }
0x9f: {  	v55 =	vand.u32 $0x7FFFFFFF, v55;
	v53 =	vmul.f32 v53, v15;
	v56 =	vand.u32 $0x7FFFFFFF, v56  }
0xa0: {  	v47 =	vand.u32 $0x7FFFFFFF, v47;
	v55 =	vmul.f32 v55, v16;
	v56 =	vmul.f32 v56, v17  }
0xa1: {  	v50 =	vand.u32 $0x7FFFFFFF, v50;
	v46 =	vmul.f32 v46, v13;
	v47 =	vmul.f32 v47, v12  }
0xa2: {  	v50 =	vmul.f32 v50, v11;
	v52 =	vadd.f32 v53, v52;
	v53 =	vadd.f32 v56, v55  }
0xa3: {  	v46 =	vadd.f32 v47, v46  }
0xa4: {  	v63 =	vadd.f32 v50, v57;
	v60 =	vperm.xlane v52, v0;
	v55 =	vperm.xlane v53, v0  }
0xa5: {  	v61 =	vperm.xlane v46, v0  }
0xa6: {  	v62 =	vperm.xlane v63, v0;
	v50 =	vadd.f32 v60, v52;
	v53 =	vadd.f32 v55, v53  }
0xa7: {  	v29 =	vmul.f32 v49, v29;
	v46 =	vadd.f32 v61, v46  }
0xa8: {  	v47 =	vadd.f32 v62, v63;
	v63 =	vperm.xlane v50, v1;
	v55 =	vperm.xlane v53, v1  }
0xa9: {  	v33 =	vmul.f32 v49, v33;
	v51 =	vadd.f32 v51, v54;
	v57 =	vperm.xlane v46, v1  }
0xaa: {  	v58 =	vperm.xlane v47, v1;
	v50 =	vadd.f32 v63, v50;
	v53 =	vadd.f32 v55, v53  }
0xab: {  	v27 =	vmul.f32 v45, v27;
	v54 =	vperm.xlane v51, v4;
	v46 =	vadd.f32 v57, v46  }
0xac: {  	[tilespmem:s0+$0x71A0] =	vst v29;
	v29 =	vadd.f32 v58, v47;
	v59 =	vperm.xlane v50, v2;
	v60 =	vperm.xlane v53, v2  }
0xad: {  	v48 =	vperm.xlane v48, v5;
	[tilespmem:s0+$0x71B0] =	vst v33;
	v61 =	vperm.xlane v46, v2  }
0xae: {  	[tilespmem:s0+$0x71C0] =	vst v27;
	v27 =	vadd.f32 v51, v54;
	v29 =	vperm.xlane v29, v2;
	v62 =	vsel vm0, v59, v60  }
0xaf: {  	v49 =	vld [tilespmem:s15+$0x5720];
	v33 =	vsel vm1, v62, v61  }
0xb0: {  	v27 =	vadd.f32 v27, v48;
	v63 =	vld [tilespmem:s15+$0x4E20];
	v29 =	vsel vm2, v33, v29  }
0xb1: {  	v33 =	vperm.xlane v29, v3  }
0xb2: {  	v27 =	vmul.f32 $1.442695020e+00, v27  }
0xb3: {  	v29 =	vadd.f32 v29, v33  }
0xb4: {  	(erf) = vpow2.f32 v27  }
0xb5: {  	v27 =	vadd.f32 v49, v63;
	v33 =	vperm.xlane v29, v4;
	_ =	sdelay $0x1  }
0xb6: {  	v27 =	vperm.xlane v27, v5;
	v29 =	vadd.f32 v29, v33;
	_ =	sdelay $0x1  }
0xb7: {  	v27 =	vadd.f32 v29, v27;
	_ =	sdelay $0x1  }
0xb8: {  	v19 =	vmul.f32 v45, v19;
	v27 =	vmul.f32 $1.442695020e+00, v27  }
0xb9: {  	v20 =	vmul.f32 v44, v20  }
0xba: {  	[tilespmem:s0+$0x71D0] =	vst v19;
	v19 =	vmul.f32 v44, v21;
	v21 =	vpop (erf);
	(erf) = vpow2.f32 v27  }
0xbb: {  	[tilespmem:s0+$0x71E0] =	vst v20;
	v20 =	vmul.f32 v41, v24;
	v24 =	vperm.xlane v21, v10  }
0xbc: {  	[tilespmem:s0+$0x71F0] =	vst v19;
	v19 =	vperm.xlane v21, v7;
	v27 =	vperm.xlane v39, v6  }
0xbd: {  	[tilespmem:s0+$0x7200] =	vst v20;
	v20 =	vmul.f32 v24, v32  }
0xbe: {  	v29 =	vmul.f32 v19, v31;
	[tilespmem:s0+$0x7220] =	vst v27;
	v27 =	vperm.xlane v21, v8  }
0xbf: {  	v19 =	vmul.f32 v19, v30;
	[tilespmem:s1+$0x7210] =	vst v20;
	v20 =	vperm.xlane v21, v9  }
0xc0: {  	[tilespmem:s1+$0x71A0] =	vst v29;
	v22 =	vmul.f32 v27, v22  }
0xc1: {  	[tilespmem:s1+$0x71B0] =	vst v19;
	v19 =	vmul.f32 v27, v23  }
0xc2: {  	[tilespmem:s1+$0x71C0] =	vst v22;
	v22 =	vmul.f32 v20, v25  }
0xc3: {  	[tilespmem:s1+$0x71D0] =	vst v19;
	v19 =	vmul.f32 v20, v26;
	v20 =	vpop (erf)  }
0xc4: {  	[tilespmem:s1+$0x71E0] =	vst v22;
	v22 =	vmul.f32 v24, v28;
	v23 =	vperm.xlane v20, v10  }
0xc5: {  	v21 =	vperm.xlane v21, v6;
	[tilespmem:s1+$0x71F0] =	vst v19;
	v19 =	vperm.xlane v20, v7  }
0xc6: {  	[tilespmem:s1+$0x7200] =	vst v22;
	v22 =	vmul.f32 v23, v43  }
0xc7: {  	[tilespmem:s1+$0x7220] =	vst v21;
	v21 =	vperm.xlane v20, v8;
	v24 =	vmul.f32 v19, v42  }
0xc8: {  	v19 =	vmul.f32 v19, v40;
	[tilespmem:s15+$0x7210] =	vst v22  }
0xc9: {  	[tilespmem:s15+$0x71A0] =	vst v24;
	v24 =	vmul.f32 v21, v36  }
0xca: {  	v22 =	vperm.xlane v20, v9;
	[tilespmem:s15+$0x71B0] =	vst v19;
	v19 =	vmul.f32 v21, v38  }
0xcb: {  	v20 =	vperm.xlane v20, v6;
	[tilespmem:s15+$0x71C0] =	vst v24  }
0xcc: {  	v21 =	vmul.f32 v22, v34;
	[tilespmem:s15+$0x71D0] =	vst v19  }
0xcd: {  	v19 =	vmul.f32 v22, v35;
	[tilespmem:s15+$0x7220] =	vst v20  }
0xce: {  	[tilespmem:s15+$0x71E0] =	vst v21;
	v21 =	vmul.f32 v23, v37  }
0xcf: {  	[tilespmem:s15+$0x71F0] =	vst v19  }
0xd0: {  	s7 =	sand.u32 $0x3FFFFFE0, s2;
	[tilespmem:s15+$0x7200] =	vst v21  }
0xd1: {  	v19 =	vld [tilespmem:s7+$0x2710];
	_ =	sdelay $0x7  }
0xd2: {  	[spmem:s3] =	stream.indirect_vreg.scatter.add.f32 [tilespmem:s23], [sflag:$0x3], $0x90, v19, vm3, $0xb8;
	[tilespmem:$0x1ECB0] =	vst v63  }
0xd3: {  	s15 =	sadd.s32 $0x20, s2  }
0xd4: {  	[tilespmem:s18], [sflag:$0x1] =	stream.indirect.gather [hbm4b:s5+s17], $0x90, s15, s17, $0xb8;
	[tilespmem:$0x1ECB0] =	vst v63  }
0xd5: {  	s16 =	sadd.s32 $0x2730, s2  }
0xd6: {  	[tilespmem:s19], [sflag:$0x1] =	stream.indirect.gather [hbm4b:s6+s17], $0x90, s16, s17, $0xb8;
	[tilespmem:$0x1ECB0] =	vst v63  }
0xd7: {  	_ =	swait.ge [sflag:s24], $0x900  }
0xd8: {  	[sflag:s24] =	ssyncset.done $0x0  }
0xd9: {  	[sflag:s24] =	ssyncadd.s32 $0xFFFFF700  }
0xda: {  	_ =	swait.ge [sflag:s24], $0x900  }
0xdb: {  	[sflag:s24] =	ssyncset.done $0x0  }
0xdc: {  	s0 =	simm.s32 @!p0 $0x4;
	[sflag:s24] =	ssyncadd.s32 $0xFFFFF700  }
0xdd: {  	_ =	swait.ge @!p0 [sflag:s0], $0x900  }
0xde: {  	[sflag:s0] =	ssyncset.done @!p0 $0x0  }
0xdf: {  	[sflag:s0] =	ssyncadd.s32 @!p0 $0xFFFFF700;
	s0 =	simm.s32 $0x80  }
0xe0: {  	v27 =	vld [tilespmem:s0+$0x5FC0]  }
0xe1: {  	v19 =	vld [tilespmem:s0+$0x5FD0]  }
0xe2: {  	v22 =	vld [tilespmem:s0+$0x68C0]  }
0xe3: {  	v23 =	vld [tilespmem:s0+$0x68D0]  }
0xe4: {  	v20 =	vld [tilespmem:s0+$0x5FE0]  }
0xe5: {  	v21 =	vld [tilespmem:s0+$0x5FF0]  }
0xe6: {  	v25 =	vld [tilespmem:s0+$0x68E0]  }
0xe7: {  	v26 =	vld [tilespmem:s0+$0x68F0]  }
0xe8: {  	v29 =	vld [tilespmem:s0+$0x5FA0]  }
0xe9: {  	v33 =	vld [tilespmem:s0+$0x5FB0]  }
0xea: {  	v24 =	vld [tilespmem:s0+$0x6000]  }
0xeb: {  	v44 =	vld [tilespmem:s0+$0x6010]  }
0xec: {  	v28 =	vld [tilespmem:s0+$0x68A0]  }
0xed: {  	v30 =	vld [tilespmem:s0+$0x68B0]  }
0xee: {  	v31 =	vld [tilespmem:s0+$0x6900]  }
0xef: {  	v50 =	vld [tilespmem:s0+$0x6910];
	_ =	sdelay $0x1  }
0xf0: {  	v22 =	vadd.f32 v22, v27;
	v23 =	vadd.f32 v23, v19  }
0xf1: {  	v25 =	vadd.f32 v25, v20;
	v26 =	vadd.f32 v26, v21  }
0xf2: {  	v28 =	vadd.f32 v28, v29;
	v30 =	vadd.f32 v30, v33  }
0xf3: {  	v31 =	vadd.f32 v31, v24;
	v32 =	vadd.f32 v50, v44  }
0xf4: {  	v28 =	vand.u32 $0x7FFFFFFF, v28;
	v22 =	vand.u32 $0x7FFFFFFF, v22;
	v25 =	vand.u32 $0x7FFFFFFF, v25  }
0xf5: {  	v30 =	vand.u32 $0x7FFFFFFF, v30;
	v31 =	vand.u32 $0x7FFFFFFF, v31;
	v51 =	vmul.f32 v22, v18  }
0xf6: {  	v22 =	vand.u32 $0x7FFFFFFF, v32;
	v28 =	vmul.f32 v28, v14;
	v30 =	vmul.f32 v30, v15  }
0xf7: {  	v26 =	vand.u32 $0x7FFFFFFF, v26;
	v31 =	vmul.f32 v31, v16;
	v32 =	vmul.f32 v22, v17  }
0xf8: {  	v35 =	vld [tilespmem:s0+$0x6020];
	v52 =	vand.u32 $0x7FFFFFFF, v23;
	v25 =	vmul.f32 v25, v13;
	v26 =	vmul.f32 v26, v12  }
0xf9: {  	s1 =	simm.s32 $0x110;
	v36 =	vld [tilespmem:s0+$0x6920];
	v37 =	vmul.f32 v52, v11;
	v28 =	vadd.f32 v30, v28;
	v30 =	vadd.f32 v32, v31  }
0xfa: {  	v38 =	vld [tilespmem:s1+$0x68C0];
	v31 =	vadd.f32 v26, v25  }
0xfb: {  	v39 =	vld [tilespmem:s1+$0x68D0];
	v53 =	vadd.f32 v37, v51;
	v54 =	vperm.xlane v28, v0;
	v55 =	vperm.xlane v30, v0  }
0xfc: {  	v58 =	vld [tilespmem:s1+$0x68E0];
	v56 =	vperm.xlane v31, v0  }
0xfd: {  	v59 =	vld [tilespmem:s1+$0x68F0];
	v57 =	vperm.xlane v53, v0;
	v28 =	vadd.f32 v54, v28;
	v37 =	vadd.f32 v55, v30  }
0xfe: {  	v50 =	vld [tilespmem:s1+$0x68A0];
	v40 =	vadd.f32 v56, v31  }
0xff: {  	v23 =	vld [tilespmem:s1+$0x5FD0];
	v34 =	vadd.f32 v57, v53;
	v60 =	vperm.xlane v28, v1;
	v61 =	vperm.xlane v37, v1  }
0x100: {  	v52 =	vld [tilespmem:s1+$0x6900];
	v62 =	vperm.xlane v40, v1  }
0x101: {  	v22 =	vld [tilespmem:s1+$0x5FC0];
	v48 =	vperm.xlane v34, v1;
	v63 =	vadd.f32 v60, v28;
	v37 =	vadd.f32 v61, v37  }
0x102: {  	v51 =	vld [tilespmem:s1+$0x68B0];
	v40 =	vadd.f32 v62, v40  }
0x103: {  	v25 =	vld [tilespmem:s1+$0x5FE0];
	v34 =	vadd.f32 v48, v34;
	v49 =	vperm.xlane v63, v2;
	v37 =	vperm.xlane v37, v2  }
0x104: {  	v26 =	vld [tilespmem:s1+$0x5FF0];
	v40 =	vperm.xlane v40, v2  }
0x105: {  	v32 =	vld [tilespmem:s1+$0x6010];
	v34 =	vperm.xlane v34, v2;
	v37 =	vsel vm0, v49, v37  }
0x106: {  	v31 =	vld [tilespmem:s1+$0x5FA0];
	v37 =	vsel vm1, v37, v40  }
0x107: {  	v30 =	vld [tilespmem:s1+$0x5FB0];
	v34 =	vsel vm2, v37, v34  }
0x108: {  	v35 =	vadd.f32 v36, v35;
	v28 =	vld [tilespmem:s1+$0x6000];
	v57 =	vperm.xlane v34, v3  }
0x109: {  	v53 =	vld [tilespmem:s1+$0x6910];
	v54 =	vadd.f32 v38, v22;
	v58 =	vadd.f32 v58, v25  }
0x10a: {  	v35 =	vperm.xlane v35, v5;
	v55 =	vadd.f32 v39, v23;
	v34 =	vadd.f32 v34, v57  }
0x10b: {  	v59 =	vadd.f32 v59, v26;
	v36 =	vand.u32 $0x7FFFFFFF, v54;
	v39 =	vand.u32 $0x7FFFFFFF, v58  }
0x10c: {  	v39 =	vmul.f32 v39, v13;
	v61 =	vadd.f32 v51, v30;
	v62 =	vperm.xlane v34, v4  }
0x10d: {  	v60 =	vadd.f32 v50, v31;
	v63 =	vmul.f32 v36, v18;
	v43 =	vadd.f32 v52, v28  }
0x10e: {  	v38 =	vand.u32 $0x7FFFFFFF, v61;
	v40 =	vadd.f32 v53, v32;
	v34 =	vadd.f32 v34, v62  }
0x10f: {  	s2 =	simm.s32 $0x1A0;
	v42 =	vand.u32 $0x7FFFFFFF, v60;
	v58 =	vmul.f32 v38, v15;
	v43 =	vand.u32 $0x7FFFFFFF, v43  }
0x110: {  	v46 =	vld [tilespmem:s2+$0x68E0];
	v56 =	vand.u32 $0x7FFFFFFF, v40;
	v60 =	vmul.f32 v43, v16;
	v34 =	vadd.f32 v34, v35  }
0x111: {  	v47 =	vld [tilespmem:s2+$0x68F0];
	v59 =	vand.u32 $0x7FFFFFFF, v59;
	v61 =	vmul.f32 v56, v17;
	v57 =	vmul.f32 v42, v14  }
0x112: {  	v54 =	vld [tilespmem:s2+$0x68C0];
	v37 =	vand.u32 $0x7FFFFFFF, v55;
	v35 =	vmul.f32 v59, v12;
	v34 =	vmul.f32 $1.442695020e+00, v34  }
0x113: {  	v48 =	vld [tilespmem:s1+$0x6020];
	v37 =	vmul.f32 v37, v11;
	v41 =	vadd.f32 v61, v60;
	v40 =	vadd.f32 v58, v57  }
0x114: {  	v50 =	vld [tilespmem:s1+$0x6920];
	v39 =	vadd.f32 v35, v39;
	(erf) = vpow2.f32 v34  }
0x115: {  	v36 =	vld [tilespmem:s2+$0x5FC0];
	v37 =	vadd.f32 v37, v63;
	v43 =	vperm.xlane v41, v0;
	v42 =	vperm.xlane v40, v0  }
0x116: {  	v38 =	vld [tilespmem:s2+$0x5FD0];
	v62 =	vperm.xlane v39, v0  }
0x117: {  	v52 =	vld [tilespmem:s2+$0x68A0];
	v55 =	vperm.xlane v37, v0;
	v41 =	vadd.f32 v43, v41;
	v63 =	vadd.f32 v42, v40  }
0x118: {  	v53 =	vld [tilespmem:s2+$0x68B0];
	v39 =	vadd.f32 v62, v39  }
0x119: {  	v58 =	vld [tilespmem:s2+$0x68D0];
	v56 =	vadd.f32 v55, v37;
	v43 =	vperm.xlane v41, v1;
	v57 =	vperm.xlane v63, v1  }
0x11a: {  	v37 =	vld [tilespmem:s2+$0x6000];
	v59 =	vperm.xlane v39, v1  }
0x11b: {  	v55 =	vld [tilespmem:s2+$0x6900];
	v60 =	vperm.xlane v56, v1;
	v41 =	vadd.f32 v43, v41;
	v49 =	vadd.f32 v57, v63  }
0x11c: {  	v42 =	vld [tilespmem:s2+$0x5FA0];
	v51 =	vadd.f32 v59, v39  }
0x11d: {  	v35 =	vld [tilespmem:s2+$0x5FF0];
	v45 =	vadd.f32 v60, v56;
	v61 =	vperm.xlane v41, v2;
	v49 =	vperm.xlane v49, v2;
	v39 =	vpop (erf)  }
0x11e: {  	v34 =	vld [tilespmem:s2+$0x5FE0];
	v51 =	vperm.xlane v51, v2;
	v41 =	vperm.xlane v39, v10  }
0x11f: {  	v48 =	vadd.f32 v50, v48;
	v40 =	vld [tilespmem:s2+$0x5FB0];
	v62 =	vperm.xlane v45, v2;
	v63 =	vsel vm0, v49, v61  }
0x120: {  	v50 =	vadd.f32 v58, v38;
	v56 =	vld [tilespmem:s2+$0x6910];
	v51 =	vsel vm1, v63, v51;
	v59 =	vmul.f32 v41, v44  }
0x121: {  	v43 =	vld [tilespmem:s2+$0x6010];
	v49 =	vperm.xlane v39, v7;
	v45 =	vperm.xlane v39, v8;
	v51 =	vsel vm2, v51, v62  }
0x122: {  	s7 =	simm.s32 $0x8C0;
	v57 =	vadd.f32 v54, v36;
	v44 =	vperm.xlane v39, v9;
	v54 =	vperm.xlane v51, v3;
	[tilespmem:s0+$0x7B10] =	vst v59  }
.LBB2_5:
0x123: {  	p0 =	sne.s32 s7, $0x23C0;
	v46 =	vadd.f32 v46, v34;
	v47 =	vadd.f32 v47, v35;
	v58 =	vmul.f32 v49, v29;
	v29 =	vmovc v31  }
0x124: {  	v52 =	vadd.f32 v52, v42;
	v33 =	vmul.f32 v49, v33;
	v31 =	vmovc v42;
	v51 =	vadd.f32 v51, v54  }
0x125: {  	v42 =	vadd.f32 v53, v40;
	v49 =	vadd.f32 v55, v37;
	[tilespmem:s0+$0x7AA0] =	vst v58;
	v58 =	vmul.f32 v45, v27  }
0x126: {  	v48 =	vperm.xlane v48, v5;
	v53 =	vadd.f32 v56, v43;
	v56 =	vperm.xlane v51, v4;
	[tilespmem:s0+$0x7AB0] =	vst v33  }
0x127: {  	v52 =	vand.u32 $0x7FFFFFFF, v52;
	v55 =	vand.u32 $0x7FFFFFFF, v57;
	v46 =	vand.u32 $0x7FFFFFFF, v46;
	v27 =	vmovc v22;
	v22 =	vmovc v36;
	[tilespmem:s0+$0x7AC0] =	vst v58  }
0x128: {  	v36 =	vand.u32 $0x7FFFFFFF, v42;
	v42 =	vand.u32 $0x7FFFFFFF, v49;
	v33 =	vmovc v30;
	v30 =	vmovc v40;
	v49 =	vadd.f32 v51, v56  }
0x129: {  	v54 =	vmovc v43;
	v46 =	vmul.f32 v46, v13;
	v40 =	vmul.f32 v55, v18;
	v51 =	vand.u32 $0x7FFFFFFF, v53  }
0x12a: {  	v43 =	vmul.f32 v52, v14;
	v52 =	vmul.f32 v36, v15;
	v57 =	vld [tilespmem:s2+$0x6020];
	v48 =	vadd.f32 v49, v48  }
0x12b: {  	s15 =	sshra.s32 s7, $0x2;
	v47 =	vand.u32 $0x7FFFFFFF, v47;
	v42 =	vmul.f32 v42, v16;
	v49 =	vmul.f32 v51, v17;
	v58 =	vld [tilespmem:s2+$0x6920]  }
0x12c: {  	v50 =	vand.u32 $0x7FFFFFFF, v50;
	v47 =	vmul.f32 v47, v12;
	v36 =	vld [tilespmem:s15+$0x5FC0];
	v48 =	vmul.f32 $1.442695020e+00, v48  }
0x12d: {  	v50 =	vmul.f32 v50, v11;
	v43 =	vadd.f32 v52, v43;
	v42 =	vadd.f32 v49, v42;
	v51 =	vld [tilespmem:s15+$0x5FD0]  }
0x12e: {  	v45 =	vmul.f32 v45, v19;
	v19 =	vmovc v23;
	v23 =	vmovc v38;
	v47 =	vadd.f32 v47, v46;
	v59 =	vld [tilespmem:s15+$0x68C0];
	(erf) = vpow2.f32 v48  }
0x12f: {  	v38 =	vadd.f32 v50, v40;
	v40 =	vperm.xlane v43, v0;
	v46 =	vperm.xlane v42, v0;
	v60 =	vld [tilespmem:s15+$0x68D0]  }
0x130: {  	v48 =	vperm.xlane v47, v0;
	[tilespmem:s0+$0x7AD0] =	vst v45;
	v45 =	vmul.f32 v44, v20;
	v20 =	vmovc v25;
	v25 =	vmov v34;
	v34 =	vld [tilespmem:s15+$0x5FE0]  }
0x131: {  	v43 =	vadd.f32 v40, v43;
	v40 =	vperm.xlane v38, v0;
	v50 =	vadd.f32 v46, v42;
	v49 =	vld [tilespmem:s15+$0x5FF0]  }
0x132: {  	v24 =	vmul.f32 v41, v24;
	v52 =	vmul.f32 v44, v21;
	v48 =	vadd.f32 v48, v47;
	v46 =	vld [tilespmem:s15+$0x68E0];
	[tilespmem:s0+$0x7AE0] =	vst v45  }
0x133: {  	v41 =	vadd.f32 v40, v38;
	v44 =	vperm.xlane v43, v1;
	v45 =	vperm.xlane v50, v1;
	v38 =	vmovc v51;
	v47 =	vld [tilespmem:s15+$0x68F0]  }
0x134: {  	v53 =	vperm.xlane v39, v6;
	v21 =	vmovc v26;
	v26 =	vmov v35;
	v51 =	vperm.xlane v48, v1;
	v42 =	vld [tilespmem:s15+$0x5FA0];
	[tilespmem:s0+$0x7AF0] =	vst v52  }
0x135: {  	v44 =	vadd.f32 v44, v43;
	v52 =	vperm.xlane v41, v1;
	v45 =	vadd.f32 v45, v50;
	v40 =	vld [tilespmem:s15+$0x5FB0];
	[tilespmem:s0+$0x7B00] =	vst v24  }
0x136: {  	v48 =	vadd.f32 v51, v48;
	v24 =	vmovc v28;
	v28 =	vmov v37;
	[tilespmem:s0+$0x7B20] =	vst v53;
	v35 =	vmov v49;
	v37 =	vld [tilespmem:s15+$0x6000];
	s0 =	smov.u32 s1;
	s1 =	smov.u32 s2;
	s2 =	smov.u32 s15  }
0x137: {  	v44 =	vperm.xlane v44, v2;
	v49 =	vadd.f32 v52, v41;
	v45 =	vperm.xlane v45, v2;
	v43 =	vld [tilespmem:s2+$0x6010];
	v39 =	vpop (erf)  }
.Ltmp1:
0x138: {  	v48 =	vperm.xlane v48, v2;
	v52 =	vld [tilespmem:s2+$0x68A0];
	v41 =	vperm.xlane v39, v10;
	(pc) =	sbr.rel @p0 .LBB2_5-.Ltmp1, $4  }
0x139: {  	v50 =	vperm.xlane v49, v2;
	v44 =	vsel vm0, v44, v45;
	v49 =	vperm.xlane v39, v7;
	v53 =	vld [tilespmem:s2+$0x68B0]  }
0x13a: {  	v45 =	vperm.xlane v39, v8;
	v44 =	vsel vm1, v44, v48;
	v55 =	vld [tilespmem:s2+$0x6900];
	v61 =	vmul.f32 v41, v32;
	v32 =	vmovc v54  }
0x13b: {  	v48 =	vadd.f32 v58, v57;
	v51 =	vsel vm2, v44, v50;
	v44 =	vperm.xlane v39, v9;
	v56 =	vld [tilespmem:s2+$0x6910]  }
0x13c: {  	s7 =	sadd.s32 $0x240, s7;
	v57 =	vadd.f32 v59, v36;
	v50 =	vadd.f32 v60, v38;
	v54 =	vperm.xlane v51, v3;
	[tilespmem:s0+$0x7B10] =	vst v61  }
0x13d: {  	v46 =	vadd.f32 v46, v34  }
0x13e: {  	v47 =	vadd.f32 v47, v35;
	v52 =	vadd.f32 v52, v42  }
0x13f: {  	v53 =	vadd.f32 v53, v40;
	v57 =	vand.u32 $0x7FFFFFFF, v57;
	v55 =	vadd.f32 v55, v37  }
0x140: {  	v52 =	vand.u32 $0x7FFFFFFF, v52;
	v46 =	vand.u32 $0x7FFFFFFF, v46;
	v56 =	vadd.f32 v56, v43  }
0x141: {  	v57 =	vmul.f32 v57, v18;
	v53 =	vand.u32 $0x7FFFFFFF, v53;
	v52 =	vmul.f32 v52, v14  }
0x142: {  	v55 =	vand.u32 $0x7FFFFFFF, v55;
	v53 =	vmul.f32 v53, v15;
	v56 =	vand.u32 $0x7FFFFFFF, v56  }
0x143: {  	v47 =	vand.u32 $0x7FFFFFFF, v47;
	v55 =	vmul.f32 v55, v16;
	v56 =	vmul.f32 v56, v17  }
0x144: {  	v50 =	vand.u32 $0x7FFFFFFF, v50;
	v46 =	vmul.f32 v46, v13;
	v47 =	vmul.f32 v47, v12  }
0x145: {  	v50 =	vmul.f32 v50, v11;
	v52 =	vadd.f32 v53, v52;
	v53 =	vadd.f32 v56, v55  }
0x146: {  	v46 =	vadd.f32 v47, v46  }
0x147: {  	v61 =	vadd.f32 v50, v57;
	v62 =	vperm.xlane v52, v0;
	v55 =	vperm.xlane v53, v0  }
0x148: {  	v63 =	vperm.xlane v46, v0  }
0x149: {  	v60 =	vperm.xlane v61, v0;
	v50 =	vadd.f32 v62, v52;
	v53 =	vadd.f32 v55, v53  }
0x14a: {  	v29 =	vmul.f32 v49, v29;
	v46 =	vadd.f32 v63, v46  }
0x14b: {  	v47 =	vadd.f32 v60, v61;
	v61 =	vperm.xlane v50, v1;
	v55 =	vperm.xlane v53, v1  }
0x14c: {  	v33 =	vmul.f32 v49, v33;
	v51 =	vadd.f32 v51, v54;
	v62 =	vperm.xlane v46, v1  }
0x14d: {  	v63 =	vperm.xlane v47, v1;
	v50 =	vadd.f32 v61, v50;
	v53 =	vadd.f32 v55, v53  }
0x14e: {  	v27 =	vmul.f32 v45, v27;
	v54 =	vperm.xlane v51, v4;
	v46 =	vadd.f32 v62, v46  }
0x14f: {  	[tilespmem:s0+$0x7AA0] =	vst v29;
	v56 =	vadd.f32 v63, v47;
	v57 =	vperm.xlane v50, v2;
	v58 =	vperm.xlane v53, v2  }
0x150: {  	v48 =	vperm.xlane v48, v5;
	[tilespmem:s0+$0x7AB0] =	vst v33;
	v59 =	vperm.xlane v46, v2  }
0x151: {  	[tilespmem:s0+$0x7AC0] =	vst v27;
	v60 =	vadd.f32 v51, v54;
	v29 =	vperm.xlane v56, v2;
	v61 =	vsel vm0, v57, v58  }
0x152: {  	v63 =	vld [tilespmem:s2+$0x6920];
	v33 =	vsel vm1, v61, v59  }
0x153: {  	v27 =	vadd.f32 v60, v48;
	v62 =	vld [tilespmem:s2+$0x6020];
	v29 =	vsel vm2, v33, v29  }
0x154: {  	v33 =	vperm.xlane v29, v3  }
0x155: {  	v27 =	vmul.f32 $1.442695020e+00, v27  }
0x156: {  	v29 =	vadd.f32 v29, v33  }
0x157: {  	(erf) = vpow2.f32 v27  }
0x158: {  	v48 =	vadd.f32 v63, v62;
	v33 =	vperm.xlane v29, v4;
	_ =	sdelay $0x1  }
0x159: {  	v27 =	vperm.xlane v48, v5;
	v29 =	vadd.f32 v29, v33;
	_ =	sdelay $0x1  }
0x15a: {  	v27 =	vadd.f32 v29, v27;
	_ =	sdelay $0x1  }
0x15b: {  	v19 =	vmul.f32 v45, v19;
	v27 =	vmul.f32 $1.442695020e+00, v27  }
0x15c: {  	v20 =	vmul.f32 v44, v20  }
0x15d: {  	[tilespmem:s0+$0x7AD0] =	vst v19;
	v19 =	vmul.f32 v44, v21;
	v49 =	vpop (erf);
	(erf) = vpow2.f32 v27  }
0x15e: {  	[tilespmem:s0+$0x7AE0] =	vst v20;
	v20 =	vmul.f32 v41, v24;
	v50 =	vperm.xlane v49, v10  }
0x15f: {  	v51 =	vperm.xlane v39, v6;
	[tilespmem:s0+$0x7AF0] =	vst v19;
	v19 =	vperm.xlane v49, v7  }
0x160: {  	[tilespmem:s0+$0x7B00] =	vst v20;
	v52 =	vperm.xlane v49, v8;
	v20 =	vmul.f32 v50, v32  }
0x161: {  	[tilespmem:s0+$0x7B20] =	vst v51;
	v21 =	vperm.xlane v49, v6;
	v53 =	vmul.f32 v19, v31  }
0x162: {  	v19 =	vmul.f32 v19, v30;
	[tilespmem:s1+$0x7B10] =	vst v20;
	v20 =	vperm.xlane v49, v9  }
0x163: {  	[tilespmem:s1+$0x7B20] =	vst v21  }
0x164: {  	[tilespmem:s1+$0x7AB0] =	vst v19;
	v19 =	vmul.f32 v52, v23  }
0x165: {  	v22 =	vmul.f32 v52, v22;
	[tilespmem:s1+$0x7AA0] =	vst v53  }
0x166: {  	v54 =	vmul.f32 v20, v25;
	[tilespmem:s1+$0x7AD0] =	vst v19;
	v19 =	vmul.f32 v20, v26;
	v20 =	vpop (erf)  }
0x167: {  	v55 =	vmul.f32 v50, v28;
	[tilespmem:s1+$0x7AC0] =	vst v22;
	v56 =	vperm.xlane v20, v10  }
0x168: {  	[tilespmem:s1+$0x7AF0] =	vst v19;
	v19 =	vperm.xlane v20, v7;
	v58 =	vperm.xlane v20, v8  }
0x169: {  	[tilespmem:s1+$0x7B00] =	vst v55;
	v60 =	vperm.xlane v20, v9;
	v20 =	vperm.xlane v20, v6  }
0x16a: {  	[tilespmem:s1+$0x7AE0] =	vst v54;
	v57 =	vmul.f32 v56, v43  }
0x16b: {  	v59 =	vmul.f32 v19, v42;
	[tilespmem:s2+$0x7B20] =	vst v20  }
0x16c: {  	v19 =	vmul.f32 v19, v40;
	[tilespmem:s2+$0x7B10] =	vst v57  }
0x16d: {  	v61 =	vmul.f32 v58, v36;
	[tilespmem:s2+$0x7AA0] =	vst v59  }
0x16e: {  	v62 =	vmul.f32 v60, v34;
	[tilespmem:s2+$0x7AB0] =	vst v19  }
0x16f: {  	v19 =	vmul.f32 v58, v38;
	[tilespmem:s2+$0x7AC0] =	vst v61  }
0x170: {  	v63 =	vmul.f32 v56, v37;
	[tilespmem:s2+$0x7AE0] =	vst v62  }
0x171: {  	[tilespmem:s2+$0x7AD0] =	vst v19;
	v19 =	vmul.f32 v60, v35  }
0x172: {  	[tilespmem:s2+$0x7B00] =	vst v63  }
0x173: {  	[tilespmem:s2+$0x7AF0] =	vst v19  }
0x174: {  	v19 =	vld [tilespmem:s31+$0x2710];
	_ =	sdelay $0x1  }
0x175: {  	s30 =	sadd.s32 $0x1, s30  }
0x176: {  	p0 =	sne.s32 s30, $0x138  }
.Ltmp2:
0x177: {  	_ = 	snop;
	(pc) =	sbr.rel @p0 .LBB2_2-.Ltmp2, $2  }
0x178: {  	_ =	sdelay $0x2  }
0x179: {  	[spmem:s3] =	stream.indirect_vreg.scatter.add.f32 [tilespmem:s25], [sflag:$0x4], $0x90, v19, vm3, $0xb8;
	[tilespmem:$0x1ECB0] =	vst v63  }
0x17a: {  	_ =	swait.ge [sflag:s22], $0x900  }
0x17b: {  	[sflag:s22] =	ssyncset.done $0x0  }
0x17c: {  	[sflag:s22] =	ssyncadd.s32 $0xFFFFF700  }
0x17d: {  	_ =	swait.ge [sflag:s22], $0x900  }
0x17e: {  	[sflag:s22] =	ssyncset.done $0x0  }
0x17f: {  	[sflag:s22] =	ssyncadd.s32 $0xFFFFF700  }
0x180: {  	_ =	swait.ge [sflag:s26], $0x900  }
0x181: {  	[sflag:s26] =	ssyncset.done $0x0  }
0x182: {  	s0 =	simm.s32 $0x80;
	[sflag:s26] =	ssyncadd.s32 $0xFFFFF700  }
0x183: {  	v27 =	vld [tilespmem:s0+$0x4DC0]  }
0x184: {  	v19 =	vld [tilespmem:s0+$0x4DD0]  }
0x185: {  	v22 =	vld [tilespmem:s0+$0x56C0]  }
0x186: {  	v23 =	vld [tilespmem:s0+$0x56D0]  }
0x187: {  	v20 =	vld [tilespmem:s0+$0x4DE0]  }
0x188: {  	v21 =	vld [tilespmem:s0+$0x4DF0]  }
0x189: {  	v25 =	vld [tilespmem:s0+$0x56E0]  }
0x18a: {  	v26 =	vld [tilespmem:s0+$0x56F0]  }
0x18b: {  	v29 =	vld [tilespmem:s0+$0x4DA0]  }
0x18c: {  	v33 =	vld [tilespmem:s0+$0x4DB0]  }
0x18d: {  	v24 =	vld [tilespmem:s0+$0x4E00]  }
0x18e: {  	v44 =	vld [tilespmem:s0+$0x4E10]  }
0x18f: {  	v28 =	vld [tilespmem:s0+$0x56A0]  }
0x190: {  	v30 =	vld [tilespmem:s0+$0x56B0]  }
0x191: {  	v31 =	vld [tilespmem:s0+$0x5700]  }
0x192: {  	v32 =	vld [tilespmem:s0+$0x5710];
	_ =	sdelay $0x1  }
0x193: {  	v22 =	vadd.f32 v22, v27;
	v23 =	vadd.f32 v23, v19  }
0x194: {  	v25 =	vadd.f32 v25, v20;
	v26 =	vadd.f32 v26, v21  }
0x195: {  	v28 =	vadd.f32 v28, v29;
	v30 =	vadd.f32 v30, v33  }
0x196: {  	v31 =	vadd.f32 v31, v24;
	v32 =	vadd.f32 v32, v44  }
0x197: {  	v28 =	vand.u32 $0x7FFFFFFF, v28;
	v22 =	vand.u32 $0x7FFFFFFF, v22;
	v25 =	vand.u32 $0x7FFFFFFF, v25  }
0x198: {  	v30 =	vand.u32 $0x7FFFFFFF, v30;
	v31 =	vand.u32 $0x7FFFFFFF, v31;
	v34 =	vmul.f32 v22, v18  }
0x199: {  	v22 =	vand.u32 $0x7FFFFFFF, v32;
	v28 =	vmul.f32 v28, v14;
	v30 =	vmul.f32 v30, v15  }
0x19a: {  	v26 =	vand.u32 $0x7FFFFFFF, v26;
	v31 =	vmul.f32 v31, v16;
	v32 =	vmul.f32 v22, v17  }
0x19b: {  	v35 =	vld [tilespmem:s0+$0x4E20];
	v37 =	vand.u32 $0x7FFFFFFF, v23;
	v25 =	vmul.f32 v25, v13;
	v26 =	vmul.f32 v26, v12  }
0x19c: {  	s1 =	simm.s32 $0x110;
	v36 =	vld [tilespmem:s0+$0x5720];
	v37 =	vmul.f32 v37, v11;
	v28 =	vadd.f32 v30, v28;
	v30 =	vadd.f32 v32, v31  }
0x19d: {  	v38 =	vld [tilespmem:s1+$0x56C0];
	v31 =	vadd.f32 v26, v25  }
0x19e: {  	v39 =	vld [tilespmem:s1+$0x56D0];
	v57 =	vadd.f32 v37, v34;
	v58 =	vperm.xlane v28, v0;
	v59 =	vperm.xlane v30, v0  }
0x19f: {  	v41 =	vld [tilespmem:s1+$0x56E0];
	v40 =	vperm.xlane v31, v0  }
0x1a0: {  	v42 =	vld [tilespmem:s1+$0x56F0];
	v60 =	vperm.xlane v57, v0;
	v28 =	vadd.f32 v58, v28;
	v37 =	vadd.f32 v59, v30  }
0x1a1: {  	v63 =	vld [tilespmem:s1+$0x56A0];
	v40 =	vadd.f32 v40, v31  }
0x1a2: {  	v48 =	vld [tilespmem:s1+$0x56B0];
	v34 =	vadd.f32 v60, v57;
	v61 =	vperm.xlane v28, v1;
	v43 =	vperm.xlane v37, v1  }
0x1a3: {  	v49 =	vld [tilespmem:s1+$0x5700];
	v45 =	vperm.xlane v40, v1  }
0x1a4: {  	v50 =	vld [tilespmem:s1+$0x5710];
	v47 =	vperm.xlane v34, v1;
	v46 =	vadd.f32 v61, v28;
	v37 =	vadd.f32 v43, v37  }
0x1a5: {  	v23 =	vld [tilespmem:s1+$0x4DD0];
	v40 =	vadd.f32 v45, v40  }
0x1a6: {  	v22 =	vld [tilespmem:s1+$0x4DC0];
	v34 =	vadd.f32 v47, v34;
	v62 =	vperm.xlane v46, v2;
	v37 =	vperm.xlane v37, v2  }
0x1a7: {  	v25 =	vld [tilespmem:s1+$0x4DE0];
	v40 =	vperm.xlane v40, v2  }
0x1a8: {  	v26 =	vld [tilespmem:s1+$0x4DF0];
	v34 =	vperm.xlane v34, v2;
	v37 =	vsel vm0, v62, v37  }
0x1a9: {  	v31 =	vld [tilespmem:s1+$0x4DA0];
	v37 =	vsel vm1, v37, v40  }
0x1aa: {  	v30 =	vld [tilespmem:s1+$0x4DB0];
	v34 =	vsel vm2, v37, v34  }
0x1ab: {  	v35 =	vadd.f32 v36, v35;
	v52 =	vadd.f32 v39, v23;
	v28 =	vld [tilespmem:s1+$0x4E00];
	v57 =	vperm.xlane v34, v3  }
0x1ac: {  	v32 =	vld [tilespmem:s1+$0x4E10];
	v51 =	vadd.f32 v38, v22;
	v58 =	vadd.f32 v41, v25  }
0x1ad: {  	v35 =	vperm.xlane v35, v5;
	v59 =	vadd.f32 v42, v26;
	v34 =	vadd.f32 v34, v57  }
0x1ae: {  	v36 =	vand.u32 $0x7FFFFFFF, v51;
	v39 =	vand.u32 $0x7FFFFFFF, v58;
	v60 =	vadd.f32 v63, v31  }
0x1af: {  	v39 =	vmul.f32 v39, v13;
	v61 =	vadd.f32 v48, v30;
	v62 =	vperm.xlane v34, v4  }
0x1b0: {  	v63 =	vmul.f32 v36, v18;
	v42 =	vand.u32 $0x7FFFFFFF, v60;
	v43 =	vadd.f32 v49, v28  }
0x1b1: {  	v38 =	vand.u32 $0x7FFFFFFF, v61;
	v40 =	vadd.f32 v50, v32;
	v34 =	vadd.f32 v34, v62  }
0x1b2: {  	s2 =	simm.s32 $0x1A0;
	v54 =	vmul.f32 v42, v14;
	v55 =	vmul.f32 v38, v15  }
0x1b3: {  	v47 =	vld [tilespmem:s2+$0x56F0];
	v43 =	vand.u32 $0x7FFFFFFF, v43;
	v53 =	vand.u32 $0x7FFFFFFF, v40;
	v34 =	vadd.f32 v34, v35  }
0x1b4: {  	v56 =	vand.u32 $0x7FFFFFFF, v59;
	v48 =	vld [tilespmem:s1+$0x4E20];
	v58 =	vmul.f32 v53, v17;
	v57 =	vmul.f32 v43, v16  }
0x1b5: {  	v36 =	vld [tilespmem:s2+$0x4DC0];
	v37 =	vand.u32 $0x7FFFFFFF, v52;
	v35 =	vmul.f32 v56, v12;
	v34 =	vmul.f32 $1.442695020e+00, v34  }
0x1b6: {  	v46 =	vld [tilespmem:s2+$0x56E0];
	v37 =	vmul.f32 v37, v11;
	v40 =	vadd.f32 v55, v54;
	v41 =	vadd.f32 v58, v57  }
0x1b7: {  	v38 =	vld [tilespmem:s2+$0x4DD0];
	v39 =	vadd.f32 v35, v39;
	(erf) = vpow2.f32 v34  }
0x1b8: {  	v50 =	vld [tilespmem:s1+$0x5720];
	v37 =	vadd.f32 v37, v63;
	v42 =	vperm.xlane v40, v0;
	v43 =	vperm.xlane v41, v0  }
0x1b9: {  	v54 =	vld [tilespmem:s2+$0x56C0];
	v59 =	vperm.xlane v39, v0  }
0x1ba: {  	v53 =	vld [tilespmem:s2+$0x56B0];
	v49 =	vadd.f32 v42, v40;
	v60 =	vperm.xlane v37, v0;
	v41 =	vadd.f32 v43, v41  }
0x1bb: {  	v58 =	vld [tilespmem:s2+$0x56D0];
	v39 =	vadd.f32 v59, v39  }
0x1bc: {  	v42 =	vld [tilespmem:s2+$0x4DA0];
	v61 =	vadd.f32 v60, v37;
	v62 =	vperm.xlane v49, v1;
	v43 =	vperm.xlane v41, v1  }
0x1bd: {  	v40 =	vld [tilespmem:s2+$0x4DB0];
	v51 =	vperm.xlane v39, v1  }
0x1be: {  	v37 =	vld [tilespmem:s2+$0x4E00];
	v49 =	vadd.f32 v62, v49;
	v52 =	vperm.xlane v61, v1;
	v41 =	vadd.f32 v43, v41  }
0x1bf: {  	v56 =	vld [tilespmem:s2+$0x5710];
	v51 =	vadd.f32 v51, v39  }
0x1c0: {  	v35 =	vld [tilespmem:s2+$0x4DF0];
	v45 =	vadd.f32 v52, v61;
	v49 =	vperm.xlane v49, v2;
	v55 =	vperm.xlane v41, v2;
	v39 =	vpop (erf)  }
0x1c1: {  	v34 =	vld [tilespmem:s2+$0x4DE0];
	v51 =	vperm.xlane v51, v2;
	v41 =	vperm.xlane v39, v10  }
0x1c2: {  	v48 =	vadd.f32 v50, v48;
	v52 =	vld [tilespmem:s2+$0x56A0];
	v57 =	vperm.xlane v45, v2;
	v63 =	vsel vm0, v49, v55  }
0x1c3: {  	v50 =	vadd.f32 v58, v38;
	v55 =	vld [tilespmem:s2+$0x5700];
	v51 =	vsel vm1, v63, v51;
	v59 =	vmul.f32 v41, v44  }
0x1c4: {  	v43 =	vld [tilespmem:s2+$0x4E10];
	v49 =	vperm.xlane v39, v7;
	v45 =	vperm.xlane v39, v8;
	v51 =	vsel vm2, v51, v57  }
0x1c5: {  	s7 =	simm.s32 $0x8C0;
	v57 =	vadd.f32 v54, v36;
	v44 =	vperm.xlane v39, v9;
	v54 =	vperm.xlane v51, v3;
	[tilespmem:s0+$0x7210] =	vst v59  }
.LBB2_8:
0x1c6: {  	p0 =	sne.s32 s7, $0x23C0;
	v46 =	vadd.f32 v46, v34;
	v47 =	vadd.f32 v47, v35;
	v58 =	vmul.f32 v49, v29;
	v29 =	vmovc v31  }
0x1c7: {  	v52 =	vadd.f32 v52, v42;
	v33 =	vmul.f32 v49, v33;
	v31 =	vmovc v42;
	v51 =	vadd.f32 v51, v54  }
0x1c8: {  	v42 =	vadd.f32 v53, v40;
	v49 =	vadd.f32 v55, v37;
	[tilespmem:s0+$0x71A0] =	vst v58;
	v58 =	vmul.f32 v45, v27  }
0x1c9: {  	v48 =	vperm.xlane v48, v5;
	v53 =	vadd.f32 v56, v43;
	v56 =	vperm.xlane v51, v4;
	[tilespmem:s0+$0x71B0] =	vst v33  }
0x1ca: {  	v52 =	vand.u32 $0x7FFFFFFF, v52;
	v55 =	vand.u32 $0x7FFFFFFF, v57;
	v46 =	vand.u32 $0x7FFFFFFF, v46;
	v27 =	vmovc v22;
	v22 =	vmovc v36;
	[tilespmem:s0+$0x71C0] =	vst v58  }
0x1cb: {  	v36 =	vand.u32 $0x7FFFFFFF, v42;
	v42 =	vand.u32 $0x7FFFFFFF, v49;
	v33 =	vmovc v30;
	v30 =	vmovc v40;
	v49 =	vadd.f32 v51, v56  }
0x1cc: {  	v54 =	vmovc v43;
	v46 =	vmul.f32 v46, v13;
	v40 =	vmul.f32 v55, v18;
	v51 =	vand.u32 $0x7FFFFFFF, v53  }
0x1cd: {  	v43 =	vmul.f32 v52, v14;
	v52 =	vmul.f32 v36, v15;
	v57 =	vld [tilespmem:s2+$0x4E20];
	v48 =	vadd.f32 v49, v48  }
0x1ce: {  	s15 =	sshra.s32 s7, $0x2;
	v47 =	vand.u32 $0x7FFFFFFF, v47;
	v42 =	vmul.f32 v42, v16;
	v49 =	vmul.f32 v51, v17;
	v58 =	vld [tilespmem:s2+$0x5720]  }
0x1cf: {  	v50 =	vand.u32 $0x7FFFFFFF, v50;
	v47 =	vmul.f32 v47, v12;
	v36 =	vld [tilespmem:s15+$0x4DC0];
	v48 =	vmul.f32 $1.442695020e+00, v48  }
0x1d0: {  	v50 =	vmul.f32 v50, v11;
	v43 =	vadd.f32 v52, v43;
	v42 =	vadd.f32 v49, v42;
	v51 =	vld [tilespmem:s15+$0x4DD0]  }
0x1d1: {  	v45 =	vmul.f32 v45, v19;
	v19 =	vmovc v23;
	v23 =	vmovc v38;
	v47 =	vadd.f32 v47, v46;
	v59 =	vld [tilespmem:s15+$0x56C0];
	(erf) = vpow2.f32 v48  }
0x1d2: {  	v38 =	vadd.f32 v50, v40;
	v40 =	vperm.xlane v43, v0;
	v46 =	vperm.xlane v42, v0;
	v60 =	vld [tilespmem:s15+$0x56D0]  }
0x1d3: {  	v48 =	vperm.xlane v47, v0;
	[tilespmem:s0+$0x71D0] =	vst v45;
	v45 =	vmul.f32 v44, v20;
	v20 =	vmovc v25;
	v25 =	vmov v34;
	v34 =	vld [tilespmem:s15+$0x4DE0]  }
0x1d4: {  	v43 =	vadd.f32 v40, v43;
	v40 =	vperm.xlane v38, v0;
	v50 =	vadd.f32 v46, v42;
	v49 =	vld [tilespmem:s15+$0x4DF0]  }
0x1d5: {  	v24 =	vmul.f32 v41, v24;
	v52 =	vmul.f32 v44, v21;
	v48 =	vadd.f32 v48, v47;
	v46 =	vld [tilespmem:s15+$0x56E0];
	[tilespmem:s0+$0x71E0] =	vst v45  }
0x1d6: {  	v41 =	vadd.f32 v40, v38;
	v44 =	vperm.xlane v43, v1;
	v45 =	vperm.xlane v50, v1;
	v38 =	vmovc v51;
	v47 =	vld [tilespmem:s15+$0x56F0]  }
0x1d7: {  	v53 =	vperm.xlane v39, v6;
	v21 =	vmovc v26;
	v26 =	vmov v35;
	v51 =	vperm.xlane v48, v1;
	v42 =	vld [tilespmem:s15+$0x4DA0];
	[tilespmem:s0+$0x71F0] =	vst v52  }
0x1d8: {  	v44 =	vadd.f32 v44, v43;
	v52 =	vperm.xlane v41, v1;
	v45 =	vadd.f32 v45, v50;
	v40 =	vld [tilespmem:s15+$0x4DB0];
	[tilespmem:s0+$0x7200] =	vst v24  }
0x1d9: {  	v48 =	vadd.f32 v51, v48;
	v24 =	vmovc v28;
	v28 =	vmov v37;
	[tilespmem:s0+$0x7220] =	vst v53;
	v35 =	vmov v49;
	v37 =	vld [tilespmem:s15+$0x4E00];
	s0 =	smov.u32 s1;
	s1 =	smov.u32 s2;
	s2 =	smov.u32 s15  }
0x1da: {  	v44 =	vperm.xlane v44, v2;
	v49 =	vadd.f32 v52, v41;
	v45 =	vperm.xlane v45, v2;
	v43 =	vld [tilespmem:s2+$0x4E10];
	v39 =	vpop (erf)  }
.Ltmp3:
0x1db: {  	v48 =	vperm.xlane v48, v2;
	v52 =	vld [tilespmem:s2+$0x56A0];
	v41 =	vperm.xlane v39, v10;
	(pc) =	sbr.rel @p0 .LBB2_8-.Ltmp3, $4  }
0x1dc: {  	v50 =	vperm.xlane v49, v2;
	v44 =	vsel vm0, v44, v45;
	v49 =	vperm.xlane v39, v7;
	v53 =	vld [tilespmem:s2+$0x56B0]  }
0x1dd: {  	v45 =	vperm.xlane v39, v8;
	v44 =	vsel vm1, v44, v48;
	v55 =	vld [tilespmem:s2+$0x5700];
	v61 =	vmul.f32 v41, v32;
	v32 =	vmovc v54  }
0x1de: {  	v48 =	vadd.f32 v58, v57;
	v51 =	vsel vm2, v44, v50;
	v44 =	vperm.xlane v39, v9;
	v56 =	vld [tilespmem:s2+$0x5710]  }
0x1df: {  	s7 =	sadd.s32 $0x240, s7;
	v57 =	vadd.f32 v59, v36;
	v50 =	vadd.f32 v60, v38;
	v54 =	vperm.xlane v51, v3;
	[tilespmem:s0+$0x7210] =	vst v61  }
0x1e0: {  	v46 =	vadd.f32 v46, v34  }
0x1e1: {  	v47 =	vadd.f32 v47, v35;
	v52 =	vadd.f32 v52, v42  }
0x1e2: {  	v53 =	vadd.f32 v53, v40;
	v57 =	vand.u32 $0x7FFFFFFF, v57;
	v55 =	vadd.f32 v55, v37  }
0x1e3: {  	v52 =	vand.u32 $0x7FFFFFFF, v52;
	v46 =	vand.u32 $0x7FFFFFFF, v46;
	v56 =	vadd.f32 v56, v43  }
0x1e4: {  	v18 =	vmul.f32 v57, v18;
	v53 =	vand.u32 $0x7FFFFFFF, v53;
	v14 =	vmul.f32 v52, v14  }
0x1e5: {  	v55 =	vand.u32 $0x7FFFFFFF, v55;
	v15 =	vmul.f32 v53, v15;
	v56 =	vand.u32 $0x7FFFFFFF, v56  }
0x1e6: {  	v47 =	vand.u32 $0x7FFFFFFF, v47;
	v16 =	vmul.f32 v55, v16;
	v17 =	vmul.f32 v56, v17  }
0x1e7: {  	v59 =	vand.u32 $0x7FFFFFFF, v50;
	v13 =	vmul.f32 v46, v13;
	v12 =	vmul.f32 v47, v12  }
0x1e8: {  	v11 =	vmul.f32 v59, v11;
	v14 =	vadd.f32 v15, v14;
	v60 =	vadd.f32 v17, v16  }
0x1e9: {  	v12 =	vadd.f32 v12, v13  }
0x1ea: {  	v11 =	vadd.f32 v11, v18;
	v61 =	vperm.xlane v14, v0;
	v16 =	vperm.xlane v60, v0  }
0x1eb: {  	v62 =	vperm.xlane v12, v0  }
0x1ec: {  	v63 =	vperm.xlane v11, v0;
	v13 =	vadd.f32 v61, v14;
	v15 =	vadd.f32 v16, v60  }
0x1ed: {  	v46 =	vmul.f32 v49, v29;
	v12 =	vadd.f32 v62, v12  }
0x1ee: {  	v11 =	vadd.f32 v63, v11;
	v47 =	vperm.xlane v13, v1;
	v50 =	vperm.xlane v15, v1  }
0x1ef: {  	v52 =	vadd.f32 v51, v54;
	v53 =	vmul.f32 v49, v33;
	v54 =	vperm.xlane v12, v1  }
0x1f0: {  	v55 =	vperm.xlane v11, v1;
	v13 =	vadd.f32 v47, v13;
	v15 =	vadd.f32 v50, v15  }
0x1f1: {  	v57 =	vperm.xlane v52, v4;
	v56 =	vmul.f32 v45, v27;
	v12 =	vadd.f32 v54, v12  }
0x1f2: {  	[tilespmem:s0+$0x71A0] =	vst v46;
	v11 =	vadd.f32 v55, v11;
	v13 =	vperm.xlane v13, v2;
	v58 =	vperm.xlane v15, v2  }
0x1f3: {  	v59 =	vperm.xlane v48, v5;
	[tilespmem:s0+$0x71B0] =	vst v53;
	v60 =	vadd.f32 v52, v57;
	v12 =	vperm.xlane v12, v2  }
0x1f4: {  	[tilespmem:s0+$0x71C0] =	vst v56;
	v11 =	vperm.xlane v11, v2;
	v13 =	vsel vm0, v13, v58  }
0x1f5: {  	v63 =	vld [tilespmem:s2+$0x5720];
	v62 =	vadd.f32 v60, v59;
	v12 =	vsel vm1, v13, v12  }
0x1f6: {  	v61 =	vld [tilespmem:s2+$0x4E20];
	v11 =	vsel vm2, v12, v11  }
0x1f7: {  	v13 =	vmul.f32 $1.442695020e+00, v62;
	v12 =	vperm.xlane v11, v3;
	_ =	sdelay $0x1  }
0x1f8: {  	(erf) = vpow2.f32 v13;
	v11 =	vadd.f32 v11, v12;
	_ =	sdelay $0x1  }
0x1f9: {  	v18 =	vadd.f32 v63, v61;
	v27 =	vperm.xlane v11, v4;
	_ =	sdelay $0x1  }
0x1fa: {  	v12 =	vperm.xlane v18, v5;
	v11 =	vadd.f32 v11, v27;
	_ =	sdelay $0x1  }
0x1fb: {  	v11 =	vadd.f32 v11, v12  }
0x1fc: {  	v29 =	vmul.f32 v45, v19  }
0x1fd: {  	v33 =	vmul.f32 v44, v20;
	v11 =	vmul.f32 $1.442695020e+00, v11  }
0x1fe: {  	v48 =	vperm.xlane v39, v6;
	v45 =	vmul.f32 v44, v21;
	[tilespmem:s0+$0x71D0] =	vst v29;
	v46 =	vpop (erf)  }
0x1ff: {  	[tilespmem:s0+$0x71E0] =	vst v33;
	v49 =	vperm.xlane v46, v7;
	(erf) = vpow2.f32 v11  }
0x200: {  	[tilespmem:s0+$0x71F0] =	vst v45;
	v47 =	vperm.xlane v46, v10;
	v11 =	vmul.f32 v41, v24  }
0x201: {  	[tilespmem:s0+$0x7220] =	vst v48;
	v50 =	vperm.xlane v46, v8;
	v51 =	vmul.f32 v49, v31  }
0x202: {  	[tilespmem:s0+$0x7200] =	vst v11;
	v11 =	vmul.f32 v47, v32  }
0x203: {  	v52 =	vperm.xlane v46, v9;
	v53 =	vmul.f32 v50, v22;
	[tilespmem:s1+$0x71A0] =	vst v51  }
0x204: {  	[tilespmem:s1+$0x7210] =	vst v11;
	v11 =	vmul.f32 v49, v30  }
0x205: {  	v54 =	vmul.f32 v52, v25;
	[tilespmem:s1+$0x71C0] =	vst v53  }
0x206: {  	[tilespmem:s1+$0x71B0] =	vst v11;
	v11 =	vmul.f32 v50, v23  }
0x207: {  	v13 =	vmul.f32 v47, v28;
	[tilespmem:s1+$0x71E0] =	vst v54  }
0x208: {  	[tilespmem:s1+$0x71D0] =	vst v11;
	v11 =	vmul.f32 v52, v26;
	v55 =	vpop (erf)  }
0x209: {  	v14 =	vperm.xlane v46, v6;
	[tilespmem:s1+$0x7200] =	vst v13;
	v56 =	vperm.xlane v55, v10  }
0x20a: {  	[tilespmem:s1+$0x71F0] =	vst v11;
	v11 =	vperm.xlane v55, v7;
	v12 =	vperm.xlane v55, v6  }
0x20b: {  	[tilespmem:s1+$0x7220] =	vst v14;
	v57 =	vmul.f32 v56, v43  }
0x20c: {  	v58 =	vperm.xlane v55, v8;
	v59 =	vmul.f32 v11, v42;
	[tilespmem:s2+$0x7220] =	vst v12  }
0x20d: {  	v60 =	vperm.xlane v55, v9;
	v11 =	vmul.f32 v11, v40;
	[tilespmem:s2+$0x7210] =	vst v57  }
0x20e: {  	v61 =	vmul.f32 v58, v36;
	[tilespmem:s2+$0x71A0] =	vst v59  }
0x20f: {  	v62 =	vmul.f32 v60, v34;
	[tilespmem:s2+$0x71B0] =	vst v11  }
0x210: {  	v11 =	vmul.f32 v58, v38;
	[tilespmem:s2+$0x71C0] =	vst v61  }
0x211: {  	v63 =	vmul.f32 v56, v37;
	[tilespmem:s2+$0x71E0] =	vst v62  }
0x212: {  	[tilespmem:s2+$0x71D0] =	vst v11;
	v11 =	vmul.f32 v60, v35  }
0x213: {  	[tilespmem:s2+$0x7200] =	vst v63  }
0x214: {  	[tilespmem:s2+$0x71F0] =	vst v11  }
0x215: {  	v11 =	vld [tilespmem:$0x4E10];
	_ =	sdelay $0x7  }
0x216: {  	[spmem:s3] =	stream.indirect_vreg.scatter.add.f32 [tilespmem:s23], [sflag:$0x3], $0x90, v11, vm3, $0xb8;
	[tilespmem:$0x1ECB0] =	vst v63  }
0x217: {  	_ =	swait.ge [sflag:s26], $0x900  }
0x218: {  	[sflag:s26] =	ssyncset.done $0x0  }
0x219: {  	[sflag:s26] =	ssyncadd.s32 $0xFFFFF700  }
0x21a: {  	_ =	swait.ge [sflag:s28], $0x900  }
0x21b: {  	s29 =	sadd.s32 $0x1, s29;
	[sflag:s28] =	ssyncset.done $0x0  }
0x21c: {  	p0 =	sne.s32 s29, s12;
	[sflag:s28] =	ssyncadd.s32 $0xFFFFF700  }
.Ltmp4:
0x21d: {  	[bflag:$0x0] =	sbarrier.arrive $0xFFFF;
	(pc) =	sbr.rel @p0 .LBB2_1-.Ltmp4, $4  }
0x21e: {  	[hbm:s11], [sflag:s8] =	dma.local [spmem:s13], $0x2D00  }
0x21f: {  	_ =	swait.ge [sflag:s14], $0x2D00  }
0x220: {  	[sflag:s14] =	ssyncset.done $0x0  }
0x221: {  	[sflag:s14] =	ssyncadd.s32 $0xFFFFD300  }
0x222: {  	_ =	sfence.sel $0x180000  }
0x223: {  	[bflag:$0x0] =	sbarrier.arrive $0xFFFF  }
0x224: {  	_ =	strace $0x90000047  }
0x225: {  	s0 =	stileid.u32;
	[bflag:$0x2] =	sbarrier.arrive $0xFFFF  }
0x226: {  	p0 =	sne.s32 s0, $0x0;
	s0 =	rddreg [dreg:$0x3]  }
0x227: {  	s0 =	sadd.s32 @!p0 $0x100000, s0  }
0x228: {  	[sflag:s0] =	ssyncadd.tile.s32 @!p0 $0x1;
	_ =	shalt  }
.Lfunc_end2:
_tile_overlayer_lowered:
.L_overlay_start_2:
0x229: {  	(tag) =	ssettag $0x2  }
0x22a: {  	s0 =	rddreg [dreg:$0x0];
	s2 =	stileid.u32  }
0x22b: {  	s1 =	rddreg [dreg:$0x1];
	p0 =	sne.s32 s2, $0x0  }
0x22c: {  	s3 =	rddreg [dreg:$0x2];
	[bflag:$0x3] =	sbarrier.arrive $0xFFFF;
	s2 =	simm.s32 @!p0 $0x1C05  }
0x22d: {  	[timem:s3], [sflag:s2] =	dma.local @!p0 [hbm:s0], s1  }
0x22e: {  	s0 =	simm.s32 @!p0 $0x5  }
0x22f: {  	_ =	swait.ge @!p0 [sflag:s0], s1  }
0x230: {  	s1 =	ssub.s32 @!p0 $0x0, s1;
	[sflag:s0] =	ssyncset.done @!p0 $0x0  }
0x231: {  	[sflag:s0] =	ssyncadd.s32 @!p0 s1  }
0x232: {  	[bflag:$0x3] =	sbarrier.arrive $0xFFFF  }
0x233: {  	_ =	shalt  }

</sc_bundles>
